<compile_context>
chip_gen: v7x
topology: tpu7x:2x2x1
jax: 0.10.2.dev20260603
libtpu: 0.0.44.dev20260713+nightly
codegen_flags: <defaults>
</compile_context>

<pallas_src>
import functools

import jax
import jax.numpy as jnp
from jax import lax
from jax.experimental import pallas as pl
from jax.experimental.pallas import tpu as pltpu
from jax.experimental.pallas import tpu_sc as plsc

D = 64
BATCH = 16384
NEG = 16
NUM_ITEM = 1000000
SUB_ROWS = 100
SUB_PAD = 128

NUM_CORES = 2
NUM_SUBCORES = 16
NW = NUM_CORES * NUM_SUBCORES
B_PER = BATCH // NW
N_CHUNK = B_PER // 16

NBLK = (NUM_ITEM + 127) // 128
BLK_PER = (NBLK + NW - 1) // NW
TAIL_START = (NBLK - 1) * 128
ROWS_PAD = 128
OUT_ROWS = BATCH + NW

TC_BLK = 2048


def _take16(v, idx16):
  return lax.gather(
      v, idx16[:, None],
      lax.GatherDimensionNumbers(offset_dims=(), collapsed_slice_dims=(0,),
                                 start_index_map=(0,)),
      slice_sizes=(1,), mode=lax.GatherScatterMode.PROMISE_IN_BOUNDS)


def _all_dots_body(h_ref, w_ref, out_ref):
  acc = jax.lax.dot_general(
      h_ref[...], w_ref[...], (((1,), (1,)), ((), ())),
      preferred_element_type=jnp.float32)
  out_ref[...] = 1.0 / (1.0 + jnp.exp(-acc))


_tc_all_dots = pl.pallas_call(
    _all_dots_body,
    grid=(BATCH // TC_BLK,),
    in_specs=[
        pl.BlockSpec((TC_BLK, D), lambda i: (i, 0)),
        pl.BlockSpec((SUB_PAD, D), lambda i: (0, 0)),
    ],
    out_specs=pl.BlockSpec((TC_BLK, SUB_PAD), lambda i: (i, 0)),
    out_shape=jax.ShapeDtypeStruct((BATCH, SUB_PAD), jnp.float32),
)


def _pos_body(h_ref, pw_ref, out_ref):
  dot = jnp.sum(h_ref[...] * pw_ref[...], axis=1)
  out_ref[...] = 1.0 / (1.0 + jnp.exp(-dot))


_tc_pos = pl.pallas_call(
    _pos_body,
    grid=(BATCH // TC_BLK,),
    in_specs=[
        pl.BlockSpec((TC_BLK, D), lambda i: (i, 0)),
        pl.BlockSpec((TC_BLK, D), lambda i: (i, 0)),
    ],
    out_specs=pl.BlockSpec((TC_BLK,), lambda i: (i,)),
    out_shape=jax.ShapeDtypeStruct((BATCH,), jnp.float32),
)


def _sweep_body(tgt_hbm, embT_hbm, tail_hbm, posw_hbm,
                tgt_all_v, loc_t_v, loc_b_v, stage_a, stage_b, tail_v, rows_v,
                bidx_v, sem, sem2, sem5):
  cid = lax.axis_index("c")
  sid = lax.axis_index("s")
  wid = sid * NUM_CORES + cid

  iota16 = lax.iota(jnp.int32, 16)
  blk0 = wid * BLK_PER
  nblk = jnp.minimum(BLK_PER, NBLK - blk0)
  dummy_row = BATCH + wid
  dummy16 = jnp.zeros((16,), jnp.int32) + dummy_row

  pltpu.sync_copy(tgt_hbm, tgt_all_v)

  lo16 = jnp.zeros((16,), jnp.int32) + blk0 * 128
  hi16 = jnp.zeros((16,), jnp.int32) + (blk0 + nblk) * 128

  def p0(g, off):
    t16 = tgt_all_v[g // 8, pl.ds((g % 8) * 16, 16)]
    m = (t16 >= lo16) & (t16 < hi16)
    plsc.store_compressed(loc_t_v.at[pl.ds(off, 16)], t16, mask=m)
    plsc.store_compressed(loc_b_v.at[pl.ds(off, 16)], g * 16 + iota16, mask=m)
    return off + plsc.all_reduce_population_count(m)[0]
  nloc = lax.fori_loop(0, BATCH // 16, p0, 0)
  loc_t_v[pl.ds(nloc, 16)] = jnp.zeros((16,), jnp.int32) - 1
  nch = (nloc + 15) >> 4

  for g in range(8):
    bidx_v[pl.ds(g * 16, 16)] = dummy16

  def scan_block(src_ref, cb, wr, acc_b):
    cb16 = jnp.zeros((16,), jnp.int32) + cb

    def chunk_body(q, carry):
      wr, acc_b = carry
      t16 = loc_t_v[pl.ds(q * 16, 16)]
      m = lax.shift_right_logical(t16, 7) == cb16
      n = plsc.all_reduce_population_count(m)[0]

      def item_body(_, carry):
        wr, acc_b, m = carry
        p16 = plsc.all_reduce_ffs(m)
        j16 = _take16(t16, p16) & 127
        b16 = _take16(loc_b_v[pl.ds(q * 16, 16)], p16)
        slot = wr & 127
        for g in range(D // 16):
          v = plsc.load_gather(src_ref, [g * 16 + iota16, j16])
          rows_v[slot, pl.ds(g * 16, 16)] = v
        acc_b = jnp.where(iota16 == (slot & 15), b16, acc_b)

        @pl.when((slot & 15) == 15)
        def _():
          bidx_v[pl.ds(slot & 0x70, 16)] = acc_b

        @pl.when(slot == 127)
        def _():
          pltpu.async_copy(rows_v, posw_hbm.at[bidx_v], sem5).wait()
          for g in range(8):
            bidx_v[pl.ds(g * 16, 16)] = dummy16

        m = m & (iota16 != p16)
        return (wr + 1, acc_b, m)

      wr, acc_b, _ = lax.fori_loop(0, n, item_body, (wr, acc_b, m))
      return (wr, acc_b)

    return lax.fori_loop(0, nch, chunk_body, (wr, acc_b))

  nblk_full = jnp.minimum(BLK_PER, (NBLK - 1) - blk0)

  def fire(b, buf, dsem):
    pltpu.async_copy(
        embT_hbm.at[:, pl.ds(pl.multiple_of((blk0 + b) * 128, 128), 128)],
        buf, dsem)

  def drain(buf, dsem):
    pltpu.make_async_copy(
        embT_hbm.at[:, pl.ds(0, 128)], buf, dsem).wait()

  fire(0, stage_a, sem)

  def pair_body(i, carry):
    b0 = 2 * i
    fire(b0 + 1, stage_b, sem2)
    drain(stage_a, sem)
    carry = scan_block(stage_a, blk0 + b0, *carry)
    fire(b0 + 2, stage_a, sem)
    drain(stage_b, sem2)
    return scan_block(stage_b, blk0 + b0 + 1, *carry)

  wr, acc_b = lax.fori_loop(0, (nblk_full - 1) // 2, pair_body,
                            (0, iota16 * 0 + dummy_row))
  drain(stage_a, sem)
  wr, acc_b = scan_block(stage_a, blk0 + nblk_full - 1, wr, acc_b)

  pltpu.sync_copy(tail_hbm, tail_v)
  wr, acc_b = scan_block(tail_v, NBLK - 1, wr, acc_b)

  @pl.when((wr & 127) != 0)
  def _():
    bidx_v[pl.ds(wr & 0x70, 16)] = jnp.where(iota16 < (wr & 15), acc_b,
                                             dummy16)
    pltpu.async_copy(rows_v, posw_hbm.at[bidx_v], sem5).wait()


_sc_sweep = functools.partial(
    pl.kernel,
    out_type=jax.ShapeDtypeStruct((OUT_ROWS, ROWS_PAD), jnp.float32),
    mesh=plsc.VectorSubcoreMesh(core_axis_name="c", subcore_axis_name="s",
                                num_cores=NUM_CORES,
                                num_subcores=NUM_SUBCORES),
    scratch_types=(
        pltpu.VMEM((BATCH // 128, 128), jnp.int32),
        pltpu.VMEM((BATCH + 32,), jnp.int32),
        pltpu.VMEM((BATCH + 32,), jnp.int32),
        pltpu.VMEM((D, 128), jnp.float32),
        pltpu.VMEM((D, 128), jnp.float32),
        pltpu.VMEM((D, D), jnp.float32),
        pltpu.VMEM((128, ROWS_PAD), jnp.float32),
        pltpu.VMEM((128,), jnp.int32),
        pltpu.SemaphoreType.DMA,
        pltpu.SemaphoreType.DMA,
        pltpu.SemaphoreType.DMA,
    ),
    compiler_params=pltpu.CompilerParams(needs_layout_passes=False),
)(_sweep_body)


def _sel_body(ad_hbm, negT_hbm, negT_out_hbm, ad_v, negT_v, negout_v):
  cid = lax.axis_index("c")
  sid = lax.axis_index("s")
  wid = sid * NUM_CORES + cid
  base = wid * B_PER
  iota16 = lax.iota(jnp.int32, 16)

  pltpu.sync_copy(ad_hbm.at[pl.ds(base, B_PER), :], ad_v)
  pltpu.sync_copy(negT_hbm.at[:, pl.ds(base, B_PER)], negT_v)

  def chunk_body(c, carry):
    r0 = c * 16
    rows = r0 + iota16
    for k in range(NEG):
      cols = negT_v[k, pl.ds(r0, 16)]
      negout_v[k, pl.ds(r0, 16)] = plsc.load_gather(ad_v, [rows, cols])
    return carry
  lax.fori_loop(0, N_CHUNK, chunk_body, 0)

  pltpu.sync_copy(negout_v, negT_out_hbm.at[:, pl.ds(base, B_PER)])


_sc_select = functools.partial(
    pl.kernel,
    out_type=jax.ShapeDtypeStruct((NEG, BATCH), jnp.float32),
    mesh=plsc.VectorSubcoreMesh(core_axis_name="c", subcore_axis_name="s",
                                num_cores=NUM_CORES,
                                num_subcores=NUM_SUBCORES),
    scratch_types=(
        pltpu.VMEM((B_PER, SUB_PAD), jnp.float32),
        pltpu.VMEM((NEG, B_PER), jnp.int32),
        pltpu.VMEM((NEG, B_PER), jnp.float32),
    ),
    compiler_params=pltpu.CompilerParams(needs_layout_passes=False),
)(_sel_body)


@jax.jit
def kernel(h, target_index, emb_weight, neg_indices):
  tgt2 = target_index.astype(jnp.int32).reshape(BATCH // 128, 128)
  negT = neg_indices.astype(jnp.int32).T
  embT = emb_weight.T
  tailT = emb_weight[TAIL_START:].T
  w_pad = jnp.pad(emb_weight[:SUB_ROWS], ((0, SUB_PAD - SUB_ROWS), (0, 0)))
  all_dots = _tc_all_dots(h, w_pad)
  posw = _sc_sweep(tgt2, embT, tailT)
  negT_out = _sc_select(all_dots, negT)
  pos_flat = _tc_pos(h, posw[:BATCH, :D])
  pos_out = pos_flat.reshape(BATCH, 1)
  neg_out = negT_out.T
  pos_label = jnp.ones((BATCH, 1), jnp.float32)
  neg_label = jnp.zeros((BATCH, NEG), jnp.float32)
  return (pos_out, pos_label, neg_out, neg_label)

# --- scband reference (transcript-rebuilt; emitter-appended) ---
"""Pipeline reference for scband-negative-sampling-20366734917935 (READ-ONLY COPY).

The authoritative reference and input builder live on the scoring server;
editing this copy changes nothing except your own understanding.
"""

import jax, jax.numpy as jnp
import numpy as np

D_MODEL = 64
NUM_ITEM = 1000000
NEG_SIZE = 16
SAMPLER_VOCAB = 100
BATCH = 16384


def setup_inputs(seed: int = 0) -> dict:
    key = jax.random.key(seed)
    k1, k2, k3, k4 = jax.random.split(key, 4)
    h = jax.random.normal(k1, (BATCH, D_MODEL), dtype=jnp.float32)
    target_index = jax.random.randint(k2, (BATCH,), 0, NUM_ITEM)
    emb_weight = jax.random.normal(k3, (NUM_ITEM, D_MODEL), dtype=jnp.float32) * 0.1
    # UnigramSampler with sequences=[[0..99]] and power=0.75 yields a uniform
    # distribution over 100 items; the np.random.choice call inside forward is
    # externalized here as a deterministic randint draw.
    neg_indices = jax.random.randint(k4, (BATCH, NEG_SIZE), 0, SAMPLER_VOCAB)
    return {"h": h, "target_index": target_index, "emb_weight": emb_weight, "neg_indices": neg_indices}


def reference(h, target_index, emb_weight, neg_indices):
    batch = target_index.shape[0]
    h3 = jnp.reshape(h, (batch, 1, D_MODEL))
    # positive branch: EmbeddingDot(h, target_index[:, None])
    pos_w = jnp.take(emb_weight, jnp.reshape(target_index, (batch, 1)), axis=0)
    pos_w = jnp.reshape(pos_w, (batch, 1, D_MODEL))
    pos_out = jax.nn.sigmoid(jnp.matmul(h3, jnp.swapaxes(pos_w, 1, 2)))
    pos_out = jnp.reshape(pos_out, (batch, 1))
    pos_label = jnp.ones((batch, 1), dtype=jnp.float32)
    # negative branch: EmbeddingDot(h, neg_indices)
    neg_w = jnp.take(emb_weight, neg_indices, axis=0)
    neg_w = jnp.reshape(neg_w, (batch, NEG_SIZE, D_MODEL))
    neg_out = jax.nn.sigmoid(jnp.matmul(h3, jnp.swapaxes(neg_w, 1, 2)))
    neg_out = jnp.reshape(neg_out, (batch, NEG_SIZE))
    neg_label = jnp.zeros((batch, NEG_SIZE), dtype=jnp.float32)
    return (pos_out, pos_label, neg_out, neg_label)

if __name__ == "__main__":
    import jax
    _d = setup_inputs()
    print(jax.jit(kernel)(*tuple(_d.values())))

</pallas_src>

<mosaic_0001>
#map = affine_map<(d0, d1) -> (0, 0)>
module attributes {stable_mosaic.version = 14 : i64} {
  func.func @_sweep_body(%arg0: i32, %arg1: i32, %arg2: memref<128x128xi32, #tpu.memory_space<hbm>>, %arg3: memref<64x1000000xf32, #tpu.memory_space<hbm>>, %arg4: memref<64x64xf32, #tpu.memory_space<hbm>>, %arg5: memref<16416x128xf32, #tpu.memory_space<hbm>>, %arg6: memref<128x128xi32, #tpu.memory_space<vmem>>, %arg7: memref<16416xi32, #tpu.memory_space<vmem>>, %arg8: memref<16416xi32, #tpu.memory_space<vmem>>, %arg9: memref<64x128xf32, #tpu.memory_space<vmem>>, %arg10: memref<64x128xf32, #tpu.memory_space<vmem>>, %arg11: memref<64x64xf32, #tpu.memory_space<vmem>>, %arg12: memref<128x128xf32, #tpu.memory_space<vmem>>, %arg13: memref<128xi32, #tpu.memory_space<vmem>>, %arg14: memref<!tpu.dma_semaphore, #tpu.memory_space<semaphore_mem>>, %arg15: memref<!tpu.dma_semaphore, #tpu.memory_space<semaphore_mem>>, %arg16: memref<!tpu.dma_semaphore, #tpu.memory_space<semaphore_mem>>) attributes {dimension_semantics = [#tpu.dimension_semantics<core_parallel>, #tpu.dimension_semantics<subcore_parallel>], iteration_bounds = array<i64: 2, 16>, scalar_prefetch = 0 : i64, scratch_operands = 11 : i64, tpu.core_type = #tpu.core_type<sc_vector_subcore>, window_params = [{transform_indices = #map}, {transform_indices = #map}, {transform_indices = #map}, {transform_indices = #map}]} {
    %mul3A = arith.constant 2 : i32
    %mul3A_0 = arith.muli %arg1, %mul3A : i32
    %add3A = arith.addi %mul3A_0, %arg0 : i32
    %iota3A = tpu.iota {dimensions = array<i32: 0>} : vector<16xi32>
    %mul3A_1 = arith.constant 245 : i32
    %mul3A_2 = arith.muli %add3A, %mul3A_1 : i32
    %sub3A = arith.constant 7813 : i32
    %sub3A_3 = arith.subi %sub3A, %mul3A_2 : i32
    %min3A = arith.constant 245 : i32
    %min3A_4 = arith.minsi %min3A, %sub3A_3 : i32
    %add3A_5 = arith.constant 16384 : i32
    %add3A_6 = arith.addi %add3A_5, %add3A : i32
    %broadcast_in_dim3A = arith.constant 0 : i32
    %broadcast_in_dim3A_7 = vector.broadcast %broadcast_in_dim3A : i32 to vector<16xi32>
    %add3A_8 = vector.broadcast %add3A_6 : i32 to vector<16xi32>
    %add3A_9 = arith.addi %broadcast_in_dim3A_7, %add3A_8 : vector<16xi32>
    "tpu.region"() ({
      %run_scoped3A = tpu.sem_alloc : memref<!tpu.dma_semaphore, #tpu.memory_space<semaphore_mem>>
      tpu.enqueue_dma source(%arg2 : memref<128x128xi32, #tpu.memory_space<hbm>>) target(%arg6 : memref<128x128xi32, #tpu.memory_space<vmem>>) target_semaphore(%run_scoped3A : memref<!tpu.dma_semaphore, #tpu.memory_space<semaphore_mem>>)
      tpu.wait_dma2 semaphore(%run_scoped3A : memref<!tpu.dma_semaphore, #tpu.memory_space<semaphore_mem>>) src(%arg2 : memref<128x128xi32, #tpu.memory_space<hbm>>) dst(%arg6 : memref<128x128xi32, #tpu.memory_space<vmem>>)
      tpu.yield
    }) : () -> ()
    %broadcast_in_dim3A_10 = arith.constant 0 : i32
    %broadcast_in_dim3A_11 = vector.broadcast %broadcast_in_dim3A_10 : i32 to vector<16xi32>
    %mul3A_12 = arith.constant 128 : i32
    %mul3A_13 = arith.muli %mul3A_2, %mul3A_12 : i32
    %add3A_14 = vector.broadcast %mul3A_13 : i32 to vector<16xi32>
    %add3A_15 = arith.addi %broadcast_in_dim3A_11, %add3A_14 : vector<16xi32>
    %broadcast_in_dim3A_16 = arith.constant 0 : i32
    %broadcast_in_dim3A_17 = vector.broadcast %broadcast_in_dim3A_16 : i32 to vector<16xi32>
    %add3A_18 = arith.addi %mul3A_2, %min3A_4 : i32
    %mul3A_19 = arith.constant 128 : i32
    %mul3A_20 = arith.muli %add3A_18, %mul3A_19 : i32
    %add3A_21 = vector.broadcast %mul3A_20 : i32 to vector<16xi32>
    %add3A_22 = arith.addi %broadcast_in_dim3A_17, %add3A_21 : vector<16xi32>
    %scan3A = arith.constant 0 : i32
    %scan3A_23 = arith.constant 0 : i32
    %scan3A_24 = arith.constant 1024 : i32
    %scan3A_25 = arith.addi %scan3A_23, %scan3A_24 : i32
    %scan3A_26 = arith.constant 1 : i32
    %scan3A_27 = scf.for %scan3A_144 = %scan3A_23 to %scan3A_25 step %scan3A_26 iter_args(%scan3A_145 = %scan3A) -> (i32)  : i32 {
      %jit3A_146 = arith.constant 8 : i32
      %div3A_147 = arith.divsi %scan3A_144, %jit3A_146 : i32
      %sign3A_148 = arith.constant 0 : i32
      %sign3A_149 = arith.cmpi sgt, %scan3A_144, %sign3A_148 : i32
      %sign3A_150 = arith.extui %sign3A_149 : i1 to i32
      %sign3A_151 = arith.constant 0 : i32
      %sign3A_152 = arith.cmpi slt, %scan3A_144, %sign3A_151 : i32
      %sign3A_153 = arith.extui %sign3A_152 : i1 to i32
      %sign3A_154 = arith.subi %sign3A_150, %sign3A_153 : i32
      %sign3A_155 = arith.constant 0 : i32
      %sign3A_156 = arith.cmpi sgt, %jit3A_146, %sign3A_155 : i32
      %sign3A_157 = arith.extui %sign3A_156 : i1 to i32
      %sign3A_158 = arith.constant 0 : i32
      %sign3A_159 = arith.cmpi slt, %jit3A_146, %sign3A_158 : i32
      %sign3A_160 = arith.extui %sign3A_159 : i1 to i32
      %sign3A_161 = arith.subi %sign3A_157, %sign3A_160 : i32
      %ne3A_162 = arith.cmpi ne, %sign3A_154, %sign3A_161 : i32
      %rem3A_163 = arith.remsi %scan3A_144, %jit3A_146 : i32
      %ne3A_164 = arith.constant 0 : i32
      %ne3A_165 = arith.cmpi ne, %rem3A_163, %ne3A_164 : i32
      %and3A_166 = arith.andi %ne3A_162, %ne3A_165 : i1
      %sub3A_167 = arith.constant 1 : i32
      %sub3A_168 = arith.subi %div3A_147, %sub3A_167 : i32
      %select_n3A_169 = arith.select %and3A_166, %sub3A_168, %div3A_147 : i32
      %jit3A_170 = arith.constant 8 : i32
      %eq3A = arith.constant 0 : i32
      %eq3A_171 = arith.cmpi eq, %jit3A_170, %eq3A : i32
      %jit3A_172 = arith.constant 1 : i32
      %select_n3A_173 = arith.select %eq3A_171, %jit3A_172, %jit3A_170 : i32
      %rem3A_174 = arith.remsi %scan3A_144, %select_n3A_173 : i32
      %ne3A_175 = arith.constant 0 : i32
      %ne3A_176 = arith.cmpi ne, %rem3A_174, %ne3A_175 : i32
      %lt3A = arith.constant 0 : i32
      %lt3A_177 = arith.cmpi slt, %rem3A_174, %lt3A : i32
      %lt3A_178 = arith.constant 0 : i32
      %lt3A_179 = arith.cmpi slt, %select_n3A_173, %lt3A_178 : i32
      %ne3A_180 = arith.xori %lt3A_177, %lt3A_179 : i1
      %and3A_181 = arith.andi %ne3A_180, %ne3A_176 : i1
      %add3A_182 = arith.addi %rem3A_174, %select_n3A_173 : i32
      %select_n3A_183 = arith.select %and3A_181, %add3A_182, %rem3A_174 : i32
      %mul3A_184 = arith.constant 16 : i32
      %mul3A_185 = arith.muli %select_n3A_183, %mul3A_184 : i32
      %get3A = arith.index_cast %select_n3A_169 : i32 to index
      %get3A_186 = arith.index_cast %mul3A_185 : i32 to index
      %get3A_187 = tpu.vector_load %arg6[%get3A, %get3A_186] {strides = array<i32>} : memref<128x128xi32, #tpu.memory_space<vmem>>, vector<16xi32>,
      %ge3A = arith.cmpi sge, %get3A_187, %add3A_15 : vector<16xi32>
      %lt3A_188 = arith.cmpi slt, %get3A_187, %add3A_22 : vector<16xi32>
      %and3A_189 = arith.andi %ge3A, %lt3A_188 : vector<16xi1>
      %swap3A_190 = arith.index_cast %scan3A_145 : i32 to index
      %swap3A_191 = tpu.vector_load %arg7[%swap3A_190] masked %and3A_189 {strides = array<i32>} : memref<16416xi32, #tpu.memory_space<vmem>>, vector<16xi32>, vector<16xi1>
      tpu.vector_store %arg7[%swap3A_190], %get3A_187 masked %and3A_189 {strides = array<i32>} : memref<16416xi32, #tpu.memory_space<vmem>>, vector<16xi32>, vector<16xi1>
      %mul3A_192 = arith.constant 16 : i32
      %mul3A_193 = arith.muli %scan3A_144, %mul3A_192 : i32
      %add3A_194 = vector.broadcast %mul3A_193 : i32 to vector<16xi32>
      %add3A_195 = arith.addi %add3A_194, %iota3A : vector<16xi32>
      %swap3A_196 = arith.index_cast %scan3A_145 : i32 to index
      %swap3A_197 = tpu.vector_load %arg8[%swap3A_196] masked %and3A_189 {strides = array<i32>} : memref<16416xi32, #tpu.memory_space<vmem>>, vector<16xi32>, vector<16xi1>
      tpu.vector_store %arg8[%swap3A_196], %add3A_195 masked %and3A_189 {strides = array<i32>} : memref<16416xi32, #tpu.memory_space<vmem>>, vector<16xi32>, vector<16xi1>
      %all_reduce_population_count3A = tpu.all_reduce %and3A_189 {dim = 0 : i64, kind = #tpu.reduction_kind<sum>} : vector<16xi1> -> vector<16xi32>
      %slice3A = vector.extract_strided_slice %all_reduce_population_count3A {offsets = [0], sizes = [1], strides = [1]} : vector<16xi32> to vector<1xi32>
      %squeeze3A = vector.extract %slice3A[0] : i32 from vector<1xi32>
      %add3A_198 = arith.addi %scan3A_145, %squeeze3A : i32
      scf.yield %add3A_198 : i32
    }
    %scan3A_28 = arith.constant 1024 : i32
    %broadcast_in_dim3A_29 = arith.constant 0 : i32
    %broadcast_in_dim3A_30 = vector.broadcast %broadcast_in_dim3A_29 : i32 to vector<16xi32>
    %sub3A_31 = arith.constant 1 : i32
    %sub3A_32 = vector.broadcast %sub3A_31 : i32 to vector<16xi32>
    %sub3A_33 = arith.subi %broadcast_in_dim3A_30, %sub3A_32 : vector<16xi32>
    %swap3A = arith.index_cast %scan3A_27 : i32 to index
    %swap3A_34 = tpu.vector_load %arg7[%swap3A] {strides = array<i32>} : memref<16416xi32, #tpu.memory_space<vmem>>, vector<16xi32>,
    tpu.vector_store %arg7[%swap3A], %sub3A_33 {strides = array<i32>} : memref<16416xi32, #tpu.memory_space<vmem>>, vector<16xi32>,
    %add3A_35 = arith.constant 15 : i32
    %add3A_36 = arith.addi %scan3A_27, %add3A_35 : i32
    %shift_right_arithmetic3A = arith.constant 4 : i32
    %shift_right_arithmetic3A_37 = arith.shrsi %add3A_36, %shift_right_arithmetic3A : i32
    %swap3A_38 = arith.constant 0 : index
    %swap3A_39 = tpu.vector_load %arg13[%swap3A_38] {strides = array<i32>} : memref<128xi32, #tpu.memory_space<vmem>>, vector<16xi32>,
    tpu.vector_store %arg13[%swap3A_38], %add3A_9 {strides = array<i32>} : memref<128xi32, #tpu.memory_space<vmem>>, vector<16xi32>,
    %swap3A_40 = arith.constant 16 : index
    %swap3A_41 = tpu.vector_load %arg13[%swap3A_40] {strides = array<i32>} : memref<128xi32, #tpu.memory_space<vmem>>, vector<16xi32>,
    tpu.vector_store %arg13[%swap3A_40], %add3A_9 {strides = array<i32>} : memref<128xi32, #tpu.memory_space<vmem>>, vector<16xi32>,
    %swap3A_42 = arith.constant 32 : index
    %swap3A_43 = tpu.vector_load %arg13[%swap3A_42] {strides = array<i32>} : memref<128xi32, #tpu.memory_space<vmem>>, vector<16xi32>,
    tpu.vector_store %arg13[%swap3A_42], %add3A_9 {strides = array<i32>} : memref<128xi32, #tpu.memory_space<vmem>>, vector<16xi32>,
    %swap3A_44 = arith.constant 48 : index
    %swap3A_45 = tpu.vector_load %arg13[%swap3A_44] {strides = array<i32>} : memref<128xi32, #tpu.memory_space<vmem>>, vector<16xi32>,
    tpu.vector_store %arg13[%swap3A_44], %add3A_9 {strides = array<i32>} : memref<128xi32, #tpu.memory_space<vmem>>, vector<16xi32>,
    %swap3A_46 = arith.constant 64 : index
    %swap3A_47 = tpu.vector_load %arg13[%swap3A_46] {strides = array<i32>} : memref<128xi32, #tpu.memory_space<vmem>>, vector<16xi32>,
    tpu.vector_store %arg13[%swap3A_46], %add3A_9 {strides = array<i32>} : memref<128xi32, #tpu.memory_space<vmem>>, vector<16xi32>,
    %swap3A_48 = arith.constant 80 : index
    %swap3A_49 = tpu.vector_load %arg13[%swap3A_48] {strides = array<i32>} : memref<128xi32, #tpu.memory_space<vmem>>, vector<16xi32>,
    tpu.vector_store %arg13[%swap3A_48], %add3A_9 {strides = array<i32>} : memref<128xi32, #tpu.memory_space<vmem>>, vector<16xi32>,
    %swap3A_50 = arith.constant 96 : index
    %swap3A_51 = tpu.vector_load %arg13[%swap3A_50] {strides = array<i32>} : memref<128xi32, #tpu.memory_space<vmem>>, vector<16xi32>,
    tpu.vector_store %arg13[%swap3A_50], %add3A_9 {strides = array<i32>} : memref<128xi32, #tpu.memory_space<vmem>>, vector<16xi32>,
    %swap3A_52 = arith.constant 112 : index
    %swap3A_53 = tpu.vector_load %arg13[%swap3A_52] {strides = array<i32>} : memref<128xi32, #tpu.memory_space<vmem>>, vector<16xi32>,
    tpu.vector_store %arg13[%swap3A_52], %add3A_9 {strides = array<i32>} : memref<128xi32, #tpu.memory_space<vmem>>, vector<16xi32>,
    %sub3A_54 = arith.constant 7812 : i32
    %sub3A_55 = arith.subi %sub3A_54, %mul3A_2 : i32
    %min3A_56 = arith.constant 245 : i32
    %min3A_57 = arith.minsi %min3A_56, %sub3A_55 : i32
    %add3A_58 = arith.constant 0 : i32
    %add3A_59 = arith.addi %mul3A_2, %add3A_58 : i32
    %mul3A_60 = arith.constant 128 : i32
    %mul3A_61 = arith.muli %add3A_59, %mul3A_60 : i32
    %multiple_of3A = tpu.assume_multiple %mul3A_61, 128 : i32
    %dma_start3A = arith.constant 0 : i32
    %dma_start3A_62 = tpu.memref_slice %arg3[%dma_start3A, %multiple_of3A] : memref<64x1000000xf32, #tpu.memory_space<hbm>> -> memref<64x128xf32, #tpu.memory_space<hbm>>
    %dma_start3A_63 = arith.constant 0 : i32
    %dma_start3A_64 = tpu.memref_slice %arg3[%dma_start3A_63, %multiple_of3A] : memref<64x1000000xf32, #tpu.memory_space<hbm>> -> memref<64x128xf32, #tpu.memory_space<hbm>>
    tpu.enqueue_dma source(%dma_start3A_64 : memref<64x128xf32, #tpu.memory_space<hbm>>) target(%arg9 : memref<64x128xf32, #tpu.memory_space<vmem>>) target_semaphore(%arg14 : memref<!tpu.dma_semaphore, #tpu.memory_space<semaphore_mem>>)
    %sub3A_65 = arith.constant 1 : i32
    %sub3A_66 = arith.subi %min3A_57, %sub3A_65 : i32
    %jit3A = arith.constant 2 : i32
    %div3A = arith.divsi %sub3A_66, %jit3A : i32
    %sign3A = arith.constant 0 : i32
    %sign3A_67 = arith.cmpi sgt, %sub3A_66, %sign3A : i32
    %sign3A_68 = arith.extui %sign3A_67 : i1 to i32
    %sign3A_69 = arith.constant 0 : i32
    %sign3A_70 = arith.cmpi slt, %sub3A_66, %sign3A_69 : i32
    %sign3A_71 = arith.extui %sign3A_70 : i1 to i32
    %sign3A_72 = arith.subi %sign3A_68, %sign3A_71 : i32
    %sign3A_73 = arith.constant 0 : i32
    %sign3A_74 = arith.cmpi sgt, %jit3A, %sign3A_73 : i32
    %sign3A_75 = arith.extui %sign3A_74 : i1 to i32
    %sign3A_76 = arith.constant 0 : i32
    %sign3A_77 = arith.cmpi slt, %jit3A, %sign3A_76 : i32
    %sign3A_78 = arith.extui %sign3A_77 : i1 to i32
    %sign3A_79 = arith.subi %sign3A_75, %sign3A_78 : i32
    %ne3A = arith.cmpi ne, %sign3A_72, %sign3A_79 : i32
    %rem3A = arith.remsi %sub3A_66, %jit3A : i32
    %ne3A_80 = arith.constant 0 : i32
    %ne3A_81 = arith.cmpi ne, %rem3A, %ne3A_80 : i32
    %and3A = arith.andi %ne3A, %ne3A_81 : i1
    %sub3A_82 = arith.constant 1 : i32
    %sub3A_83 = arith.subi %div3A, %sub3A_82 : i32
    %select_n3A = arith.select %and3A, %sub3A_83, %div3A : i32
    %mul3A_84 = arith.constant 0 : i32
    %mul3A_85 = vector.broadcast %mul3A_84 : i32 to vector<16xi32>
    %mul3A_86 = arith.muli %iota3A, %mul3A_85 : vector<16xi32>
    %add3A_87 = vector.broadcast %add3A_6 : i32 to vector<16xi32>
    %add3A_88 = arith.addi %mul3A_86, %add3A_87 : vector<16xi32>
    %while3A = arith.constant 0 : i32
    %while3A_89 = arith.constant 0 : i32
    %while3A_90 = arith.subi %select_n3A, %while3A : i32
    %while3A_91 = arith.addi %while3A, %while3A_90 : i32
    %while3A_92 = arith.constant 1 : i32
    %while3A_93 = arith.divsi %while3A_90, %while3A_92 : i32
    %while3A_94 = arith.muli %while3A_93, %while3A_92 : i32
    %while3A_95 = arith.addi %while3A, %while3A_94 : i32
    %while3A_96 = arith.constant 1 : i32
    %while3A_97:2 = scf.for %while3A_144 = %while3A to %while3A_95 step %while3A_96 iter_args(%while3A_145 = %while3A_89, %while3A_146 = %add3A_88) -> (i32, vector<16xi32>)  : i32 {
      %mul3A_147 = arith.constant 2 : i32
      %mul3A_148 = arith.muli %mul3A_147, %while3A_144 : i32
      %add3A_149 = arith.constant 1 : i32
      %add3A_150 = arith.addi %mul3A_148, %add3A_149 : i32
      %add3A_151 = arith.addi %mul3A_2, %add3A_150 : i32
      %mul3A_152 = arith.constant 128 : i32
      %mul3A_153 = arith.muli %add3A_151, %mul3A_152 : i32
      %multiple_of3A_154 = tpu.assume_multiple %mul3A_153, 128 : i32
      %dma_start3A_155 = arith.constant 0 : i32
      %dma_start3A_156 = tpu.memref_slice %arg3[%dma_start3A_155, %multiple_of3A_154] : memref<64x1000000xf32, #tpu.memory_space<hbm>> -> memref<64x128xf32, #tpu.memory_space<hbm>>
      %dma_start3A_157 = arith.constant 0 : i32
      %dma_start3A_158 = tpu.memref_slice %arg3[%dma_start3A_157, %multiple_of3A_154] : memref<64x1000000xf32, #tpu.memory_space<hbm>> -> memref<64x128xf32, #tpu.memory_space<hbm>>
      tpu.enqueue_dma source(%dma_start3A_158 : memref<64x128xf32, #tpu.memory_space<hbm>>) target(%arg10 : memref<64x128xf32, #tpu.memory_space<vmem>>) target_semaphore(%arg15 : memref<!tpu.dma_semaphore, #tpu.memory_space<semaphore_mem>>)
      %dma_wait3A_159 = arith.constant 0 : i32
      %dma_wait3A_160 = arith.constant 0 : i32
      %dma_wait3A_161 = tpu.memref_slice %arg3[%dma_wait3A_159, %dma_wait3A_160] : memref<64x1000000xf32, #tpu.memory_space<hbm>> -> memref<64x128xf32, #tpu.memory_space<hbm>>
      %dma_wait3A_162 = arith.constant 0 : i32
      %dma_wait3A_163 = arith.constant 0 : i32
      %dma_wait3A_164 = tpu.memref_slice %arg3[%dma_wait3A_162, %dma_wait3A_163] : memref<64x1000000xf32, #tpu.memory_space<hbm>> -> memref<64x128xf32, #tpu.memory_space<hbm>>
      tpu.wait_dma2 semaphore(%arg14 : memref<!tpu.dma_semaphore, #tpu.memory_space<semaphore_mem>>) src(%dma_wait3A_164 : memref<64x128xf32, #tpu.memory_space<hbm>>) dst(%arg9 : memref<64x128xf32, #tpu.memory_space<vmem>>)
      %add3A_165 = arith.addi %mul3A_2, %mul3A_148 : i32
      %broadcast_in_dim3A_166 = arith.constant 0 : i32
      %broadcast_in_dim3A_167 = vector.broadcast %broadcast_in_dim3A_166 : i32 to vector<16xi32>
      %add3A_168 = vector.broadcast %add3A_165 : i32 to vector<16xi32>
      %add3A_169 = arith.addi %broadcast_in_dim3A_167, %add3A_168 : vector<16xi32>
      %while3A_170 = arith.constant 0 : i32
      %while3A_171 = arith.subi %shift_right_arithmetic3A_37, %while3A_170 : i32
      %while3A_172 = arith.addi %while3A_170, %while3A_171 : i32
      %while3A_173 = arith.constant 1 : i32
      %while3A_174 = arith.divsi %while3A_171, %while3A_173 : i32
      %while3A_175 = arith.muli %while3A_174, %while3A_173 : i32
      %while3A_176 = arith.addi %while3A_170, %while3A_175 : i32
      %while3A_177 = arith.constant 1 : i32
      %while3A_178:2 = scf.for %while3A_215 = %while3A_170 to %while3A_176 step %while3A_177 iter_args(%while3A_216 = %while3A_145, %while3A_217 = %while3A_146) -> (i32, vector<16xi32>)  : i32 {
        %mul3A_218 = arith.constant 16 : i32
        %mul3A_219 = arith.muli %while3A_215, %mul3A_218 : i32
        %get3A = arith.index_cast %mul3A_219 : i32 to index
        %get3A_220 = tpu.vector_load %arg7[%get3A] {strides = array<i32>} : memref<16416xi32, #tpu.memory_space<vmem>>, vector<16xi32>,
        %shift_right_logical3A = arith.constant 7 : i32
        %shift_right_logical3A_221 = vector.broadcast %shift_right_logical3A : i32 to vector<16xi32>
        %shift_right_logical3A_222 = arith.shrui %get3A_220, %shift_right_logical3A_221 : vector<16xi32>
        %eq3A = arith.cmpi eq, %shift_right_logical3A_222, %add3A_169 : vector<16xi32>
        %all_reduce_population_count3A = tpu.all_reduce %eq3A {dim = 0 : i64, kind = #tpu.reduction_kind<sum>} : vector<16xi1> -> vector<16xi32>
        %slice3A = vector.extract_strided_slice %all_reduce_population_count3A {offsets = [0], sizes = [1], strides = [1]} : vector<16xi32> to vector<1xi32>
        %squeeze3A = vector.extract %slice3A[0] : i32 from vector<1xi32>
        %while3A_223 = arith.constant 0 : i32
        %while3A_224 = arith.subi %squeeze3A, %while3A_223 : i32
        %while3A_225 = arith.addi %while3A_223, %while3A_224 : i32
        %while3A_226 = arith.constant 1 : i32
        %while3A_227 = arith.divsi %while3A_224, %while3A_226 : i32
        %while3A_228 = arith.muli %while3A_227, %while3A_226 : i32
        %while3A_229 = arith.addi %while3A_223, %while3A_228 : i32
        %while3A_230 = arith.constant 1 : i32
        %while3A_231:3 = scf.for %while3A_234 = %while3A_223 to %while3A_229 step %while3A_230 iter_args(%while3A_235 = %while3A_216, %while3A_236 = %while3A_217, %while3A_237 = %eq3A) -> (i32, vector<16xi32>, vector<16xi1>)  : i32 {
          %all_reduce_ffs3A = tpu.all_reduce %while3A_237 {dim = 0 : i64, kind = #tpu.reduction_kind<find_first_set>} : vector<16xi1> -> vector<16xi32>
          %broadcast_in_dim3A_238 = vector.shape_cast %all_reduce_ffs3A : vector<16xi32> to vector<16x1xi32>
          %gather3A = vector.shape_cast %broadcast_in_dim3A_238 : vector<16x1xi32> to vector<16xi32>
          %gather3A_239 = tpu.dynamic_gather %get3A_220[%gather3A] in [0] : vector<16xi32>, vector<16xi32> -> vector<16xi32>
          %and3A_240 = arith.constant 127 : i32
          %and3A_241 = vector.broadcast %and3A_240 : i32 to vector<16xi32>
          %and3A_242 = arith.andi %gather3A_239, %and3A_241 : vector<16xi32>
          %mul3A_243 = arith.constant 16 : i32
          %mul3A_244 = arith.muli %while3A_215, %mul3A_243 : i32
          %get3A_245 = arith.index_cast %mul3A_244 : i32 to index
          %get3A_246 = tpu.vector_load %arg8[%get3A_245] {strides = array<i32>} : memref<16416xi32, #tpu.memory_space<vmem>>, vector<16xi32>,
          %broadcast_in_dim3A_247 = vector.shape_cast %all_reduce_ffs3A : vector<16xi32> to vector<16x1xi32>
          %gather3A_248 = vector.shape_cast %broadcast_in_dim3A_247 : vector<16x1xi32> to vector<16xi32>
          %gather3A_249 = tpu.dynamic_gather %get3A_246[%gather3A_248] in [0] : vector<16xi32>, vector<16xi32> -> vector<16xi32>
          %and3A_250 = arith.constant 127 : i32
          %and3A_251 = arith.andi %while3A_235, %and3A_250 : i32
          %add3A_252 = arith.constant 0 : i32
          %add3A_253 = vector.broadcast %add3A_252 : i32 to vector<16xi32>
          %add3A_254 = arith.addi %add3A_253, %iota3A : vector<16xi32>
          %gather3A_255 = tpu.vector_load_idx %arg9[%add3A_254, %and3A_242] : memref<64x128xf32, #tpu.memory_space<vmem>>[vector<16xi32>, vector<16xi32>], vector<16xf32>,
          %swap3A_256 = arith.index_cast %and3A_251 : i32 to index
          %swap3A_257 = arith.constant 0 : index
          %swap3A_258 = tpu.vector_load %arg12[%swap3A_256, %swap3A_257] {strides = array<i32>} : memref<128x128xf32, #tpu.memory_space<vmem>>, vector<16xf32>,
          tpu.vector_store %arg12[%swap3A_256, %swap3A_257], %gather3A_255 {strides = array<i32>} : memref<128x128xf32, #tpu.memory_space<vmem>>, vector<16xf32>,
          %add3A_259 = arith.constant 16 : i32
          %add3A_260 = vector.broadcast %add3A_259 : i32 to vector<16xi32>
          %add3A_261 = arith.addi %add3A_260, %iota3A : vector<16xi32>
          %gather3A_262 = tpu.vector_load_idx %arg9[%add3A_261, %and3A_242] : memref<64x128xf32, #tpu.memory_space<vmem>>[vector<16xi32>, vector<16xi32>], vector<16xf32>,
          %swap3A_263 = arith.index_cast %and3A_251 : i32 to index
          %swap3A_264 = arith.constant 16 : index
          %swap3A_265 = tpu.vector_load %arg12[%swap3A_263, %swap3A_264] {strides = array<i32>} : memref<128x128xf32, #tpu.memory_space<vmem>>, vector<16xf32>,
          tpu.vector_store %arg12[%swap3A_263, %swap3A_264], %gather3A_262 {strides = array<i32>} : memref<128x128xf32, #tpu.memory_space<vmem>>, vector<16xf32>,
          %add3A_266 = arith.constant 32 : i32
          %add3A_267 = vector.broadcast %add3A_266 : i32 to vector<16xi32>
          %add3A_268 = arith.addi %add3A_267, %iota3A : vector<16xi32>
          %gather3A_269 = tpu.vector_load_idx %arg9[%add3A_268, %and3A_242] : memref<64x128xf32, #tpu.memory_space<vmem>>[vector<16xi32>, vector<16xi32>], vector<16xf32>,
          %swap3A_270 = arith.index_cast %and3A_251 : i32 to index
          %swap3A_271 = arith.constant 32 : index
          %swap3A_272 = tpu.vector_load %arg12[%swap3A_270, %swap3A_271] {strides = array<i32>} : memref<128x128xf32, #tpu.memory_space<vmem>>, vector<16xf32>,
          tpu.vector_store %arg12[%swap3A_270, %swap3A_271], %gather3A_269 {strides = array<i32>} : memref<128x128xf32, #tpu.memory_space<vmem>>, vector<16xf32>,
          %add3A_273 = arith.constant 48 : i32
          %add3A_274 = vector.broadcast %add3A_273 : i32 to vector<16xi32>
          %add3A_275 = arith.addi %add3A_274, %iota3A : vector<16xi32>
          %gather3A_276 = tpu.vector_load_idx %arg9[%add3A_275, %and3A_242] : memref<64x128xf32, #tpu.memory_space<vmem>>[vector<16xi32>, vector<16xi32>], vector<16xf32>,
          %swap3A_277 = arith.index_cast %and3A_251 : i32 to index
          %swap3A_278 = arith.constant 48 : index
          %swap3A_279 = tpu.vector_load %arg12[%swap3A_277, %swap3A_278] {strides = array<i32>} : memref<128x128xf32, #tpu.memory_space<vmem>>, vector<16xf32>,
          tpu.vector_store %arg12[%swap3A_277, %swap3A_278], %gather3A_276 {strides = array<i32>} : memref<128x128xf32, #tpu.memory_space<vmem>>, vector<16xf32>,
          %and3A_280 = arith.constant 15 : i32
          %and3A_281 = arith.andi %and3A_251, %and3A_280 : i32
          %eq3A_282 = vector.broadcast %and3A_281 : i32 to vector<16xi32>
          %eq3A_283 = arith.cmpi eq, %iota3A, %eq3A_282 : vector<16xi32>
          %select_n3A_284 = arith.select %eq3A_283, %gather3A_249, %while3A_236 : vector<16xi1>, vector<16xi32>
          %and3A_285 = arith.constant 15 : i32
          %and3A_286 = arith.andi %and3A_251, %and3A_285 : i32
          %eq3A_287 = arith.constant 15 : i32
          %eq3A_288 = arith.cmpi eq, %and3A_286, %eq3A_287 : i32
          %convert_element_type3A_289 = arith.extui %eq3A_288 : i1 to i32
          %cond3A_290 = arith.constant 0 : i32
          %cond3A_291 = arith.cmpi ne, %convert_element_type3A_289, %cond3A_290 : i32
          scf.if %cond3A_291 {
            %and3A_301 = arith.constant 112 : i32
            %and3A_302 = arith.andi %and3A_251, %and3A_301 : i32
            %swap3A_303 = arith.index_cast %and3A_302 : i32 to index
            %swap3A_304 = tpu.vector_load %arg13[%swap3A_303] {strides = array<i32>} : memref<128xi32, #tpu.memory_space<vmem>>, vector<16xi32>,
            tpu.vector_store %arg13[%swap3A_303], %select_n3A_284 {strides = array<i32>} : memref<128xi32, #tpu.memory_space<vmem>>, vector<16xi32>,
          } else {
          }
          %eq3A_292 = arith.constant 127 : i32
          %eq3A_293 = arith.cmpi eq, %and3A_251, %eq3A_292 : i32
          %convert_element_type3A_294 = arith.extui %eq3A_293 : i1 to i32
          %cond3A_295 = arith.constant 0 : i32
          %cond3A_296 = arith.cmpi ne, %convert_element_type3A_294, %cond3A_295 : i32
          scf.if %cond3A_296 {
            %dma_start3A_301 = arith.constant 0 : i32
            %dma_start3A_302 = arith.constant 0 : i32
            %dma_start3A_303 = tpu.memref_slice %arg5[%dma_start3A_301, %dma_start3A_302] : memref<16416x128xf32, #tpu.memory_space<hbm>> -> memref<16416x128xf32, #tpu.memory_space<hbm>>
            tpu.enqueue_indirect_dma source(%arg12 : memref<128x128xf32, #tpu.memory_space<vmem>>) target(%dma_start3A_303 : memref<16416x128xf32, #tpu.memory_space<hbm>>) offsets(%arg13 : memref<128xi32, #tpu.memory_space<vmem>>) semaphore(%arg16 : memref<!tpu.dma_semaphore, #tpu.memory_space<semaphore_mem>>)
            %dma_wait3A_304 = arith.constant 0 : i32
            %dma_wait3A_305 = arith.constant 0 : i32
            %dma_wait3A_306 = tpu.memref_slice %arg5[%dma_wait3A_304, %dma_wait3A_305] : memref<16416x128xf32, #tpu.memory_space<hbm>> -> memref<16416x128xf32, #tpu.memory_space<hbm>>
            tpu.wait_indirect_dma semaphore(%arg16 : memref<!tpu.dma_semaphore, #tpu.memory_space<semaphore_mem>>) src(%arg12 : memref<128x128xf32, #tpu.memory_space<vmem>>) dst(%dma_wait3A_306 : memref<16416x128xf32, #tpu.memory_space<hbm>>)
            %swap3A_307 = arith.constant 0 : index
            %swap3A_308 = tpu.vector_load %arg13[%swap3A_307] {strides = array<i32>} : memref<128xi32, #tpu.memory_space<vmem>>, vector<16xi32>,
            tpu.vector_store %arg13[%swap3A_307], %add3A_9 {strides = array<i32>} : memref<128xi32, #tpu.memory_space<vmem>>, vector<16xi32>,
            %swap3A_309 = arith.constant 16 : index
            %swap3A_310 = tpu.vector_load %arg13[%swap3A_309] {strides = array<i32>} : memref<128xi32, #tpu.memory_space<vmem>>, vector<16xi32>,
            tpu.vector_store %arg13[%swap3A_309], %add3A_9 {strides = array<i32>} : memref<128xi32, #tpu.memory_space<vmem>>, vector<16xi32>,
            %swap3A_311 = arith.constant 32 : index
            %swap3A_312 = tpu.vector_load %arg13[%swap3A_311] {strides = array<i32>} : memref<128xi32, #tpu.memory_space<vmem>>, vector<16xi32>,
            tpu.vector_store %arg13[%swap3A_311], %add3A_9 {strides = array<i32>} : memref<128xi32, #tpu.memory_space<vmem>>, vector<16xi32>,
            %swap3A_313 = arith.constant 48 : index
            %swap3A_314 = tpu.vector_load %arg13[%swap3A_313] {strides = array<i32>} : memref<128xi32, #tpu.memory_space<vmem>>, vector<16xi32>,
            tpu.vector_store %arg13[%swap3A_313], %add3A_9 {strides = array<i32>} : memref<128xi32, #tpu.memory_space<vmem>>, vector<16xi32>,
            %swap3A_315 = arith.constant 64 : index
            %swap3A_316 = tpu.vector_load %arg13[%swap3A_315] {strides = array<i32>} : memref<128xi32, #tpu.memory_space<vmem>>, vector<16xi32>,
            tpu.vector_store %arg13[%swap3A_315], %add3A_9 {strides = array<i32>} : memref<128xi32, #tpu.memory_space<vmem>>, vector<16xi32>,
            %swap3A_317 = arith.constant 80 : index
            %swap3A_318 = tpu.vector_load %arg13[%swap3A_317] {strides = array<i32>} : memref<128xi32, #tpu.memory_space<vmem>>, vector<16xi32>,
            tpu.vector_store %arg13[%swap3A_317], %add3A_9 {strides = array<i32>} : memref<128xi32, #tpu.memory_space<vmem>>, vector<16xi32>,
            %swap3A_319 = arith.constant 96 : index
            %swap3A_320 = tpu.vector_load %arg13[%swap3A_319] {strides = array<i32>} : memref<128xi32, #tpu.memory_space<vmem>>, vector<16xi32>,
            tpu.vector_store %arg13[%swap3A_319], %add3A_9 {strides = array<i32>} : memref<128xi32, #tpu.memory_space<vmem>>, vector<16xi32>,
            %swap3A_321 = arith.constant 112 : index
            %swap3A_322 = tpu.vector_load %arg13[%swap3A_321] {strides = array<i32>} : memref<128xi32, #tpu.memory_space<vmem>>, vector<16xi32>,
            tpu.vector_store %arg13[%swap3A_321], %add3A_9 {strides = array<i32>} : memref<128xi32, #tpu.memory_space<vmem>>, vector<16xi32>,
          } else {
          }
          %ne3A_297 = arith.cmpi ne, %iota3A, %all_reduce_ffs3A : vector<16xi32>
          %and3A_298 = arith.andi %while3A_237, %ne3A_297 : vector<16xi1>
          %add3A_299 = arith.constant 1 : i32
          %add3A_300 = arith.addi %while3A_235, %add3A_299 : i32
          scf.yield %add3A_300, %select_n3A_284, %and3A_298 : i32, vector<16xi32>, vector<16xi1>
        }
        %while3A_232 = arith.constant 1 : i32
        %while3A_233:3 = scf.for %while3A_234 = %while3A_229 to %while3A_225 step %while3A_232 iter_args(%while3A_235 = %while3A_231#0, %while3A_236 = %while3A_231#1, %while3A_237 = %while3A_231#2) -> (i32, vector<16xi32>, vector<16xi1>)  : i32 {
          %all_reduce_ffs3A = tpu.all_reduce %while3A_237 {dim = 0 : i64, kind = #tpu.reduction_kind<find_first_set>} : vector<16xi1> -> vector<16xi32>
          %broadcast_in_dim3A_238 = vector.shape_cast %all_reduce_ffs3A : vector<16xi32> to vector<16x1xi32>
          %gather3A = vector.shape_cast %broadcast_in_dim3A_238 : vector<16x1xi32> to vector<16xi32>
          %gather3A_239 = tpu.dynamic_gather %get3A_220[%gather3A] in [0] : vector<16xi32>, vector<16xi32> -> vector<16xi32>
          %and3A_240 = arith.constant 127 : i32
          %and3A_241 = vector.broadcast %and3A_240 : i32 to vector<16xi32>
          %and3A_242 = arith.andi %gather3A_239, %and3A_241 : vector<16xi32>
          %mul3A_243 = arith.constant 16 : i32
          %mul3A_244 = arith.muli %while3A_215, %mul3A_243 : i32
          %get3A_245 = arith.index_cast %mul3A_244 : i32 to index
          %get3A_246 = tpu.vector_load %arg8[%get3A_245] {strides = array<i32>} : memref<16416xi32, #tpu.memory_space<vmem>>, vector<16xi32>,
          %broadcast_in_dim3A_247 = vector.shape_cast %all_reduce_ffs3A : vector<16xi32> to vector<16x1xi32>
          %gather3A_248 = vector.shape_cast %broadcast_in_dim3A_247 : vector<16x1xi32> to vector<16xi32>
          %gather3A_249 = tpu.dynamic_gather %get3A_246[%gather3A_248] in [0] : vector<16xi32>, vector<16xi32> -> vector<16xi32>
          %and3A_250 = arith.constant 127 : i32
          %and3A_251 = arith.andi %while3A_235, %and3A_250 : i32
          %add3A_252 = arith.constant 0 : i32
          %add3A_253 = vector.broadcast %add3A_252 : i32 to vector<16xi32>
          %add3A_254 = arith.addi %add3A_253, %iota3A : vector<16xi32>
          %gather3A_255 = tpu.vector_load_idx %arg9[%add3A_254, %and3A_242] : memref<64x128xf32, #tpu.memory_space<vmem>>[vector<16xi32>, vector<16xi32>], vector<16xf32>,
          %swap3A_256 = arith.index_cast %and3A_251 : i32 to index
          %swap3A_257 = arith.constant 0 : index
          %swap3A_258 = tpu.vector_load %arg12[%swap3A_256, %swap3A_257] {strides = array<i32>} : memref<128x128xf32, #tpu.memory_space<vmem>>, vector<16xf32>,
          tpu.vector_store %arg12[%swap3A_256, %swap3A_257], %gather3A_255 {strides = array<i32>} : memref<128x128xf32, #tpu.memory_space<vmem>>, vector<16xf32>,
          %add3A_259 = arith.constant 16 : i32
          %add3A_260 = vector.broadcast %add3A_259 : i32 to vector<16xi32>
          %add3A_261 = arith.addi %add3A_260, %iota3A : vector<16xi32>
          %gather3A_262 = tpu.vector_load_idx %arg9[%add3A_261, %and3A_242] : memref<64x128xf32, #tpu.memory_space<vmem>>[vector<16xi32>, vector<16xi32>], vector<16xf32>,
          %swap3A_263 = arith.index_cast %and3A_251 : i32 to index
          %swap3A_264 = arith.constant 16 : index
          %swap3A_265 = tpu.vector_load %arg12[%swap3A_263, %swap3A_264] {strides = array<i32>} : memref<128x128xf32, #tpu.memory_space<vmem>>, vector<16xf32>,
          tpu.vector_store %arg12[%swap3A_263, %swap3A_264], %gather3A_262 {strides = array<i32>} : memref<128x128xf32, #tpu.memory_space<vmem>>, vector<16xf32>,
          %add3A_266 = arith.constant 32 : i32
          %add3A_267 = vector.broadcast %add3A_266 : i32 to vector<16xi32>
          %add3A_268 = arith.addi %add3A_267, %iota3A : vector<16xi32>
          %gather3A_269 = tpu.vector_load_idx %arg9[%add3A_268, %and3A_242] : memref<64x128xf32, #tpu.memory_space<vmem>>[vector<16xi32>, vector<16xi32>], vector<16xf32>,
          %swap3A_270 = arith.index_cast %and3A_251 : i32 to index
          %swap3A_271 = arith.constant 32 : index
          %swap3A_272 = tpu.vector_load %arg12[%swap3A_270, %swap3A_271] {strides = array<i32>} : memref<128x128xf32, #tpu.memory_space<vmem>>, vector<16xf32>,
          tpu.vector_store %arg12[%swap3A_270, %swap3A_271], %gather3A_269 {strides = array<i32>} : memref<128x128xf32, #tpu.memory_space<vmem>>, vector<16xf32>,
          %add3A_273 = arith.constant 48 : i32
          %add3A_274 = vector.broadcast %add3A_273 : i32 to vector<16xi32>
          %add3A_275 = arith.addi %add3A_274, %iota3A : vector<16xi32>
          %gather3A_276 = tpu.vector_load_idx %arg9[%add3A_275, %and3A_242] : memref<64x128xf32, #tpu.memory_space<vmem>>[vector<16xi32>, vector<16xi32>], vector<16xf32>,
          %swap3A_277 = arith.index_cast %and3A_251 : i32 to index
          %swap3A_278 = arith.constant 48 : index
          %swap3A_279 = tpu.vector_load %arg12[%swap3A_277, %swap3A_278] {strides = array<i32>} : memref<128x128xf32, #tpu.memory_space<vmem>>, vector<16xf32>,
          tpu.vector_store %arg12[%swap3A_277, %swap3A_278], %gather3A_276 {strides = array<i32>} : memref<128x128xf32, #tpu.memory_space<vmem>>, vector<16xf32>,
          %and3A_280 = arith.constant 15 : i32
          %and3A_281 = arith.andi %and3A_251, %and3A_280 : i32
          %eq3A_282 = vector.broadcast %and3A_281 : i32 to vector<16xi32>
          %eq3A_283 = arith.cmpi eq, %iota3A, %eq3A_282 : vector<16xi32>
          %select_n3A_284 = arith.select %eq3A_283, %gather3A_249, %while3A_236 : vector<16xi1>, vector<16xi32>
          %and3A_285 = arith.constant 15 : i32
          %and3A_286 = arith.andi %and3A_251, %and3A_285 : i32
          %eq3A_287 = arith.constant 15 : i32
          %eq3A_288 = arith.cmpi eq, %and3A_286, %eq3A_287 : i32
          %convert_element_type3A_289 = arith.extui %eq3A_288 : i1 to i32
          %cond3A_290 = arith.constant 0 : i32
          %cond3A_291 = arith.cmpi ne, %convert_element_type3A_289, %cond3A_290 : i32
          scf.if %cond3A_291 {
            %and3A_301 = arith.constant 112 : i32
            %and3A_302 = arith.andi %and3A_251, %and3A_301 : i32
            %swap3A_303 = arith.index_cast %and3A_302 : i32 to index
            %swap3A_304 = tpu.vector_load %arg13[%swap3A_303] {strides = array<i32>} : memref<128xi32, #tpu.memory_space<vmem>>, vector<16xi32>,
            tpu.vector_store %arg13[%swap3A_303], %select_n3A_284 {strides = array<i32>} : memref<128xi32, #tpu.memory_space<vmem>>, vector<16xi32>,
          } else {
          }
          %eq3A_292 = arith.constant 127 : i32
          %eq3A_293 = arith.cmpi eq, %and3A_251, %eq3A_292 : i32
          %convert_element_type3A_294 = arith.extui %eq3A_293 : i1 to i32
          %cond3A_295 = arith.constant 0 : i32
          %cond3A_296 = arith.cmpi ne, %convert_element_type3A_294, %cond3A_295 : i32
          scf.if %cond3A_296 {
            %dma_start3A_301 = arith.constant 0 : i32
            %dma_start3A_302 = arith.constant 0 : i32
            %dma_start3A_303 = tpu.memref_slice %arg5[%dma_start3A_301, %dma_start3A_302] : memref<16416x128xf32, #tpu.memory_space<hbm>> -> memref<16416x128xf32, #tpu.memory_space<hbm>>
            tpu.enqueue_indirect_dma source(%arg12 : memref<128x128xf32, #tpu.memory_space<vmem>>) target(%dma_start3A_303 : memref<16416x128xf32, #tpu.memory_space<hbm>>) offsets(%arg13 : memref<128xi32, #tpu.memory_space<vmem>>) semaphore(%arg16 : memref<!tpu.dma_semaphore, #tpu.memory_space<semaphore_mem>>)
            %dma_wait3A_304 = arith.constant 0 : i32
            %dma_wait3A_305 = arith.constant 0 : i32
            %dma_wait3A_306 = tpu.memref_slice %arg5[%dma_wait3A_304, %dma_wait3A_305] : memref<16416x128xf32, #tpu.memory_space<hbm>> -> memref<16416x128xf32, #tpu.memory_space<hbm>>
            tpu.wait_indirect_dma semaphore(%arg16 : memref<!tpu.dma_semaphore, #tpu.memory_space<semaphore_mem>>) src(%arg12 : memref<128x128xf32, #tpu.memory_space<vmem>>) dst(%dma_wait3A_306 : memref<16416x128xf32, #tpu.memory_space<hbm>>)
            %swap3A_307 = arith.constant 0 : index
            %swap3A_308 = tpu.vector_load %arg13[%swap3A_307] {strides = array<i32>} : memref<128xi32, #tpu.memory_space<vmem>>, vector<16xi32>,
            tpu.vector_store %arg13[%swap3A_307], %add3A_9 {strides = array<i32>} : memref<128xi32, #tpu.memory_space<vmem>>, vector<16xi32>,
            %swap3A_309 = arith.constant 16 : index
            %swap3A_310 = tpu.vector_load %arg13[%swap3A_309] {strides = array<i32>} : memref<128xi32, #tpu.memory_space<vmem>>, vector<16xi32>,
            tpu.vector_store %arg13[%swap3A_309], %add3A_9 {strides = array<i32>} : memref<128xi32, #tpu.memory_space<vmem>>, vector<16xi32>,
            %swap3A_311 = arith.constant 32 : index
            %swap3A_312 = tpu.vector_load %arg13[%swap3A_311] {strides = array<i32>} : memref<128xi32, #tpu.memory_space<vmem>>, vector<16xi32>,
            tpu.vector_store %arg13[%swap3A_311], %add3A_9 {strides = array<i32>} : memref<128xi32, #tpu.memory_space<vmem>>, vector<16xi32>,
            %swap3A_313 = arith.constant 48 : index
            %swap3A_314 = tpu.vector_load %arg13[%swap3A_313] {strides = array<i32>} : memref<128xi32, #tpu.memory_space<vmem>>, vector<16xi32>,
            tpu.vector_store %arg13[%swap3A_313], %add3A_9 {strides = array<i32>} : memref<128xi32, #tpu.memory_space<vmem>>, vector<16xi32>,
            %swap3A_315 = arith.constant 64 : index
            %swap3A_316 = tpu.vector_load %arg13[%swap3A_315] {strides = array<i32>} : memref<128xi32, #tpu.memory_space<vmem>>, vector<16xi32>,
            tpu.vector_store %arg13[%swap3A_315], %add3A_9 {strides = array<i32>} : memref<128xi32, #tpu.memory_space<vmem>>, vector<16xi32>,
            %swap3A_317 = arith.constant 80 : index
            %swap3A_318 = tpu.vector_load %arg13[%swap3A_317] {strides = array<i32>} : memref<128xi32, #tpu.memory_space<vmem>>, vector<16xi32>,
            tpu.vector_store %arg13[%swap3A_317], %add3A_9 {strides = array<i32>} : memref<128xi32, #tpu.memory_space<vmem>>, vector<16xi32>,
            %swap3A_319 = arith.constant 96 : index
            %swap3A_320 = tpu.vector_load %arg13[%swap3A_319] {strides = array<i32>} : memref<128xi32, #tpu.memory_space<vmem>>, vector<16xi32>,
            tpu.vector_store %arg13[%swap3A_319], %add3A_9 {strides = array<i32>} : memref<128xi32, #tpu.memory_space<vmem>>, vector<16xi32>,
            %swap3A_321 = arith.constant 112 : index
            %swap3A_322 = tpu.vector_load %arg13[%swap3A_321] {strides = array<i32>} : memref<128xi32, #tpu.memory_space<vmem>>, vector<16xi32>,
            tpu.vector_store %arg13[%swap3A_321], %add3A_9 {strides = array<i32>} : memref<128xi32, #tpu.memory_space<vmem>>, vector<16xi32>,
          } else {
          }
          %ne3A_297 = arith.cmpi ne, %iota3A, %all_reduce_ffs3A : vector<16xi32>
          %and3A_298 = arith.andi %while3A_237, %ne3A_297 : vector<16xi1>
          %add3A_299 = arith.constant 1 : i32
          %add3A_300 = arith.addi %while3A_235, %add3A_299 : i32
          scf.yield %add3A_300, %select_n3A_284, %and3A_298 : i32, vector<16xi32>, vector<16xi1>
        }
        scf.yield %while3A_233#0, %while3A_233#1 : i32, vector<16xi32>
      }
      %while3A_179 = arith.constant 1 : i32
      %while3A_180:2 = scf.for %while3A_215 = %while3A_176 to %while3A_172 step %while3A_179 iter_args(%while3A_216 = %while3A_178#0, %while3A_217 = %while3A_178#1) -> (i32, vector<16xi32>)  : i32 {
        %mul3A_218 = arith.constant 16 : i32
        %mul3A_219 = arith.muli %while3A_215, %mul3A_218 : i32
        %get3A = arith.index_cast %mul3A_219 : i32 to index
        %get3A_220 = tpu.vector_load %arg7[%get3A] {strides = array<i32>} : memref<16416xi32, #tpu.memory_space<vmem>>, vector<16xi32>,
        %shift_right_logical3A = arith.constant 7 : i32
        %shift_right_logical3A_221 = vector.broadcast %shift_right_logical3A : i32 to vector<16xi32>
        %shift_right_logical3A_222 = arith.shrui %get3A_220, %shift_right_logical3A_221 : vector<16xi32>
        %eq3A = arith.cmpi eq, %shift_right_logical3A_222, %add3A_169 : vector<16xi32>
        %all_reduce_population_count3A = tpu.all_reduce %eq3A {dim = 0 : i64, kind = #tpu.reduction_kind<sum>} : vector<16xi1> -> vector<16xi32>
        %slice3A = vector.extract_strided_slice %all_reduce_population_count3A {offsets = [0], sizes = [1], strides = [1]} : vector<16xi32> to vector<1xi32>
        %squeeze3A = vector.extract %slice3A[0] : i32 from vector<1xi32>
        %while3A_223 = arith.constant 0 : i32
        %while3A_224 = arith.subi %squeeze3A, %while3A_223 : i32
        %while3A_225 = arith.addi %while3A_223, %while3A_224 : i32
        %while3A_226 = arith.constant 1 : i32
        %while3A_227 = arith.divsi %while3A_224, %while3A_226 : i32
        %while3A_228 = arith.muli %while3A_227, %while3A_226 : i32
        %while3A_229 = arith.addi %while3A_223, %while3A_228 : i32
        %while3A_230 = arith.constant 1 : i32
        %while3A_231:3 = scf.for %while3A_234 = %while3A_223 to %while3A_229 step %while3A_230 iter_args(%while3A_235 = %while3A_216, %while3A_236 = %while3A_217, %while3A_237 = %eq3A) -> (i32, vector<16xi32>, vector<16xi1>)  : i32 {
          %all_reduce_ffs3A = tpu.all_reduce %while3A_237 {dim = 0 : i64, kind = #tpu.reduction_kind<find_first_set>} : vector<16xi1> -> vector<16xi32>
          %broadcast_in_dim3A_238 = vector.shape_cast %all_reduce_ffs3A : vector<16xi32> to vector<16x1xi32>
          %gather3A = vector.shape_cast %broadcast_in_dim3A_238 : vector<16x1xi32> to vector<16xi32>
          %gather3A_239 = tpu.dynamic_gather %get3A_220[%gather3A] in [0] : vector<16xi32>, vector<16xi32> -> vector<16xi32>
          %and3A_240 = arith.constant 127 : i32
          %and3A_241 = vector.broadcast %and3A_240 : i32 to vector<16xi32>
          %and3A_242 = arith.andi %gather3A_239, %and3A_241 : vector<16xi32>
          %mul3A_243 = arith.constant 16 : i32
          %mul3A_244 = arith.muli %while3A_215, %mul3A_243 : i32
          %get3A_245 = arith.index_cast %mul3A_244 : i32 to index
          %get3A_246 = tpu.vector_load %arg8[%get3A_245] {strides = array<i32>} : memref<16416xi32, #tpu.memory_space<vmem>>, vector<16xi32>,
          %broadcast_in_dim3A_247 = vector.shape_cast %all_reduce_ffs3A : vector<16xi32> to vector<16x1xi32>
          %gather3A_248 = vector.shape_cast %broadcast_in_dim3A_247 : vector<16x1xi32> to vector<16xi32>
          %gather3A_249 = tpu.dynamic_gather %get3A_246[%gather3A_248] in [0] : vector<16xi32>, vector<16xi32> -> vector<16xi32>
          %and3A_250 = arith.constant 127 : i32
          %and3A_251 = arith.andi %while3A_235, %and3A_250 : i32
          %add3A_252 = arith.constant 0 : i32
          %add3A_253 = vector.broadcast %add3A_252 : i32 to vector<16xi32>
          %add3A_254 = arith.addi %add3A_253, %iota3A : vector<16xi32>
          %gather3A_255 = tpu.vector_load_idx %arg9[%add3A_254, %and3A_242] : memref<64x128xf32, #tpu.memory_space<vmem>>[vector<16xi32>, vector<16xi32>], vector<16xf32>,
          %swap3A_256 = arith.index_cast %and3A_251 : i32 to index
          %swap3A_257 = arith.constant 0 : index
          %swap3A_258 = tpu.vector_load %arg12[%swap3A_256, %swap3A_257] {strides = array<i32>} : memref<128x128xf32, #tpu.memory_space<vmem>>, vector<16xf32>,
          tpu.vector_store %arg12[%swap3A_256, %swap3A_257], %gather3A_255 {strides = array<i32>} : memref<128x128xf32, #tpu.memory_space<vmem>>, vector<16xf32>,
          %add3A_259 = arith.constant 16 : i32
          %add3A_260 = vector.broadcast %add3A_259 : i32 to vector<16xi32>
          %add3A_261 = arith.addi %add3A_260, %iota3A : vector<16xi32>
          %gather3A_262 = tpu.vector_load_idx %arg9[%add3A_261, %and3A_242] : memref<64x128xf32, #tpu.memory_space<vmem>>[vector<16xi32>, vector<16xi32>], vector<16xf32>,
          %swap3A_263 = arith.index_cast %and3A_251 : i32 to index
          %swap3A_264 = arith.constant 16 : index
          %swap3A_265 = tpu.vector_load %arg12[%swap3A_263, %swap3A_264] {strides = array<i32>} : memref<128x128xf32, #tpu.memory_space<vmem>>, vector<16xf32>,
          tpu.vector_store %arg12[%swap3A_263, %swap3A_264], %gather3A_262 {strides = array<i32>} : memref<128x128xf32, #tpu.memory_space<vmem>>, vector<16xf32>,
          %add3A_266 = arith.constant 32 : i32
          %add3A_267 = vector.broadcast %add3A_266 : i32 to vector<16xi32>
          %add3A_268 = arith.addi %add3A_267, %iota3A : vector<16xi32>
          %gather3A_269 = tpu.vector_load_idx %arg9[%add3A_268, %and3A_242] : memref<64x128xf32, #tpu.memory_space<vmem>>[vector<16xi32>, vector<16xi32>], vector<16xf32>,
          %swap3A_270 = arith.index_cast %and3A_251 : i32 to index
          %swap3A_271 = arith.constant 32 : index
          %swap3A_272 = tpu.vector_load %arg12[%swap3A_270, %swap3A_271] {strides = array<i32>} : memref<128x128xf32, #tpu.memory_space<vmem>>, vector<16xf32>,
          tpu.vector_store %arg12[%swap3A_270, %swap3A_271], %gather3A_269 {strides = array<i32>} : memref<128x128xf32, #tpu.memory_space<vmem>>, vector<16xf32>,
          %add3A_273 = arith.constant 48 : i32
          %add3A_274 = vector.broadcast %add3A_273 : i32 to vector<16xi32>
          %add3A_275 = arith.addi %add3A_274, %iota3A : vector<16xi32>
          %gather3A_276 = tpu.vector_load_idx %arg9[%add3A_275, %and3A_242] : memref<64x128xf32, #tpu.memory_space<vmem>>[vector<16xi32>, vector<16xi32>], vector<16xf32>,
          %swap3A_277 = arith.index_cast %and3A_251 : i32 to index
          %swap3A_278 = arith.constant 48 : index
          %swap3A_279 = tpu.vector_load %arg12[%swap3A_277, %swap3A_278] {strides = array<i32>} : memref<128x128xf32, #tpu.memory_space<vmem>>, vector<16xf32>,
          tpu.vector_store %arg12[%swap3A_277, %swap3A_278], %gather3A_276 {strides = array<i32>} : memref<128x128xf32, #tpu.memory_space<vmem>>, vector<16xf32>,
          %and3A_280 = arith.constant 15 : i32
          %and3A_281 = arith.andi %and3A_251, %and3A_280 : i32
          %eq3A_282 = vector.broadcast %and3A_281 : i32 to vector<16xi32>
          %eq3A_283 = arith.cmpi eq, %iota3A, %eq3A_282 : vector<16xi32>
          %select_n3A_284 = arith.select %eq3A_283, %gather3A_249, %while3A_236 : vector<16xi1>, vector<16xi32>
          %and3A_285 = arith.constant 15 : i32
          %and3A_286 = arith.andi %and3A_251, %and3A_285 : i32
          %eq3A_287 = arith.constant 15 : i32
          %eq3A_288 = arith.cmpi eq, %and3A_286, %eq3A_287 : i32
          %convert_element_type3A_289 = arith.extui %eq3A_288 : i1 to i32
          %cond3A_290 = arith.constant 0 : i32
          %cond3A_291 = arith.cmpi ne, %convert_element_type3A_289, %cond3A_290 : i32
          scf.if %cond3A_291 {
            %and3A_301 = arith.constant 112 : i32
            %and3A_302 = arith.andi %and3A_251, %and3A_301 : i32
            %swap3A_303 = arith.index_cast %and3A_302 : i32 to index
            %swap3A_304 = tpu.vector_load %arg13[%swap3A_303] {strides = array<i32>} : memref<128xi32, #tpu.memory_space<vmem>>, vector<16xi32>,
            tpu.vector_store %arg13[%swap3A_303], %select_n3A_284 {strides = array<i32>} : memref<128xi32, #tpu.memory_space<vmem>>, vector<16xi32>,
          } else {
          }
          %eq3A_292 = arith.constant 127 : i32
          %eq3A_293 = arith.cmpi eq, %and3A_251, %eq3A_292 : i32
          %convert_element_type3A_294 = arith.extui %eq3A_293 : i1 to i32
          %cond3A_295 = arith.constant 0 : i32
          %cond3A_296 = arith.cmpi ne, %convert_element_type3A_294, %cond3A_295 : i32
          scf.if %cond3A_296 {
            %dma_start3A_301 = arith.constant 0 : i32
            %dma_start3A_302 = arith.constant 0 : i32
            %dma_start3A_303 = tpu.memref_slice %arg5[%dma_start3A_301, %dma_start3A_302] : memref<16416x128xf32, #tpu.memory_space<hbm>> -> memref<16416x128xf32, #tpu.memory_space<hbm>>
            tpu.enqueue_indirect_dma source(%arg12 : memref<128x128xf32, #tpu.memory_space<vmem>>) target(%dma_start3A_303 : memref<16416x128xf32, #tpu.memory_space<hbm>>) offsets(%arg13 : memref<128xi32, #tpu.memory_space<vmem>>) semaphore(%arg16 : memref<!tpu.dma_semaphore, #tpu.memory_space<semaphore_mem>>)
            %dma_wait3A_304 = arith.constant 0 : i32
            %dma_wait3A_305 = arith.constant 0 : i32
            %dma_wait3A_306 = tpu.memref_slice %arg5[%dma_wait3A_304, %dma_wait3A_305] : memref<16416x128xf32, #tpu.memory_space<hbm>> -> memref<16416x128xf32, #tpu.memory_space<hbm>>
            tpu.wait_indirect_dma semaphore(%arg16 : memref<!tpu.dma_semaphore, #tpu.memory_space<semaphore_mem>>) src(%arg12 : memref<128x128xf32, #tpu.memory_space<vmem>>) dst(%dma_wait3A_306 : memref<16416x128xf32, #tpu.memory_space<hbm>>)
            %swap3A_307 = arith.constant 0 : index
            %swap3A_308 = tpu.vector_load %arg13[%swap3A_307] {strides = array<i32>} : memref<128xi32, #tpu.memory_space<vmem>>, vector<16xi32>,
            tpu.vector_store %arg13[%swap3A_307], %add3A_9 {strides = array<i32>} : memref<128xi32, #tpu.memory_space<vmem>>, vector<16xi32>,
            %swap3A_309 = arith.constant 16 : index
            %swap3A_310 = tpu.vector_load %arg13[%swap3A_309] {strides = array<i32>} : memref<128xi32, #tpu.memory_space<vmem>>, vector<16xi32>,
            tpu.vector_store %arg13[%swap3A_309], %add3A_9 {strides = array<i32>} : memref<128xi32, #tpu.memory_space<vmem>>, vector<16xi32>,
            %swap3A_311 = arith.constant 32 : index
            %swap3A_312 = tpu.vector_load %arg13[%swap3A_311] {strides = array<i32>} : memref<128xi32, #tpu.memory_space<vmem>>, vector<16xi32>,
            tpu.vector_store %arg13[%swap3A_311], %add3A_9 {strides = array<i32>} : memref<128xi32, #tpu.memory_space<vmem>>, vector<16xi32>,
            %swap3A_313 = arith.constant 48 : index
            %swap3A_314 = tpu.vector_load %arg13[%swap3A_313] {strides = array<i32>} : memref<128xi32, #tpu.memory_space<vmem>>, vector<16xi32>,
            tpu.vector_store %arg13[%swap3A_313], %add3A_9 {strides = array<i32>} : memref<128xi32, #tpu.memory_space<vmem>>, vector<16xi32>,
            %swap3A_315 = arith.constant 64 : index
            %swap3A_316 = tpu.vector_load %arg13[%swap3A_315] {strides = array<i32>} : memref<128xi32, #tpu.memory_space<vmem>>, vector<16xi32>,
            tpu.vector_store %arg13[%swap3A_315], %add3A_9 {strides = array<i32>} : memref<128xi32, #tpu.memory_space<vmem>>, vector<16xi32>,
            %swap3A_317 = arith.constant 80 : index
            %swap3A_318 = tpu.vector_load %arg13[%swap3A_317] {strides = array<i32>} : memref<128xi32, #tpu.memory_space<vmem>>, vector<16xi32>,
            tpu.vector_store %arg13[%swap3A_317], %add3A_9 {strides = array<i32>} : memref<128xi32, #tpu.memory_space<vmem>>, vector<16xi32>,
            %swap3A_319 = arith.constant 96 : index
            %swap3A_320 = tpu.vector_load %arg13[%swap3A_319] {strides = array<i32>} : memref<128xi32, #tpu.memory_space<vmem>>, vector<16xi32>,
            tpu.vector_store %arg13[%swap3A_319], %add3A_9 {strides = array<i32>} : memref<128xi32, #tpu.memory_space<vmem>>, vector<16xi32>,
            %swap3A_321 = arith.constant 112 : index
            %swap3A_322 = tpu.vector_load %arg13[%swap3A_321] {strides = array<i32>} : memref<128xi32, #tpu.memory_space<vmem>>, vector<16xi32>,
            tpu.vector_store %arg13[%swap3A_321], %add3A_9 {strides = array<i32>} : memref<128xi32, #tpu.memory_space<vmem>>, vector<16xi32>,
          } else {
          }
          %ne3A_297 = arith.cmpi ne, %iota3A, %all_reduce_ffs3A : vector<16xi32>
          %and3A_298 = arith.andi %while3A_237, %ne3A_297 : vector<16xi1>
          %add3A_299 = arith.constant 1 : i32
          %add3A_300 = arith.addi %while3A_235, %add3A_299 : i32
          scf.yield %add3A_300, %select_n3A_284, %and3A_298 : i32, vector<16xi32>, vector<16xi1>
        }
        %while3A_232 = arith.constant 1 : i32
        %while3A_233:3 = scf.for %while3A_234 = %while3A_229 to %while3A_225 step %while3A_232 iter_args(%while3A_235 = %while3A_231#0, %while3A_236 = %while3A_231#1, %while3A_237 = %while3A_231#2) -> (i32, vector<16xi32>, vector<16xi1>)  : i32 {
          %all_reduce_ffs3A = tpu.all_reduce %while3A_237 {dim = 0 : i64, kind = #tpu.reduction_kind<find_first_set>} : vector<16xi1> -> vector<16xi32>
          %broadcast_in_dim3A_238 = vector.shape_cast %all_reduce_ffs3A : vector<16xi32> to vector<16x1xi32>
          %gather3A = vector.shape_cast %broadcast_in_dim3A_238 : vector<16x1xi32> to vector<16xi32>
          %gather3A_239 = tpu.dynamic_gather %get3A_220[%gather3A] in [0] : vector<16xi32>, vector<16xi32> -> vector<16xi32>
          %and3A_240 = arith.constant 127 : i32
          %and3A_241 = vector.broadcast %and3A_240 : i32 to vector<16xi32>
          %and3A_242 = arith.andi %gather3A_239, %and3A_241 : vector<16xi32>
          %mul3A_243 = arith.constant 16 : i32
          %mul3A_244 = arith.muli %while3A_215, %mul3A_243 : i32
          %get3A_245 = arith.index_cast %mul3A_244 : i32 to index
          %get3A_246 = tpu.vector_load %arg8[%get3A_245] {strides = array<i32>} : memref<16416xi32, #tpu.memory_space<vmem>>, vector<16xi32>,
          %broadcast_in_dim3A_247 = vector.shape_cast %all_reduce_ffs3A : vector<16xi32> to vector<16x1xi32>
          %gather3A_248 = vector.shape_cast %broadcast_in_dim3A_247 : vector<16x1xi32> to vector<16xi32>
          %gather3A_249 = tpu.dynamic_gather %get3A_246[%gather3A_248] in [0] : vector<16xi32>, vector<16xi32> -> vector<16xi32>
          %and3A_250 = arith.constant 127 : i32
          %and3A_251 = arith.andi %while3A_235, %and3A_250 : i32
          %add3A_252 = arith.constant 0 : i32
          %add3A_253 = vector.broadcast %add3A_252 : i32 to vector<16xi32>
          %add3A_254 = arith.addi %add3A_253, %iota3A : vector<16xi32>
          %gather3A_255 = tpu.vector_load_idx %arg9[%add3A_254, %and3A_242] : memref<64x128xf32, #tpu.memory_space<vmem>>[vector<16xi32>, vector<16xi32>], vector<16xf32>,
          %swap3A_256 = arith.index_cast %and3A_251 : i32 to index
          %swap3A_257 = arith.constant 0 : index
          %swap3A_258 = tpu.vector_load %arg12[%swap3A_256, %swap3A_257] {strides = array<i32>} : memref<128x128xf32, #tpu.memory_space<vmem>>, vector<16xf32>,
          tpu.vector_store %arg12[%swap3A_256, %swap3A_257], %gather3A_255 {strides = array<i32>} : memref<128x128xf32, #tpu.memory_space<vmem>>, vector<16xf32>,
          %add3A_259 = arith.constant 16 : i32
          %add3A_260 = vector.broadcast %add3A_259 : i32 to vector<16xi32>
          %add3A_261 = arith.addi %add3A_260, %iota3A : vector<16xi32>
          %gather3A_262 = tpu.vector_load_idx %arg9[%add3A_261, %and3A_242] : memref<64x128xf32, #tpu.memory_space<vmem>>[vector<16xi32>, vector<16xi32>], vector<16xf32>,
          %swap3A_263 = arith.index_cast %and3A_251 : i32 to index
          %swap3A_264 = arith.constant 16 : index
          %swap3A_265 = tpu.vector_load %arg12[%swap3A_263, %swap3A_264] {strides = array<i32>} : memref<128x128xf32, #tpu.memory_space<vmem>>, vector<16xf32>,
          tpu.vector_store %arg12[%swap3A_263, %swap3A_264], %gather3A_262 {strides = array<i32>} : memref<128x128xf32, #tpu.memory_space<vmem>>, vector<16xf32>,
          %add3A_266 = arith.constant 32 : i32
          %add3A_267 = vector.broadcast %add3A_266 : i32 to vector<16xi32>
          %add3A_268 = arith.addi %add3A_267, %iota3A : vector<16xi32>
          %gather3A_269 = tpu.vector_load_idx %arg9[%add3A_268, %and3A_242] : memref<64x128xf32, #tpu.memory_space<vmem>>[vector<16xi32>, vector<16xi32>], vector<16xf32>,
          %swap3A_270 = arith.index_cast %and3A_251 : i32 to index
          %swap3A_271 = arith.constant 32 : index
          %swap3A_272 = tpu.vector_load %arg12[%swap3A_270, %swap3A_271] {strides = array<i32>} : memref<128x128xf32, #tpu.memory_space<vmem>>, vector<16xf32>,
          tpu.vector_store %arg12[%swap3A_270, %swap3A_271], %gather3A_269 {strides = array<i32>} : memref<128x128xf32, #tpu.memory_space<vmem>>, vector<16xf32>,
          %add3A_273 = arith.constant 48 : i32
          %add3A_274 = vector.broadcast %add3A_273 : i32 to vector<16xi32>
          %add3A_275 = arith.addi %add3A_274, %iota3A : vector<16xi32>
          %gather3A_276 = tpu.vector_load_idx %arg9[%add3A_275, %and3A_242] : memref<64x128xf32, #tpu.memory_space<vmem>>[vector<16xi32>, vector<16xi32>], vector<16xf32>,
          %swap3A_277 = arith.index_cast %and3A_251 : i32 to index
          %swap3A_278 = arith.constant 48 : index
          %swap3A_279 = tpu.vector_load %arg12[%swap3A_277, %swap3A_278] {strides = array<i32>} : memref<128x128xf32, #tpu.memory_space<vmem>>, vector<16xf32>,
          tpu.vector_store %arg12[%swap3A_277, %swap3A_278], %gather3A_276 {strides = array<i32>} : memref<128x128xf32, #tpu.memory_space<vmem>>, vector<16xf32>,
          %and3A_280 = arith.constant 15 : i32
          %and3A_281 = arith.andi %and3A_251, %and3A_280 : i32
          %eq3A_282 = vector.broadcast %and3A_281 : i32 to vector<16xi32>
          %eq3A_283 = arith.cmpi eq, %iota3A, %eq3A_282 : vector<16xi32>
          %select_n3A_284 = arith.select %eq3A_283, %gather3A_249, %while3A_236 : vector<16xi1>, vector<16xi32>
          %and3A_285 = arith.constant 15 : i32
          %and3A_286 = arith.andi %and3A_251, %and3A_285 : i32
          %eq3A_287 = arith.constant 15 : i32
          %eq3A_288 = arith.cmpi eq, %and3A_286, %eq3A_287 : i32
          %convert_element_type3A_289 = arith.extui %eq3A_288 : i1 to i32
          %cond3A_290 = arith.constant 0 : i32
          %cond3A_291 = arith.cmpi ne, %convert_element_type3A_289, %cond3A_290 : i32
          scf.if %cond3A_291 {
            %and3A_301 = arith.constant 112 : i32
            %and3A_302 = arith.andi %and3A_251, %and3A_301 : i32
            %swap3A_303 = arith.index_cast %and3A_302 : i32 to index
            %swap3A_304 = tpu.vector_load %arg13[%swap3A_303] {strides = array<i32>} : memref<128xi32, #tpu.memory_space<vmem>>, vector<16xi32>,
            tpu.vector_store %arg13[%swap3A_303], %select_n3A_284 {strides = array<i32>} : memref<128xi32, #tpu.memory_space<vmem>>, vector<16xi32>,
          } else {
          }
          %eq3A_292 = arith.constant 127 : i32
          %eq3A_293 = arith.cmpi eq, %and3A_251, %eq3A_292 : i32
          %convert_element_type3A_294 = arith.extui %eq3A_293 : i1 to i32
          %cond3A_295 = arith.constant 0 : i32
          %cond3A_296 = arith.cmpi ne, %convert_element_type3A_294, %cond3A_295 : i32
          scf.if %cond3A_296 {
            %dma_start3A_301 = arith.constant 0 : i32
            %dma_start3A_302 = arith.constant 0 : i32
            %dma_start3A_303 = tpu.memref_slice %arg5[%dma_start3A_301, %dma_start3A_302] : memref<16416x128xf32, #tpu.memory_space<hbm>> -> memref<16416x128xf32, #tpu.memory_space<hbm>>
            tpu.enqueue_indirect_dma source(%arg12 : memref<128x128xf32, #tpu.memory_space<vmem>>) target(%dma_start3A_303 : memref<16416x128xf32, #tpu.memory_space<hbm>>) offsets(%arg13 : memref<128xi32, #tpu.memory_space<vmem>>) semaphore(%arg16 : memref<!tpu.dma_semaphore, #tpu.memory_space<semaphore_mem>>)
            %dma_wait3A_304 = arith.constant 0 : i32
            %dma_wait3A_305 = arith.constant 0 : i32
            %dma_wait3A_306 = tpu.memref_slice %arg5[%dma_wait3A_304, %dma_wait3A_305] : memref<16416x128xf32, #tpu.memory_space<hbm>> -> memref<16416x128xf32, #tpu.memory_space<hbm>>
            tpu.wait_indirect_dma semaphore(%arg16 : memref<!tpu.dma_semaphore, #tpu.memory_space<semaphore_mem>>) src(%arg12 : memref<128x128xf32, #tpu.memory_space<vmem>>) dst(%dma_wait3A_306 : memref<16416x128xf32, #tpu.memory_space<hbm>>)
            %swap3A_307 = arith.constant 0 : index
            %swap3A_308 = tpu.vector_load %arg13[%swap3A_307] {strides = array<i32>} : memref<128xi32, #tpu.memory_space<vmem>>, vector<16xi32>,
            tpu.vector_store %arg13[%swap3A_307], %add3A_9 {strides = array<i32>} : memref<128xi32, #tpu.memory_space<vmem>>, vector<16xi32>,
            %swap3A_309 = arith.constant 16 : index
            %swap3A_310 = tpu.vector_load %arg13[%swap3A_309] {strides = array<i32>} : memref<128xi32, #tpu.memory_space<vmem>>, vector<16xi32>,
            tpu.vector_store %arg13[%swap3A_309], %add3A_9 {strides = array<i32>} : memref<128xi32, #tpu.memory_space<vmem>>, vector<16xi32>,
            %swap3A_311 = arith.constant 32 : index
            %swap3A_312 = tpu.vector_load %arg13[%swap3A_311] {strides = array<i32>} : memref<128xi32, #tpu.memory_space<vmem>>, vector<16xi32>,
            tpu.vector_store %arg13[%swap3A_311], %add3A_9 {strides = array<i32>} : memref<128xi32, #tpu.memory_space<vmem>>, vector<16xi32>,
            %swap3A_313 = arith.constant 48 : index
            %swap3A_314 = tpu.vector_load %arg13[%swap3A_313] {strides = array<i32>} : memref<128xi32, #tpu.memory_space<vmem>>, vector<16xi32>,
            tpu.vector_store %arg13[%swap3A_313], %add3A_9 {strides = array<i32>} : memref<128xi32, #tpu.memory_space<vmem>>, vector<16xi32>,
            %swap3A_315 = arith.constant 64 : index
            %swap3A_316 = tpu.vector_load %arg13[%swap3A_315] {strides = array<i32>} : memref<128xi32, #tpu.memory_space<vmem>>, vector<16xi32>,
            tpu.vector_store %arg13[%swap3A_315], %add3A_9 {strides = array<i32>} : memref<128xi32, #tpu.memory_space<vmem>>, vector<16xi32>,
            %swap3A_317 = arith.constant 80 : index
            %swap3A_318 = tpu.vector_load %arg13[%swap3A_317] {strides = array<i32>} : memref<128xi32, #tpu.memory_space<vmem>>, vector<16xi32>,
            tpu.vector_store %arg13[%swap3A_317], %add3A_9 {strides = array<i32>} : memref<128xi32, #tpu.memory_space<vmem>>, vector<16xi32>,
            %swap3A_319 = arith.constant 96 : index
            %swap3A_320 = tpu.vector_load %arg13[%swap3A_319] {strides = array<i32>} : memref<128xi32, #tpu.memory_space<vmem>>, vector<16xi32>,
            tpu.vector_store %arg13[%swap3A_319], %add3A_9 {strides = array<i32>} : memref<128xi32, #tpu.memory_space<vmem>>, vector<16xi32>,
            %swap3A_321 = arith.constant 112 : index
            %swap3A_322 = tpu.vector_load %arg13[%swap3A_321] {strides = array<i32>} : memref<128xi32, #tpu.memory_space<vmem>>, vector<16xi32>,
            tpu.vector_store %arg13[%swap3A_321], %add3A_9 {strides = array<i32>} : memref<128xi32, #tpu.memory_space<vmem>>, vector<16xi32>,
          } else {
          }
          %ne3A_297 = arith.cmpi ne, %iota3A, %all_reduce_ffs3A : vector<16xi32>
          %and3A_298 = arith.andi %while3A_237, %ne3A_297 : vector<16xi1>
          %add3A_299 = arith.constant 1 : i32
          %add3A_300 = arith.addi %while3A_235, %add3A_299 : i32
          scf.yield %add3A_300, %select_n3A_284, %and3A_298 : i32, vector<16xi32>, vector<16xi1>
        }
        scf.yield %while3A_233#0, %while3A_233#1 : i32, vector<16xi32>
      }
      %add3A_181 = arith.constant 2 : i32
      %add3A_182 = arith.addi %mul3A_148, %add3A_181 : i32
      %add3A_183 = arith.addi %mul3A_2, %add3A_182 : i32
      %mul3A_184 = arith.constant 128 : i32
      %mul3A_185 = arith.muli %add3A_183, %mul3A_184 : i32
      %multiple_of3A_186 = tpu.assume_multiple %mul3A_185, 128 : i32
      %dma_start3A_187 = arith.constant 0 : i32
      %dma_start3A_188 = tpu.memref_slice %arg3[%dma_start3A_187, %multiple_of3A_186] : memref<64x1000000xf32, #tpu.memory_space<hbm>> -> memref<64x128xf32, #tpu.memory_space<hbm>>
      %dma_start3A_189 = arith.constant 0 : i32
      %dma_start3A_190 = tpu.memref_slice %arg3[%dma_start3A_189, %multiple_of3A_186] : memref<64x1000000xf32, #tpu.memory_space<hbm>> -> memref<64x128xf32, #tpu.memory_space<hbm>>
      tpu.enqueue_dma source(%dma_start3A_190 : memref<64x128xf32, #tpu.memory_space<hbm>>) target(%arg9 : memref<64x128xf32, #tpu.memory_space<vmem>>) target_semaphore(%arg14 : memref<!tpu.dma_semaphore, #tpu.memory_space<semaphore_mem>>)
      %dma_wait3A_191 = arith.constant 0 : i32
      %dma_wait3A_192 = arith.constant 0 : i32
      %dma_wait3A_193 = tpu.memref_slice %arg3[%dma_wait3A_191, %dma_wait3A_192] : memref<64x1000000xf32, #tpu.memory_space<hbm>> -> memref<64x128xf32, #tpu.memory_space<hbm>>
      %dma_wait3A_194 = arith.constant 0 : i32
      %dma_wait3A_195 = arith.constant 0 : i32
      %dma_wait3A_196 = tpu.memref_slice %arg3[%dma_wait3A_194, %dma_wait3A_195] : memref<64x1000000xf32, #tpu.memory_space<hbm>> -> memref<64x128xf32, #tpu.memory_space<hbm>>
      tpu.wait_dma2 semaphore(%arg15 : memref<!tpu.dma_semaphore, #tpu.memory_space<semaphore_mem>>) src(%dma_wait3A_196 : memref<64x128xf32, #tpu.memory_space<hbm>>) dst(%arg10 : memref<64x128xf32, #tpu.memory_space<vmem>>)
      %add3A_197 = arith.addi %mul3A_2, %mul3A_148 : i32
      %add3A_198 = arith.constant 1 : i32
      %add3A_199 = arith.addi %add3A_197, %add3A_198 : i32
      %broadcast_in_dim3A_200 = arith.constant 0 : i32
      %broadcast_in_dim3A_201 = vector.broadcast %broadcast_in_dim3A_200 : i32 to vector<16xi32>
      %add3A_202 = vector.broadcast %add3A_199 : i32 to vector<16xi32>
      %add3A_203 = arith.addi %broadcast_in_dim3A_201, %add3A_202 : vector<16xi32>
      %while3A_204 = arith.constant 0 : i32
      %while3A_205 = arith.subi %shift_right_arithmetic3A_37, %while3A_204 : i32
      %while3A_206 = arith.addi %while3A_204, %while3A_205 : i32
      %while3A_207 = arith.constant 1 : i32
      %while3A_208 = arith.divsi %while3A_205, %while3A_207 : i32
      %while3A_209 = arith.muli %while3A_208, %while3A_207 : i32
      %while3A_210 = arith.addi %while3A_204, %while3A_209 : i32
      %while3A_211 = arith.constant 1 : i32
      %while3A_212:2 = scf.for %while3A_215 = %while3A_204 to %while3A_210 step %while3A_211 iter_args(%while3A_216 = %while3A_180#0, %while3A_217 = %while3A_180#1) -> (i32, vector<16xi32>)  : i32 {
        %mul3A_218 = arith.constant 16 : i32
        %mul3A_219 = arith.muli %while3A_215, %mul3A_218 : i32
        %get3A = arith.index_cast %mul3A_219 : i32 to index
        %get3A_220 = tpu.vector_load %arg7[%get3A] {strides = array<i32>} : memref<16416xi32, #tpu.memory_space<vmem>>, vector<16xi32>,
        %shift_right_logical3A = arith.constant 7 : i32
        %shift_right_logical3A_221 = vector.broadcast %shift_right_logical3A : i32 to vector<16xi32>
        %shift_right_logical3A_222 = arith.shrui %get3A_220, %shift_right_logical3A_221 : vector<16xi32>
        %eq3A = arith.cmpi eq, %shift_right_logical3A_222, %add3A_203 : vector<16xi32>
        %all_reduce_population_count3A = tpu.all_reduce %eq3A {dim = 0 : i64, kind = #tpu.reduction_kind<sum>} : vector<16xi1> -> vector<16xi32>
        %slice3A = vector.extract_strided_slice %all_reduce_population_count3A {offsets = [0], sizes = [1], strides = [1]} : vector<16xi32> to vector<1xi32>
        %squeeze3A = vector.extract %slice3A[0] : i32 from vector<1xi32>
        %while3A_223 = arith.constant 0 : i32
        %while3A_224 = arith.subi %squeeze3A, %while3A_223 : i32
        %while3A_225 = arith.addi %while3A_223, %while3A_224 : i32
        %while3A_226 = arith.constant 1 : i32
        %while3A_227 = arith.divsi %while3A_224, %while3A_226 : i32
        %while3A_228 = arith.muli %while3A_227, %while3A_226 : i32
        %while3A_229 = arith.addi %while3A_223, %while3A_228 : i32
        %while3A_230 = arith.constant 1 : i32
        %while3A_231:3 = scf.for %while3A_234 = %while3A_223 to %while3A_229 step %while3A_230 iter_args(%while3A_235 = %while3A_216, %while3A_236 = %while3A_217, %while3A_237 = %eq3A) -> (i32, vector<16xi32>, vector<16xi1>)  : i32 {
          %all_reduce_ffs3A = tpu.all_reduce %while3A_237 {dim = 0 : i64, kind = #tpu.reduction_kind<find_first_set>} : vector<16xi1> -> vector<16xi32>
          %broadcast_in_dim3A_238 = vector.shape_cast %all_reduce_ffs3A : vector<16xi32> to vector<16x1xi32>
          %gather3A = vector.shape_cast %broadcast_in_dim3A_238 : vector<16x1xi32> to vector<16xi32>
          %gather3A_239 = tpu.dynamic_gather %get3A_220[%gather3A] in [0] : vector<16xi32>, vector<16xi32> -> vector<16xi32>
          %and3A_240 = arith.constant 127 : i32
          %and3A_241 = vector.broadcast %and3A_240 : i32 to vector<16xi32>
          %and3A_242 = arith.andi %gather3A_239, %and3A_241 : vector<16xi32>
          %mul3A_243 = arith.constant 16 : i32
          %mul3A_244 = arith.muli %while3A_215, %mul3A_243 : i32
          %get3A_245 = arith.index_cast %mul3A_244 : i32 to index
          %get3A_246 = tpu.vector_load %arg8[%get3A_245] {strides = array<i32>} : memref<16416xi32, #tpu.memory_space<vmem>>, vector<16xi32>,
          %broadcast_in_dim3A_247 = vector.shape_cast %all_reduce_ffs3A : vector<16xi32> to vector<16x1xi32>
          %gather3A_248 = vector.shape_cast %broadcast_in_dim3A_247 : vector<16x1xi32> to vector<16xi32>
          %gather3A_249 = tpu.dynamic_gather %get3A_246[%gather3A_248] in [0] : vector<16xi32>, vector<16xi32> -> vector<16xi32>
          %and3A_250 = arith.constant 127 : i32
          %and3A_251 = arith.andi %while3A_235, %and3A_250 : i32
          %add3A_252 = arith.constant 0 : i32
          %add3A_253 = vector.broadcast %add3A_252 : i32 to vector<16xi32>
          %add3A_254 = arith.addi %add3A_253, %iota3A : vector<16xi32>
          %gather3A_255 = tpu.vector_load_idx %arg10[%add3A_254, %and3A_242] : memref<64x128xf32, #tpu.memory_space<vmem>>[vector<16xi32>, vector<16xi32>], vector<16xf32>,
          %swap3A_256 = arith.index_cast %and3A_251 : i32 to index
          %swap3A_257 = arith.constant 0 : index
          %swap3A_258 = tpu.vector_load %arg12[%swap3A_256, %swap3A_257] {strides = array<i32>} : memref<128x128xf32, #tpu.memory_space<vmem>>, vector<16xf32>,
          tpu.vector_store %arg12[%swap3A_256, %swap3A_257], %gather3A_255 {strides = array<i32>} : memref<128x128xf32, #tpu.memory_space<vmem>>, vector<16xf32>,
          %add3A_259 = arith.constant 16 : i32
          %add3A_260 = vector.broadcast %add3A_259 : i32 to vector<16xi32>
          %add3A_261 = arith.addi %add3A_260, %iota3A : vector<16xi32>
          %gather3A_262 = tpu.vector_load_idx %arg10[%add3A_261, %and3A_242] : memref<64x128xf32, #tpu.memory_space<vmem>>[vector<16xi32>, vector<16xi32>], vector<16xf32>,
          %swap3A_263 = arith.index_cast %and3A_251 : i32 to index
          %swap3A_264 = arith.constant 16 : index
          %swap3A_265 = tpu.vector_load %arg12[%swap3A_263, %swap3A_264] {strides = array<i32>} : memref<128x128xf32, #tpu.memory_space<vmem>>, vector<16xf32>,
          tpu.vector_store %arg12[%swap3A_263, %swap3A_264], %gather3A_262 {strides = array<i32>} : memref<128x128xf32, #tpu.memory_space<vmem>>, vector<16xf32>,
          %add3A_266 = arith.constant 32 : i32
          %add3A_267 = vector.broadcast %add3A_266 : i32 to vector<16xi32>
          %add3A_268 = arith.addi %add3A_267, %iota3A : vector<16xi32>
          %gather3A_269 = tpu.vector_load_idx %arg10[%add3A_268, %and3A_242] : memref<64x128xf32, #tpu.memory_space<vmem>>[vector<16xi32>, vector<16xi32>], vector<16xf32>,
          %swap3A_270 = arith.index_cast %and3A_251 : i32 to index
          %swap3A_271 = arith.constant 32 : index
          %swap3A_272 = tpu.vector_load %arg12[%swap3A_270, %swap3A_271] {strides = array<i32>} : memref<128x128xf32, #tpu.memory_space<vmem>>, vector<16xf32>,
          tpu.vector_store %arg12[%swap3A_270, %swap3A_271], %gather3A_269 {strides = array<i32>} : memref<128x128xf32, #tpu.memory_space<vmem>>, vector<16xf32>,
          %add3A_273 = arith.constant 48 : i32
          %add3A_274 = vector.broadcast %add3A_273 : i32 to vector<16xi32>
          %add3A_275 = arith.addi %add3A_274, %iota3A : vector<16xi32>
          %gather3A_276 = tpu.vector_load_idx %arg10[%add3A_275, %and3A_242] : memref<64x128xf32, #tpu.memory_space<vmem>>[vector<16xi32>, vector<16xi32>], vector<16xf32>,
          %swap3A_277 = arith.index_cast %and3A_251 : i32 to index
          %swap3A_278 = arith.constant 48 : index
          %swap3A_279 = tpu.vector_load %arg12[%swap3A_277, %swap3A_278] {strides = array<i32>} : memref<128x128xf32, #tpu.memory_space<vmem>>, vector<16xf32>,
          tpu.vector_store %arg12[%swap3A_277, %swap3A_278], %gather3A_276 {strides = array<i32>} : memref<128x128xf32, #tpu.memory_space<vmem>>, vector<16xf32>,
          %and3A_280 = arith.constant 15 : i32
          %and3A_281 = arith.andi %and3A_251, %and3A_280 : i32
          %eq3A_282 = vector.broadcast %and3A_281 : i32 to vector<16xi32>
          %eq3A_283 = arith.cmpi eq, %iota3A, %eq3A_282 : vector<16xi32>
          %select_n3A_284 = arith.select %eq3A_283, %gather3A_249, %while3A_236 : vector<16xi1>, vector<16xi32>
          %and3A_285 = arith.constant 15 : i32
          %and3A_286 = arith.andi %and3A_251, %and3A_285 : i32
          %eq3A_287 = arith.constant 15 : i32
          %eq3A_288 = arith.cmpi eq, %and3A_286, %eq3A_287 : i32
          %convert_element_type3A_289 = arith.extui %eq3A_288 : i1 to i32
          %cond3A_290 = arith.constant 0 : i32
          %cond3A_291 = arith.cmpi ne, %convert_element_type3A_289, %cond3A_290 : i32
          scf.if %cond3A_291 {
            %and3A_301 = arith.constant 112 : i32
            %and3A_302 = arith.andi %and3A_251, %and3A_301 : i32
            %swap3A_303 = arith.index_cast %and3A_302 : i32 to index
            %swap3A_304 = tpu.vector_load %arg13[%swap3A_303] {strides = array<i32>} : memref<128xi32, #tpu.memory_space<vmem>>, vector<16xi32>,
            tpu.vector_store %arg13[%swap3A_303], %select_n3A_284 {strides = array<i32>} : memref<128xi32, #tpu.memory_space<vmem>>, vector<16xi32>,
          } else {
          }
          %eq3A_292 = arith.constant 127 : i32
          %eq3A_293 = arith.cmpi eq, %and3A_251, %eq3A_292 : i32
          %convert_element_type3A_294 = arith.extui %eq3A_293 : i1 to i32
          %cond3A_295 = arith.constant 0 : i32
          %cond3A_296 = arith.cmpi ne, %convert_element_type3A_294, %cond3A_295 : i32
          scf.if %cond3A_296 {
            %dma_start3A_301 = arith.constant 0 : i32
            %dma_start3A_302 = arith.constant 0 : i32
            %dma_start3A_303 = tpu.memref_slice %arg5[%dma_start3A_301, %dma_start3A_302] : memref<16416x128xf32, #tpu.memory_space<hbm>> -> memref<16416x128xf32, #tpu.memory_space<hbm>>
            tpu.enqueue_indirect_dma source(%arg12 : memref<128x128xf32, #tpu.memory_space<vmem>>) target(%dma_start3A_303 : memref<16416x128xf32, #tpu.memory_space<hbm>>) offsets(%arg13 : memref<128xi32, #tpu.memory_space<vmem>>) semaphore(%arg16 : memref<!tpu.dma_semaphore, #tpu.memory_space<semaphore_mem>>)
            %dma_wait3A_304 = arith.constant 0 : i32
            %dma_wait3A_305 = arith.constant 0 : i32
            %dma_wait3A_306 = tpu.memref_slice %arg5[%dma_wait3A_304, %dma_wait3A_305] : memref<16416x128xf32, #tpu.memory_space<hbm>> -> memref<16416x128xf32, #tpu.memory_space<hbm>>
            tpu.wait_indirect_dma semaphore(%arg16 : memref<!tpu.dma_semaphore, #tpu.memory_space<semaphore_mem>>) src(%arg12 : memref<128x128xf32, #tpu.memory_space<vmem>>) dst(%dma_wait3A_306 : memref<16416x128xf32, #tpu.memory_space<hbm>>)
            %swap3A_307 = arith.constant 0 : index
            %swap3A_308 = tpu.vector_load %arg13[%swap3A_307] {strides = array<i32>} : memref<128xi32, #tpu.memory_space<vmem>>, vector<16xi32>,
            tpu.vector_store %arg13[%swap3A_307], %add3A_9 {strides = array<i32>} : memref<128xi32, #tpu.memory_space<vmem>>, vector<16xi32>,
            %swap3A_309 = arith.constant 16 : index
            %swap3A_310 = tpu.vector_load %arg13[%swap3A_309] {strides = array<i32>} : memref<128xi32, #tpu.memory_space<vmem>>, vector<16xi32>,
            tpu.vector_store %arg13[%swap3A_309], %add3A_9 {strides = array<i32>} : memref<128xi32, #tpu.memory_space<vmem>>, vector<16xi32>,
            %swap3A_311 = arith.constant 32 : index
            %swap3A_312 = tpu.vector_load %arg13[%swap3A_311] {strides = array<i32>} : memref<128xi32, #tpu.memory_space<vmem>>, vector<16xi32>,
            tpu.vector_store %arg13[%swap3A_311], %add3A_9 {strides = array<i32>} : memref<128xi32, #tpu.memory_space<vmem>>, vector<16xi32>,
            %swap3A_313 = arith.constant 48 : index
            %swap3A_314 = tpu.vector_load %arg13[%swap3A_313] {strides = array<i32>} : memref<128xi32, #tpu.memory_space<vmem>>, vector<16xi32>,
            tpu.vector_store %arg13[%swap3A_313], %add3A_9 {strides = array<i32>} : memref<128xi32, #tpu.memory_space<vmem>>, vector<16xi32>,
            %swap3A_315 = arith.constant 64 : index
            %swap3A_316 = tpu.vector_load %arg13[%swap3A_315] {strides = array<i32>} : memref<128xi32, #tpu.memory_space<vmem>>, vector<16xi32>,
            tpu.vector_store %arg13[%swap3A_315], %add3A_9 {strides = array<i32>} : memref<128xi32, #tpu.memory_space<vmem>>, vector<16xi32>,
            %swap3A_317 = arith.constant 80 : index
            %swap3A_318 = tpu.vector_load %arg13[%swap3A_317] {strides = array<i32>} : memref<128xi32, #tpu.memory_space<vmem>>, vector<16xi32>,
            tpu.vector_store %arg13[%swap3A_317], %add3A_9 {strides = array<i32>} : memref<128xi32, #tpu.memory_space<vmem>>, vector<16xi32>,
            %swap3A_319 = arith.constant 96 : index
            %swap3A_320 = tpu.vector_load %arg13[%swap3A_319] {strides = array<i32>} : memref<128xi32, #tpu.memory_space<vmem>>, vector<16xi32>,
            tpu.vector_store %arg13[%swap3A_319], %add3A_9 {strides = array<i32>} : memref<128xi32, #tpu.memory_space<vmem>>, vector<16xi32>,
            %swap3A_321 = arith.constant 112 : index
            %swap3A_322 = tpu.vector_load %arg13[%swap3A_321] {strides = array<i32>} : memref<128xi32, #tpu.memory_space<vmem>>, vector<16xi32>,
            tpu.vector_store %arg13[%swap3A_321], %add3A_9 {strides = array<i32>} : memref<128xi32, #tpu.memory_space<vmem>>, vector<16xi32>,
          } else {
          }
          %ne3A_297 = arith.cmpi ne, %iota3A, %all_reduce_ffs3A : vector<16xi32>
          %and3A_298 = arith.andi %while3A_237, %ne3A_297 : vector<16xi1>
          %add3A_299 = arith.constant 1 : i32
          %add3A_300 = arith.addi %while3A_235, %add3A_299 : i32
          scf.yield %add3A_300, %select_n3A_284, %and3A_298 : i32, vector<16xi32>, vector<16xi1>
        }
        %while3A_232 = arith.constant 1 : i32
        %while3A_233:3 = scf.for %while3A_234 = %while3A_229 to %while3A_225 step %while3A_232 iter_args(%while3A_235 = %while3A_231#0, %while3A_236 = %while3A_231#1, %while3A_237 = %while3A_231#2) -> (i32, vector<16xi32>, vector<16xi1>)  : i32 {
          %all_reduce_ffs3A = tpu.all_reduce %while3A_237 {dim = 0 : i64, kind = #tpu.reduction_kind<find_first_set>} : vector<16xi1> -> vector<16xi32>
          %broadcast_in_dim3A_238 = vector.shape_cast %all_reduce_ffs3A : vector<16xi32> to vector<16x1xi32>
          %gather3A = vector.shape_cast %broadcast_in_dim3A_238 : vector<16x1xi32> to vector<16xi32>
          %gather3A_239 = tpu.dynamic_gather %get3A_220[%gather3A] in [0] : vector<16xi32>, vector<16xi32> -> vector<16xi32>
          %and3A_240 = arith.constant 127 : i32
          %and3A_241 = vector.broadcast %and3A_240 : i32 to vector<16xi32>
          %and3A_242 = arith.andi %gather3A_239, %and3A_241 : vector<16xi32>
          %mul3A_243 = arith.constant 16 : i32
          %mul3A_244 = arith.muli %while3A_215, %mul3A_243 : i32
          %get3A_245 = arith.index_cast %mul3A_244 : i32 to index
          %get3A_246 = tpu.vector_load %arg8[%get3A_245] {strides = array<i32>} : memref<16416xi32, #tpu.memory_space<vmem>>, vector<16xi32>,
          %broadcast_in_dim3A_247 = vector.shape_cast %all_reduce_ffs3A : vector<16xi32> to vector<16x1xi32>
          %gather3A_248 = vector.shape_cast %broadcast_in_dim3A_247 : vector<16x1xi32> to vector<16xi32>
          %gather3A_249 = tpu.dynamic_gather %get3A_246[%gather3A_248] in [0] : vector<16xi32>, vector<16xi32> -> vector<16xi32>
          %and3A_250 = arith.constant 127 : i32
          %and3A_251 = arith.andi %while3A_235, %and3A_250 : i32
          %add3A_252 = arith.constant 0 : i32
          %add3A_253 = vector.broadcast %add3A_252 : i32 to vector<16xi32>
          %add3A_254 = arith.addi %add3A_253, %iota3A : vector<16xi32>
          %gather3A_255 = tpu.vector_load_idx %arg10[%add3A_254, %and3A_242] : memref<64x128xf32, #tpu.memory_space<vmem>>[vector<16xi32>, vector<16xi32>], vector<16xf32>,
          %swap3A_256 = arith.index_cast %and3A_251 : i32 to index
          %swap3A_257 = arith.constant 0 : index
          %swap3A_258 = tpu.vector_load %arg12[%swap3A_256, %swap3A_257] {strides = array<i32>} : memref<128x128xf32, #tpu.memory_space<vmem>>, vector<16xf32>,
          tpu.vector_store %arg12[%swap3A_256, %swap3A_257], %gather3A_255 {strides = array<i32>} : memref<128x128xf32, #tpu.memory_space<vmem>>, vector<16xf32>,
          %add3A_259 = arith.constant 16 : i32
          %add3A_260 = vector.broadcast %add3A_259 : i32 to vector<16xi32>
          %add3A_261 = arith.addi %add3A_260, %iota3A : vector<16xi32>
          %gather3A_262 = tpu.vector_load_idx %arg10[%add3A_261, %and3A_242] : memref<64x128xf32, #tpu.memory_space<vmem>>[vector<16xi32>, vector<16xi32>], vector<16xf32>,
          %swap3A_263 = arith.index_cast %and3A_251 : i32 to index
          %swap3A_264 = arith.constant 16 : index
          %swap3A_265 = tpu.vector_load %arg12[%swap3A_263, %swap3A_264] {strides = array<i32>} : memref<128x128xf32, #tpu.memory_space<vmem>>, vector<16xf32>,
          tpu.vector_store %arg12[%swap3A_263, %swap3A_264], %gather3A_262 {strides = array<i32>} : memref<128x128xf32, #tpu.memory_space<vmem>>, vector<16xf32>,
          %add3A_266 = arith.constant 32 : i32
          %add3A_267 = vector.broadcast %add3A_266 : i32 to vector<16xi32>
          %add3A_268 = arith.addi %add3A_267, %iota3A : vector<16xi32>
          %gather3A_269 = tpu.vector_load_idx %arg10[%add3A_268, %and3A_242] : memref<64x128xf32, #tpu.memory_space<vmem>>[vector<16xi32>, vector<16xi32>], vector<16xf32>,
          %swap3A_270 = arith.index_cast %and3A_251 : i32 to index
          %swap3A_271 = arith.constant 32 : index
          %swap3A_272 = tpu.vector_load %arg12[%swap3A_270, %swap3A_271] {strides = array<i32>} : memref<128x128xf32, #tpu.memory_space<vmem>>, vector<16xf32>,
          tpu.vector_store %arg12[%swap3A_270, %swap3A_271], %gather3A_269 {strides = array<i32>} : memref<128x128xf32, #tpu.memory_space<vmem>>, vector<16xf32>,
          %add3A_273 = arith.constant 48 : i32
          %add3A_274 = vector.broadcast %add3A_273 : i32 to vector<16xi32>
          %add3A_275 = arith.addi %add3A_274, %iota3A : vector<16xi32>
          %gather3A_276 = tpu.vector_load_idx %arg10[%add3A_275, %and3A_242] : memref<64x128xf32, #tpu.memory_space<vmem>>[vector<16xi32>, vector<16xi32>], vector<16xf32>,
          %swap3A_277 = arith.index_cast %and3A_251 : i32 to index
          %swap3A_278 = arith.constant 48 : index
          %swap3A_279 = tpu.vector_load %arg12[%swap3A_277, %swap3A_278] {strides = array<i32>} : memref<128x128xf32, #tpu.memory_space<vmem>>, vector<16xf32>,
          tpu.vector_store %arg12[%swap3A_277, %swap3A_278], %gather3A_276 {strides = array<i32>} : memref<128x128xf32, #tpu.memory_space<vmem>>, vector<16xf32>,
          %and3A_280 = arith.constant 15 : i32
          %and3A_281 = arith.andi %and3A_251, %and3A_280 : i32
          %eq3A_282 = vector.broadcast %and3A_281 : i32 to vector<16xi32>
          %eq3A_283 = arith.cmpi eq, %iota3A, %eq3A_282 : vector<16xi32>
          %select_n3A_284 = arith.select %eq3A_283, %gather3A_249, %while3A_236 : vector<16xi1>, vector<16xi32>
          %and3A_285 = arith.constant 15 : i32
          %and3A_286 = arith.andi %and3A_251, %and3A_285 : i32
          %eq3A_287 = arith.constant 15 : i32
          %eq3A_288 = arith.cmpi eq, %and3A_286, %eq3A_287 : i32
          %convert_element_type3A_289 = arith.extui %eq3A_288 : i1 to i32
          %cond3A_290 = arith.constant 0 : i32
          %cond3A_291 = arith.cmpi ne, %convert_element_type3A_289, %cond3A_290 : i32
          scf.if %cond3A_291 {
            %and3A_301 = arith.constant 112 : i32
            %and3A_302 = arith.andi %and3A_251, %and3A_301 : i32
            %swap3A_303 = arith.index_cast %and3A_302 : i32 to index
            %swap3A_304 = tpu.vector_load %arg13[%swap3A_303] {strides = array<i32>} : memref<128xi32, #tpu.memory_space<vmem>>, vector<16xi32>,
            tpu.vector_store %arg13[%swap3A_303], %select_n3A_284 {strides = array<i32>} : memref<128xi32, #tpu.memory_space<vmem>>, vector<16xi32>,
          } else {
          }
          %eq3A_292 = arith.constant 127 : i32
          %eq3A_293 = arith.cmpi eq, %and3A_251, %eq3A_292 : i32
          %convert_element_type3A_294 = arith.extui %eq3A_293 : i1 to i32
          %cond3A_295 = arith.constant 0 : i32
          %cond3A_296 = arith.cmpi ne, %convert_element_type3A_294, %cond3A_295 : i32
          scf.if %cond3A_296 {
            %dma_start3A_301 = arith.constant 0 : i32
            %dma_start3A_302 = arith.constant 0 : i32
            %dma_start3A_303 = tpu.memref_slice %arg5[%dma_start3A_301, %dma_start3A_302] : memref<16416x128xf32, #tpu.memory_space<hbm>> -> memref<16416x128xf32, #tpu.memory_space<hbm>>
            tpu.enqueue_indirect_dma source(%arg12 : memref<128x128xf32, #tpu.memory_space<vmem>>) target(%dma_start3A_303 : memref<16416x128xf32, #tpu.memory_space<hbm>>) offsets(%arg13 : memref<128xi32, #tpu.memory_space<vmem>>) semaphore(%arg16 : memref<!tpu.dma_semaphore, #tpu.memory_space<semaphore_mem>>)
            %dma_wait3A_304 = arith.constant 0 : i32
            %dma_wait3A_305 = arith.constant 0 : i32
            %dma_wait3A_306 = tpu.memref_slice %arg5[%dma_wait3A_304, %dma_wait3A_305] : memref<16416x128xf32, #tpu.memory_space<hbm>> -> memref<16416x128xf32, #tpu.memory_space<hbm>>
            tpu.wait_indirect_dma semaphore(%arg16 : memref<!tpu.dma_semaphore, #tpu.memory_space<semaphore_mem>>) src(%arg12 : memref<128x128xf32, #tpu.memory_space<vmem>>) dst(%dma_wait3A_306 : memref<16416x128xf32, #tpu.memory_space<hbm>>)
            %swap3A_307 = arith.constant 0 : index
            %swap3A_308 = tpu.vector_load %arg13[%swap3A_307] {strides = array<i32>} : memref<128xi32, #tpu.memory_space<vmem>>, vector<16xi32>,
            tpu.vector_store %arg13[%swap3A_307], %add3A_9 {strides = array<i32>} : memref<128xi32, #tpu.memory_space<vmem>>, vector<16xi32>,
            %swap3A_309 = arith.constant 16 : index
            %swap3A_310 = tpu.vector_load %arg13[%swap3A_309] {strides = array<i32>} : memref<128xi32, #tpu.memory_space<vmem>>, vector<16xi32>,
            tpu.vector_store %arg13[%swap3A_309], %add3A_9 {strides = array<i32>} : memref<128xi32, #tpu.memory_space<vmem>>, vector<16xi32>,
            %swap3A_311 = arith.constant 32 : index
            %swap3A_312 = tpu.vector_load %arg13[%swap3A_311] {strides = array<i32>} : memref<128xi32, #tpu.memory_space<vmem>>, vector<16xi32>,
            tpu.vector_store %arg13[%swap3A_311], %add3A_9 {strides = array<i32>} : memref<128xi32, #tpu.memory_space<vmem>>, vector<16xi32>,
            %swap3A_313 = arith.constant 48 : index
            %swap3A_314 = tpu.vector_load %arg13[%swap3A_313] {strides = array<i32>} : memref<128xi32, #tpu.memory_space<vmem>>, vector<16xi32>,
            tpu.vector_store %arg13[%swap3A_313], %add3A_9 {strides = array<i32>} : memref<128xi32, #tpu.memory_space<vmem>>, vector<16xi32>,
            %swap3A_315 = arith.constant 64 : index
            %swap3A_316 = tpu.vector_load %arg13[%swap3A_315] {strides = array<i32>} : memref<128xi32, #tpu.memory_space<vmem>>, vector<16xi32>,
            tpu.vector_store %arg13[%swap3A_315], %add3A_9 {strides = array<i32>} : memref<128xi32, #tpu.memory_space<vmem>>, vector<16xi32>,
            %swap3A_317 = arith.constant 80 : index
            %swap3A_318 = tpu.vector_load %arg13[%swap3A_317] {strides = array<i32>} : memref<128xi32, #tpu.memory_space<vmem>>, vector<16xi32>,
            tpu.vector_store %arg13[%swap3A_317], %add3A_9 {strides = array<i32>} : memref<128xi32, #tpu.memory_space<vmem>>, vector<16xi32>,
            %swap3A_319 = arith.constant 96 : index
            %swap3A_320 = tpu.vector_load %arg13[%swap3A_319] {strides = array<i32>} : memref<128xi32, #tpu.memory_space<vmem>>, vector<16xi32>,
            tpu.vector_store %arg13[%swap3A_319], %add3A_9 {strides = array<i32>} : memref<128xi32, #tpu.memory_space<vmem>>, vector<16xi32>,
            %swap3A_321 = arith.constant 112 : index
            %swap3A_322 = tpu.vector_load %arg13[%swap3A_321] {strides = array<i32>} : memref<128xi32, #tpu.memory_space<vmem>>, vector<16xi32>,
            tpu.vector_store %arg13[%swap3A_321], %add3A_9 {strides = array<i32>} : memref<128xi32, #tpu.memory_space<vmem>>, vector<16xi32>,
          } else {
          }
          %ne3A_297 = arith.cmpi ne, %iota3A, %all_reduce_ffs3A : vector<16xi32>
          %and3A_298 = arith.andi %while3A_237, %ne3A_297 : vector<16xi1>
          %add3A_299 = arith.constant 1 : i32
          %add3A_300 = arith.addi %while3A_235, %add3A_299 : i32
          scf.yield %add3A_300, %select_n3A_284, %and3A_298 : i32, vector<16xi32>, vector<16xi1>
        }
        scf.yield %while3A_233#0, %while3A_233#1 : i32, vector<16xi32>
      }
      %while3A_213 = arith.constant 1 : i32
      %while3A_214:2 = scf.for %while3A_215 = %while3A_210 to %while3A_206 step %while3A_213 iter_args(%while3A_216 = %while3A_212#0, %while3A_217 = %while3A_212#1) -> (i32, vector<16xi32>)  : i32 {
        %mul3A_218 = arith.constant 16 : i32
        %mul3A_219 = arith.muli %while3A_215, %mul3A_218 : i32
        %get3A = arith.index_cast %mul3A_219 : i32 to index
        %get3A_220 = tpu.vector_load %arg7[%get3A] {strides = array<i32>} : memref<16416xi32, #tpu.memory_space<vmem>>, vector<16xi32>,
        %shift_right_logical3A = arith.constant 7 : i32
        %shift_right_logical3A_221 = vector.broadcast %shift_right_logical3A : i32 to vector<16xi32>
        %shift_right_logical3A_222 = arith.shrui %get3A_220, %shift_right_logical3A_221 : vector<16xi32>
        %eq3A = arith.cmpi eq, %shift_right_logical3A_222, %add3A_203 : vector<16xi32>
        %all_reduce_population_count3A = tpu.all_reduce %eq3A {dim = 0 : i64, kind = #tpu.reduction_kind<sum>} : vector<16xi1> -> vector<16xi32>
        %slice3A = vector.extract_strided_slice %all_reduce_population_count3A {offsets = [0], sizes = [1], strides = [1]} : vector<16xi32> to vector<1xi32>
        %squeeze3A = vector.extract %slice3A[0] : i32 from vector<1xi32>
        %while3A_223 = arith.constant 0 : i32
        %while3A_224 = arith.subi %squeeze3A, %while3A_223 : i32
        %while3A_225 = arith.addi %while3A_223, %while3A_224 : i32
        %while3A_226 = arith.constant 1 : i32
        %while3A_227 = arith.divsi %while3A_224, %while3A_226 : i32
        %while3A_228 = arith.muli %while3A_227, %while3A_226 : i32
        %while3A_229 = arith.addi %while3A_223, %while3A_228 : i32
        %while3A_230 = arith.constant 1 : i32
        %while3A_231:3 = scf.for %while3A_234 = %while3A_223 to %while3A_229 step %while3A_230 iter_args(%while3A_235 = %while3A_216, %while3A_236 = %while3A_217, %while3A_237 = %eq3A) -> (i32, vector<16xi32>, vector<16xi1>)  : i32 {
          %all_reduce_ffs3A = tpu.all_reduce %while3A_237 {dim = 0 : i64, kind = #tpu.reduction_kind<find_first_set>} : vector<16xi1> -> vector<16xi32>
          %broadcast_in_dim3A_238 = vector.shape_cast %all_reduce_ffs3A : vector<16xi32> to vector<16x1xi32>
          %gather3A = vector.shape_cast %broadcast_in_dim3A_238 : vector<16x1xi32> to vector<16xi32>
          %gather3A_239 = tpu.dynamic_gather %get3A_220[%gather3A] in [0] : vector<16xi32>, vector<16xi32> -> vector<16xi32>
          %and3A_240 = arith.constant 127 : i32
          %and3A_241 = vector.broadcast %and3A_240 : i32 to vector<16xi32>
          %and3A_242 = arith.andi %gather3A_239, %and3A_241 : vector<16xi32>
          %mul3A_243 = arith.constant 16 : i32
          %mul3A_244 = arith.muli %while3A_215, %mul3A_243 : i32
          %get3A_245 = arith.index_cast %mul3A_244 : i32 to index
          %get3A_246 = tpu.vector_load %arg8[%get3A_245] {strides = array<i32>} : memref<16416xi32, #tpu.memory_space<vmem>>, vector<16xi32>,
          %broadcast_in_dim3A_247 = vector.shape_cast %all_reduce_ffs3A : vector<16xi32> to vector<16x1xi32>
          %gather3A_248 = vector.shape_cast %broadcast_in_dim3A_247 : vector<16x1xi32> to vector<16xi32>
          %gather3A_249 = tpu.dynamic_gather %get3A_246[%gather3A_248] in [0] : vector<16xi32>, vector<16xi32> -> vector<16xi32>
          %and3A_250 = arith.constant 127 : i32
          %and3A_251 = arith.andi %while3A_235, %and3A_250 : i32
          %add3A_252 = arith.constant 0 : i32
          %add3A_253 = vector.broadcast %add3A_252 : i32 to vector<16xi32>
          %add3A_254 = arith.addi %add3A_253, %iota3A : vector<16xi32>
          %gather3A_255 = tpu.vector_load_idx %arg10[%add3A_254, %and3A_242] : memref<64x128xf32, #tpu.memory_space<vmem>>[vector<16xi32>, vector<16xi32>], vector<16xf32>,
          %swap3A_256 = arith.index_cast %and3A_251 : i32 to index
          %swap3A_257 = arith.constant 0 : index
          %swap3A_258 = tpu.vector_load %arg12[%swap3A_256, %swap3A_257] {strides = array<i32>} : memref<128x128xf32, #tpu.memory_space<vmem>>, vector<16xf32>,
          tpu.vector_store %arg12[%swap3A_256, %swap3A_257], %gather3A_255 {strides = array<i32>} : memref<128x128xf32, #tpu.memory_space<vmem>>, vector<16xf32>,
          %add3A_259 = arith.constant 16 : i32
          %add3A_260 = vector.broadcast %add3A_259 : i32 to vector<16xi32>
          %add3A_261 = arith.addi %add3A_260, %iota3A : vector<16xi32>
          %gather3A_262 = tpu.vector_load_idx %arg10[%add3A_261, %and3A_242] : memref<64x128xf32, #tpu.memory_space<vmem>>[vector<16xi32>, vector<16xi32>], vector<16xf32>,
          %swap3A_263 = arith.index_cast %and3A_251 : i32 to index
          %swap3A_264 = arith.constant 16 : index
          %swap3A_265 = tpu.vector_load %arg12[%swap3A_263, %swap3A_264] {strides = array<i32>} : memref<128x128xf32, #tpu.memory_space<vmem>>, vector<16xf32>,
          tpu.vector_store %arg12[%swap3A_263, %swap3A_264], %gather3A_262 {strides = array<i32>} : memref<128x128xf32, #tpu.memory_space<vmem>>, vector<16xf32>,
          %add3A_266 = arith.constant 32 : i32
          %add3A_267 = vector.broadcast %add3A_266 : i32 to vector<16xi32>
          %add3A_268 = arith.addi %add3A_267, %iota3A : vector<16xi32>
          %gather3A_269 = tpu.vector_load_idx %arg10[%add3A_268, %and3A_242] : memref<64x128xf32, #tpu.memory_space<vmem>>[vector<16xi32>, vector<16xi32>], vector<16xf32>,
          %swap3A_270 = arith.index_cast %and3A_251 : i32 to index
          %swap3A_271 = arith.constant 32 : index
          %swap3A_272 = tpu.vector_load %arg12[%swap3A_270, %swap3A_271] {strides = array<i32>} : memref<128x128xf32, #tpu.memory_space<vmem>>, vector<16xf32>,
          tpu.vector_store %arg12[%swap3A_270, %swap3A_271], %gather3A_269 {strides = array<i32>} : memref<128x128xf32, #tpu.memory_space<vmem>>, vector<16xf32>,
          %add3A_273 = arith.constant 48 : i32
          %add3A_274 = vector.broadcast %add3A_273 : i32 to vector<16xi32>
          %add3A_275 = arith.addi %add3A_274, %iota3A : vector<16xi32>
          %gather3A_276 = tpu.vector_load_idx %arg10[%add3A_275, %and3A_242] : memref<64x128xf32, #tpu.memory_space<vmem>>[vector<16xi32>, vector<16xi32>], vector<16xf32>,
          %swap3A_277 = arith.index_cast %and3A_251 : i32 to index
          %swap3A_278 = arith.constant 48 : index
          %swap3A_279 = tpu.vector_load %arg12[%swap3A_277, %swap3A_278] {strides = array<i32>} : memref<128x128xf32, #tpu.memory_space<vmem>>, vector<16xf32>,
          tpu.vector_store %arg12[%swap3A_277, %swap3A_278], %gather3A_276 {strides = array<i32>} : memref<128x128xf32, #tpu.memory_space<vmem>>, vector<16xf32>,
          %and3A_280 = arith.constant 15 : i32
          %and3A_281 = arith.andi %and3A_251, %and3A_280 : i32
          %eq3A_282 = vector.broadcast %and3A_281 : i32 to vector<16xi32>
          %eq3A_283 = arith.cmpi eq, %iota3A, %eq3A_282 : vector<16xi32>
          %select_n3A_284 = arith.select %eq3A_283, %gather3A_249, %while3A_236 : vector<16xi1>, vector<16xi32>
          %and3A_285 = arith.constant 15 : i32
          %and3A_286 = arith.andi %and3A_251, %and3A_285 : i32
          %eq3A_287 = arith.constant 15 : i32
          %eq3A_288 = arith.cmpi eq, %and3A_286, %eq3A_287 : i32
          %convert_element_type3A_289 = arith.extui %eq3A_288 : i1 to i32
          %cond3A_290 = arith.constant 0 : i32
          %cond3A_291 = arith.cmpi ne, %convert_element_type3A_289, %cond3A_290 : i32
          scf.if %cond3A_291 {
            %and3A_301 = arith.constant 112 : i32
            %and3A_302 = arith.andi %and3A_251, %and3A_301 : i32
            %swap3A_303 = arith.index_cast %and3A_302 : i32 to index
            %swap3A_304 = tpu.vector_load %arg13[%swap3A_303] {strides = array<i32>} : memref<128xi32, #tpu.memory_space<vmem>>, vector<16xi32>,
            tpu.vector_store %arg13[%swap3A_303], %select_n3A_284 {strides = array<i32>} : memref<128xi32, #tpu.memory_space<vmem>>, vector<16xi32>,
          } else {
          }
          %eq3A_292 = arith.constant 127 : i32
          %eq3A_293 = arith.cmpi eq, %and3A_251, %eq3A_292 : i32
          %convert_element_type3A_294 = arith.extui %eq3A_293 : i1 to i32
          %cond3A_295 = arith.constant 0 : i32
          %cond3A_296 = arith.cmpi ne, %convert_element_type3A_294, %cond3A_295 : i32
          scf.if %cond3A_296 {
            %dma_start3A_301 = arith.constant 0 : i32
            %dma_start3A_302 = arith.constant 0 : i32
            %dma_start3A_303 = tpu.memref_slice %arg5[%dma_start3A_301, %dma_start3A_302] : memref<16416x128xf32, #tpu.memory_space<hbm>> -> memref<16416x128xf32, #tpu.memory_space<hbm>>
            tpu.enqueue_indirect_dma source(%arg12 : memref<128x128xf32, #tpu.memory_space<vmem>>) target(%dma_start3A_303 : memref<16416x128xf32, #tpu.memory_space<hbm>>) offsets(%arg13 : memref<128xi32, #tpu.memory_space<vmem>>) semaphore(%arg16 : memref<!tpu.dma_semaphore, #tpu.memory_space<semaphore_mem>>)
            %dma_wait3A_304 = arith.constant 0 : i32
            %dma_wait3A_305 = arith.constant 0 : i32
            %dma_wait3A_306 = tpu.memref_slice %arg5[%dma_wait3A_304, %dma_wait3A_305] : memref<16416x128xf32, #tpu.memory_space<hbm>> -> memref<16416x128xf32, #tpu.memory_space<hbm>>
            tpu.wait_indirect_dma semaphore(%arg16 : memref<!tpu.dma_semaphore, #tpu.memory_space<semaphore_mem>>) src(%arg12 : memref<128x128xf32, #tpu.memory_space<vmem>>) dst(%dma_wait3A_306 : memref<16416x128xf32, #tpu.memory_space<hbm>>)
            %swap3A_307 = arith.constant 0 : index
            %swap3A_308 = tpu.vector_load %arg13[%swap3A_307] {strides = array<i32>} : memref<128xi32, #tpu.memory_space<vmem>>, vector<16xi32>,
            tpu.vector_store %arg13[%swap3A_307], %add3A_9 {strides = array<i32>} : memref<128xi32, #tpu.memory_space<vmem>>, vector<16xi32>,
            %swap3A_309 = arith.constant 16 : index
            %swap3A_310 = tpu.vector_load %arg13[%swap3A_309] {strides = array<i32>} : memref<128xi32, #tpu.memory_space<vmem>>, vector<16xi32>,
            tpu.vector_store %arg13[%swap3A_309], %add3A_9 {strides = array<i32>} : memref<128xi32, #tpu.memory_space<vmem>>, vector<16xi32>,
            %swap3A_311 = arith.constant 32 : index
            %swap3A_312 = tpu.vector_load %arg13[%swap3A_311] {strides = array<i32>} : memref<128xi32, #tpu.memory_space<vmem>>, vector<16xi32>,
            tpu.vector_store %arg13[%swap3A_311], %add3A_9 {strides = array<i32>} : memref<128xi32, #tpu.memory_space<vmem>>, vector<16xi32>,
            %swap3A_313 = arith.constant 48 : index
            %swap3A_314 = tpu.vector_load %arg13[%swap3A_313] {strides = array<i32>} : memref<128xi32, #tpu.memory_space<vmem>>, vector<16xi32>,
            tpu.vector_store %arg13[%swap3A_313], %add3A_9 {strides = array<i32>} : memref<128xi32, #tpu.memory_space<vmem>>, vector<16xi32>,
            %swap3A_315 = arith.constant 64 : index
            %swap3A_316 = tpu.vector_load %arg13[%swap3A_315] {strides = array<i32>} : memref<128xi32, #tpu.memory_space<vmem>>, vector<16xi32>,
            tpu.vector_store %arg13[%swap3A_315], %add3A_9 {strides = array<i32>} : memref<128xi32, #tpu.memory_space<vmem>>, vector<16xi32>,
            %swap3A_317 = arith.constant 80 : index
            %swap3A_318 = tpu.vector_load %arg13[%swap3A_317] {strides = array<i32>} : memref<128xi32, #tpu.memory_space<vmem>>, vector<16xi32>,
            tpu.vector_store %arg13[%swap3A_317], %add3A_9 {strides = array<i32>} : memref<128xi32, #tpu.memory_space<vmem>>, vector<16xi32>,
            %swap3A_319 = arith.constant 96 : index
            %swap3A_320 = tpu.vector_load %arg13[%swap3A_319] {strides = array<i32>} : memref<128xi32, #tpu.memory_space<vmem>>, vector<16xi32>,
            tpu.vector_store %arg13[%swap3A_319], %add3A_9 {strides = array<i32>} : memref<128xi32, #tpu.memory_space<vmem>>, vector<16xi32>,
            %swap3A_321 = arith.constant 112 : index
            %swap3A_322 = tpu.vector_load %arg13[%swap3A_321] {strides = array<i32>} : memref<128xi32, #tpu.memory_space<vmem>>, vector<16xi32>,
            tpu.vector_store %arg13[%swap3A_321], %add3A_9 {strides = array<i32>} : memref<128xi32, #tpu.memory_space<vmem>>, vector<16xi32>,
          } else {
          }
          %ne3A_297 = arith.cmpi ne, %iota3A, %all_reduce_ffs3A : vector<16xi32>
          %and3A_298 = arith.andi %while3A_237, %ne3A_297 : vector<16xi1>
          %add3A_299 = arith.constant 1 : i32
          %add3A_300 = arith.addi %while3A_235, %add3A_299 : i32
          scf.yield %add3A_300, %select_n3A_284, %and3A_298 : i32, vector<16xi32>, vector<16xi1>
        }
        %while3A_232 = arith.constant 1 : i32
        %while3A_233:3 = scf.for %while3A_234 = %while3A_229 to %while3A_225 step %while3A_232 iter_args(%while3A_235 = %while3A_231#0, %while3A_236 = %while3A_231#1, %while3A_237 = %while3A_231#2) -> (i32, vector<16xi32>, vector<16xi1>)  : i32 {
          %all_reduce_ffs3A = tpu.all_reduce %while3A_237 {dim = 0 : i64, kind = #tpu.reduction_kind<find_first_set>} : vector<16xi1> -> vector<16xi32>
          %broadcast_in_dim3A_238 = vector.shape_cast %all_reduce_ffs3A : vector<16xi32> to vector<16x1xi32>
          %gather3A = vector.shape_cast %broadcast_in_dim3A_238 : vector<16x1xi32> to vector<16xi32>
          %gather3A_239 = tpu.dynamic_gather %get3A_220[%gather3A] in [0] : vector<16xi32>, vector<16xi32> -> vector<16xi32>
          %and3A_240 = arith.constant 127 : i32
          %and3A_241 = vector.broadcast %and3A_240 : i32 to vector<16xi32>
          %and3A_242 = arith.andi %gather3A_239, %and3A_241 : vector<16xi32>
          %mul3A_243 = arith.constant 16 : i32
          %mul3A_244 = arith.muli %while3A_215, %mul3A_243 : i32
          %get3A_245 = arith.index_cast %mul3A_244 : i32 to index
          %get3A_246 = tpu.vector_load %arg8[%get3A_245] {strides = array<i32>} : memref<16416xi32, #tpu.memory_space<vmem>>, vector<16xi32>,
          %broadcast_in_dim3A_247 = vector.shape_cast %all_reduce_ffs3A : vector<16xi32> to vector<16x1xi32>
          %gather3A_248 = vector.shape_cast %broadcast_in_dim3A_247 : vector<16x1xi32> to vector<16xi32>
          %gather3A_249 = tpu.dynamic_gather %get3A_246[%gather3A_248] in [0] : vector<16xi32>, vector<16xi32> -> vector<16xi32>
          %and3A_250 = arith.constant 127 : i32
          %and3A_251 = arith.andi %while3A_235, %and3A_250 : i32
          %add3A_252 = arith.constant 0 : i32
          %add3A_253 = vector.broadcast %add3A_252 : i32 to vector<16xi32>
          %add3A_254 = arith.addi %add3A_253, %iota3A : vector<16xi32>
          %gather3A_255 = tpu.vector_load_idx %arg10[%add3A_254, %and3A_242] : memref<64x128xf32, #tpu.memory_space<vmem>>[vector<16xi32>, vector<16xi32>], vector<16xf32>,
          %swap3A_256 = arith.index_cast %and3A_251 : i32 to index
          %swap3A_257 = arith.constant 0 : index
          %swap3A_258 = tpu.vector_load %arg12[%swap3A_256, %swap3A_257] {strides = array<i32>} : memref<128x128xf32, #tpu.memory_space<vmem>>, vector<16xf32>,
          tpu.vector_store %arg12[%swap3A_256, %swap3A_257], %gather3A_255 {strides = array<i32>} : memref<128x128xf32, #tpu.memory_space<vmem>>, vector<16xf32>,
          %add3A_259 = arith.constant 16 : i32
          %add3A_260 = vector.broadcast %add3A_259 : i32 to vector<16xi32>
          %add3A_261 = arith.addi %add3A_260, %iota3A : vector<16xi32>
          %gather3A_262 = tpu.vector_load_idx %arg10[%add3A_261, %and3A_242] : memref<64x128xf32, #tpu.memory_space<vmem>>[vector<16xi32>, vector<16xi32>], vector<16xf32>,
          %swap3A_263 = arith.index_cast %and3A_251 : i32 to index
          %swap3A_264 = arith.constant 16 : index
          %swap3A_265 = tpu.vector_load %arg12[%swap3A_263, %swap3A_264] {strides = array<i32>} : memref<128x128xf32, #tpu.memory_space<vmem>>, vector<16xf32>,
          tpu.vector_store %arg12[%swap3A_263, %swap3A_264], %gather3A_262 {strides = array<i32>} : memref<128x128xf32, #tpu.memory_space<vmem>>, vector<16xf32>,
          %add3A_266 = arith.constant 32 : i32
          %add3A_267 = vector.broadcast %add3A_266 : i32 to vector<16xi32>
          %add3A_268 = arith.addi %add3A_267, %iota3A : vector<16xi32>
          %gather3A_269 = tpu.vector_load_idx %arg10[%add3A_268, %and3A_242] : memref<64x128xf32, #tpu.memory_space<vmem>>[vector<16xi32>, vector<16xi32>], vector<16xf32>,
          %swap3A_270 = arith.index_cast %and3A_251 : i32 to index
          %swap3A_271 = arith.constant 32 : index
          %swap3A_272 = tpu.vector_load %arg12[%swap3A_270, %swap3A_271] {strides = array<i32>} : memref<128x128xf32, #tpu.memory_space<vmem>>, vector<16xf32>,
          tpu.vector_store %arg12[%swap3A_270, %swap3A_271], %gather3A_269 {strides = array<i32>} : memref<128x128xf32, #tpu.memory_space<vmem>>, vector<16xf32>,
          %add3A_273 = arith.constant 48 : i32
          %add3A_274 = vector.broadcast %add3A_273 : i32 to vector<16xi32>
          %add3A_275 = arith.addi %add3A_274, %iota3A : vector<16xi32>
          %gather3A_276 = tpu.vector_load_idx %arg10[%add3A_275, %and3A_242] : memref<64x128xf32, #tpu.memory_space<vmem>>[vector<16xi32>, vector<16xi32>], vector<16xf32>,
          %swap3A_277 = arith.index_cast %and3A_251 : i32 to index
          %swap3A_278 = arith.constant 48 : index
          %swap3A_279 = tpu.vector_load %arg12[%swap3A_277, %swap3A_278] {strides = array<i32>} : memref<128x128xf32, #tpu.memory_space<vmem>>, vector<16xf32>,
          tpu.vector_store %arg12[%swap3A_277, %swap3A_278], %gather3A_276 {strides = array<i32>} : memref<128x128xf32, #tpu.memory_space<vmem>>, vector<16xf32>,
          %and3A_280 = arith.constant 15 : i32
          %and3A_281 = arith.andi %and3A_251, %and3A_280 : i32
          %eq3A_282 = vector.broadcast %and3A_281 : i32 to vector<16xi32>
          %eq3A_283 = arith.cmpi eq, %iota3A, %eq3A_282 : vector<16xi32>
          %select_n3A_284 = arith.select %eq3A_283, %gather3A_249, %while3A_236 : vector<16xi1>, vector<16xi32>
          %and3A_285 = arith.constant 15 : i32
          %and3A_286 = arith.andi %and3A_251, %and3A_285 : i32
          %eq3A_287 = arith.constant 15 : i32
          %eq3A_288 = arith.cmpi eq, %and3A_286, %eq3A_287 : i32
          %convert_element_type3A_289 = arith.extui %eq3A_288 : i1 to i32
          %cond3A_290 = arith.constant 0 : i32
          %cond3A_291 = arith.cmpi ne, %convert_element_type3A_289, %cond3A_290 : i32
          scf.if %cond3A_291 {
            %and3A_301 = arith.constant 112 : i32
            %and3A_302 = arith.andi %and3A_251, %and3A_301 : i32
            %swap3A_303 = arith.index_cast %and3A_302 : i32 to index
            %swap3A_304 = tpu.vector_load %arg13[%swap3A_303] {strides = array<i32>} : memref<128xi32, #tpu.memory_space<vmem>>, vector<16xi32>,
            tpu.vector_store %arg13[%swap3A_303], %select_n3A_284 {strides = array<i32>} : memref<128xi32, #tpu.memory_space<vmem>>, vector<16xi32>,
          } else {
          }
          %eq3A_292 = arith.constant 127 : i32
          %eq3A_293 = arith.cmpi eq, %and3A_251, %eq3A_292 : i32
          %convert_element_type3A_294 = arith.extui %eq3A_293 : i1 to i32
          %cond3A_295 = arith.constant 0 : i32
          %cond3A_296 = arith.cmpi ne, %convert_element_type3A_294, %cond3A_295 : i32
          scf.if %cond3A_296 {
            %dma_start3A_301 = arith.constant 0 : i32
            %dma_start3A_302 = arith.constant 0 : i32
            %dma_start3A_303 = tpu.memref_slice %arg5[%dma_start3A_301, %dma_start3A_302] : memref<16416x128xf32, #tpu.memory_space<hbm>> -> memref<16416x128xf32, #tpu.memory_space<hbm>>
            tpu.enqueue_indirect_dma source(%arg12 : memref<128x128xf32, #tpu.memory_space<vmem>>) target(%dma_start3A_303 : memref<16416x128xf32, #tpu.memory_space<hbm>>) offsets(%arg13 : memref<128xi32, #tpu.memory_space<vmem>>) semaphore(%arg16 : memref<!tpu.dma_semaphore, #tpu.memory_space<semaphore_mem>>)
            %dma_wait3A_304 = arith.constant 0 : i32
            %dma_wait3A_305 = arith.constant 0 : i32
            %dma_wait3A_306 = tpu.memref_slice %arg5[%dma_wait3A_304, %dma_wait3A_305] : memref<16416x128xf32, #tpu.memory_space<hbm>> -> memref<16416x128xf32, #tpu.memory_space<hbm>>
            tpu.wait_indirect_dma semaphore(%arg16 : memref<!tpu.dma_semaphore, #tpu.memory_space<semaphore_mem>>) src(%arg12 : memref<128x128xf32, #tpu.memory_space<vmem>>) dst(%dma_wait3A_306 : memref<16416x128xf32, #tpu.memory_space<hbm>>)
            %swap3A_307 = arith.constant 0 : index
            %swap3A_308 = tpu.vector_load %arg13[%swap3A_307] {strides = array<i32>} : memref<128xi32, #tpu.memory_space<vmem>>, vector<16xi32>,
            tpu.vector_store %arg13[%swap3A_307], %add3A_9 {strides = array<i32>} : memref<128xi32, #tpu.memory_space<vmem>>, vector<16xi32>,
            %swap3A_309 = arith.constant 16 : index
            %swap3A_310 = tpu.vector_load %arg13[%swap3A_309] {strides = array<i32>} : memref<128xi32, #tpu.memory_space<vmem>>, vector<16xi32>,
            tpu.vector_store %arg13[%swap3A_309], %add3A_9 {strides = array<i32>} : memref<128xi32, #tpu.memory_space<vmem>>, vector<16xi32>,
            %swap3A_311 = arith.constant 32 : index
            %swap3A_312 = tpu.vector_load %arg13[%swap3A_311] {strides = array<i32>} : memref<128xi32, #tpu.memory_space<vmem>>, vector<16xi32>,
            tpu.vector_store %arg13[%swap3A_311], %add3A_9 {strides = array<i32>} : memref<128xi32, #tpu.memory_space<vmem>>, vector<16xi32>,
            %swap3A_313 = arith.constant 48 : index
            %swap3A_314 = tpu.vector_load %arg13[%swap3A_313] {strides = array<i32>} : memref<128xi32, #tpu.memory_space<vmem>>, vector<16xi32>,
            tpu.vector_store %arg13[%swap3A_313], %add3A_9 {strides = array<i32>} : memref<128xi32, #tpu.memory_space<vmem>>, vector<16xi32>,
            %swap3A_315 = arith.constant 64 : index
            %swap3A_316 = tpu.vector_load %arg13[%swap3A_315] {strides = array<i32>} : memref<128xi32, #tpu.memory_space<vmem>>, vector<16xi32>,
            tpu.vector_store %arg13[%swap3A_315], %add3A_9 {strides = array<i32>} : memref<128xi32, #tpu.memory_space<vmem>>, vector<16xi32>,
            %swap3A_317 = arith.constant 80 : index
            %swap3A_318 = tpu.vector_load %arg13[%swap3A_317] {strides = array<i32>} : memref<128xi32, #tpu.memory_space<vmem>>, vector<16xi32>,
            tpu.vector_store %arg13[%swap3A_317], %add3A_9 {strides = array<i32>} : memref<128xi32, #tpu.memory_space<vmem>>, vector<16xi32>,
            %swap3A_319 = arith.constant 96 : index
            %swap3A_320 = tpu.vector_load %arg13[%swap3A_319] {strides = array<i32>} : memref<128xi32, #tpu.memory_space<vmem>>, vector<16xi32>,
            tpu.vector_store %arg13[%swap3A_319], %add3A_9 {strides = array<i32>} : memref<128xi32, #tpu.memory_space<vmem>>, vector<16xi32>,
            %swap3A_321 = arith.constant 112 : index
            %swap3A_322 = tpu.vector_load %arg13[%swap3A_321] {strides = array<i32>} : memref<128xi32, #tpu.memory_space<vmem>>, vector<16xi32>,
            tpu.vector_store %arg13[%swap3A_321], %add3A_9 {strides = array<i32>} : memref<128xi32, #tpu.memory_space<vmem>>, vector<16xi32>,
          } else {
          }
          %ne3A_297 = arith.cmpi ne, %iota3A, %all_reduce_ffs3A : vector<16xi32>
          %and3A_298 = arith.andi %while3A_237, %ne3A_297 : vector<16xi1>
          %add3A_299 = arith.constant 1 : i32
          %add3A_300 = arith.addi %while3A_235, %add3A_299 : i32
          scf.yield %add3A_300, %select_n3A_284, %and3A_298 : i32, vector<16xi32>, vector<16xi1>
        }
        scf.yield %while3A_233#0, %while3A_233#1 : i32, vector<16xi32>
      }
      scf.yield %while3A_214#0, %while3A_214#1 : i32, vector<16xi32>
    }
    %while3A_98 = arith.constant 1 : i32
    %while3A_99:2 = scf.for %while3A_144 = %while3A_95 to %while3A_91 step %while3A_98 iter_args(%while3A_145 = %while3A_97#0, %while3A_146 = %while3A_97#1) -> (i32, vector<16xi32>)  : i32 {
      %mul3A_147 = arith.constant 2 : i32
      %mul3A_148 = arith.muli %mul3A_147, %while3A_144 : i32
      %add3A_149 = arith.constant 1 : i32
      %add3A_150 = arith.addi %mul3A_148, %add3A_149 : i32
      %add3A_151 = arith.addi %mul3A_2, %add3A_150 : i32
      %mul3A_152 = arith.constant 128 : i32
      %mul3A_153 = arith.muli %add3A_151, %mul3A_152 : i32
      %multiple_of3A_154 = tpu.assume_multiple %mul3A_153, 128 : i32
      %dma_start3A_155 = arith.constant 0 : i32
      %dma_start3A_156 = tpu.memref_slice %arg3[%dma_start3A_155, %multiple_of3A_154] : memref<64x1000000xf32, #tpu.memory_space<hbm>> -> memref<64x128xf32, #tpu.memory_space<hbm>>
      %dma_start3A_157 = arith.constant 0 : i32
      %dma_start3A_158 = tpu.memref_slice %arg3[%dma_start3A_157, %multiple_of3A_154] : memref<64x1000000xf32, #tpu.memory_space<hbm>> -> memref<64x128xf32, #tpu.memory_space<hbm>>
      tpu.enqueue_dma source(%dma_start3A_158 : memref<64x128xf32, #tpu.memory_space<hbm>>) target(%arg10 : memref<64x128xf32, #tpu.memory_space<vmem>>) target_semaphore(%arg15 : memref<!tpu.dma_semaphore, #tpu.memory_space<semaphore_mem>>)
      %dma_wait3A_159 = arith.constant 0 : i32
      %dma_wait3A_160 = arith.constant 0 : i32
      %dma_wait3A_161 = tpu.memref_slice %arg3[%dma_wait3A_159, %dma_wait3A_160] : memref<64x1000000xf32, #tpu.memory_space<hbm>> -> memref<64x128xf32, #tpu.memory_space<hbm>>
      %dma_wait3A_162 = arith.constant 0 : i32
      %dma_wait3A_163 = arith.constant 0 : i32
      %dma_wait3A_164 = tpu.memref_slice %arg3[%dma_wait3A_162, %dma_wait3A_163] : memref<64x1000000xf32, #tpu.memory_space<hbm>> -> memref<64x128xf32, #tpu.memory_space<hbm>>
      tpu.wait_dma2 semaphore(%arg14 : memref<!tpu.dma_semaphore, #tpu.memory_space<semaphore_mem>>) src(%dma_wait3A_164 : memref<64x128xf32, #tpu.memory_space<hbm>>) dst(%arg9 : memref<64x128xf32, #tpu.memory_space<vmem>>)
      %add3A_165 = arith.addi %mul3A_2, %mul3A_148 : i32
      %broadcast_in_dim3A_166 = arith.constant 0 : i32
      %broadcast_in_dim3A_167 = vector.broadcast %broadcast_in_dim3A_166 : i32 to vector<16xi32>
      %add3A_168 = vector.broadcast %add3A_165 : i32 to vector<16xi32>
      %add3A_169 = arith.addi %broadcast_in_dim3A_167, %add3A_168 : vector<16xi32>
      %while3A_170 = arith.constant 0 : i32
      %while3A_171 = arith.subi %shift_right_arithmetic3A_37, %while3A_170 : i32
      %while3A_172 = arith.addi %while3A_170, %while3A_171 : i32
      %while3A_173 = arith.constant 1 : i32
      %while3A_174 = arith.divsi %while3A_171, %while3A_173 : i32
      %while3A_175 = arith.muli %while3A_174, %while3A_173 : i32
      %while3A_176 = arith.addi %while3A_170, %while3A_175 : i32
      %while3A_177 = arith.constant 1 : i32
      %while3A_178:2 = scf.for %while3A_215 = %while3A_170 to %while3A_176 step %while3A_177 iter_args(%while3A_216 = %while3A_145, %while3A_217 = %while3A_146) -> (i32, vector<16xi32>)  : i32 {
        %mul3A_218 = arith.constant 16 : i32
        %mul3A_219 = arith.muli %while3A_215, %mul3A_218 : i32
        %get3A = arith.index_cast %mul3A_219 : i32 to index
        %get3A_220 = tpu.vector_load %arg7[%get3A] {strides = array<i32>} : memref<16416xi32, #tpu.memory_space<vmem>>, vector<16xi32>,
        %shift_right_logical3A = arith.constant 7 : i32
        %shift_right_logical3A_221 = vector.broadcast %shift_right_logical3A : i32 to vector<16xi32>
        %shift_right_logical3A_222 = arith.shrui %get3A_220, %shift_right_logical3A_221 : vector<16xi32>
        %eq3A = arith.cmpi eq, %shift_right_logical3A_222, %add3A_169 : vector<16xi32>
        %all_reduce_population_count3A = tpu.all_reduce %eq3A {dim = 0 : i64, kind = #tpu.reduction_kind<sum>} : vector<16xi1> -> vector<16xi32>
        %slice3A = vector.extract_strided_slice %all_reduce_population_count3A {offsets = [0], sizes = [1], strides = [1]} : vector<16xi32> to vector<1xi32>
        %squeeze3A = vector.extract %slice3A[0] : i32 from vector<1xi32>
        %while3A_223 = arith.constant 0 : i32
        %while3A_224 = arith.subi %squeeze3A, %while3A_223 : i32
        %while3A_225 = arith.addi %while3A_223, %while3A_224 : i32
        %while3A_226 = arith.constant 1 : i32
        %while3A_227 = arith.divsi %while3A_224, %while3A_226 : i32
        %while3A_228 = arith.muli %while3A_227, %while3A_226 : i32
        %while3A_229 = arith.addi %while3A_223, %while3A_228 : i32
        %while3A_230 = arith.constant 1 : i32
        %while3A_231:3 = scf.for %while3A_234 = %while3A_223 to %while3A_229 step %while3A_230 iter_args(%while3A_235 = %while3A_216, %while3A_236 = %while3A_217, %while3A_237 = %eq3A) -> (i32, vector<16xi32>, vector<16xi1>)  : i32 {
          %all_reduce_ffs3A = tpu.all_reduce %while3A_237 {dim = 0 : i64, kind = #tpu.reduction_kind<find_first_set>} : vector<16xi1> -> vector<16xi32>
          %broadcast_in_dim3A_238 = vector.shape_cast %all_reduce_ffs3A : vector<16xi32> to vector<16x1xi32>
          %gather3A = vector.shape_cast %broadcast_in_dim3A_238 : vector<16x1xi32> to vector<16xi32>
          %gather3A_239 = tpu.dynamic_gather %get3A_220[%gather3A] in [0] : vector<16xi32>, vector<16xi32> -> vector<16xi32>
          %and3A_240 = arith.constant 127 : i32
          %and3A_241 = vector.broadcast %and3A_240 : i32 to vector<16xi32>
          %and3A_242 = arith.andi %gather3A_239, %and3A_241 : vector<16xi32>
          %mul3A_243 = arith.constant 16 : i32
          %mul3A_244 = arith.muli %while3A_215, %mul3A_243 : i32
          %get3A_245 = arith.index_cast %mul3A_244 : i32 to index
          %get3A_246 = tpu.vector_load %arg8[%get3A_245] {strides = array<i32>} : memref<16416xi32, #tpu.memory_space<vmem>>, vector<16xi32>,
          %broadcast_in_dim3A_247 = vector.shape_cast %all_reduce_ffs3A : vector<16xi32> to vector<16x1xi32>
          %gather3A_248 = vector.shape_cast %broadcast_in_dim3A_247 : vector<16x1xi32> to vector<16xi32>
          %gather3A_249 = tpu.dynamic_gather %get3A_246[%gather3A_248] in [0] : vector<16xi32>, vector<16xi32> -> vector<16xi32>
          %and3A_250 = arith.constant 127 : i32
          %and3A_251 = arith.andi %while3A_235, %and3A_250 : i32
          %add3A_252 = arith.constant 0 : i32
          %add3A_253 = vector.broadcast %add3A_252 : i32 to vector<16xi32>
          %add3A_254 = arith.addi %add3A_253, %iota3A : vector<16xi32>
          %gather3A_255 = tpu.vector_load_idx %arg9[%add3A_254, %and3A_242] : memref<64x128xf32, #tpu.memory_space<vmem>>[vector<16xi32>, vector<16xi32>], vector<16xf32>,
          %swap3A_256 = arith.index_cast %and3A_251 : i32 to index
          %swap3A_257 = arith.constant 0 : index
          %swap3A_258 = tpu.vector_load %arg12[%swap3A_256, %swap3A_257] {strides = array<i32>} : memref<128x128xf32, #tpu.memory_space<vmem>>, vector<16xf32>,
          tpu.vector_store %arg12[%swap3A_256, %swap3A_257], %gather3A_255 {strides = array<i32>} : memref<128x128xf32, #tpu.memory_space<vmem>>, vector<16xf32>,
          %add3A_259 = arith.constant 16 : i32
          %add3A_260 = vector.broadcast %add3A_259 : i32 to vector<16xi32>
          %add3A_261 = arith.addi %add3A_260, %iota3A : vector<16xi32>
          %gather3A_262 = tpu.vector_load_idx %arg9[%add3A_261, %and3A_242] : memref<64x128xf32, #tpu.memory_space<vmem>>[vector<16xi32>, vector<16xi32>], vector<16xf32>,
          %swap3A_263 = arith.index_cast %and3A_251 : i32 to index
          %swap3A_264 = arith.constant 16 : index
          %swap3A_265 = tpu.vector_load %arg12[%swap3A_263, %swap3A_264] {strides = array<i32>} : memref<128x128xf32, #tpu.memory_space<vmem>>, vector<16xf32>,
          tpu.vector_store %arg12[%swap3A_263, %swap3A_264], %gather3A_262 {strides = array<i32>} : memref<128x128xf32, #tpu.memory_space<vmem>>, vector<16xf32>,
          %add3A_266 = arith.constant 32 : i32
          %add3A_267 = vector.broadcast %add3A_266 : i32 to vector<16xi32>
          %add3A_268 = arith.addi %add3A_267, %iota3A : vector<16xi32>
          %gather3A_269 = tpu.vector_load_idx %arg9[%add3A_268, %and3A_242] : memref<64x128xf32, #tpu.memory_space<vmem>>[vector<16xi32>, vector<16xi32>], vector<16xf32>,
          %swap3A_270 = arith.index_cast %and3A_251 : i32 to index
          %swap3A_271 = arith.constant 32 : index
          %swap3A_272 = tpu.vector_load %arg12[%swap3A_270, %swap3A_271] {strides = array<i32>} : memref<128x128xf32, #tpu.memory_space<vmem>>, vector<16xf32>,
          tpu.vector_store %arg12[%swap3A_270, %swap3A_271], %gather3A_269 {strides = array<i32>} : memref<128x128xf32, #tpu.memory_space<vmem>>, vector<16xf32>,
          %add3A_273 = arith.constant 48 : i32
          %add3A_274 = vector.broadcast %add3A_273 : i32 to vector<16xi32>
          %add3A_275 = arith.addi %add3A_274, %iota3A : vector<16xi32>
          %gather3A_276 = tpu.vector_load_idx %arg9[%add3A_275, %and3A_242] : memref<64x128xf32, #tpu.memory_space<vmem>>[vector<16xi32>, vector<16xi32>], vector<16xf32>,
          %swap3A_277 = arith.index_cast %and3A_251 : i32 to index
          %swap3A_278 = arith.constant 48 : index
          %swap3A_279 = tpu.vector_load %arg12[%swap3A_277, %swap3A_278] {strides = array<i32>} : memref<128x128xf32, #tpu.memory_space<vmem>>, vector<16xf32>,
          tpu.vector_store %arg12[%swap3A_277, %swap3A_278], %gather3A_276 {strides = array<i32>} : memref<128x128xf32, #tpu.memory_space<vmem>>, vector<16xf32>,
          %and3A_280 = arith.constant 15 : i32
          %and3A_281 = arith.andi %and3A_251, %and3A_280 : i32
          %eq3A_282 = vector.broadcast %and3A_281 : i32 to vector<16xi32>
          %eq3A_283 = arith.cmpi eq, %iota3A, %eq3A_282 : vector<16xi32>
          %select_n3A_284 = arith.select %eq3A_283, %gather3A_249, %while3A_236 : vector<16xi1>, vector<16xi32>
          %and3A_285 = arith.constant 15 : i32
          %and3A_286 = arith.andi %and3A_251, %and3A_285 : i32
          %eq3A_287 = arith.constant 15 : i32
          %eq3A_288 = arith.cmpi eq, %and3A_286, %eq3A_287 : i32
          %convert_element_type3A_289 = arith.extui %eq3A_288 : i1 to i32
          %cond3A_290 = arith.constant 0 : i32
          %cond3A_291 = arith.cmpi ne, %convert_element_type3A_289, %cond3A_290 : i32
          scf.if %cond3A_291 {
            %and3A_301 = arith.constant 112 : i32
            %and3A_302 = arith.andi %and3A_251, %and3A_301 : i32
            %swap3A_303 = arith.index_cast %and3A_302 : i32 to index
            %swap3A_304 = tpu.vector_load %arg13[%swap3A_303] {strides = array<i32>} : memref<128xi32, #tpu.memory_space<vmem>>, vector<16xi32>,
            tpu.vector_store %arg13[%swap3A_303], %select_n3A_284 {strides = array<i32>} : memref<128xi32, #tpu.memory_space<vmem>>, vector<16xi32>,
          } else {
          }
          %eq3A_292 = arith.constant 127 : i32
          %eq3A_293 = arith.cmpi eq, %and3A_251, %eq3A_292 : i32
          %convert_element_type3A_294 = arith.extui %eq3A_293 : i1 to i32
          %cond3A_295 = arith.constant 0 : i32
          %cond3A_296 = arith.cmpi ne, %convert_element_type3A_294, %cond3A_295 : i32
          scf.if %cond3A_296 {
            %dma_start3A_301 = arith.constant 0 : i32
            %dma_start3A_302 = arith.constant 0 : i32
            %dma_start3A_303 = tpu.memref_slice %arg5[%dma_start3A_301, %dma_start3A_302] : memref<16416x128xf32, #tpu.memory_space<hbm>> -> memref<16416x128xf32, #tpu.memory_space<hbm>>
            tpu.enqueue_indirect_dma source(%arg12 : memref<128x128xf32, #tpu.memory_space<vmem>>) target(%dma_start3A_303 : memref<16416x128xf32, #tpu.memory_space<hbm>>) offsets(%arg13 : memref<128xi32, #tpu.memory_space<vmem>>) semaphore(%arg16 : memref<!tpu.dma_semaphore, #tpu.memory_space<semaphore_mem>>)
            %dma_wait3A_304 = arith.constant 0 : i32
            %dma_wait3A_305 = arith.constant 0 : i32
            %dma_wait3A_306 = tpu.memref_slice %arg5[%dma_wait3A_304, %dma_wait3A_305] : memref<16416x128xf32, #tpu.memory_space<hbm>> -> memref<16416x128xf32, #tpu.memory_space<hbm>>
            tpu.wait_indirect_dma semaphore(%arg16 : memref<!tpu.dma_semaphore, #tpu.memory_space<semaphore_mem>>) src(%arg12 : memref<128x128xf32, #tpu.memory_space<vmem>>) dst(%dma_wait3A_306 : memref<16416x128xf32, #tpu.memory_space<hbm>>)
            %swap3A_307 = arith.constant 0 : index
            %swap3A_308 = tpu.vector_load %arg13[%swap3A_307] {strides = array<i32>} : memref<128xi32, #tpu.memory_space<vmem>>, vector<16xi32>,
            tpu.vector_store %arg13[%swap3A_307], %add3A_9 {strides = array<i32>} : memref<128xi32, #tpu.memory_space<vmem>>, vector<16xi32>,
            %swap3A_309 = arith.constant 16 : index
            %swap3A_310 = tpu.vector_load %arg13[%swap3A_309] {strides = array<i32>} : memref<128xi32, #tpu.memory_space<vmem>>, vector<16xi32>,
            tpu.vector_store %arg13[%swap3A_309], %add3A_9 {strides = array<i32>} : memref<128xi32, #tpu.memory_space<vmem>>, vector<16xi32>,
            %swap3A_311 = arith.constant 32 : index
            %swap3A_312 = tpu.vector_load %arg13[%swap3A_311] {strides = array<i32>} : memref<128xi32, #tpu.memory_space<vmem>>, vector<16xi32>,
            tpu.vector_store %arg13[%swap3A_311], %add3A_9 {strides = array<i32>} : memref<128xi32, #tpu.memory_space<vmem>>, vector<16xi32>,
            %swap3A_313 = arith.constant 48 : index
            %swap3A_314 = tpu.vector_load %arg13[%swap3A_313] {strides = array<i32>} : memref<128xi32, #tpu.memory_space<vmem>>, vector<16xi32>,
            tpu.vector_store %arg13[%swap3A_313], %add3A_9 {strides = array<i32>} : memref<128xi32, #tpu.memory_space<vmem>>, vector<16xi32>,
            %swap3A_315 = arith.constant 64 : index
            %swap3A_316 = tpu.vector_load %arg13[%swap3A_315] {strides = array<i32>} : memref<128xi32, #tpu.memory_space<vmem>>, vector<16xi32>,
            tpu.vector_store %arg13[%swap3A_315], %add3A_9 {strides = array<i32>} : memref<128xi32, #tpu.memory_space<vmem>>, vector<16xi32>,
            %swap3A_317 = arith.constant 80 : index
            %swap3A_318 = tpu.vector_load %arg13[%swap3A_317] {strides = array<i32>} : memref<128xi32, #tpu.memory_space<vmem>>, vector<16xi32>,
            tpu.vector_store %arg13[%swap3A_317], %add3A_9 {strides = array<i32>} : memref<128xi32, #tpu.memory_space<vmem>>, vector<16xi32>,
            %swap3A_319 = arith.constant 96 : index
            %swap3A_320 = tpu.vector_load %arg13[%swap3A_319] {strides = array<i32>} : memref<128xi32, #tpu.memory_space<vmem>>, vector<16xi32>,
            tpu.vector_store %arg13[%swap3A_319], %add3A_9 {strides = array<i32>} : memref<128xi32, #tpu.memory_space<vmem>>, vector<16xi32>,
            %swap3A_321 = arith.constant 112 : index
            %swap3A_322 = tpu.vector_load %arg13[%swap3A_321] {strides = array<i32>} : memref<128xi32, #tpu.memory_space<vmem>>, vector<16xi32>,
            tpu.vector_store %arg13[%swap3A_321], %add3A_9 {strides = array<i32>} : memref<128xi32, #tpu.memory_space<vmem>>, vector<16xi32>,
          } else {
          }
          %ne3A_297 = arith.cmpi ne, %iota3A, %all_reduce_ffs3A : vector<16xi32>
          %and3A_298 = arith.andi %while3A_237, %ne3A_297 : vector<16xi1>
          %add3A_299 = arith.constant 1 : i32
          %add3A_300 = arith.addi %while3A_235, %add3A_299 : i32
          scf.yield %add3A_300, %select_n3A_284, %and3A_298 : i32, vector<16xi32>, vector<16xi1>
        }
        %while3A_232 = arith.constant 1 : i32
        %while3A_233:3 = scf.for %while3A_234 = %while3A_229 to %while3A_225 step %while3A_232 iter_args(%while3A_235 = %while3A_231#0, %while3A_236 = %while3A_231#1, %while3A_237 = %while3A_231#2) -> (i32, vector<16xi32>, vector<16xi1>)  : i32 {
          %all_reduce_ffs3A = tpu.all_reduce %while3A_237 {dim = 0 : i64, kind = #tpu.reduction_kind<find_first_set>} : vector<16xi1> -> vector<16xi32>
          %broadcast_in_dim3A_238 = vector.shape_cast %all_reduce_ffs3A : vector<16xi32> to vector<16x1xi32>
          %gather3A = vector.shape_cast %broadcast_in_dim3A_238 : vector<16x1xi32> to vector<16xi32>
          %gather3A_239 = tpu.dynamic_gather %get3A_220[%gather3A] in [0] : vector<16xi32>, vector<16xi32> -> vector<16xi32>
          %and3A_240 = arith.constant 127 : i32
          %and3A_241 = vector.broadcast %and3A_240 : i32 to vector<16xi32>
          %and3A_242 = arith.andi %gather3A_239, %and3A_241 : vector<16xi32>
          %mul3A_243 = arith.constant 16 : i32
          %mul3A_244 = arith.muli %while3A_215, %mul3A_243 : i32
          %get3A_245 = arith.index_cast %mul3A_244 : i32 to index
          %get3A_246 = tpu.vector_load %arg8[%get3A_245] {strides = array<i32>} : memref<16416xi32, #tpu.memory_space<vmem>>, vector<16xi32>,
          %broadcast_in_dim3A_247 = vector.shape_cast %all_reduce_ffs3A : vector<16xi32> to vector<16x1xi32>
          %gather3A_248 = vector.shape_cast %broadcast_in_dim3A_247 : vector<16x1xi32> to vector<16xi32>
          %gather3A_249 = tpu.dynamic_gather %get3A_246[%gather3A_248] in [0] : vector<16xi32>, vector<16xi32> -> vector<16xi32>
          %and3A_250 = arith.constant 127 : i32
          %and3A_251 = arith.andi %while3A_235, %and3A_250 : i32
          %add3A_252 = arith.constant 0 : i32
          %add3A_253 = vector.broadcast %add3A_252 : i32 to vector<16xi32>
          %add3A_254 = arith.addi %add3A_253, %iota3A : vector<16xi32>
          %gather3A_255 = tpu.vector_load_idx %arg9[%add3A_254, %and3A_242] : memref<64x128xf32, #tpu.memory_space<vmem>>[vector<16xi32>, vector<16xi32>], vector<16xf32>,
          %swap3A_256 = arith.index_cast %and3A_251 : i32 to index
          %swap3A_257 = arith.constant 0 : index
          %swap3A_258 = tpu.vector_load %arg12[%swap3A_256, %swap3A_257] {strides = array<i32>} : memref<128x128xf32, #tpu.memory_space<vmem>>, vector<16xf32>,
          tpu.vector_store %arg12[%swap3A_256, %swap3A_257], %gather3A_255 {strides = array<i32>} : memref<128x128xf32, #tpu.memory_space<vmem>>, vector<16xf32>,
          %add3A_259 = arith.constant 16 : i32
          %add3A_260 = vector.broadcast %add3A_259 : i32 to vector<16xi32>
          %add3A_261 = arith.addi %add3A_260, %iota3A : vector<16xi32>
          %gather3A_262 = tpu.vector_load_idx %arg9[%add3A_261, %and3A_242] : memref<64x128xf32, #tpu.memory_space<vmem>>[vector<16xi32>, vector<16xi32>], vector<16xf32>,
          %swap3A_263 = arith.index_cast %and3A_251 : i32 to index
          %swap3A_264 = arith.constant 16 : index
          %swap3A_265 = tpu.vector_load %arg12[%swap3A_263, %swap3A_264] {strides = array<i32>} : memref<128x128xf32, #tpu.memory_space<vmem>>, vector<16xf32>,
          tpu.vector_store %arg12[%swap3A_263, %swap3A_264], %gather3A_262 {strides = array<i32>} : memref<128x128xf32, #tpu.memory_space<vmem>>, vector<16xf32>,
          %add3A_266 = arith.constant 32 : i32
          %add3A_267 = vector.broadcast %add3A_266 : i32 to vector<16xi32>
          %add3A_268 = arith.addi %add3A_267, %iota3A : vector<16xi32>
          %gather3A_269 = tpu.vector_load_idx %arg9[%add3A_268, %and3A_242] : memref<64x128xf32, #tpu.memory_space<vmem>>[vector<16xi32>, vector<16xi32>], vector<16xf32>,
          %swap3A_270 = arith.index_cast %and3A_251 : i32 to index
          %swap3A_271 = arith.constant 32 : index
          %swap3A_272 = tpu.vector_load %arg12[%swap3A_270, %swap3A_271] {strides = array<i32>} : memref<128x128xf32, #tpu.memory_space<vmem>>, vector<16xf32>,
          tpu.vector_store %arg12[%swap3A_270, %swap3A_271], %gather3A_269 {strides = array<i32>} : memref<128x128xf32, #tpu.memory_space<vmem>>, vector<16xf32>,
          %add3A_273 = arith.constant 48 : i32
          %add3A_274 = vector.broadcast %add3A_273 : i32 to vector<16xi32>
          %add3A_275 = arith.addi %add3A_274, %iota3A : vector<16xi32>
          %gather3A_276 = tpu.vector_load_idx %arg9[%add3A_275, %and3A_242] : memref<64x128xf32, #tpu.memory_space<vmem>>[vector<16xi32>, vector<16xi32>], vector<16xf32>,
          %swap3A_277 = arith.index_cast %and3A_251 : i32 to index
          %swap3A_278 = arith.constant 48 : index
          %swap3A_279 = tpu.vector_load %arg12[%swap3A_277, %swap3A_278] {strides = array<i32>} : memref<128x128xf32, #tpu.memory_space<vmem>>, vector<16xf32>,
          tpu.vector_store %arg12[%swap3A_277, %swap3A_278], %gather3A_276 {strides = array<i32>} : memref<128x128xf32, #tpu.memory_space<vmem>>, vector<16xf32>,
          %and3A_280 = arith.constant 15 : i32
          %and3A_281 = arith.andi %and3A_251, %and3A_280 : i32
          %eq3A_282 = vector.broadcast %and3A_281 : i32 to vector<16xi32>
          %eq3A_283 = arith.cmpi eq, %iota3A, %eq3A_282 : vector<16xi32>
          %select_n3A_284 = arith.select %eq3A_283, %gather3A_249, %while3A_236 : vector<16xi1>, vector<16xi32>
          %and3A_285 = arith.constant 15 : i32
          %and3A_286 = arith.andi %and3A_251, %and3A_285 : i32
          %eq3A_287 = arith.constant 15 : i32
          %eq3A_288 = arith.cmpi eq, %and3A_286, %eq3A_287 : i32
          %convert_element_type3A_289 = arith.extui %eq3A_288 : i1 to i32
          %cond3A_290 = arith.constant 0 : i32
          %cond3A_291 = arith.cmpi ne, %convert_element_type3A_289, %cond3A_290 : i32
          scf.if %cond3A_291 {
            %and3A_301 = arith.constant 112 : i32
            %and3A_302 = arith.andi %and3A_251, %and3A_301 : i32
            %swap3A_303 = arith.index_cast %and3A_302 : i32 to index
            %swap3A_304 = tpu.vector_load %arg13[%swap3A_303] {strides = array<i32>} : memref<128xi32, #tpu.memory_space<vmem>>, vector<16xi32>,
            tpu.vector_store %arg13[%swap3A_303], %select_n3A_284 {strides = array<i32>} : memref<128xi32, #tpu.memory_space<vmem>>, vector<16xi32>,
          } else {
          }
          %eq3A_292 = arith.constant 127 : i32
          %eq3A_293 = arith.cmpi eq, %and3A_251, %eq3A_292 : i32
          %convert_element_type3A_294 = arith.extui %eq3A_293 : i1 to i32
          %cond3A_295 = arith.constant 0 : i32
          %cond3A_296 = arith.cmpi ne, %convert_element_type3A_294, %cond3A_295 : i32
          scf.if %cond3A_296 {
            %dma_start3A_301 = arith.constant 0 : i32
            %dma_start3A_302 = arith.constant 0 : i32
            %dma_start3A_303 = tpu.memref_slice %arg5[%dma_start3A_301, %dma_start3A_302] : memref<16416x128xf32, #tpu.memory_space<hbm>> -> memref<16416x128xf32, #tpu.memory_space<hbm>>
            tpu.enqueue_indirect_dma source(%arg12 : memref<128x128xf32, #tpu.memory_space<vmem>>) target(%dma_start3A_303 : memref<16416x128xf32, #tpu.memory_space<hbm>>) offsets(%arg13 : memref<128xi32, #tpu.memory_space<vmem>>) semaphore(%arg16 : memref<!tpu.dma_semaphore, #tpu.memory_space<semaphore_mem>>)
            %dma_wait3A_304 = arith.constant 0 : i32
            %dma_wait3A_305 = arith.constant 0 : i32
            %dma_wait3A_306 = tpu.memref_slice %arg5[%dma_wait3A_304, %dma_wait3A_305] : memref<16416x128xf32, #tpu.memory_space<hbm>> -> memref<16416x128xf32, #tpu.memory_space<hbm>>
            tpu.wait_indirect_dma semaphore(%arg16 : memref<!tpu.dma_semaphore, #tpu.memory_space<semaphore_mem>>) src(%arg12 : memref<128x128xf32, #tpu.memory_space<vmem>>) dst(%dma_wait3A_306 : memref<16416x128xf32, #tpu.memory_space<hbm>>)
            %swap3A_307 = arith.constant 0 : index
            %swap3A_308 = tpu.vector_load %arg13[%swap3A_307] {strides = array<i32>} : memref<128xi32, #tpu.memory_space<vmem>>, vector<16xi32>,
            tpu.vector_store %arg13[%swap3A_307], %add3A_9 {strides = array<i32>} : memref<128xi32, #tpu.memory_space<vmem>>, vector<16xi32>,
            %swap3A_309 = arith.constant 16 : index
            %swap3A_310 = tpu.vector_load %arg13[%swap3A_309] {strides = array<i32>} : memref<128xi32, #tpu.memory_space<vmem>>, vector<16xi32>,
            tpu.vector_store %arg13[%swap3A_309], %add3A_9 {strides = array<i32>} : memref<128xi32, #tpu.memory_space<vmem>>, vector<16xi32>,
            %swap3A_311 = arith.constant 32 : index
            %swap3A_312 = tpu.vector_load %arg13[%swap3A_311] {strides = array<i32>} : memref<128xi32, #tpu.memory_space<vmem>>, vector<16xi32>,
            tpu.vector_store %arg13[%swap3A_311], %add3A_9 {strides = array<i32>} : memref<128xi32, #tpu.memory_space<vmem>>, vector<16xi32>,
            %swap3A_313 = arith.constant 48 : index
            %swap3A_314 = tpu.vector_load %arg13[%swap3A_313] {strides = array<i32>} : memref<128xi32, #tpu.memory_space<vmem>>, vector<16xi32>,
            tpu.vector_store %arg13[%swap3A_313], %add3A_9 {strides = array<i32>} : memref<128xi32, #tpu.memory_space<vmem>>, vector<16xi32>,
            %swap3A_315 = arith.constant 64 : index
            %swap3A_316 = tpu.vector_load %arg13[%swap3A_315] {strides = array<i32>} : memref<128xi32, #tpu.memory_space<vmem>>, vector<16xi32>,
            tpu.vector_store %arg13[%swap3A_315], %add3A_9 {strides = array<i32>} : memref<128xi32, #tpu.memory_space<vmem>>, vector<16xi32>,
            %swap3A_317 = arith.constant 80 : index
            %swap3A_318 = tpu.vector_load %arg13[%swap3A_317] {strides = array<i32>} : memref<128xi32, #tpu.memory_space<vmem>>, vector<16xi32>,
            tpu.vector_store %arg13[%swap3A_317], %add3A_9 {strides = array<i32>} : memref<128xi32, #tpu.memory_space<vmem>>, vector<16xi32>,
            %swap3A_319 = arith.constant 96 : index
            %swap3A_320 = tpu.vector_load %arg13[%swap3A_319] {strides = array<i32>} : memref<128xi32, #tpu.memory_space<vmem>>, vector<16xi32>,
            tpu.vector_store %arg13[%swap3A_319], %add3A_9 {strides = array<i32>} : memref<128xi32, #tpu.memory_space<vmem>>, vector<16xi32>,
            %swap3A_321 = arith.constant 112 : index
            %swap3A_322 = tpu.vector_load %arg13[%swap3A_321] {strides = array<i32>} : memref<128xi32, #tpu.memory_space<vmem>>, vector<16xi32>,
            tpu.vector_store %arg13[%swap3A_321], %add3A_9 {strides = array<i32>} : memref<128xi32, #tpu.memory_space<vmem>>, vector<16xi32>,
          } else {
          }
          %ne3A_297 = arith.cmpi ne, %iota3A, %all_reduce_ffs3A : vector<16xi32>
          %and3A_298 = arith.andi %while3A_237, %ne3A_297 : vector<16xi1>
          %add3A_299 = arith.constant 1 : i32
          %add3A_300 = arith.addi %while3A_235, %add3A_299 : i32
          scf.yield %add3A_300, %select_n3A_284, %and3A_298 : i32, vector<16xi32>, vector<16xi1>
        }
        scf.yield %while3A_233#0, %while3A_233#1 : i32, vector<16xi32>
      }
      %while3A_179 = arith.constant 1 : i32
      %while3A_180:2 = scf.for %while3A_215 = %while3A_176 to %while3A_172 step %while3A_179 iter_args(%while3A_216 = %while3A_178#0, %while3A_217 = %while3A_178#1) -> (i32, vector<16xi32>)  : i32 {
        %mul3A_218 = arith.constant 16 : i32
        %mul3A_219 = arith.muli %while3A_215, %mul3A_218 : i32
        %get3A = arith.index_cast %mul3A_219 : i32 to index
        %get3A_220 = tpu.vector_load %arg7[%get3A] {strides = array<i32>} : memref<16416xi32, #tpu.memory_space<vmem>>, vector<16xi32>,
        %shift_right_logical3A = arith.constant 7 : i32
        %shift_right_logical3A_221 = vector.broadcast %shift_right_logical3A : i32 to vector<16xi32>
        %shift_right_logical3A_222 = arith.shrui %get3A_220, %shift_right_logical3A_221 : vector<16xi32>
        %eq3A = arith.cmpi eq, %shift_right_logical3A_222, %add3A_169 : vector<16xi32>
        %all_reduce_population_count3A = tpu.all_reduce %eq3A {dim = 0 : i64, kind = #tpu.reduction_kind<sum>} : vector<16xi1> -> vector<16xi32>
        %slice3A = vector.extract_strided_slice %all_reduce_population_count3A {offsets = [0], sizes = [1], strides = [1]} : vector<16xi32> to vector<1xi32>
        %squeeze3A = vector.extract %slice3A[0] : i32 from vector<1xi32>
        %while3A_223 = arith.constant 0 : i32
        %while3A_224 = arith.subi %squeeze3A, %while3A_223 : i32
        %while3A_225 = arith.addi %while3A_223, %while3A_224 : i32
        %while3A_226 = arith.constant 1 : i32
        %while3A_227 = arith.divsi %while3A_224, %while3A_226 : i32
        %while3A_228 = arith.muli %while3A_227, %while3A_226 : i32
        %while3A_229 = arith.addi %while3A_223, %while3A_228 : i32
        %while3A_230 = arith.constant 1 : i32
        %while3A_231:3 = scf.for %while3A_234 = %while3A_223 to %while3A_229 step %while3A_230 iter_args(%while3A_235 = %while3A_216, %while3A_236 = %while3A_217, %while3A_237 = %eq3A) -> (i32, vector<16xi32>, vector<16xi1>)  : i32 {
          %all_reduce_ffs3A = tpu.all_reduce %while3A_237 {dim = 0 : i64, kind = #tpu.reduction_kind<find_first_set>} : vector<16xi1> -> vector<16xi32>
          %broadcast_in_dim3A_238 = vector.shape_cast %all_reduce_ffs3A : vector<16xi32> to vector<16x1xi32>
          %gather3A = vector.shape_cast %broadcast_in_dim3A_238 : vector<16x1xi32> to vector<16xi32>
          %gather3A_239 = tpu.dynamic_gather %get3A_220[%gather3A] in [0] : vector<16xi32>, vector<16xi32> -> vector<16xi32>
          %and3A_240 = arith.constant 127 : i32
          %and3A_241 = vector.broadcast %and3A_240 : i32 to vector<16xi32>
          %and3A_242 = arith.andi %gather3A_239, %and3A_241 : vector<16xi32>
          %mul3A_243 = arith.constant 16 : i32
          %mul3A_244 = arith.muli %while3A_215, %mul3A_243 : i32
          %get3A_245 = arith.index_cast %mul3A_244 : i32 to index
          %get3A_246 = tpu.vector_load %arg8[%get3A_245] {strides = array<i32>} : memref<16416xi32, #tpu.memory_space<vmem>>, vector<16xi32>,
          %broadcast_in_dim3A_247 = vector.shape_cast %all_reduce_ffs3A : vector<16xi32> to vector<16x1xi32>
          %gather3A_248 = vector.shape_cast %broadcast_in_dim3A_247 : vector<16x1xi32> to vector<16xi32>
          %gather3A_249 = tpu.dynamic_gather %get3A_246[%gather3A_248] in [0] : vector<16xi32>, vector<16xi32> -> vector<16xi32>
          %and3A_250 = arith.constant 127 : i32
          %and3A_251 = arith.andi %while3A_235, %and3A_250 : i32
          %add3A_252 = arith.constant 0 : i32
          %add3A_253 = vector.broadcast %add3A_252 : i32 to vector<16xi32>
          %add3A_254 = arith.addi %add3A_253, %iota3A : vector<16xi32>
          %gather3A_255 = tpu.vector_load_idx %arg9[%add3A_254, %and3A_242] : memref<64x128xf32, #tpu.memory_space<vmem>>[vector<16xi32>, vector<16xi32>], vector<16xf32>,
          %swap3A_256 = arith.index_cast %and3A_251 : i32 to index
          %swap3A_257 = arith.constant 0 : index
          %swap3A_258 = tpu.vector_load %arg12[%swap3A_256, %swap3A_257] {strides = array<i32>} : memref<128x128xf32, #tpu.memory_space<vmem>>, vector<16xf32>,
          tpu.vector_store %arg12[%swap3A_256, %swap3A_257], %gather3A_255 {strides = array<i32>} : memref<128x128xf32, #tpu.memory_space<vmem>>, vector<16xf32>,
          %add3A_259 = arith.constant 16 : i32
          %add3A_260 = vector.broadcast %add3A_259 : i32 to vector<16xi32>
          %add3A_261 = arith.addi %add3A_260, %iota3A : vector<16xi32>
          %gather3A_262 = tpu.vector_load_idx %arg9[%add3A_261, %and3A_242] : memref<64x128xf32, #tpu.memory_space<vmem>>[vector<16xi32>, vector<16xi32>], vector<16xf32>,
          %swap3A_263 = arith.index_cast %and3A_251 : i32 to index
          %swap3A_264 = arith.constant 16 : index
          %swap3A_265 = tpu.vector_load %arg12[%swap3A_263, %swap3A_264] {strides = array<i32>} : memref<128x128xf32, #tpu.memory_space<vmem>>, vector<16xf32>,
          tpu.vector_store %arg12[%swap3A_263, %swap3A_264], %gather3A_262 {strides = array<i32>} : memref<128x128xf32, #tpu.memory_space<vmem>>, vector<16xf32>,
          %add3A_266 = arith.constant 32 : i32
          %add3A_267 = vector.broadcast %add3A_266 : i32 to vector<16xi32>
          %add3A_268 = arith.addi %add3A_267, %iota3A : vector<16xi32>
          %gather3A_269 = tpu.vector_load_idx %arg9[%add3A_268, %and3A_242] : memref<64x128xf32, #tpu.memory_space<vmem>>[vector<16xi32>, vector<16xi32>], vector<16xf32>,
          %swap3A_270 = arith.index_cast %and3A_251 : i32 to index
          %swap3A_271 = arith.constant 32 : index
          %swap3A_272 = tpu.vector_load %arg12[%swap3A_270, %swap3A_271] {strides = array<i32>} : memref<128x128xf32, #tpu.memory_space<vmem>>, vector<16xf32>,
          tpu.vector_store %arg12[%swap3A_270, %swap3A_271], %gather3A_269 {strides = array<i32>} : memref<128x128xf32, #tpu.memory_space<vmem>>, vector<16xf32>,
          %add3A_273 = arith.constant 48 : i32
          %add3A_274 = vector.broadcast %add3A_273 : i32 to vector<16xi32>
          %add3A_275 = arith.addi %add3A_274, %iota3A : vector<16xi32>
          %gather3A_276 = tpu.vector_load_idx %arg9[%add3A_275, %and3A_242] : memref<64x128xf32, #tpu.memory_space<vmem>>[vector<16xi32>, vector<16xi32>], vector<16xf32>,
          %swap3A_277 = arith.index_cast %and3A_251 : i32 to index
          %swap3A_278 = arith.constant 48 : index
          %swap3A_279 = tpu.vector_load %arg12[%swap3A_277, %swap3A_278] {strides = array<i32>} : memref<128x128xf32, #tpu.memory_space<vmem>>, vector<16xf32>,
          tpu.vector_store %arg12[%swap3A_277, %swap3A_278], %gather3A_276 {strides = array<i32>} : memref<128x128xf32, #tpu.memory_space<vmem>>, vector<16xf32>,
          %and3A_280 = arith.constant 15 : i32
          %and3A_281 = arith.andi %and3A_251, %and3A_280 : i32
          %eq3A_282 = vector.broadcast %and3A_281 : i32 to vector<16xi32>
          %eq3A_283 = arith.cmpi eq, %iota3A, %eq3A_282 : vector<16xi32>
          %select_n3A_284 = arith.select %eq3A_283, %gather3A_249, %while3A_236 : vector<16xi1>, vector<16xi32>
          %and3A_285 = arith.constant 15 : i32
          %and3A_286 = arith.andi %and3A_251, %and3A_285 : i32
          %eq3A_287 = arith.constant 15 : i32
          %eq3A_288 = arith.cmpi eq, %and3A_286, %eq3A_287 : i32
          %convert_element_type3A_289 = arith.extui %eq3A_288 : i1 to i32
          %cond3A_290 = arith.constant 0 : i32
          %cond3A_291 = arith.cmpi ne, %convert_element_type3A_289, %cond3A_290 : i32
          scf.if %cond3A_291 {
            %and3A_301 = arith.constant 112 : i32
            %and3A_302 = arith.andi %and3A_251, %and3A_301 : i32
            %swap3A_303 = arith.index_cast %and3A_302 : i32 to index
            %swap3A_304 = tpu.vector_load %arg13[%swap3A_303] {strides = array<i32>} : memref<128xi32, #tpu.memory_space<vmem>>, vector<16xi32>,
            tpu.vector_store %arg13[%swap3A_303], %select_n3A_284 {strides = array<i32>} : memref<128xi32, #tpu.memory_space<vmem>>, vector<16xi32>,
          } else {
          }
          %eq3A_292 = arith.constant 127 : i32
          %eq3A_293 = arith.cmpi eq, %and3A_251, %eq3A_292 : i32
          %convert_element_type3A_294 = arith.extui %eq3A_293 : i1 to i32
          %cond3A_295 = arith.constant 0 : i32
          %cond3A_296 = arith.cmpi ne, %convert_element_type3A_294, %cond3A_295 : i32
          scf.if %cond3A_296 {
            %dma_start3A_301 = arith.constant 0 : i32
            %dma_start3A_302 = arith.constant 0 : i32
            %dma_start3A_303 = tpu.memref_slice %arg5[%dma_start3A_301, %dma_start3A_302] : memref<16416x128xf32, #tpu.memory_space<hbm>> -> memref<16416x128xf32, #tpu.memory_space<hbm>>
            tpu.enqueue_indirect_dma source(%arg12 : memref<128x128xf32, #tpu.memory_space<vmem>>) target(%dma_start3A_303 : memref<16416x128xf32, #tpu.memory_space<hbm>>) offsets(%arg13 : memref<128xi32, #tpu.memory_space<vmem>>) semaphore(%arg16 : memref<!tpu.dma_semaphore, #tpu.memory_space<semaphore_mem>>)
            %dma_wait3A_304 = arith.constant 0 : i32
            %dma_wait3A_305 = arith.constant 0 : i32
            %dma_wait3A_306 = tpu.memref_slice %arg5[%dma_wait3A_304, %dma_wait3A_305] : memref<16416x128xf32, #tpu.memory_space<hbm>> -> memref<16416x128xf32, #tpu.memory_space<hbm>>
            tpu.wait_indirect_dma semaphore(%arg16 : memref<!tpu.dma_semaphore, #tpu.memory_space<semaphore_mem>>) src(%arg12 : memref<128x128xf32, #tpu.memory_space<vmem>>) dst(%dma_wait3A_306 : memref<16416x128xf32, #tpu.memory_space<hbm>>)
            %swap3A_307 = arith.constant 0 : index
            %swap3A_308 = tpu.vector_load %arg13[%swap3A_307] {strides = array<i32>} : memref<128xi32, #tpu.memory_space<vmem>>, vector<16xi32>,
            tpu.vector_store %arg13[%swap3A_307], %add3A_9 {strides = array<i32>} : memref<128xi32, #tpu.memory_space<vmem>>, vector<16xi32>,
            %swap3A_309 = arith.constant 16 : index
            %swap3A_310 = tpu.vector_load %arg13[%swap3A_309] {strides = array<i32>} : memref<128xi32, #tpu.memory_space<vmem>>, vector<16xi32>,
            tpu.vector_store %arg13[%swap3A_309], %add3A_9 {strides = array<i32>} : memref<128xi32, #tpu.memory_space<vmem>>, vector<16xi32>,
            %swap3A_311 = arith.constant 32 : index
            %swap3A_312 = tpu.vector_load %arg13[%swap3A_311] {strides = array<i32>} : memref<128xi32, #tpu.memory_space<vmem>>, vector<16xi32>,
            tpu.vector_store %arg13[%swap3A_311], %add3A_9 {strides = array<i32>} : memref<128xi32, #tpu.memory_space<vmem>>, vector<16xi32>,
            %swap3A_313 = arith.constant 48 : index
            %swap3A_314 = tpu.vector_load %arg13[%swap3A_313] {strides = array<i32>} : memref<128xi32, #tpu.memory_space<vmem>>, vector<16xi32>,
            tpu.vector_store %arg13[%swap3A_313], %add3A_9 {strides = array<i32>} : memref<128xi32, #tpu.memory_space<vmem>>, vector<16xi32>,
            %swap3A_315 = arith.constant 64 : index
            %swap3A_316 = tpu.vector_load %arg13[%swap3A_315] {strides = array<i32>} : memref<128xi32, #tpu.memory_space<vmem>>, vector<16xi32>,
            tpu.vector_store %arg13[%swap3A_315], %add3A_9 {strides = array<i32>} : memref<128xi32, #tpu.memory_space<vmem>>, vector<16xi32>,
            %swap3A_317 = arith.constant 80 : index
            %swap3A_318 = tpu.vector_load %arg13[%swap3A_317] {strides = array<i32>} : memref<128xi32, #tpu.memory_space<vmem>>, vector<16xi32>,
            tpu.vector_store %arg13[%swap3A_317], %add3A_9 {strides = array<i32>} : memref<128xi32, #tpu.memory_space<vmem>>, vector<16xi32>,
            %swap3A_319 = arith.constant 96 : index
            %swap3A_320 = tpu.vector_load %arg13[%swap3A_319] {strides = array<i32>} : memref<128xi32, #tpu.memory_space<vmem>>, vector<16xi32>,
            tpu.vector_store %arg13[%swap3A_319], %add3A_9 {strides = array<i32>} : memref<128xi32, #tpu.memory_space<vmem>>, vector<16xi32>,
            %swap3A_321 = arith.constant 112 : index
            %swap3A_322 = tpu.vector_load %arg13[%swap3A_321] {strides = array<i32>} : memref<128xi32, #tpu.memory_space<vmem>>, vector<16xi32>,
            tpu.vector_store %arg13[%swap3A_321], %add3A_9 {strides = array<i32>} : memref<128xi32, #tpu.memory_space<vmem>>, vector<16xi32>,
          } else {
          }
          %ne3A_297 = arith.cmpi ne, %iota3A, %all_reduce_ffs3A : vector<16xi32>
          %and3A_298 = arith.andi %while3A_237, %ne3A_297 : vector<16xi1>
          %add3A_299 = arith.constant 1 : i32
          %add3A_300 = arith.addi %while3A_235, %add3A_299 : i32
          scf.yield %add3A_300, %select_n3A_284, %and3A_298 : i32, vector<16xi32>, vector<16xi1>
        }
        %while3A_232 = arith.constant 1 : i32
        %while3A_233:3 = scf.for %while3A_234 = %while3A_229 to %while3A_225 step %while3A_232 iter_args(%while3A_235 = %while3A_231#0, %while3A_236 = %while3A_231#1, %while3A_237 = %while3A_231#2) -> (i32, vector<16xi32>, vector<16xi1>)  : i32 {
          %all_reduce_ffs3A = tpu.all_reduce %while3A_237 {dim = 0 : i64, kind = #tpu.reduction_kind<find_first_set>} : vector<16xi1> -> vector<16xi32>
          %broadcast_in_dim3A_238 = vector.shape_cast %all_reduce_ffs3A : vector<16xi32> to vector<16x1xi32>
          %gather3A = vector.shape_cast %broadcast_in_dim3A_238 : vector<16x1xi32> to vector<16xi32>
          %gather3A_239 = tpu.dynamic_gather %get3A_220[%gather3A] in [0] : vector<16xi32>, vector<16xi32> -> vector<16xi32>
          %and3A_240 = arith.constant 127 : i32
          %and3A_241 = vector.broadcast %and3A_240 : i32 to vector<16xi32>
          %and3A_242 = arith.andi %gather3A_239, %and3A_241 : vector<16xi32>
          %mul3A_243 = arith.constant 16 : i32
          %mul3A_244 = arith.muli %while3A_215, %mul3A_243 : i32
          %get3A_245 = arith.index_cast %mul3A_244 : i32 to index
          %get3A_246 = tpu.vector_load %arg8[%get3A_245] {strides = array<i32>} : memref<16416xi32, #tpu.memory_space<vmem>>, vector<16xi32>,
          %broadcast_in_dim3A_247 = vector.shape_cast %all_reduce_ffs3A : vector<16xi32> to vector<16x1xi32>
          %gather3A_248 = vector.shape_cast %broadcast_in_dim3A_247 : vector<16x1xi32> to vector<16xi32>
          %gather3A_249 = tpu.dynamic_gather %get3A_246[%gather3A_248] in [0] : vector<16xi32>, vector<16xi32> -> vector<16xi32>
          %and3A_250 = arith.constant 127 : i32
          %and3A_251 = arith.andi %while3A_235, %and3A_250 : i32
          %add3A_252 = arith.constant 0 : i32
          %add3A_253 = vector.broadcast %add3A_252 : i32 to vector<16xi32>
          %add3A_254 = arith.addi %add3A_253, %iota3A : vector<16xi32>
          %gather3A_255 = tpu.vector_load_idx %arg9[%add3A_254, %and3A_242] : memref<64x128xf32, #tpu.memory_space<vmem>>[vector<16xi32>, vector<16xi32>], vector<16xf32>,
          %swap3A_256 = arith.index_cast %and3A_251 : i32 to index
          %swap3A_257 = arith.constant 0 : index
          %swap3A_258 = tpu.vector_load %arg12[%swap3A_256, %swap3A_257] {strides = array<i32>} : memref<128x128xf32, #tpu.memory_space<vmem>>, vector<16xf32>,
          tpu.vector_store %arg12[%swap3A_256, %swap3A_257], %gather3A_255 {strides = array<i32>} : memref<128x128xf32, #tpu.memory_space<vmem>>, vector<16xf32>,
          %add3A_259 = arith.constant 16 : i32
          %add3A_260 = vector.broadcast %add3A_259 : i32 to vector<16xi32>
          %add3A_261 = arith.addi %add3A_260, %iota3A : vector<16xi32>
          %gather3A_262 = tpu.vector_load_idx %arg9[%add3A_261, %and3A_242] : memref<64x128xf32, #tpu.memory_space<vmem>>[vector<16xi32>, vector<16xi32>], vector<16xf32>,
          %swap3A_263 = arith.index_cast %and3A_251 : i32 to index
          %swap3A_264 = arith.constant 16 : index
          %swap3A_265 = tpu.vector_load %arg12[%swap3A_263, %swap3A_264] {strides = array<i32>} : memref<128x128xf32, #tpu.memory_space<vmem>>, vector<16xf32>,
          tpu.vector_store %arg12[%swap3A_263, %swap3A_264], %gather3A_262 {strides = array<i32>} : memref<128x128xf32, #tpu.memory_space<vmem>>, vector<16xf32>,
          %add3A_266 = arith.constant 32 : i32
          %add3A_267 = vector.broadcast %add3A_266 : i32 to vector<16xi32>
          %add3A_268 = arith.addi %add3A_267, %iota3A : vector<16xi32>
          %gather3A_269 = tpu.vector_load_idx %arg9[%add3A_268, %and3A_242] : memref<64x128xf32, #tpu.memory_space<vmem>>[vector<16xi32>, vector<16xi32>], vector<16xf32>,
          %swap3A_270 = arith.index_cast %and3A_251 : i32 to index
          %swap3A_271 = arith.constant 32 : index
          %swap3A_272 = tpu.vector_load %arg12[%swap3A_270, %swap3A_271] {strides = array<i32>} : memref<128x128xf32, #tpu.memory_space<vmem>>, vector<16xf32>,
          tpu.vector_store %arg12[%swap3A_270, %swap3A_271], %gather3A_269 {strides = array<i32>} : memref<128x128xf32, #tpu.memory_space<vmem>>, vector<16xf32>,
          %add3A_273 = arith.constant 48 : i32
          %add3A_274 = vector.broadcast %add3A_273 : i32 to vector<16xi32>
          %add3A_275 = arith.addi %add3A_274, %iota3A : vector<16xi32>
          %gather3A_276 = tpu.vector_load_idx %arg9[%add3A_275, %and3A_242] : memref<64x128xf32, #tpu.memory_space<vmem>>[vector<16xi32>, vector<16xi32>], vector<16xf32>,
          %swap3A_277 = arith.index_cast %and3A_251 : i32 to index
          %swap3A_278 = arith.constant 48 : index
          %swap3A_279 = tpu.vector_load %arg12[%swap3A_277, %swap3A_278] {strides = array<i32>} : memref<128x128xf32, #tpu.memory_space<vmem>>, vector<16xf32>,
          tpu.vector_store %arg12[%swap3A_277, %swap3A_278], %gather3A_276 {strides = array<i32>} : memref<128x128xf32, #tpu.memory_space<vmem>>, vector<16xf32>,
          %and3A_280 = arith.constant 15 : i32
          %and3A_281 = arith.andi %and3A_251, %and3A_280 : i32
          %eq3A_282 = vector.broadcast %and3A_281 : i32 to vector<16xi32>
          %eq3A_283 = arith.cmpi eq, %iota3A, %eq3A_282 : vector<16xi32>
          %select_n3A_284 = arith.select %eq3A_283, %gather3A_249, %while3A_236 : vector<16xi1>, vector<16xi32>
          %and3A_285 = arith.constant 15 : i32
          %and3A_286 = arith.andi %and3A_251, %and3A_285 : i32
          %eq3A_287 = arith.constant 15 : i32
          %eq3A_288 = arith.cmpi eq, %and3A_286, %eq3A_287 : i32
          %convert_element_type3A_289 = arith.extui %eq3A_288 : i1 to i32
          %cond3A_290 = arith.constant 0 : i32
          %cond3A_291 = arith.cmpi ne, %convert_element_type3A_289, %cond3A_290 : i32
          scf.if %cond3A_291 {
            %and3A_301 = arith.constant 112 : i32
            %and3A_302 = arith.andi %and3A_251, %and3A_301 : i32
            %swap3A_303 = arith.index_cast %and3A_302 : i32 to index
            %swap3A_304 = tpu.vector_load %arg13[%swap3A_303] {strides = array<i32>} : memref<128xi32, #tpu.memory_space<vmem>>, vector<16xi32>,
            tpu.vector_store %arg13[%swap3A_303], %select_n3A_284 {strides = array<i32>} : memref<128xi32, #tpu.memory_space<vmem>>, vector<16xi32>,
          } else {
          }
          %eq3A_292 = arith.constant 127 : i32
          %eq3A_293 = arith.cmpi eq, %and3A_251, %eq3A_292 : i32
          %convert_element_type3A_294 = arith.extui %eq3A_293 : i1 to i32
          %cond3A_295 = arith.constant 0 : i32
          %cond3A_296 = arith.cmpi ne, %convert_element_type3A_294, %cond3A_295 : i32
          scf.if %cond3A_296 {
            %dma_start3A_301 = arith.constant 0 : i32
            %dma_start3A_302 = arith.constant 0 : i32
            %dma_start3A_303 = tpu.memref_slice %arg5[%dma_start3A_301, %dma_start3A_302] : memref<16416x128xf32, #tpu.memory_space<hbm>> -> memref<16416x128xf32, #tpu.memory_space<hbm>>
            tpu.enqueue_indirect_dma source(%arg12 : memref<128x128xf32, #tpu.memory_space<vmem>>) target(%dma_start3A_303 : memref<16416x128xf32, #tpu.memory_space<hbm>>) offsets(%arg13 : memref<128xi32, #tpu.memory_space<vmem>>) semaphore(%arg16 : memref<!tpu.dma_semaphore, #tpu.memory_space<semaphore_mem>>)
            %dma_wait3A_304 = arith.constant 0 : i32
            %dma_wait3A_305 = arith.constant 0 : i32
            %dma_wait3A_306 = tpu.memref_slice %arg5[%dma_wait3A_304, %dma_wait3A_305] : memref<16416x128xf32, #tpu.memory_space<hbm>> -> memref<16416x128xf32, #tpu.memory_space<hbm>>
            tpu.wait_indirect_dma semaphore(%arg16 : memref<!tpu.dma_semaphore, #tpu.memory_space<semaphore_mem>>) src(%arg12 : memref<128x128xf32, #tpu.memory_space<vmem>>) dst(%dma_wait3A_306 : memref<16416x128xf32, #tpu.memory_space<hbm>>)
            %swap3A_307 = arith.constant 0 : index
            %swap3A_308 = tpu.vector_load %arg13[%swap3A_307] {strides = array<i32>} : memref<128xi32, #tpu.memory_space<vmem>>, vector<16xi32>,
            tpu.vector_store %arg13[%swap3A_307], %add3A_9 {strides = array<i32>} : memref<128xi32, #tpu.memory_space<vmem>>, vector<16xi32>,
            %swap3A_309 = arith.constant 16 : index
            %swap3A_310 = tpu.vector_load %arg13[%swap3A_309] {strides = array<i32>} : memref<128xi32, #tpu.memory_space<vmem>>, vector<16xi32>,
            tpu.vector_store %arg13[%swap3A_309], %add3A_9 {strides = array<i32>} : memref<128xi32, #tpu.memory_space<vmem>>, vector<16xi32>,
            %swap3A_311 = arith.constant 32 : index
            %swap3A_312 = tpu.vector_load %arg13[%swap3A_311] {strides = array<i32>} : memref<128xi32, #tpu.memory_space<vmem>>, vector<16xi32>,
            tpu.vector_store %arg13[%swap3A_311], %add3A_9 {strides = array<i32>} : memref<128xi32, #tpu.memory_space<vmem>>, vector<16xi32>,
            %swap3A_313 = arith.constant 48 : index
            %swap3A_314 = tpu.vector_load %arg13[%swap3A_313] {strides = array<i32>} : memref<128xi32, #tpu.memory_space<vmem>>, vector<16xi32>,
            tpu.vector_store %arg13[%swap3A_313], %add3A_9 {strides = array<i32>} : memref<128xi32, #tpu.memory_space<vmem>>, vector<16xi32>,
            %swap3A_315 = arith.constant 64 : index
            %swap3A_316 = tpu.vector_load %arg13[%swap3A_315] {strides = array<i32>} : memref<128xi32, #tpu.memory_space<vmem>>, vector<16xi32>,
            tpu.vector_store %arg13[%swap3A_315], %add3A_9 {strides = array<i32>} : memref<128xi32, #tpu.memory_space<vmem>>, vector<16xi32>,
            %swap3A_317 = arith.constant 80 : index
            %swap3A_318 = tpu.vector_load %arg13[%swap3A_317] {strides = array<i32>} : memref<128xi32, #tpu.memory_space<vmem>>, vector<16xi32>,
            tpu.vector_store %arg13[%swap3A_317], %add3A_9 {strides = array<i32>} : memref<128xi32, #tpu.memory_space<vmem>>, vector<16xi32>,
            %swap3A_319 = arith.constant 96 : index
            %swap3A_320 = tpu.vector_load %arg13[%swap3A_319] {strides = array<i32>} : memref<128xi32, #tpu.memory_space<vmem>>, vector<16xi32>,
            tpu.vector_store %arg13[%swap3A_319], %add3A_9 {strides = array<i32>} : memref<128xi32, #tpu.memory_space<vmem>>, vector<16xi32>,
            %swap3A_321 = arith.constant 112 : index
            %swap3A_322 = tpu.vector_load %arg13[%swap3A_321] {strides = array<i32>} : memref<128xi32, #tpu.memory_space<vmem>>, vector<16xi32>,
            tpu.vector_store %arg13[%swap3A_321], %add3A_9 {strides = array<i32>} : memref<128xi32, #tpu.memory_space<vmem>>, vector<16xi32>,
          } else {
          }
          %ne3A_297 = arith.cmpi ne, %iota3A, %all_reduce_ffs3A : vector<16xi32>
          %and3A_298 = arith.andi %while3A_237, %ne3A_297 : vector<16xi1>
          %add3A_299 = arith.constant 1 : i32
          %add3A_300 = arith.addi %while3A_235, %add3A_299 : i32
          scf.yield %add3A_300, %select_n3A_284, %and3A_298 : i32, vector<16xi32>, vector<16xi1>
        }
        scf.yield %while3A_233#0, %while3A_233#1 : i32, vector<16xi32>
      }
      %add3A_181 = arith.constant 2 : i32
      %add3A_182 = arith.addi %mul3A_148, %add3A_181 : i32
      %add3A_183 = arith.addi %mul3A_2, %add3A_182 : i32
      %mul3A_184 = arith.constant 128 : i32
      %mul3A_185 = arith.muli %add3A_183, %mul3A_184 : i32
      %multiple_of3A_186 = tpu.assume_multiple %mul3A_185, 128 : i32
      %dma_start3A_187 = arith.constant 0 : i32
      %dma_start3A_188 = tpu.memref_slice %arg3[%dma_start3A_187, %multiple_of3A_186] : memref<64x1000000xf32, #tpu.memory_space<hbm>> -> memref<64x128xf32, #tpu.memory_space<hbm>>
      %dma_start3A_189 = arith.constant 0 : i32
      %dma_start3A_190 = tpu.memref_slice %arg3[%dma_start3A_189, %multiple_of3A_186] : memref<64x1000000xf32, #tpu.memory_space<hbm>> -> memref<64x128xf32, #tpu.memory_space<hbm>>
      tpu.enqueue_dma source(%dma_start3A_190 : memref<64x128xf32, #tpu.memory_space<hbm>>) target(%arg9 : memref<64x128xf32, #tpu.memory_space<vmem>>) target_semaphore(%arg14 : memref<!tpu.dma_semaphore, #tpu.memory_space<semaphore_mem>>)
      %dma_wait3A_191 = arith.constant 0 : i32
      %dma_wait3A_192 = arith.constant 0 : i32
      %dma_wait3A_193 = tpu.memref_slice %arg3[%dma_wait3A_191, %dma_wait3A_192] : memref<64x1000000xf32, #tpu.memory_space<hbm>> -> memref<64x128xf32, #tpu.memory_space<hbm>>
      %dma_wait3A_194 = arith.constant 0 : i32
      %dma_wait3A_195 = arith.constant 0 : i32
      %dma_wait3A_196 = tpu.memref_slice %arg3[%dma_wait3A_194, %dma_wait3A_195] : memref<64x1000000xf32, #tpu.memory_space<hbm>> -> memref<64x128xf32, #tpu.memory_space<hbm>>
      tpu.wait_dma2 semaphore(%arg15 : memref<!tpu.dma_semaphore, #tpu.memory_space<semaphore_mem>>) src(%dma_wait3A_196 : memref<64x128xf32, #tpu.memory_space<hbm>>) dst(%arg10 : memref<64x128xf32, #tpu.memory_space<vmem>>)
      %add3A_197 = arith.addi %mul3A_2, %mul3A_148 : i32
      %add3A_198 = arith.constant 1 : i32
      %add3A_199 = arith.addi %add3A_197, %add3A_198 : i32
      %broadcast_in_dim3A_200 = arith.constant 0 : i32
      %broadcast_in_dim3A_201 = vector.broadcast %broadcast_in_dim3A_200 : i32 to vector<16xi32>
      %add3A_202 = vector.broadcast %add3A_199 : i32 to vector<16xi32>
      %add3A_203 = arith.addi %broadcast_in_dim3A_201, %add3A_202 : vector<16xi32>
      %while3A_204 = arith.constant 0 : i32
      %while3A_205 = arith.subi %shift_right_arithmetic3A_37, %while3A_204 : i32
      %while3A_206 = arith.addi %while3A_204, %while3A_205 : i32
      %while3A_207 = arith.constant 1 : i32
      %while3A_208 = arith.divsi %while3A_205, %while3A_207 : i32
      %while3A_209 = arith.muli %while3A_208, %while3A_207 : i32
      %while3A_210 = arith.addi %while3A_204, %while3A_209 : i32
      %while3A_211 = arith.constant 1 : i32
      %while3A_212:2 = scf.for %while3A_215 = %while3A_204 to %while3A_210 step %while3A_211 iter_args(%while3A_216 = %while3A_180#0, %while3A_217 = %while3A_180#1) -> (i32, vector<16xi32>)  : i32 {
        %mul3A_218 = arith.constant 16 : i32
        %mul3A_219 = arith.muli %while3A_215, %mul3A_218 : i32
        %get3A = arith.index_cast %mul3A_219 : i32 to index
        %get3A_220 = tpu.vector_load %arg7[%get3A] {strides = array<i32>} : memref<16416xi32, #tpu.memory_space<vmem>>, vector<16xi32>,
        %shift_right_logical3A = arith.constant 7 : i32
        %shift_right_logical3A_221 = vector.broadcast %shift_right_logical3A : i32 to vector<16xi32>
        %shift_right_logical3A_222 = arith.shrui %get3A_220, %shift_right_logical3A_221 : vector<16xi32>
        %eq3A = arith.cmpi eq, %shift_right_logical3A_222, %add3A_203 : vector<16xi32>
        %all_reduce_population_count3A = tpu.all_reduce %eq3A {dim = 0 : i64, kind = #tpu.reduction_kind<sum>} : vector<16xi1> -> vector<16xi32>
        %slice3A = vector.extract_strided_slice %all_reduce_population_count3A {offsets = [0], sizes = [1], strides = [1]} : vector<16xi32> to vector<1xi32>
        %squeeze3A = vector.extract %slice3A[0] : i32 from vector<1xi32>
        %while3A_223 = arith.constant 0 : i32
        %while3A_224 = arith.subi %squeeze3A, %while3A_223 : i32
        %while3A_225 = arith.addi %while3A_223, %while3A_224 : i32
        %while3A_226 = arith.constant 1 : i32
        %while3A_227 = arith.divsi %while3A_224, %while3A_226 : i32
        %while3A_228 = arith.muli %while3A_227, %while3A_226 : i32
        %while3A_229 = arith.addi %while3A_223, %while3A_228 : i32
        %while3A_230 = arith.constant 1 : i32
        %while3A_231:3 = scf.for %while3A_234 = %while3A_223 to %while3A_229 step %while3A_230 iter_args(%while3A_235 = %while3A_216, %while3A_236 = %while3A_217, %while3A_237 = %eq3A) -> (i32, vector<16xi32>, vector<16xi1>)  : i32 {
          %all_reduce_ffs3A = tpu.all_reduce %while3A_237 {dim = 0 : i64, kind = #tpu.reduction_kind<find_first_set>} : vector<16xi1> -> vector<16xi32>
          %broadcast_in_dim3A_238 = vector.shape_cast %all_reduce_ffs3A : vector<16xi32> to vector<16x1xi32>
          %gather3A = vector.shape_cast %broadcast_in_dim3A_238 : vector<16x1xi32> to vector<16xi32>
          %gather3A_239 = tpu.dynamic_gather %get3A_220[%gather3A] in [0] : vector<16xi32>, vector<16xi32> -> vector<16xi32>
          %and3A_240 = arith.constant 127 : i32
          %and3A_241 = vector.broadcast %and3A_240 : i32 to vector<16xi32>
          %and3A_242 = arith.andi %gather3A_239, %and3A_241 : vector<16xi32>
          %mul3A_243 = arith.constant 16 : i32
          %mul3A_244 = arith.muli %while3A_215, %mul3A_243 : i32
          %get3A_245 = arith.index_cast %mul3A_244 : i32 to index
          %get3A_246 = tpu.vector_load %arg8[%get3A_245] {strides = array<i32>} : memref<16416xi32, #tpu.memory_space<vmem>>, vector<16xi32>,
          %broadcast_in_dim3A_247 = vector.shape_cast %all_reduce_ffs3A : vector<16xi32> to vector<16x1xi32>
          %gather3A_248 = vector.shape_cast %broadcast_in_dim3A_247 : vector<16x1xi32> to vector<16xi32>
          %gather3A_249 = tpu.dynamic_gather %get3A_246[%gather3A_248] in [0] : vector<16xi32>, vector<16xi32> -> vector<16xi32>
          %and3A_250 = arith.constant 127 : i32
          %and3A_251 = arith.andi %while3A_235, %and3A_250 : i32
          %add3A_252 = arith.constant 0 : i32
          %add3A_253 = vector.broadcast %add3A_252 : i32 to vector<16xi32>
          %add3A_254 = arith.addi %add3A_253, %iota3A : vector<16xi32>
          %gather3A_255 = tpu.vector_load_idx %arg10[%add3A_254, %and3A_242] : memref<64x128xf32, #tpu.memory_space<vmem>>[vector<16xi32>, vector<16xi32>], vector<16xf32>,
          %swap3A_256 = arith.index_cast %and3A_251 : i32 to index
          %swap3A_257 = arith.constant 0 : index
          %swap3A_258 = tpu.vector_load %arg12[%swap3A_256, %swap3A_257] {strides = array<i32>} : memref<128x128xf32, #tpu.memory_space<vmem>>, vector<16xf32>,
          tpu.vector_store %arg12[%swap3A_256, %swap3A_257], %gather3A_255 {strides = array<i32>} : memref<128x128xf32, #tpu.memory_space<vmem>>, vector<16xf32>,
          %add3A_259 = arith.constant 16 : i32
          %add3A_260 = vector.broadcast %add3A_259 : i32 to vector<16xi32>
          %add3A_261 = arith.addi %add3A_260, %iota3A : vector<16xi32>
          %gather3A_262 = tpu.vector_load_idx %arg10[%add3A_261, %and3A_242] : memref<64x128xf32, #tpu.memory_space<vmem>>[vector<16xi32>, vector<16xi32>], vector<16xf32>,
          %swap3A_263 = arith.index_cast %and3A_251 : i32 to index
          %swap3A_264 = arith.constant 16 : index
          %swap3A_265 = tpu.vector_load %arg12[%swap3A_263, %swap3A_264] {strides = array<i32>} : memref<128x128xf32, #tpu.memory_space<vmem>>, vector<16xf32>,
          tpu.vector_store %arg12[%swap3A_263, %swap3A_264], %gather3A_262 {strides = array<i32>} : memref<128x128xf32, #tpu.memory_space<vmem>>, vector<16xf32>,
          %add3A_266 = arith.constant 32 : i32
          %add3A_267 = vector.broadcast %add3A_266 : i32 to vector<16xi32>
          %add3A_268 = arith.addi %add3A_267, %iota3A : vector<16xi32>
          %gather3A_269 = tpu.vector_load_idx %arg10[%add3A_268, %and3A_242] : memref<64x128xf32, #tpu.memory_space<vmem>>[vector<16xi32>, vector<16xi32>], vector<16xf32>,
          %swap3A_270 = arith.index_cast %and3A_251 : i32 to index
          %swap3A_271 = arith.constant 32 : index
          %swap3A_272 = tpu.vector_load %arg12[%swap3A_270, %swap3A_271] {strides = array<i32>} : memref<128x128xf32, #tpu.memory_space<vmem>>, vector<16xf32>,
          tpu.vector_store %arg12[%swap3A_270, %swap3A_271], %gather3A_269 {strides = array<i32>} : memref<128x128xf32, #tpu.memory_space<vmem>>, vector<16xf32>,
          %add3A_273 = arith.constant 48 : i32
          %add3A_274 = vector.broadcast %add3A_273 : i32 to vector<16xi32>
          %add3A_275 = arith.addi %add3A_274, %iota3A : vector<16xi32>
          %gather3A_276 = tpu.vector_load_idx %arg10[%add3A_275, %and3A_242] : memref<64x128xf32, #tpu.memory_space<vmem>>[vector<16xi32>, vector<16xi32>], vector<16xf32>,
          %swap3A_277 = arith.index_cast %and3A_251 : i32 to index
          %swap3A_278 = arith.constant 48 : index
          %swap3A_279 = tpu.vector_load %arg12[%swap3A_277, %swap3A_278] {strides = array<i32>} : memref<128x128xf32, #tpu.memory_space<vmem>>, vector<16xf32>,
          tpu.vector_store %arg12[%swap3A_277, %swap3A_278], %gather3A_276 {strides = array<i32>} : memref<128x128xf32, #tpu.memory_space<vmem>>, vector<16xf32>,
          %and3A_280 = arith.constant 15 : i32
          %and3A_281 = arith.andi %and3A_251, %and3A_280 : i32
          %eq3A_282 = vector.broadcast %and3A_281 : i32 to vector<16xi32>
          %eq3A_283 = arith.cmpi eq, %iota3A, %eq3A_282 : vector<16xi32>
          %select_n3A_284 = arith.select %eq3A_283, %gather3A_249, %while3A_236 : vector<16xi1>, vector<16xi32>
          %and3A_285 = arith.constant 15 : i32
          %and3A_286 = arith.andi %and3A_251, %and3A_285 : i32
          %eq3A_287 = arith.constant 15 : i32
          %eq3A_288 = arith.cmpi eq, %and3A_286, %eq3A_287 : i32
          %convert_element_type3A_289 = arith.extui %eq3A_288 : i1 to i32
          %cond3A_290 = arith.constant 0 : i32
          %cond3A_291 = arith.cmpi ne, %convert_element_type3A_289, %cond3A_290 : i32
          scf.if %cond3A_291 {
            %and3A_301 = arith.constant 112 : i32
            %and3A_302 = arith.andi %and3A_251, %and3A_301 : i32
            %swap3A_303 = arith.index_cast %and3A_302 : i32 to index
            %swap3A_304 = tpu.vector_load %arg13[%swap3A_303] {strides = array<i32>} : memref<128xi32, #tpu.memory_space<vmem>>, vector<16xi32>,
            tpu.vector_store %arg13[%swap3A_303], %select_n3A_284 {strides = array<i32>} : memref<128xi32, #tpu.memory_space<vmem>>, vector<16xi32>,
          } else {
          }
          %eq3A_292 = arith.constant 127 : i32
          %eq3A_293 = arith.cmpi eq, %and3A_251, %eq3A_292 : i32
          %convert_element_type3A_294 = arith.extui %eq3A_293 : i1 to i32
          %cond3A_295 = arith.constant 0 : i32
          %cond3A_296 = arith.cmpi ne, %convert_element_type3A_294, %cond3A_295 : i32
          scf.if %cond3A_296 {
            %dma_start3A_301 = arith.constant 0 : i32
            %dma_start3A_302 = arith.constant 0 : i32
            %dma_start3A_303 = tpu.memref_slice %arg5[%dma_start3A_301, %dma_start3A_302] : memref<16416x128xf32, #tpu.memory_space<hbm>> -> memref<16416x128xf32, #tpu.memory_space<hbm>>
            tpu.enqueue_indirect_dma source(%arg12 : memref<128x128xf32, #tpu.memory_space<vmem>>) target(%dma_start3A_303 : memref<16416x128xf32, #tpu.memory_space<hbm>>) offsets(%arg13 : memref<128xi32, #tpu.memory_space<vmem>>) semaphore(%arg16 : memref<!tpu.dma_semaphore, #tpu.memory_space<semaphore_mem>>)
            %dma_wait3A_304 = arith.constant 0 : i32
            %dma_wait3A_305 = arith.constant 0 : i32
            %dma_wait3A_306 = tpu.memref_slice %arg5[%dma_wait3A_304, %dma_wait3A_305] : memref<16416x128xf32, #tpu.memory_space<hbm>> -> memref<16416x128xf32, #tpu.memory_space<hbm>>
            tpu.wait_indirect_dma semaphore(%arg16 : memref<!tpu.dma_semaphore, #tpu.memory_space<semaphore_mem>>) src(%arg12 : memref<128x128xf32, #tpu.memory_space<vmem>>) dst(%dma_wait3A_306 : memref<16416x128xf32, #tpu.memory_space<hbm>>)
            %swap3A_307 = arith.constant 0 : index
            %swap3A_308 = tpu.vector_load %arg13[%swap3A_307] {strides = array<i32>} : memref<128xi32, #tpu.memory_space<vmem>>, vector<16xi32>,
            tpu.vector_store %arg13[%swap3A_307], %add3A_9 {strides = array<i32>} : memref<128xi32, #tpu.memory_space<vmem>>, vector<16xi32>,
            %swap3A_309 = arith.constant 16 : index
            %swap3A_310 = tpu.vector_load %arg13[%swap3A_309] {strides = array<i32>} : memref<128xi32, #tpu.memory_space<vmem>>, vector<16xi32>,
            tpu.vector_store %arg13[%swap3A_309], %add3A_9 {strides = array<i32>} : memref<128xi32, #tpu.memory_space<vmem>>, vector<16xi32>,
            %swap3A_311 = arith.constant 32 : index
            %swap3A_312 = tpu.vector_load %arg13[%swap3A_311] {strides = array<i32>} : memref<128xi32, #tpu.memory_space<vmem>>, vector<16xi32>,
            tpu.vector_store %arg13[%swap3A_311], %add3A_9 {strides = array<i32>} : memref<128xi32, #tpu.memory_space<vmem>>, vector<16xi32>,
            %swap3A_313 = arith.constant 48 : index
            %swap3A_314 = tpu.vector_load %arg13[%swap3A_313] {strides = array<i32>} : memref<128xi32, #tpu.memory_space<vmem>>, vector<16xi32>,
            tpu.vector_store %arg13[%swap3A_313], %add3A_9 {strides = array<i32>} : memref<128xi32, #tpu.memory_space<vmem>>, vector<16xi32>,
            %swap3A_315 = arith.constant 64 : index
            %swap3A_316 = tpu.vector_load %arg13[%swap3A_315] {strides = array<i32>} : memref<128xi32, #tpu.memory_space<vmem>>, vector<16xi32>,
            tpu.vector_store %arg13[%swap3A_315], %add3A_9 {strides = array<i32>} : memref<128xi32, #tpu.memory_space<vmem>>, vector<16xi32>,
            %swap3A_317 = arith.constant 80 : index
            %swap3A_318 = tpu.vector_load %arg13[%swap3A_317] {strides = array<i32>} : memref<128xi32, #tpu.memory_space<vmem>>, vector<16xi32>,
            tpu.vector_store %arg13[%swap3A_317], %add3A_9 {strides = array<i32>} : memref<128xi32, #tpu.memory_space<vmem>>, vector<16xi32>,
            %swap3A_319 = arith.constant 96 : index
            %swap3A_320 = tpu.vector_load %arg13[%swap3A_319] {strides = array<i32>} : memref<128xi32, #tpu.memory_space<vmem>>, vector<16xi32>,
            tpu.vector_store %arg13[%swap3A_319], %add3A_9 {strides = array<i32>} : memref<128xi32, #tpu.memory_space<vmem>>, vector<16xi32>,
            %swap3A_321 = arith.constant 112 : index
            %swap3A_322 = tpu.vector_load %arg13[%swap3A_321] {strides = array<i32>} : memref<128xi32, #tpu.memory_space<vmem>>, vector<16xi32>,
            tpu.vector_store %arg13[%swap3A_321], %add3A_9 {strides = array<i32>} : memref<128xi32, #tpu.memory_space<vmem>>, vector<16xi32>,
          } else {
          }
          %ne3A_297 = arith.cmpi ne, %iota3A, %all_reduce_ffs3A : vector<16xi32>
          %and3A_298 = arith.andi %while3A_237, %ne3A_297 : vector<16xi1>
          %add3A_299 = arith.constant 1 : i32
          %add3A_300 = arith.addi %while3A_235, %add3A_299 : i32
          scf.yield %add3A_300, %select_n3A_284, %and3A_298 : i32, vector<16xi32>, vector<16xi1>
        }
        %while3A_232 = arith.constant 1 : i32
        %while3A_233:3 = scf.for %while3A_234 = %while3A_229 to %while3A_225 step %while3A_232 iter_args(%while3A_235 = %while3A_231#0, %while3A_236 = %while3A_231#1, %while3A_237 = %while3A_231#2) -> (i32, vector<16xi32>, vector<16xi1>)  : i32 {
          %all_reduce_ffs3A = tpu.all_reduce %while3A_237 {dim = 0 : i64, kind = #tpu.reduction_kind<find_first_set>} : vector<16xi1> -> vector<16xi32>
          %broadcast_in_dim3A_238 = vector.shape_cast %all_reduce_ffs3A : vector<16xi32> to vector<16x1xi32>
          %gather3A = vector.shape_cast %broadcast_in_dim3A_238 : vector<16x1xi32> to vector<16xi32>
          %gather3A_239 = tpu.dynamic_gather %get3A_220[%gather3A] in [0] : vector<16xi32>, vector<16xi32> -> vector<16xi32>
          %and3A_240 = arith.constant 127 : i32
          %and3A_241 = vector.broadcast %and3A_240 : i32 to vector<16xi32>
          %and3A_242 = arith.andi %gather3A_239, %and3A_241 : vector<16xi32>
          %mul3A_243 = arith.constant 16 : i32
          %mul3A_244 = arith.muli %while3A_215, %mul3A_243 : i32
          %get3A_245 = arith.index_cast %mul3A_244 : i32 to index
          %get3A_246 = tpu.vector_load %arg8[%get3A_245] {strides = array<i32>} : memref<16416xi32, #tpu.memory_space<vmem>>, vector<16xi32>,
          %broadcast_in_dim3A_247 = vector.shape_cast %all_reduce_ffs3A : vector<16xi32> to vector<16x1xi32>
          %gather3A_248 = vector.shape_cast %broadcast_in_dim3A_247 : vector<16x1xi32> to vector<16xi32>
          %gather3A_249 = tpu.dynamic_gather %get3A_246[%gather3A_248] in [0] : vector<16xi32>, vector<16xi32> -> vector<16xi32>
          %and3A_250 = arith.constant 127 : i32
          %and3A_251 = arith.andi %while3A_235, %and3A_250 : i32
          %add3A_252 = arith.constant 0 : i32
          %add3A_253 = vector.broadcast %add3A_252 : i32 to vector<16xi32>
          %add3A_254 = arith.addi %add3A_253, %iota3A : vector<16xi32>
          %gather3A_255 = tpu.vector_load_idx %arg10[%add3A_254, %and3A_242] : memref<64x128xf32, #tpu.memory_space<vmem>>[vector<16xi32>, vector<16xi32>], vector<16xf32>,
          %swap3A_256 = arith.index_cast %and3A_251 : i32 to index
          %swap3A_257 = arith.constant 0 : index
          %swap3A_258 = tpu.vector_load %arg12[%swap3A_256, %swap3A_257] {strides = array<i32>} : memref<128x128xf32, #tpu.memory_space<vmem>>, vector<16xf32>,
          tpu.vector_store %arg12[%swap3A_256, %swap3A_257], %gather3A_255 {strides = array<i32>} : memref<128x128xf32, #tpu.memory_space<vmem>>, vector<16xf32>,
          %add3A_259 = arith.constant 16 : i32
          %add3A_260 = vector.broadcast %add3A_259 : i32 to vector<16xi32>
          %add3A_261 = arith.addi %add3A_260, %iota3A : vector<16xi32>
          %gather3A_262 = tpu.vector_load_idx %arg10[%add3A_261, %and3A_242] : memref<64x128xf32, #tpu.memory_space<vmem>>[vector<16xi32>, vector<16xi32>], vector<16xf32>,
          %swap3A_263 = arith.index_cast %and3A_251 : i32 to index
          %swap3A_264 = arith.constant 16 : index
          %swap3A_265 = tpu.vector_load %arg12[%swap3A_263, %swap3A_264] {strides = array<i32>} : memref<128x128xf32, #tpu.memory_space<vmem>>, vector<16xf32>,
          tpu.vector_store %arg12[%swap3A_263, %swap3A_264], %gather3A_262 {strides = array<i32>} : memref<128x128xf32, #tpu.memory_space<vmem>>, vector<16xf32>,
          %add3A_266 = arith.constant 32 : i32
          %add3A_267 = vector.broadcast %add3A_266 : i32 to vector<16xi32>
          %add3A_268 = arith.addi %add3A_267, %iota3A : vector<16xi32>
          %gather3A_269 = tpu.vector_load_idx %arg10[%add3A_268, %and3A_242] : memref<64x128xf32, #tpu.memory_space<vmem>>[vector<16xi32>, vector<16xi32>], vector<16xf32>,
          %swap3A_270 = arith.index_cast %and3A_251 : i32 to index
          %swap3A_271 = arith.constant 32 : index
          %swap3A_272 = tpu.vector_load %arg12[%swap3A_270, %swap3A_271] {strides = array<i32>} : memref<128x128xf32, #tpu.memory_space<vmem>>, vector<16xf32>,
          tpu.vector_store %arg12[%swap3A_270, %swap3A_271], %gather3A_269 {strides = array<i32>} : memref<128x128xf32, #tpu.memory_space<vmem>>, vector<16xf32>,
          %add3A_273 = arith.constant 48 : i32
          %add3A_274 = vector.broadcast %add3A_273 : i32 to vector<16xi32>
          %add3A_275 = arith.addi %add3A_274, %iota3A : vector<16xi32>
          %gather3A_276 = tpu.vector_load_idx %arg10[%add3A_275, %and3A_242] : memref<64x128xf32, #tpu.memory_space<vmem>>[vector<16xi32>, vector<16xi32>], vector<16xf32>,
          %swap3A_277 = arith.index_cast %and3A_251 : i32 to index
          %swap3A_278 = arith.constant 48 : index
          %swap3A_279 = tpu.vector_load %arg12[%swap3A_277, %swap3A_278] {strides = array<i32>} : memref<128x128xf32, #tpu.memory_space<vmem>>, vector<16xf32>,
          tpu.vector_store %arg12[%swap3A_277, %swap3A_278], %gather3A_276 {strides = array<i32>} : memref<128x128xf32, #tpu.memory_space<vmem>>, vector<16xf32>,
          %and3A_280 = arith.constant 15 : i32
          %and3A_281 = arith.andi %and3A_251, %and3A_280 : i32
          %eq3A_282 = vector.broadcast %and3A_281 : i32 to vector<16xi32>
          %eq3A_283 = arith.cmpi eq, %iota3A, %eq3A_282 : vector<16xi32>
          %select_n3A_284 = arith.select %eq3A_283, %gather3A_249, %while3A_236 : vector<16xi1>, vector<16xi32>
          %and3A_285 = arith.constant 15 : i32
          %and3A_286 = arith.andi %and3A_251, %and3A_285 : i32
          %eq3A_287 = arith.constant 15 : i32
          %eq3A_288 = arith.cmpi eq, %and3A_286, %eq3A_287 : i32
          %convert_element_type3A_289 = arith.extui %eq3A_288 : i1 to i32
          %cond3A_290 = arith.constant 0 : i32
          %cond3A_291 = arith.cmpi ne, %convert_element_type3A_289, %cond3A_290 : i32
          scf.if %cond3A_291 {
            %and3A_301 = arith.constant 112 : i32
            %and3A_302 = arith.andi %and3A_251, %and3A_301 : i32
            %swap3A_303 = arith.index_cast %and3A_302 : i32 to index
            %swap3A_304 = tpu.vector_load %arg13[%swap3A_303] {strides = array<i32>} : memref<128xi32, #tpu.memory_space<vmem>>, vector<16xi32>,
            tpu.vector_store %arg13[%swap3A_303], %select_n3A_284 {strides = array<i32>} : memref<128xi32, #tpu.memory_space<vmem>>, vector<16xi32>,
          } else {
          }
          %eq3A_292 = arith.constant 127 : i32
          %eq3A_293 = arith.cmpi eq, %and3A_251, %eq3A_292 : i32
          %convert_element_type3A_294 = arith.extui %eq3A_293 : i1 to i32
          %cond3A_295 = arith.constant 0 : i32
          %cond3A_296 = arith.cmpi ne, %convert_element_type3A_294, %cond3A_295 : i32
          scf.if %cond3A_296 {
            %dma_start3A_301 = arith.constant 0 : i32
            %dma_start3A_302 = arith.constant 0 : i32
            %dma_start3A_303 = tpu.memref_slice %arg5[%dma_start3A_301, %dma_start3A_302] : memref<16416x128xf32, #tpu.memory_space<hbm>> -> memref<16416x128xf32, #tpu.memory_space<hbm>>
            tpu.enqueue_indirect_dma source(%arg12 : memref<128x128xf32, #tpu.memory_space<vmem>>) target(%dma_start3A_303 : memref<16416x128xf32, #tpu.memory_space<hbm>>) offsets(%arg13 : memref<128xi32, #tpu.memory_space<vmem>>) semaphore(%arg16 : memref<!tpu.dma_semaphore, #tpu.memory_space<semaphore_mem>>)
            %dma_wait3A_304 = arith.constant 0 : i32
            %dma_wait3A_305 = arith.constant 0 : i32
            %dma_wait3A_306 = tpu.memref_slice %arg5[%dma_wait3A_304, %dma_wait3A_305] : memref<16416x128xf32, #tpu.memory_space<hbm>> -> memref<16416x128xf32, #tpu.memory_space<hbm>>
            tpu.wait_indirect_dma semaphore(%arg16 : memref<!tpu.dma_semaphore, #tpu.memory_space<semaphore_mem>>) src(%arg12 : memref<128x128xf32, #tpu.memory_space<vmem>>) dst(%dma_wait3A_306 : memref<16416x128xf32, #tpu.memory_space<hbm>>)
            %swap3A_307 = arith.constant 0 : index
            %swap3A_308 = tpu.vector_load %arg13[%swap3A_307] {strides = array<i32>} : memref<128xi32, #tpu.memory_space<vmem>>, vector<16xi32>,
            tpu.vector_store %arg13[%swap3A_307], %add3A_9 {strides = array<i32>} : memref<128xi32, #tpu.memory_space<vmem>>, vector<16xi32>,
            %swap3A_309 = arith.constant 16 : index
            %swap3A_310 = tpu.vector_load %arg13[%swap3A_309] {strides = array<i32>} : memref<128xi32, #tpu.memory_space<vmem>>, vector<16xi32>,
            tpu.vector_store %arg13[%swap3A_309], %add3A_9 {strides = array<i32>} : memref<128xi32, #tpu.memory_space<vmem>>, vector<16xi32>,
            %swap3A_311 = arith.constant 32 : index
            %swap3A_312 = tpu.vector_load %arg13[%swap3A_311] {strides = array<i32>} : memref<128xi32, #tpu.memory_space<vmem>>, vector<16xi32>,
            tpu.vector_store %arg13[%swap3A_311], %add3A_9 {strides = array<i32>} : memref<128xi32, #tpu.memory_space<vmem>>, vector<16xi32>,
            %swap3A_313 = arith.constant 48 : index
            %swap3A_314 = tpu.vector_load %arg13[%swap3A_313] {strides = array<i32>} : memref<128xi32, #tpu.memory_space<vmem>>, vector<16xi32>,
            tpu.vector_store %arg13[%swap3A_313], %add3A_9 {strides = array<i32>} : memref<128xi32, #tpu.memory_space<vmem>>, vector<16xi32>,
            %swap3A_315 = arith.constant 64 : index
            %swap3A_316 = tpu.vector_load %arg13[%swap3A_315] {strides = array<i32>} : memref<128xi32, #tpu.memory_space<vmem>>, vector<16xi32>,
            tpu.vector_store %arg13[%swap3A_315], %add3A_9 {strides = array<i32>} : memref<128xi32, #tpu.memory_space<vmem>>, vector<16xi32>,
            %swap3A_317 = arith.constant 80 : index
            %swap3A_318 = tpu.vector_load %arg13[%swap3A_317] {strides = array<i32>} : memref<128xi32, #tpu.memory_space<vmem>>, vector<16xi32>,
            tpu.vector_store %arg13[%swap3A_317], %add3A_9 {strides = array<i32>} : memref<128xi32, #tpu.memory_space<vmem>>, vector<16xi32>,
            %swap3A_319 = arith.constant 96 : index
            %swap3A_320 = tpu.vector_load %arg13[%swap3A_319] {strides = array<i32>} : memref<128xi32, #tpu.memory_space<vmem>>, vector<16xi32>,
            tpu.vector_store %arg13[%swap3A_319], %add3A_9 {strides = array<i32>} : memref<128xi32, #tpu.memory_space<vmem>>, vector<16xi32>,
            %swap3A_321 = arith.constant 112 : index
            %swap3A_322 = tpu.vector_load %arg13[%swap3A_321] {strides = array<i32>} : memref<128xi32, #tpu.memory_space<vmem>>, vector<16xi32>,
            tpu.vector_store %arg13[%swap3A_321], %add3A_9 {strides = array<i32>} : memref<128xi32, #tpu.memory_space<vmem>>, vector<16xi32>,
          } else {
          }
          %ne3A_297 = arith.cmpi ne, %iota3A, %all_reduce_ffs3A : vector<16xi32>
          %and3A_298 = arith.andi %while3A_237, %ne3A_297 : vector<16xi1>
          %add3A_299 = arith.constant 1 : i32
          %add3A_300 = arith.addi %while3A_235, %add3A_299 : i32
          scf.yield %add3A_300, %select_n3A_284, %and3A_298 : i32, vector<16xi32>, vector<16xi1>
        }
        scf.yield %while3A_233#0, %while3A_233#1 : i32, vector<16xi32>
      }
      %while3A_213 = arith.constant 1 : i32
      %while3A_214:2 = scf.for %while3A_215 = %while3A_210 to %while3A_206 step %while3A_213 iter_args(%while3A_216 = %while3A_212#0, %while3A_217 = %while3A_212#1) -> (i32, vector<16xi32>)  : i32 {
        %mul3A_218 = arith.constant 16 : i32
        %mul3A_219 = arith.muli %while3A_215, %mul3A_218 : i32
        %get3A = arith.index_cast %mul3A_219 : i32 to index
        %get3A_220 = tpu.vector_load %arg7[%get3A] {strides = array<i32>} : memref<16416xi32, #tpu.memory_space<vmem>>, vector<16xi32>,
        %shift_right_logical3A = arith.constant 7 : i32
        %shift_right_logical3A_221 = vector.broadcast %shift_right_logical3A : i32 to vector<16xi32>
        %shift_right_logical3A_222 = arith.shrui %get3A_220, %shift_right_logical3A_221 : vector<16xi32>
        %eq3A = arith.cmpi eq, %shift_right_logical3A_222, %add3A_203 : vector<16xi32>
        %all_reduce_population_count3A = tpu.all_reduce %eq3A {dim = 0 : i64, kind = #tpu.reduction_kind<sum>} : vector<16xi1> -> vector<16xi32>
        %slice3A = vector.extract_strided_slice %all_reduce_population_count3A {offsets = [0], sizes = [1], strides = [1]} : vector<16xi32> to vector<1xi32>
        %squeeze3A = vector.extract %slice3A[0] : i32 from vector<1xi32>
        %while3A_223 = arith.constant 0 : i32
        %while3A_224 = arith.subi %squeeze3A, %while3A_223 : i32
        %while3A_225 = arith.addi %while3A_223, %while3A_224 : i32
        %while3A_226 = arith.constant 1 : i32
        %while3A_227 = arith.divsi %while3A_224, %while3A_226 : i32
        %while3A_228 = arith.muli %while3A_227, %while3A_226 : i32
        %while3A_229 = arith.addi %while3A_223, %while3A_228 : i32
        %while3A_230 = arith.constant 1 : i32
        %while3A_231:3 = scf.for %while3A_234 = %while3A_223 to %while3A_229 step %while3A_230 iter_args(%while3A_235 = %while3A_216, %while3A_236 = %while3A_217, %while3A_237 = %eq3A) -> (i32, vector<16xi32>, vector<16xi1>)  : i32 {
          %all_reduce_ffs3A = tpu.all_reduce %while3A_237 {dim = 0 : i64, kind = #tpu.reduction_kind<find_first_set>} : vector<16xi1> -> vector<16xi32>
          %broadcast_in_dim3A_238 = vector.shape_cast %all_reduce_ffs3A : vector<16xi32> to vector<16x1xi32>
          %gather3A = vector.shape_cast %broadcast_in_dim3A_238 : vector<16x1xi32> to vector<16xi32>
          %gather3A_239 = tpu.dynamic_gather %get3A_220[%gather3A] in [0] : vector<16xi32>, vector<16xi32> -> vector<16xi32>
          %and3A_240 = arith.constant 127 : i32
          %and3A_241 = vector.broadcast %and3A_240 : i32 to vector<16xi32>
          %and3A_242 = arith.andi %gather3A_239, %and3A_241 : vector<16xi32>
          %mul3A_243 = arith.constant 16 : i32
          %mul3A_244 = arith.muli %while3A_215, %mul3A_243 : i32
          %get3A_245 = arith.index_cast %mul3A_244 : i32 to index
          %get3A_246 = tpu.vector_load %arg8[%get3A_245] {strides = array<i32>} : memref<16416xi32, #tpu.memory_space<vmem>>, vector<16xi32>,
          %broadcast_in_dim3A_247 = vector.shape_cast %all_reduce_ffs3A : vector<16xi32> to vector<16x1xi32>
          %gather3A_248 = vector.shape_cast %broadcast_in_dim3A_247 : vector<16x1xi32> to vector<16xi32>
          %gather3A_249 = tpu.dynamic_gather %get3A_246[%gather3A_248] in [0] : vector<16xi32>, vector<16xi32> -> vector<16xi32>
          %and3A_250 = arith.constant 127 : i32
          %and3A_251 = arith.andi %while3A_235, %and3A_250 : i32
          %add3A_252 = arith.constant 0 : i32
          %add3A_253 = vector.broadcast %add3A_252 : i32 to vector<16xi32>
          %add3A_254 = arith.addi %add3A_253, %iota3A : vector<16xi32>
          %gather3A_255 = tpu.vector_load_idx %arg10[%add3A_254, %and3A_242] : memref<64x128xf32, #tpu.memory_space<vmem>>[vector<16xi32>, vector<16xi32>], vector<16xf32>,
          %swap3A_256 = arith.index_cast %and3A_251 : i32 to index
          %swap3A_257 = arith.constant 0 : index
          %swap3A_258 = tpu.vector_load %arg12[%swap3A_256, %swap3A_257] {strides = array<i32>} : memref<128x128xf32, #tpu.memory_space<vmem>>, vector<16xf32>,
          tpu.vector_store %arg12[%swap3A_256, %swap3A_257], %gather3A_255 {strides = array<i32>} : memref<128x128xf32, #tpu.memory_space<vmem>>, vector<16xf32>,
          %add3A_259 = arith.constant 16 : i32
          %add3A_260 = vector.broadcast %add3A_259 : i32 to vector<16xi32>
          %add3A_261 = arith.addi %add3A_260, %iota3A : vector<16xi32>
          %gather3A_262 = tpu.vector_load_idx %arg10[%add3A_261, %and3A_242] : memref<64x128xf32, #tpu.memory_space<vmem>>[vector<16xi32>, vector<16xi32>], vector<16xf32>,
          %swap3A_263 = arith.index_cast %and3A_251 : i32 to index
          %swap3A_264 = arith.constant 16 : index
          %swap3A_265 = tpu.vector_load %arg12[%swap3A_263, %swap3A_264] {strides = array<i32>} : memref<128x128xf32, #tpu.memory_space<vmem>>, vector<16xf32>,
          tpu.vector_store %arg12[%swap3A_263, %swap3A_264], %gather3A_262 {strides = array<i32>} : memref<128x128xf32, #tpu.memory_space<vmem>>, vector<16xf32>,
          %add3A_266 = arith.constant 32 : i32
          %add3A_267 = vector.broadcast %add3A_266 : i32 to vector<16xi32>
          %add3A_268 = arith.addi %add3A_267, %iota3A : vector<16xi32>
          %gather3A_269 = tpu.vector_load_idx %arg10[%add3A_268, %and3A_242] : memref<64x128xf32, #tpu.memory_space<vmem>>[vector<16xi32>, vector<16xi32>], vector<16xf32>,
          %swap3A_270 = arith.index_cast %and3A_251 : i32 to index
          %swap3A_271 = arith.constant 32 : index
          %swap3A_272 = tpu.vector_load %arg12[%swap3A_270, %swap3A_271] {strides = array<i32>} : memref<128x128xf32, #tpu.memory_space<vmem>>, vector<16xf32>,
          tpu.vector_store %arg12[%swap3A_270, %swap3A_271], %gather3A_269 {strides = array<i32>} : memref<128x128xf32, #tpu.memory_space<vmem>>, vector<16xf32>,
          %add3A_273 = arith.constant 48 : i32
          %add3A_274 = vector.broadcast %add3A_273 : i32 to vector<16xi32>
          %add3A_275 = arith.addi %add3A_274, %iota3A : vector<16xi32>
          %gather3A_276 = tpu.vector_load_idx %arg10[%add3A_275, %and3A_242] : memref<64x128xf32, #tpu.memory_space<vmem>>[vector<16xi32>, vector<16xi32>], vector<16xf32>,
          %swap3A_277 = arith.index_cast %and3A_251 : i32 to index
          %swap3A_278 = arith.constant 48 : index
          %swap3A_279 = tpu.vector_load %arg12[%swap3A_277, %swap3A_278] {strides = array<i32>} : memref<128x128xf32, #tpu.memory_space<vmem>>, vector<16xf32>,
          tpu.vector_store %arg12[%swap3A_277, %swap3A_278], %gather3A_276 {strides = array<i32>} : memref<128x128xf32, #tpu.memory_space<vmem>>, vector<16xf32>,
          %and3A_280 = arith.constant 15 : i32
          %and3A_281 = arith.andi %and3A_251, %and3A_280 : i32
          %eq3A_282 = vector.broadcast %and3A_281 : i32 to vector<16xi32>
          %eq3A_283 = arith.cmpi eq, %iota3A, %eq3A_282 : vector<16xi32>
          %select_n3A_284 = arith.select %eq3A_283, %gather3A_249, %while3A_236 : vector<16xi1>, vector<16xi32>
          %and3A_285 = arith.constant 15 : i32
          %and3A_286 = arith.andi %and3A_251, %and3A_285 : i32
          %eq3A_287 = arith.constant 15 : i32
          %eq3A_288 = arith.cmpi eq, %and3A_286, %eq3A_287 : i32
          %convert_element_type3A_289 = arith.extui %eq3A_288 : i1 to i32
          %cond3A_290 = arith.constant 0 : i32
          %cond3A_291 = arith.cmpi ne, %convert_element_type3A_289, %cond3A_290 : i32
          scf.if %cond3A_291 {
            %and3A_301 = arith.constant 112 : i32
            %and3A_302 = arith.andi %and3A_251, %and3A_301 : i32
            %swap3A_303 = arith.index_cast %and3A_302 : i32 to index
            %swap3A_304 = tpu.vector_load %arg13[%swap3A_303] {strides = array<i32>} : memref<128xi32, #tpu.memory_space<vmem>>, vector<16xi32>,
            tpu.vector_store %arg13[%swap3A_303], %select_n3A_284 {strides = array<i32>} : memref<128xi32, #tpu.memory_space<vmem>>, vector<16xi32>,
          } else {
          }
          %eq3A_292 = arith.constant 127 : i32
          %eq3A_293 = arith.cmpi eq, %and3A_251, %eq3A_292 : i32
          %convert_element_type3A_294 = arith.extui %eq3A_293 : i1 to i32
          %cond3A_295 = arith.constant 0 : i32
          %cond3A_296 = arith.cmpi ne, %convert_element_type3A_294, %cond3A_295 : i32
          scf.if %cond3A_296 {
            %dma_start3A_301 = arith.constant 0 : i32
            %dma_start3A_302 = arith.constant 0 : i32
            %dma_start3A_303 = tpu.memref_slice %arg5[%dma_start3A_301, %dma_start3A_302] : memref<16416x128xf32, #tpu.memory_space<hbm>> -> memref<16416x128xf32, #tpu.memory_space<hbm>>
            tpu.enqueue_indirect_dma source(%arg12 : memref<128x128xf32, #tpu.memory_space<vmem>>) target(%dma_start3A_303 : memref<16416x128xf32, #tpu.memory_space<hbm>>) offsets(%arg13 : memref<128xi32, #tpu.memory_space<vmem>>) semaphore(%arg16 : memref<!tpu.dma_semaphore, #tpu.memory_space<semaphore_mem>>)
            %dma_wait3A_304 = arith.constant 0 : i32
            %dma_wait3A_305 = arith.constant 0 : i32
            %dma_wait3A_306 = tpu.memref_slice %arg5[%dma_wait3A_304, %dma_wait3A_305] : memref<16416x128xf32, #tpu.memory_space<hbm>> -> memref<16416x128xf32, #tpu.memory_space<hbm>>
            tpu.wait_indirect_dma semaphore(%arg16 : memref<!tpu.dma_semaphore, #tpu.memory_space<semaphore_mem>>) src(%arg12 : memref<128x128xf32, #tpu.memory_space<vmem>>) dst(%dma_wait3A_306 : memref<16416x128xf32, #tpu.memory_space<hbm>>)
            %swap3A_307 = arith.constant 0 : index
            %swap3A_308 = tpu.vector_load %arg13[%swap3A_307] {strides = array<i32>} : memref<128xi32, #tpu.memory_space<vmem>>, vector<16xi32>,
            tpu.vector_store %arg13[%swap3A_307], %add3A_9 {strides = array<i32>} : memref<128xi32, #tpu.memory_space<vmem>>, vector<16xi32>,
            %swap3A_309 = arith.constant 16 : index
            %swap3A_310 = tpu.vector_load %arg13[%swap3A_309] {strides = array<i32>} : memref<128xi32, #tpu.memory_space<vmem>>, vector<16xi32>,
            tpu.vector_store %arg13[%swap3A_309], %add3A_9 {strides = array<i32>} : memref<128xi32, #tpu.memory_space<vmem>>, vector<16xi32>,
            %swap3A_311 = arith.constant 32 : index
            %swap3A_312 = tpu.vector_load %arg13[%swap3A_311] {strides = array<i32>} : memref<128xi32, #tpu.memory_space<vmem>>, vector<16xi32>,
            tpu.vector_store %arg13[%swap3A_311], %add3A_9 {strides = array<i32>} : memref<128xi32, #tpu.memory_space<vmem>>, vector<16xi32>,
            %swap3A_313 = arith.constant 48 : index
            %swap3A_314 = tpu.vector_load %arg13[%swap3A_313] {strides = array<i32>} : memref<128xi32, #tpu.memory_space<vmem>>, vector<16xi32>,
            tpu.vector_store %arg13[%swap3A_313], %add3A_9 {strides = array<i32>} : memref<128xi32, #tpu.memory_space<vmem>>, vector<16xi32>,
            %swap3A_315 = arith.constant 64 : index
            %swap3A_316 = tpu.vector_load %arg13[%swap3A_315] {strides = array<i32>} : memref<128xi32, #tpu.memory_space<vmem>>, vector<16xi32>,
            tpu.vector_store %arg13[%swap3A_315], %add3A_9 {strides = array<i32>} : memref<128xi32, #tpu.memory_space<vmem>>, vector<16xi32>,
            %swap3A_317 = arith.constant 80 : index
            %swap3A_318 = tpu.vector_load %arg13[%swap3A_317] {strides = array<i32>} : memref<128xi32, #tpu.memory_space<vmem>>, vector<16xi32>,
            tpu.vector_store %arg13[%swap3A_317], %add3A_9 {strides = array<i32>} : memref<128xi32, #tpu.memory_space<vmem>>, vector<16xi32>,
            %swap3A_319 = arith.constant 96 : index
            %swap3A_320 = tpu.vector_load %arg13[%swap3A_319] {strides = array<i32>} : memref<128xi32, #tpu.memory_space<vmem>>, vector<16xi32>,
            tpu.vector_store %arg13[%swap3A_319], %add3A_9 {strides = array<i32>} : memref<128xi32, #tpu.memory_space<vmem>>, vector<16xi32>,
            %swap3A_321 = arith.constant 112 : index
            %swap3A_322 = tpu.vector_load %arg13[%swap3A_321] {strides = array<i32>} : memref<128xi32, #tpu.memory_space<vmem>>, vector<16xi32>,
            tpu.vector_store %arg13[%swap3A_321], %add3A_9 {strides = array<i32>} : memref<128xi32, #tpu.memory_space<vmem>>, vector<16xi32>,
          } else {
          }
          %ne3A_297 = arith.cmpi ne, %iota3A, %all_reduce_ffs3A : vector<16xi32>
          %and3A_298 = arith.andi %while3A_237, %ne3A_297 : vector<16xi1>
          %add3A_299 = arith.constant 1 : i32
          %add3A_300 = arith.addi %while3A_235, %add3A_299 : i32
          scf.yield %add3A_300, %select_n3A_284, %and3A_298 : i32, vector<16xi32>, vector<16xi1>
        }
        %while3A_232 = arith.constant 1 : i32
        %while3A_233:3 = scf.for %while3A_234 = %while3A_229 to %while3A_225 step %while3A_232 iter_args(%while3A_235 = %while3A_231#0, %while3A_236 = %while3A_231#1, %while3A_237 = %while3A_231#2) -> (i32, vector<16xi32>, vector<16xi1>)  : i32 {
          %all_reduce_ffs3A = tpu.all_reduce %while3A_237 {dim = 0 : i64, kind = #tpu.reduction_kind<find_first_set>} : vector<16xi1> -> vector<16xi32>
          %broadcast_in_dim3A_238 = vector.shape_cast %all_reduce_ffs3A : vector<16xi32> to vector<16x1xi32>
          %gather3A = vector.shape_cast %broadcast_in_dim3A_238 : vector<16x1xi32> to vector<16xi32>
          %gather3A_239 = tpu.dynamic_gather %get3A_220[%gather3A] in [0] : vector<16xi32>, vector<16xi32> -> vector<16xi32>
          %and3A_240 = arith.constant 127 : i32
          %and3A_241 = vector.broadcast %and3A_240 : i32 to vector<16xi32>
          %and3A_242 = arith.andi %gather3A_239, %and3A_241 : vector<16xi32>
          %mul3A_243 = arith.constant 16 : i32
          %mul3A_244 = arith.muli %while3A_215, %mul3A_243 : i32
          %get3A_245 = arith.index_cast %mul3A_244 : i32 to index
          %get3A_246 = tpu.vector_load %arg8[%get3A_245] {strides = array<i32>} : memref<16416xi32, #tpu.memory_space<vmem>>, vector<16xi32>,
          %broadcast_in_dim3A_247 = vector.shape_cast %all_reduce_ffs3A : vector<16xi32> to vector<16x1xi32>
          %gather3A_248 = vector.shape_cast %broadcast_in_dim3A_247 : vector<16x1xi32> to vector<16xi32>
          %gather3A_249 = tpu.dynamic_gather %get3A_246[%gather3A_248] in [0] : vector<16xi32>, vector<16xi32> -> vector<16xi32>
          %and3A_250 = arith.constant 127 : i32
          %and3A_251 = arith.andi %while3A_235, %and3A_250 : i32
          %add3A_252 = arith.constant 0 : i32
          %add3A_253 = vector.broadcast %add3A_252 : i32 to vector<16xi32>
          %add3A_254 = arith.addi %add3A_253, %iota3A : vector<16xi32>
          %gather3A_255 = tpu.vector_load_idx %arg10[%add3A_254, %and3A_242] : memref<64x128xf32, #tpu.memory_space<vmem>>[vector<16xi32>, vector<16xi32>], vector<16xf32>,
          %swap3A_256 = arith.index_cast %and3A_251 : i32 to index
          %swap3A_257 = arith.constant 0 : index
          %swap3A_258 = tpu.vector_load %arg12[%swap3A_256, %swap3A_257] {strides = array<i32>} : memref<128x128xf32, #tpu.memory_space<vmem>>, vector<16xf32>,
          tpu.vector_store %arg12[%swap3A_256, %swap3A_257], %gather3A_255 {strides = array<i32>} : memref<128x128xf32, #tpu.memory_space<vmem>>, vector<16xf32>,
          %add3A_259 = arith.constant 16 : i32
          %add3A_260 = vector.broadcast %add3A_259 : i32 to vector<16xi32>
          %add3A_261 = arith.addi %add3A_260, %iota3A : vector<16xi32>
          %gather3A_262 = tpu.vector_load_idx %arg10[%add3A_261, %and3A_242] : memref<64x128xf32, #tpu.memory_space<vmem>>[vector<16xi32>, vector<16xi32>], vector<16xf32>,
          %swap3A_263 = arith.index_cast %and3A_251 : i32 to index
          %swap3A_264 = arith.constant 16 : index
          %swap3A_265 = tpu.vector_load %arg12[%swap3A_263, %swap3A_264] {strides = array<i32>} : memref<128x128xf32, #tpu.memory_space<vmem>>, vector<16xf32>,
          tpu.vector_store %arg12[%swap3A_263, %swap3A_264], %gather3A_262 {strides = array<i32>} : memref<128x128xf32, #tpu.memory_space<vmem>>, vector<16xf32>,
          %add3A_266 = arith.constant 32 : i32
          %add3A_267 = vector.broadcast %add3A_266 : i32 to vector<16xi32>
          %add3A_268 = arith.addi %add3A_267, %iota3A : vector<16xi32>
          %gather3A_269 = tpu.vector_load_idx %arg10[%add3A_268, %and3A_242] : memref<64x128xf32, #tpu.memory_space<vmem>>[vector<16xi32>, vector<16xi32>], vector<16xf32>,
          %swap3A_270 = arith.index_cast %and3A_251 : i32 to index
          %swap3A_271 = arith.constant 32 : index
          %swap3A_272 = tpu.vector_load %arg12[%swap3A_270, %swap3A_271] {strides = array<i32>} : memref<128x128xf32, #tpu.memory_space<vmem>>, vector<16xf32>,
          tpu.vector_store %arg12[%swap3A_270, %swap3A_271], %gather3A_269 {strides = array<i32>} : memref<128x128xf32, #tpu.memory_space<vmem>>, vector<16xf32>,
          %add3A_273 = arith.constant 48 : i32
          %add3A_274 = vector.broadcast %add3A_273 : i32 to vector<16xi32>
          %add3A_275 = arith.addi %add3A_274, %iota3A : vector<16xi32>
          %gather3A_276 = tpu.vector_load_idx %arg10[%add3A_275, %and3A_242] : memref<64x128xf32, #tpu.memory_space<vmem>>[vector<16xi32>, vector<16xi32>], vector<16xf32>,
          %swap3A_277 = arith.index_cast %and3A_251 : i32 to index
          %swap3A_278 = arith.constant 48 : index
          %swap3A_279 = tpu.vector_load %arg12[%swap3A_277, %swap3A_278] {strides = array<i32>} : memref<128x128xf32, #tpu.memory_space<vmem>>, vector<16xf32>,
          tpu.vector_store %arg12[%swap3A_277, %swap3A_278], %gather3A_276 {strides = array<i32>} : memref<128x128xf32, #tpu.memory_space<vmem>>, vector<16xf32>,
          %and3A_280 = arith.constant 15 : i32
          %and3A_281 = arith.andi %and3A_251, %and3A_280 : i32
          %eq3A_282 = vector.broadcast %and3A_281 : i32 to vector<16xi32>
          %eq3A_283 = arith.cmpi eq, %iota3A, %eq3A_282 : vector<16xi32>
          %select_n3A_284 = arith.select %eq3A_283, %gather3A_249, %while3A_236 : vector<16xi1>, vector<16xi32>
          %and3A_285 = arith.constant 15 : i32
          %and3A_286 = arith.andi %and3A_251, %and3A_285 : i32
          %eq3A_287 = arith.constant 15 : i32
          %eq3A_288 = arith.cmpi eq, %and3A_286, %eq3A_287 : i32
          %convert_element_type3A_289 = arith.extui %eq3A_288 : i1 to i32
          %cond3A_290 = arith.constant 0 : i32
          %cond3A_291 = arith.cmpi ne, %convert_element_type3A_289, %cond3A_290 : i32
          scf.if %cond3A_291 {
            %and3A_301 = arith.constant 112 : i32
            %and3A_302 = arith.andi %and3A_251, %and3A_301 : i32
            %swap3A_303 = arith.index_cast %and3A_302 : i32 to index
            %swap3A_304 = tpu.vector_load %arg13[%swap3A_303] {strides = array<i32>} : memref<128xi32, #tpu.memory_space<vmem>>, vector<16xi32>,
            tpu.vector_store %arg13[%swap3A_303], %select_n3A_284 {strides = array<i32>} : memref<128xi32, #tpu.memory_space<vmem>>, vector<16xi32>,
          } else {
          }
          %eq3A_292 = arith.constant 127 : i32
          %eq3A_293 = arith.cmpi eq, %and3A_251, %eq3A_292 : i32
          %convert_element_type3A_294 = arith.extui %eq3A_293 : i1 to i32
          %cond3A_295 = arith.constant 0 : i32
          %cond3A_296 = arith.cmpi ne, %convert_element_type3A_294, %cond3A_295 : i32
          scf.if %cond3A_296 {
            %dma_start3A_301 = arith.constant 0 : i32
            %dma_start3A_302 = arith.constant 0 : i32
            %dma_start3A_303 = tpu.memref_slice %arg5[%dma_start3A_301, %dma_start3A_302] : memref<16416x128xf32, #tpu.memory_space<hbm>> -> memref<16416x128xf32, #tpu.memory_space<hbm>>
            tpu.enqueue_indirect_dma source(%arg12 : memref<128x128xf32, #tpu.memory_space<vmem>>) target(%dma_start3A_303 : memref<16416x128xf32, #tpu.memory_space<hbm>>) offsets(%arg13 : memref<128xi32, #tpu.memory_space<vmem>>) semaphore(%arg16 : memref<!tpu.dma_semaphore, #tpu.memory_space<semaphore_mem>>)
            %dma_wait3A_304 = arith.constant 0 : i32
            %dma_wait3A_305 = arith.constant 0 : i32
            %dma_wait3A_306 = tpu.memref_slice %arg5[%dma_wait3A_304, %dma_wait3A_305] : memref<16416x128xf32, #tpu.memory_space<hbm>> -> memref<16416x128xf32, #tpu.memory_space<hbm>>
            tpu.wait_indirect_dma semaphore(%arg16 : memref<!tpu.dma_semaphore, #tpu.memory_space<semaphore_mem>>) src(%arg12 : memref<128x128xf32, #tpu.memory_space<vmem>>) dst(%dma_wait3A_306 : memref<16416x128xf32, #tpu.memory_space<hbm>>)
            %swap3A_307 = arith.constant 0 : index
            %swap3A_308 = tpu.vector_load %arg13[%swap3A_307] {strides = array<i32>} : memref<128xi32, #tpu.memory_space<vmem>>, vector<16xi32>,
            tpu.vector_store %arg13[%swap3A_307], %add3A_9 {strides = array<i32>} : memref<128xi32, #tpu.memory_space<vmem>>, vector<16xi32>,
            %swap3A_309 = arith.constant 16 : index
            %swap3A_310 = tpu.vector_load %arg13[%swap3A_309] {strides = array<i32>} : memref<128xi32, #tpu.memory_space<vmem>>, vector<16xi32>,
            tpu.vector_store %arg13[%swap3A_309], %add3A_9 {strides = array<i32>} : memref<128xi32, #tpu.memory_space<vmem>>, vector<16xi32>,
            %swap3A_311 = arith.constant 32 : index
            %swap3A_312 = tpu.vector_load %arg13[%swap3A_311] {strides = array<i32>} : memref<128xi32, #tpu.memory_space<vmem>>, vector<16xi32>,
            tpu.vector_store %arg13[%swap3A_311], %add3A_9 {strides = array<i32>} : memref<128xi32, #tpu.memory_space<vmem>>, vector<16xi32>,
            %swap3A_313 = arith.constant 48 : index
            %swap3A_314 = tpu.vector_load %arg13[%swap3A_313] {strides = array<i32>} : memref<128xi32, #tpu.memory_space<vmem>>, vector<16xi32>,
            tpu.vector_store %arg13[%swap3A_313], %add3A_9 {strides = array<i32>} : memref<128xi32, #tpu.memory_space<vmem>>, vector<16xi32>,
            %swap3A_315 = arith.constant 64 : index
            %swap3A_316 = tpu.vector_load %arg13[%swap3A_315] {strides = array<i32>} : memref<128xi32, #tpu.memory_space<vmem>>, vector<16xi32>,
            tpu.vector_store %arg13[%swap3A_315], %add3A_9 {strides = array<i32>} : memref<128xi32, #tpu.memory_space<vmem>>, vector<16xi32>,
            %swap3A_317 = arith.constant 80 : index
            %swap3A_318 = tpu.vector_load %arg13[%swap3A_317] {strides = array<i32>} : memref<128xi32, #tpu.memory_space<vmem>>, vector<16xi32>,
            tpu.vector_store %arg13[%swap3A_317], %add3A_9 {strides = array<i32>} : memref<128xi32, #tpu.memory_space<vmem>>, vector<16xi32>,
            %swap3A_319 = arith.constant 96 : index
            %swap3A_320 = tpu.vector_load %arg13[%swap3A_319] {strides = array<i32>} : memref<128xi32, #tpu.memory_space<vmem>>, vector<16xi32>,
            tpu.vector_store %arg13[%swap3A_319], %add3A_9 {strides = array<i32>} : memref<128xi32, #tpu.memory_space<vmem>>, vector<16xi32>,
            %swap3A_321 = arith.constant 112 : index
            %swap3A_322 = tpu.vector_load %arg13[%swap3A_321] {strides = array<i32>} : memref<128xi32, #tpu.memory_space<vmem>>, vector<16xi32>,
            tpu.vector_store %arg13[%swap3A_321], %add3A_9 {strides = array<i32>} : memref<128xi32, #tpu.memory_space<vmem>>, vector<16xi32>,
          } else {
          }
          %ne3A_297 = arith.cmpi ne, %iota3A, %all_reduce_ffs3A : vector<16xi32>
          %and3A_298 = arith.andi %while3A_237, %ne3A_297 : vector<16xi1>
          %add3A_299 = arith.constant 1 : i32
          %add3A_300 = arith.addi %while3A_235, %add3A_299 : i32
          scf.yield %add3A_300, %select_n3A_284, %and3A_298 : i32, vector<16xi32>, vector<16xi1>
        }
        scf.yield %while3A_233#0, %while3A_233#1 : i32, vector<16xi32>
      }
      scf.yield %while3A_214#0, %while3A_214#1 : i32, vector<16xi32>
    }
    %dma_wait3A = arith.constant 0 : i32
    %dma_wait3A_100 = arith.constant 0 : i32
    %dma_wait3A_101 = tpu.memref_slice %arg3[%dma_wait3A, %dma_wait3A_100] : memref<64x1000000xf32, #tpu.memory_space<hbm>> -> memref<64x128xf32, #tpu.memory_space<hbm>>
    %dma_wait3A_102 = arith.constant 0 : i32
    %dma_wait3A_103 = arith.constant 0 : i32
    %dma_wait3A_104 = tpu.memref_slice %arg3[%dma_wait3A_102, %dma_wait3A_103] : memref<64x1000000xf32, #tpu.memory_space<hbm>> -> memref<64x128xf32, #tpu.memory_space<hbm>>
    tpu.wait_dma2 semaphore(%arg14 : memref<!tpu.dma_semaphore, #tpu.memory_space<semaphore_mem>>) src(%dma_wait3A_104 : memref<64x128xf32, #tpu.memory_space<hbm>>) dst(%arg9 : memref<64x128xf32, #tpu.memory_space<vmem>>)
    %add3A_105 = arith.addi %mul3A_2, %min3A_57 : i32
    %sub3A_106 = arith.constant 1 : i32
    %sub3A_107 = arith.subi %add3A_105, %sub3A_106 : i32
    %broadcast_in_dim3A_108 = arith.constant 0 : i32
    %broadcast_in_dim3A_109 = vector.broadcast %broadcast_in_dim3A_108 : i32 to vector<16xi32>
    %add3A_110 = vector.broadcast %sub3A_107 : i32 to vector<16xi32>
    %add3A_111 = arith.addi %broadcast_in_dim3A_109, %add3A_110 : vector<16xi32>
    %while3A_112 = arith.constant 0 : i32
    %while3A_113 = arith.subi %shift_right_arithmetic3A_37, %while3A_112 : i32
    %while3A_114 = arith.addi %while3A_112, %while3A_113 : i32
    %while3A_115 = arith.constant 1 : i32
    %while3A_116 = arith.divsi %while3A_113, %while3A_115 : i32
    %while3A_117 = arith.muli %while3A_116, %while3A_115 : i32
    %while3A_118 = arith.addi %while3A_112, %while3A_117 : i32
    %while3A_119 = arith.constant 1 : i32
    %while3A_120:2 = scf.for %while3A_144 = %while3A_112 to %while3A_118 step %while3A_119 iter_args(%while3A_145 = %while3A_99#0, %while3A_146 = %while3A_99#1) -> (i32, vector<16xi32>)  : i32 {
      %mul3A_147 = arith.constant 16 : i32
      %mul3A_148 = arith.muli %while3A_144, %mul3A_147 : i32
      %get3A = arith.index_cast %mul3A_148 : i32 to index
      %get3A_149 = tpu.vector_load %arg7[%get3A] {strides = array<i32>} : memref<16416xi32, #tpu.memory_space<vmem>>, vector<16xi32>,
      %shift_right_logical3A = arith.constant 7 : i32
      %shift_right_logical3A_150 = vector.broadcast %shift_right_logical3A : i32 to vector<16xi32>
      %shift_right_logical3A_151 = arith.shrui %get3A_149, %shift_right_logical3A_150 : vector<16xi32>
      %eq3A = arith.cmpi eq, %shift_right_logical3A_151, %add3A_111 : vector<16xi32>
      %all_reduce_population_count3A = tpu.all_reduce %eq3A {dim = 0 : i64, kind = #tpu.reduction_kind<sum>} : vector<16xi1> -> vector<16xi32>
      %slice3A = vector.extract_strided_slice %all_reduce_population_count3A {offsets = [0], sizes = [1], strides = [1]} : vector<16xi32> to vector<1xi32>
      %squeeze3A = vector.extract %slice3A[0] : i32 from vector<1xi32>
      %while3A_152 = arith.constant 0 : i32
      %while3A_153 = arith.subi %squeeze3A, %while3A_152 : i32
      %while3A_154 = arith.addi %while3A_152, %while3A_153 : i32
      %while3A_155 = arith.constant 1 : i32
      %while3A_156 = arith.divsi %while3A_153, %while3A_155 : i32
      %while3A_157 = arith.muli %while3A_156, %while3A_155 : i32
      %while3A_158 = arith.addi %while3A_152, %while3A_157 : i32
      %while3A_159 = arith.constant 1 : i32
      %while3A_160:3 = scf.for %while3A_163 = %while3A_152 to %while3A_158 step %while3A_159 iter_args(%while3A_164 = %while3A_145, %while3A_165 = %while3A_146, %while3A_166 = %eq3A) -> (i32, vector<16xi32>, vector<16xi1>)  : i32 {
        %all_reduce_ffs3A = tpu.all_reduce %while3A_166 {dim = 0 : i64, kind = #tpu.reduction_kind<find_first_set>} : vector<16xi1> -> vector<16xi32>
        %broadcast_in_dim3A_167 = vector.shape_cast %all_reduce_ffs3A : vector<16xi32> to vector<16x1xi32>
        %gather3A = vector.shape_cast %broadcast_in_dim3A_167 : vector<16x1xi32> to vector<16xi32>
        %gather3A_168 = tpu.dynamic_gather %get3A_149[%gather3A] in [0] : vector<16xi32>, vector<16xi32> -> vector<16xi32>
        %and3A_169 = arith.constant 127 : i32
        %and3A_170 = vector.broadcast %and3A_169 : i32 to vector<16xi32>
        %and3A_171 = arith.andi %gather3A_168, %and3A_170 : vector<16xi32>
        %mul3A_172 = arith.constant 16 : i32
        %mul3A_173 = arith.muli %while3A_144, %mul3A_172 : i32
        %get3A_174 = arith.index_cast %mul3A_173 : i32 to index
        %get3A_175 = tpu.vector_load %arg8[%get3A_174] {strides = array<i32>} : memref<16416xi32, #tpu.memory_space<vmem>>, vector<16xi32>,
        %broadcast_in_dim3A_176 = vector.shape_cast %all_reduce_ffs3A : vector<16xi32> to vector<16x1xi32>
        %gather3A_177 = vector.shape_cast %broadcast_in_dim3A_176 : vector<16x1xi32> to vector<16xi32>
        %gather3A_178 = tpu.dynamic_gather %get3A_175[%gather3A_177] in [0] : vector<16xi32>, vector<16xi32> -> vector<16xi32>
        %and3A_179 = arith.constant 127 : i32
        %and3A_180 = arith.andi %while3A_164, %and3A_179 : i32
        %add3A_181 = arith.constant 0 : i32
        %add3A_182 = vector.broadcast %add3A_181 : i32 to vector<16xi32>
        %add3A_183 = arith.addi %add3A_182, %iota3A : vector<16xi32>
        %gather3A_184 = tpu.vector_load_idx %arg9[%add3A_183, %and3A_171] : memref<64x128xf32, #tpu.memory_space<vmem>>[vector<16xi32>, vector<16xi32>], vector<16xf32>,
        %swap3A_185 = arith.index_cast %and3A_180 : i32 to index
        %swap3A_186 = arith.constant 0 : index
        %swap3A_187 = tpu.vector_load %arg12[%swap3A_185, %swap3A_186] {strides = array<i32>} : memref<128x128xf32, #tpu.memory_space<vmem>>, vector<16xf32>,
        tpu.vector_store %arg12[%swap3A_185, %swap3A_186], %gather3A_184 {strides = array<i32>} : memref<128x128xf32, #tpu.memory_space<vmem>>, vector<16xf32>,
        %add3A_188 = arith.constant 16 : i32
        %add3A_189 = vector.broadcast %add3A_188 : i32 to vector<16xi32>
        %add3A_190 = arith.addi %add3A_189, %iota3A : vector<16xi32>
        %gather3A_191 = tpu.vector_load_idx %arg9[%add3A_190, %and3A_171] : memref<64x128xf32, #tpu.memory_space<vmem>>[vector<16xi32>, vector<16xi32>], vector<16xf32>,
        %swap3A_192 = arith.index_cast %and3A_180 : i32 to index
        %swap3A_193 = arith.constant 16 : index
        %swap3A_194 = tpu.vector_load %arg12[%swap3A_192, %swap3A_193] {strides = array<i32>} : memref<128x128xf32, #tpu.memory_space<vmem>>, vector<16xf32>,
        tpu.vector_store %arg12[%swap3A_192, %swap3A_193], %gather3A_191 {strides = array<i32>} : memref<128x128xf32, #tpu.memory_space<vmem>>, vector<16xf32>,
        %add3A_195 = arith.constant 32 : i32
        %add3A_196 = vector.broadcast %add3A_195 : i32 to vector<16xi32>
        %add3A_197 = arith.addi %add3A_196, %iota3A : vector<16xi32>
        %gather3A_198 = tpu.vector_load_idx %arg9[%add3A_197, %and3A_171] : memref<64x128xf32, #tpu.memory_space<vmem>>[vector<16xi32>, vector<16xi32>], vector<16xf32>,
        %swap3A_199 = arith.index_cast %and3A_180 : i32 to index
        %swap3A_200 = arith.constant 32 : index
        %swap3A_201 = tpu.vector_load %arg12[%swap3A_199, %swap3A_200] {strides = array<i32>} : memref<128x128xf32, #tpu.memory_space<vmem>>, vector<16xf32>,
        tpu.vector_store %arg12[%swap3A_199, %swap3A_200], %gather3A_198 {strides = array<i32>} : memref<128x128xf32, #tpu.memory_space<vmem>>, vector<16xf32>,
        %add3A_202 = arith.constant 48 : i32
        %add3A_203 = vector.broadcast %add3A_202 : i32 to vector<16xi32>
        %add3A_204 = arith.addi %add3A_203, %iota3A : vector<16xi32>
        %gather3A_205 = tpu.vector_load_idx %arg9[%add3A_204, %and3A_171] : memref<64x128xf32, #tpu.memory_space<vmem>>[vector<16xi32>, vector<16xi32>], vector<16xf32>,
        %swap3A_206 = arith.index_cast %and3A_180 : i32 to index
        %swap3A_207 = arith.constant 48 : index
        %swap3A_208 = tpu.vector_load %arg12[%swap3A_206, %swap3A_207] {strides = array<i32>} : memref<128x128xf32, #tpu.memory_space<vmem>>, vector<16xf32>,
        tpu.vector_store %arg12[%swap3A_206, %swap3A_207], %gather3A_205 {strides = array<i32>} : memref<128x128xf32, #tpu.memory_space<vmem>>, vector<16xf32>,
        %and3A_209 = arith.constant 15 : i32
        %and3A_210 = arith.andi %and3A_180, %and3A_209 : i32
        %eq3A_211 = vector.broadcast %and3A_210 : i32 to vector<16xi32>
        %eq3A_212 = arith.cmpi eq, %iota3A, %eq3A_211 : vector<16xi32>
        %select_n3A_213 = arith.select %eq3A_212, %gather3A_178, %while3A_165 : vector<16xi1>, vector<16xi32>
        %and3A_214 = arith.constant 15 : i32
        %and3A_215 = arith.andi %and3A_180, %and3A_214 : i32
        %eq3A_216 = arith.constant 15 : i32
        %eq3A_217 = arith.cmpi eq, %and3A_215, %eq3A_216 : i32
        %convert_element_type3A_218 = arith.extui %eq3A_217 : i1 to i32
        %cond3A_219 = arith.constant 0 : i32
        %cond3A_220 = arith.cmpi ne, %convert_element_type3A_218, %cond3A_219 : i32
        scf.if %cond3A_220 {
          %and3A_230 = arith.constant 112 : i32
          %and3A_231 = arith.andi %and3A_180, %and3A_230 : i32
          %swap3A_232 = arith.index_cast %and3A_231 : i32 to index
          %swap3A_233 = tpu.vector_load %arg13[%swap3A_232] {strides = array<i32>} : memref<128xi32, #tpu.memory_space<vmem>>, vector<16xi32>,
          tpu.vector_store %arg13[%swap3A_232], %select_n3A_213 {strides = array<i32>} : memref<128xi32, #tpu.memory_space<vmem>>, vector<16xi32>,
        } else {
        }
        %eq3A_221 = arith.constant 127 : i32
        %eq3A_222 = arith.cmpi eq, %and3A_180, %eq3A_221 : i32
        %convert_element_type3A_223 = arith.extui %eq3A_222 : i1 to i32
        %cond3A_224 = arith.constant 0 : i32
        %cond3A_225 = arith.cmpi ne, %convert_element_type3A_223, %cond3A_224 : i32
        scf.if %cond3A_225 {
          %dma_start3A_230 = arith.constant 0 : i32
          %dma_start3A_231 = arith.constant 0 : i32
          %dma_start3A_232 = tpu.memref_slice %arg5[%dma_start3A_230, %dma_start3A_231] : memref<16416x128xf32, #tpu.memory_space<hbm>> -> memref<16416x128xf32, #tpu.memory_space<hbm>>
          tpu.enqueue_indirect_dma source(%arg12 : memref<128x128xf32, #tpu.memory_space<vmem>>) target(%dma_start3A_232 : memref<16416x128xf32, #tpu.memory_space<hbm>>) offsets(%arg13 : memref<128xi32, #tpu.memory_space<vmem>>) semaphore(%arg16 : memref<!tpu.dma_semaphore, #tpu.memory_space<semaphore_mem>>)
          %dma_wait3A_233 = arith.constant 0 : i32
          %dma_wait3A_234 = arith.constant 0 : i32
          %dma_wait3A_235 = tpu.memref_slice %arg5[%dma_wait3A_233, %dma_wait3A_234] : memref<16416x128xf32, #tpu.memory_space<hbm>> -> memref<16416x128xf32, #tpu.memory_space<hbm>>
          tpu.wait_indirect_dma semaphore(%arg16 : memref<!tpu.dma_semaphore, #tpu.memory_space<semaphore_mem>>) src(%arg12 : memref<128x128xf32, #tpu.memory_space<vmem>>) dst(%dma_wait3A_235 : memref<16416x128xf32, #tpu.memory_space<hbm>>)
          %swap3A_236 = arith.constant 0 : index
          %swap3A_237 = tpu.vector_load %arg13[%swap3A_236] {strides = array<i32>} : memref<128xi32, #tpu.memory_space<vmem>>, vector<16xi32>,
          tpu.vector_store %arg13[%swap3A_236], %add3A_9 {strides = array<i32>} : memref<128xi32, #tpu.memory_space<vmem>>, vector<16xi32>,
          %swap3A_238 = arith.constant 16 : index
          %swap3A_239 = tpu.vector_load %arg13[%swap3A_238] {strides = array<i32>} : memref<128xi32, #tpu.memory_space<vmem>>, vector<16xi32>,
          tpu.vector_store %arg13[%swap3A_238], %add3A_9 {strides = array<i32>} : memref<128xi32, #tpu.memory_space<vmem>>, vector<16xi32>,
          %swap3A_240 = arith.constant 32 : index
          %swap3A_241 = tpu.vector_load %arg13[%swap3A_240] {strides = array<i32>} : memref<128xi32, #tpu.memory_space<vmem>>, vector<16xi32>,
          tpu.vector_store %arg13[%swap3A_240], %add3A_9 {strides = array<i32>} : memref<128xi32, #tpu.memory_space<vmem>>, vector<16xi32>,
          %swap3A_242 = arith.constant 48 : index
          %swap3A_243 = tpu.vector_load %arg13[%swap3A_242] {strides = array<i32>} : memref<128xi32, #tpu.memory_space<vmem>>, vector<16xi32>,
          tpu.vector_store %arg13[%swap3A_242], %add3A_9 {strides = array<i32>} : memref<128xi32, #tpu.memory_space<vmem>>, vector<16xi32>,
          %swap3A_244 = arith.constant 64 : index
          %swap3A_245 = tpu.vector_load %arg13[%swap3A_244] {strides = array<i32>} : memref<128xi32, #tpu.memory_space<vmem>>, vector<16xi32>,
          tpu.vector_store %arg13[%swap3A_244], %add3A_9 {strides = array<i32>} : memref<128xi32, #tpu.memory_space<vmem>>, vector<16xi32>,
          %swap3A_246 = arith.constant 80 : index
          %swap3A_247 = tpu.vector_load %arg13[%swap3A_246] {strides = array<i32>} : memref<128xi32, #tpu.memory_space<vmem>>, vector<16xi32>,
          tpu.vector_store %arg13[%swap3A_246], %add3A_9 {strides = array<i32>} : memref<128xi32, #tpu.memory_space<vmem>>, vector<16xi32>,
          %swap3A_248 = arith.constant 96 : index
          %swap3A_249 = tpu.vector_load %arg13[%swap3A_248] {strides = array<i32>} : memref<128xi32, #tpu.memory_space<vmem>>, vector<16xi32>,
          tpu.vector_store %arg13[%swap3A_248], %add3A_9 {strides = array<i32>} : memref<128xi32, #tpu.memory_space<vmem>>, vector<16xi32>,
          %swap3A_250 = arith.constant 112 : index
          %swap3A_251 = tpu.vector_load %arg13[%swap3A_250] {strides = array<i32>} : memref<128xi32, #tpu.memory_space<vmem>>, vector<16xi32>,
          tpu.vector_store %arg13[%swap3A_250], %add3A_9 {strides = array<i32>} : memref<128xi32, #tpu.memory_space<vmem>>, vector<16xi32>,
        } else {
        }
        %ne3A_226 = arith.cmpi ne, %iota3A, %all_reduce_ffs3A : vector<16xi32>
        %and3A_227 = arith.andi %while3A_166, %ne3A_226 : vector<16xi1>
        %add3A_228 = arith.constant 1 : i32
        %add3A_229 = arith.addi %while3A_164, %add3A_228 : i32
        scf.yield %add3A_229, %select_n3A_213, %and3A_227 : i32, vector<16xi32>, vector<16xi1>
      }
      %while3A_161 = arith.constant 1 : i32
      %while3A_162:3 = scf.for %while3A_163 = %while3A_158 to %while3A_154 step %while3A_161 iter_args(%while3A_164 = %while3A_160#0, %while3A_165 = %while3A_160#1, %while3A_166 = %while3A_160#2) -> (i32, vector<16xi32>, vector<16xi1>)  : i32 {
        %all_reduce_ffs3A = tpu.all_reduce %while3A_166 {dim = 0 : i64, kind = #tpu.reduction_kind<find_first_set>} : vector<16xi1> -> vector<16xi32>
        %broadcast_in_dim3A_167 = vector.shape_cast %all_reduce_ffs3A : vector<16xi32> to vector<16x1xi32>
        %gather3A = vector.shape_cast %broadcast_in_dim3A_167 : vector<16x1xi32> to vector<16xi32>
        %gather3A_168 = tpu.dynamic_gather %get3A_149[%gather3A] in [0] : vector<16xi32>, vector<16xi32> -> vector<16xi32>
        %and3A_169 = arith.constant 127 : i32
        %and3A_170 = vector.broadcast %and3A_169 : i32 to vector<16xi32>
        %and3A_171 = arith.andi %gather3A_168, %and3A_170 : vector<16xi32>
        %mul3A_172 = arith.constant 16 : i32
        %mul3A_173 = arith.muli %while3A_144, %mul3A_172 : i32
        %get3A_174 = arith.index_cast %mul3A_173 : i32 to index
        %get3A_175 = tpu.vector_load %arg8[%get3A_174] {strides = array<i32>} : memref<16416xi32, #tpu.memory_space<vmem>>, vector<16xi32>,
        %broadcast_in_dim3A_176 = vector.shape_cast %all_reduce_ffs3A : vector<16xi32> to vector<16x1xi32>
        %gather3A_177 = vector.shape_cast %broadcast_in_dim3A_176 : vector<16x1xi32> to vector<16xi32>
        %gather3A_178 = tpu.dynamic_gather %get3A_175[%gather3A_177] in [0] : vector<16xi32>, vector<16xi32> -> vector<16xi32>
        %and3A_179 = arith.constant 127 : i32
        %and3A_180 = arith.andi %while3A_164, %and3A_179 : i32
        %add3A_181 = arith.constant 0 : i32
        %add3A_182 = vector.broadcast %add3A_181 : i32 to vector<16xi32>
        %add3A_183 = arith.addi %add3A_182, %iota3A : vector<16xi32>
        %gather3A_184 = tpu.vector_load_idx %arg9[%add3A_183, %and3A_171] : memref<64x128xf32, #tpu.memory_space<vmem>>[vector<16xi32>, vector<16xi32>], vector<16xf32>,
        %swap3A_185 = arith.index_cast %and3A_180 : i32 to index
        %swap3A_186 = arith.constant 0 : index
        %swap3A_187 = tpu.vector_load %arg12[%swap3A_185, %swap3A_186] {strides = array<i32>} : memref<128x128xf32, #tpu.memory_space<vmem>>, vector<16xf32>,
        tpu.vector_store %arg12[%swap3A_185, %swap3A_186], %gather3A_184 {strides = array<i32>} : memref<128x128xf32, #tpu.memory_space<vmem>>, vector<16xf32>,
        %add3A_188 = arith.constant 16 : i32
        %add3A_189 = vector.broadcast %add3A_188 : i32 to vector<16xi32>
        %add3A_190 = arith.addi %add3A_189, %iota3A : vector<16xi32>
        %gather3A_191 = tpu.vector_load_idx %arg9[%add3A_190, %and3A_171] : memref<64x128xf32, #tpu.memory_space<vmem>>[vector<16xi32>, vector<16xi32>], vector<16xf32>,
        %swap3A_192 = arith.index_cast %and3A_180 : i32 to index
        %swap3A_193 = arith.constant 16 : index
        %swap3A_194 = tpu.vector_load %arg12[%swap3A_192, %swap3A_193] {strides = array<i32>} : memref<128x128xf32, #tpu.memory_space<vmem>>, vector<16xf32>,
        tpu.vector_store %arg12[%swap3A_192, %swap3A_193], %gather3A_191 {strides = array<i32>} : memref<128x128xf32, #tpu.memory_space<vmem>>, vector<16xf32>,
        %add3A_195 = arith.constant 32 : i32
        %add3A_196 = vector.broadcast %add3A_195 : i32 to vector<16xi32>
        %add3A_197 = arith.addi %add3A_196, %iota3A : vector<16xi32>
        %gather3A_198 = tpu.vector_load_idx %arg9[%add3A_197, %and3A_171] : memref<64x128xf32, #tpu.memory_space<vmem>>[vector<16xi32>, vector<16xi32>], vector<16xf32>,
        %swap3A_199 = arith.index_cast %and3A_180 : i32 to index
        %swap3A_200 = arith.constant 32 : index
        %swap3A_201 = tpu.vector_load %arg12[%swap3A_199, %swap3A_200] {strides = array<i32>} : memref<128x128xf32, #tpu.memory_space<vmem>>, vector<16xf32>,
        tpu.vector_store %arg12[%swap3A_199, %swap3A_200], %gather3A_198 {strides = array<i32>} : memref<128x128xf32, #tpu.memory_space<vmem>>, vector<16xf32>,
        %add3A_202 = arith.constant 48 : i32
        %add3A_203 = vector.broadcast %add3A_202 : i32 to vector<16xi32>
        %add3A_204 = arith.addi %add3A_203, %iota3A : vector<16xi32>
        %gather3A_205 = tpu.vector_load_idx %arg9[%add3A_204, %and3A_171] : memref<64x128xf32, #tpu.memory_space<vmem>>[vector<16xi32>, vector<16xi32>], vector<16xf32>,
        %swap3A_206 = arith.index_cast %and3A_180 : i32 to index
        %swap3A_207 = arith.constant 48 : index
        %swap3A_208 = tpu.vector_load %arg12[%swap3A_206, %swap3A_207] {strides = array<i32>} : memref<128x128xf32, #tpu.memory_space<vmem>>, vector<16xf32>,
        tpu.vector_store %arg12[%swap3A_206, %swap3A_207], %gather3A_205 {strides = array<i32>} : memref<128x128xf32, #tpu.memory_space<vmem>>, vector<16xf32>,
        %and3A_209 = arith.constant 15 : i32
        %and3A_210 = arith.andi %and3A_180, %and3A_209 : i32
        %eq3A_211 = vector.broadcast %and3A_210 : i32 to vector<16xi32>
        %eq3A_212 = arith.cmpi eq, %iota3A, %eq3A_211 : vector<16xi32>
        %select_n3A_213 = arith.select %eq3A_212, %gather3A_178, %while3A_165 : vector<16xi1>, vector<16xi32>
        %and3A_214 = arith.constant 15 : i32
        %and3A_215 = arith.andi %and3A_180, %and3A_214 : i32
        %eq3A_216 = arith.constant 15 : i32
        %eq3A_217 = arith.cmpi eq, %and3A_215, %eq3A_216 : i32
        %convert_element_type3A_218 = arith.extui %eq3A_217 : i1 to i32
        %cond3A_219 = arith.constant 0 : i32
        %cond3A_220 = arith.cmpi ne, %convert_element_type3A_218, %cond3A_219 : i32
        scf.if %cond3A_220 {
          %and3A_230 = arith.constant 112 : i32
          %and3A_231 = arith.andi %and3A_180, %and3A_230 : i32
          %swap3A_232 = arith.index_cast %and3A_231 : i32 to index
          %swap3A_233 = tpu.vector_load %arg13[%swap3A_232] {strides = array<i32>} : memref<128xi32, #tpu.memory_space<vmem>>, vector<16xi32>,
          tpu.vector_store %arg13[%swap3A_232], %select_n3A_213 {strides = array<i32>} : memref<128xi32, #tpu.memory_space<vmem>>, vector<16xi32>,
        } else {
        }
        %eq3A_221 = arith.constant 127 : i32
        %eq3A_222 = arith.cmpi eq, %and3A_180, %eq3A_221 : i32
        %convert_element_type3A_223 = arith.extui %eq3A_222 : i1 to i32
        %cond3A_224 = arith.constant 0 : i32
        %cond3A_225 = arith.cmpi ne, %convert_element_type3A_223, %cond3A_224 : i32
        scf.if %cond3A_225 {
          %dma_start3A_230 = arith.constant 0 : i32
          %dma_start3A_231 = arith.constant 0 : i32
          %dma_start3A_232 = tpu.memref_slice %arg5[%dma_start3A_230, %dma_start3A_231] : memref<16416x128xf32, #tpu.memory_space<hbm>> -> memref<16416x128xf32, #tpu.memory_space<hbm>>
          tpu.enqueue_indirect_dma source(%arg12 : memref<128x128xf32, #tpu.memory_space<vmem>>) target(%dma_start3A_232 : memref<16416x128xf32, #tpu.memory_space<hbm>>) offsets(%arg13 : memref<128xi32, #tpu.memory_space<vmem>>) semaphore(%arg16 : memref<!tpu.dma_semaphore, #tpu.memory_space<semaphore_mem>>)
          %dma_wait3A_233 = arith.constant 0 : i32
          %dma_wait3A_234 = arith.constant 0 : i32
          %dma_wait3A_235 = tpu.memref_slice %arg5[%dma_wait3A_233, %dma_wait3A_234] : memref<16416x128xf32, #tpu.memory_space<hbm>> -> memref<16416x128xf32, #tpu.memory_space<hbm>>
          tpu.wait_indirect_dma semaphore(%arg16 : memref<!tpu.dma_semaphore, #tpu.memory_space<semaphore_mem>>) src(%arg12 : memref<128x128xf32, #tpu.memory_space<vmem>>) dst(%dma_wait3A_235 : memref<16416x128xf32, #tpu.memory_space<hbm>>)
          %swap3A_236 = arith.constant 0 : index
          %swap3A_237 = tpu.vector_load %arg13[%swap3A_236] {strides = array<i32>} : memref<128xi32, #tpu.memory_space<vmem>>, vector<16xi32>,
          tpu.vector_store %arg13[%swap3A_236], %add3A_9 {strides = array<i32>} : memref<128xi32, #tpu.memory_space<vmem>>, vector<16xi32>,
          %swap3A_238 = arith.constant 16 : index
          %swap3A_239 = tpu.vector_load %arg13[%swap3A_238] {strides = array<i32>} : memref<128xi32, #tpu.memory_space<vmem>>, vector<16xi32>,
          tpu.vector_store %arg13[%swap3A_238], %add3A_9 {strides = array<i32>} : memref<128xi32, #tpu.memory_space<vmem>>, vector<16xi32>,
          %swap3A_240 = arith.constant 32 : index
          %swap3A_241 = tpu.vector_load %arg13[%swap3A_240] {strides = array<i32>} : memref<128xi32, #tpu.memory_space<vmem>>, vector<16xi32>,
          tpu.vector_store %arg13[%swap3A_240], %add3A_9 {strides = array<i32>} : memref<128xi32, #tpu.memory_space<vmem>>, vector<16xi32>,
          %swap3A_242 = arith.constant 48 : index
          %swap3A_243 = tpu.vector_load %arg13[%swap3A_242] {strides = array<i32>} : memref<128xi32, #tpu.memory_space<vmem>>, vector<16xi32>,
          tpu.vector_store %arg13[%swap3A_242], %add3A_9 {strides = array<i32>} : memref<128xi32, #tpu.memory_space<vmem>>, vector<16xi32>,
          %swap3A_244 = arith.constant 64 : index
          %swap3A_245 = tpu.vector_load %arg13[%swap3A_244] {strides = array<i32>} : memref<128xi32, #tpu.memory_space<vmem>>, vector<16xi32>,
          tpu.vector_store %arg13[%swap3A_244], %add3A_9 {strides = array<i32>} : memref<128xi32, #tpu.memory_space<vmem>>, vector<16xi32>,
          %swap3A_246 = arith.constant 80 : index
          %swap3A_247 = tpu.vector_load %arg13[%swap3A_246] {strides = array<i32>} : memref<128xi32, #tpu.memory_space<vmem>>, vector<16xi32>,
          tpu.vector_store %arg13[%swap3A_246], %add3A_9 {strides = array<i32>} : memref<128xi32, #tpu.memory_space<vmem>>, vector<16xi32>,
          %swap3A_248 = arith.constant 96 : index
          %swap3A_249 = tpu.vector_load %arg13[%swap3A_248] {strides = array<i32>} : memref<128xi32, #tpu.memory_space<vmem>>, vector<16xi32>,
          tpu.vector_store %arg13[%swap3A_248], %add3A_9 {strides = array<i32>} : memref<128xi32, #tpu.memory_space<vmem>>, vector<16xi32>,
          %swap3A_250 = arith.constant 112 : index
          %swap3A_251 = tpu.vector_load %arg13[%swap3A_250] {strides = array<i32>} : memref<128xi32, #tpu.memory_space<vmem>>, vector<16xi32>,
          tpu.vector_store %arg13[%swap3A_250], %add3A_9 {strides = array<i32>} : memref<128xi32, #tpu.memory_space<vmem>>, vector<16xi32>,
        } else {
        }
        %ne3A_226 = arith.cmpi ne, %iota3A, %all_reduce_ffs3A : vector<16xi32>
        %and3A_227 = arith.andi %while3A_166, %ne3A_226 : vector<16xi1>
        %add3A_228 = arith.constant 1 : i32
        %add3A_229 = arith.addi %while3A_164, %add3A_228 : i32
        scf.yield %add3A_229, %select_n3A_213, %and3A_227 : i32, vector<16xi32>, vector<16xi1>
      }
      scf.yield %while3A_162#0, %while3A_162#1 : i32, vector<16xi32>
    }
    %while3A_121 = arith.constant 1 : i32
    %while3A_122:2 = scf.for %while3A_144 = %while3A_118 to %while3A_114 step %while3A_121 iter_args(%while3A_145 = %while3A_120#0, %while3A_146 = %while3A_120#1) -> (i32, vector<16xi32>)  : i32 {
      %mul3A_147 = arith.constant 16 : i32
      %mul3A_148 = arith.muli %while3A_144, %mul3A_147 : i32
      %get3A = arith.index_cast %mul3A_148 : i32 to index
      %get3A_149 = tpu.vector_load %arg7[%get3A] {strides = array<i32>} : memref<16416xi32, #tpu.memory_space<vmem>>, vector<16xi32>,
      %shift_right_logical3A = arith.constant 7 : i32
      %shift_right_logical3A_150 = vector.broadcast %shift_right_logical3A : i32 to vector<16xi32>
      %shift_right_logical3A_151 = arith.shrui %get3A_149, %shift_right_logical3A_150 : vector<16xi32>
      %eq3A = arith.cmpi eq, %shift_right_logical3A_151, %add3A_111 : vector<16xi32>
      %all_reduce_population_count3A = tpu.all_reduce %eq3A {dim = 0 : i64, kind = #tpu.reduction_kind<sum>} : vector<16xi1> -> vector<16xi32>
      %slice3A = vector.extract_strided_slice %all_reduce_population_count3A {offsets = [0], sizes = [1], strides = [1]} : vector<16xi32> to vector<1xi32>
      %squeeze3A = vector.extract %slice3A[0] : i32 from vector<1xi32>
      %while3A_152 = arith.constant 0 : i32
      %while3A_153 = arith.subi %squeeze3A, %while3A_152 : i32
      %while3A_154 = arith.addi %while3A_152, %while3A_153 : i32
      %while3A_155 = arith.constant 1 : i32
      %while3A_156 = arith.divsi %while3A_153, %while3A_155 : i32
      %while3A_157 = arith.muli %while3A_156, %while3A_155 : i32
      %while3A_158 = arith.addi %while3A_152, %while3A_157 : i32
      %while3A_159 = arith.constant 1 : i32
      %while3A_160:3 = scf.for %while3A_163 = %while3A_152 to %while3A_158 step %while3A_159 iter_args(%while3A_164 = %while3A_145, %while3A_165 = %while3A_146, %while3A_166 = %eq3A) -> (i32, vector<16xi32>, vector<16xi1>)  : i32 {
        %all_reduce_ffs3A = tpu.all_reduce %while3A_166 {dim = 0 : i64, kind = #tpu.reduction_kind<find_first_set>} : vector<16xi1> -> vector<16xi32>
        %broadcast_in_dim3A_167 = vector.shape_cast %all_reduce_ffs3A : vector<16xi32> to vector<16x1xi32>
        %gather3A = vector.shape_cast %broadcast_in_dim3A_167 : vector<16x1xi32> to vector<16xi32>
        %gather3A_168 = tpu.dynamic_gather %get3A_149[%gather3A] in [0] : vector<16xi32>, vector<16xi32> -> vector<16xi32>
        %and3A_169 = arith.constant 127 : i32
        %and3A_170 = vector.broadcast %and3A_169 : i32 to vector<16xi32>
        %and3A_171 = arith.andi %gather3A_168, %and3A_170 : vector<16xi32>
        %mul3A_172 = arith.constant 16 : i32
        %mul3A_173 = arith.muli %while3A_144, %mul3A_172 : i32
        %get3A_174 = arith.index_cast %mul3A_173 : i32 to index
        %get3A_175 = tpu.vector_load %arg8[%get3A_174] {strides = array<i32>} : memref<16416xi32, #tpu.memory_space<vmem>>, vector<16xi32>,
        %broadcast_in_dim3A_176 = vector.shape_cast %all_reduce_ffs3A : vector<16xi32> to vector<16x1xi32>
        %gather3A_177 = vector.shape_cast %broadcast_in_dim3A_176 : vector<16x1xi32> to vector<16xi32>
        %gather3A_178 = tpu.dynamic_gather %get3A_175[%gather3A_177] in [0] : vector<16xi32>, vector<16xi32> -> vector<16xi32>
        %and3A_179 = arith.constant 127 : i32
        %and3A_180 = arith.andi %while3A_164, %and3A_179 : i32
        %add3A_181 = arith.constant 0 : i32
        %add3A_182 = vector.broadcast %add3A_181 : i32 to vector<16xi32>
        %add3A_183 = arith.addi %add3A_182, %iota3A : vector<16xi32>
        %gather3A_184 = tpu.vector_load_idx %arg9[%add3A_183, %and3A_171] : memref<64x128xf32, #tpu.memory_space<vmem>>[vector<16xi32>, vector<16xi32>], vector<16xf32>,
        %swap3A_185 = arith.index_cast %and3A_180 : i32 to index
        %swap3A_186 = arith.constant 0 : index
        %swap3A_187 = tpu.vector_load %arg12[%swap3A_185, %swap3A_186] {strides = array<i32>} : memref<128x128xf32, #tpu.memory_space<vmem>>, vector<16xf32>,
        tpu.vector_store %arg12[%swap3A_185, %swap3A_186], %gather3A_184 {strides = array<i32>} : memref<128x128xf32, #tpu.memory_space<vmem>>, vector<16xf32>,
        %add3A_188 = arith.constant 16 : i32
        %add3A_189 = vector.broadcast %add3A_188 : i32 to vector<16xi32>
        %add3A_190 = arith.addi %add3A_189, %iota3A : vector<16xi32>
        %gather3A_191 = tpu.vector_load_idx %arg9[%add3A_190, %and3A_171] : memref<64x128xf32, #tpu.memory_space<vmem>>[vector<16xi32>, vector<16xi32>], vector<16xf32>,
        %swap3A_192 = arith.index_cast %and3A_180 : i32 to index
        %swap3A_193 = arith.constant 16 : index
        %swap3A_194 = tpu.vector_load %arg12[%swap3A_192, %swap3A_193] {strides = array<i32>} : memref<128x128xf32, #tpu.memory_space<vmem>>, vector<16xf32>,
        tpu.vector_store %arg12[%swap3A_192, %swap3A_193], %gather3A_191 {strides = array<i32>} : memref<128x128xf32, #tpu.memory_space<vmem>>, vector<16xf32>,
        %add3A_195 = arith.constant 32 : i32
        %add3A_196 = vector.broadcast %add3A_195 : i32 to vector<16xi32>
        %add3A_197 = arith.addi %add3A_196, %iota3A : vector<16xi32>
        %gather3A_198 = tpu.vector_load_idx %arg9[%add3A_197, %and3A_171] : memref<64x128xf32, #tpu.memory_space<vmem>>[vector<16xi32>, vector<16xi32>], vector<16xf32>,
        %swap3A_199 = arith.index_cast %and3A_180 : i32 to index
        %swap3A_200 = arith.constant 32 : index
        %swap3A_201 = tpu.vector_load %arg12[%swap3A_199, %swap3A_200] {strides = array<i32>} : memref<128x128xf32, #tpu.memory_space<vmem>>, vector<16xf32>,
        tpu.vector_store %arg12[%swap3A_199, %swap3A_200], %gather3A_198 {strides = array<i32>} : memref<128x128xf32, #tpu.memory_space<vmem>>, vector<16xf32>,
        %add3A_202 = arith.constant 48 : i32
        %add3A_203 = vector.broadcast %add3A_202 : i32 to vector<16xi32>
        %add3A_204 = arith.addi %add3A_203, %iota3A : vector<16xi32>
        %gather3A_205 = tpu.vector_load_idx %arg9[%add3A_204, %and3A_171] : memref<64x128xf32, #tpu.memory_space<vmem>>[vector<16xi32>, vector<16xi32>], vector<16xf32>,
        %swap3A_206 = arith.index_cast %and3A_180 : i32 to index
        %swap3A_207 = arith.constant 48 : index
        %swap3A_208 = tpu.vector_load %arg12[%swap3A_206, %swap3A_207] {strides = array<i32>} : memref<128x128xf32, #tpu.memory_space<vmem>>, vector<16xf32>,
        tpu.vector_store %arg12[%swap3A_206, %swap3A_207], %gather3A_205 {strides = array<i32>} : memref<128x128xf32, #tpu.memory_space<vmem>>, vector<16xf32>,
        %and3A_209 = arith.constant 15 : i32
        %and3A_210 = arith.andi %and3A_180, %and3A_209 : i32
        %eq3A_211 = vector.broadcast %and3A_210 : i32 to vector<16xi32>
        %eq3A_212 = arith.cmpi eq, %iota3A, %eq3A_211 : vector<16xi32>
        %select_n3A_213 = arith.select %eq3A_212, %gather3A_178, %while3A_165 : vector<16xi1>, vector<16xi32>
        %and3A_214 = arith.constant 15 : i32
        %and3A_215 = arith.andi %and3A_180, %and3A_214 : i32
        %eq3A_216 = arith.constant 15 : i32
        %eq3A_217 = arith.cmpi eq, %and3A_215, %eq3A_216 : i32
        %convert_element_type3A_218 = arith.extui %eq3A_217 : i1 to i32
        %cond3A_219 = arith.constant 0 : i32
        %cond3A_220 = arith.cmpi ne, %convert_element_type3A_218, %cond3A_219 : i32
        scf.if %cond3A_220 {
          %and3A_230 = arith.constant 112 : i32
          %and3A_231 = arith.andi %and3A_180, %and3A_230 : i32
          %swap3A_232 = arith.index_cast %and3A_231 : i32 to index
          %swap3A_233 = tpu.vector_load %arg13[%swap3A_232] {strides = array<i32>} : memref<128xi32, #tpu.memory_space<vmem>>, vector<16xi32>,
          tpu.vector_store %arg13[%swap3A_232], %select_n3A_213 {strides = array<i32>} : memref<128xi32, #tpu.memory_space<vmem>>, vector<16xi32>,
        } else {
        }
        %eq3A_221 = arith.constant 127 : i32
        %eq3A_222 = arith.cmpi eq, %and3A_180, %eq3A_221 : i32
        %convert_element_type3A_223 = arith.extui %eq3A_222 : i1 to i32
        %cond3A_224 = arith.constant 0 : i32
        %cond3A_225 = arith.cmpi ne, %convert_element_type3A_223, %cond3A_224 : i32
        scf.if %cond3A_225 {
          %dma_start3A_230 = arith.constant 0 : i32
          %dma_start3A_231 = arith.constant 0 : i32
          %dma_start3A_232 = tpu.memref_slice %arg5[%dma_start3A_230, %dma_start3A_231] : memref<16416x128xf32, #tpu.memory_space<hbm>> -> memref<16416x128xf32, #tpu.memory_space<hbm>>
          tpu.enqueue_indirect_dma source(%arg12 : memref<128x128xf32, #tpu.memory_space<vmem>>) target(%dma_start3A_232 : memref<16416x128xf32, #tpu.memory_space<hbm>>) offsets(%arg13 : memref<128xi32, #tpu.memory_space<vmem>>) semaphore(%arg16 : memref<!tpu.dma_semaphore, #tpu.memory_space<semaphore_mem>>)
          %dma_wait3A_233 = arith.constant 0 : i32
          %dma_wait3A_234 = arith.constant 0 : i32
          %dma_wait3A_235 = tpu.memref_slice %arg5[%dma_wait3A_233, %dma_wait3A_234] : memref<16416x128xf32, #tpu.memory_space<hbm>> -> memref<16416x128xf32, #tpu.memory_space<hbm>>
          tpu.wait_indirect_dma semaphore(%arg16 : memref<!tpu.dma_semaphore, #tpu.memory_space<semaphore_mem>>) src(%arg12 : memref<128x128xf32, #tpu.memory_space<vmem>>) dst(%dma_wait3A_235 : memref<16416x128xf32, #tpu.memory_space<hbm>>)
          %swap3A_236 = arith.constant 0 : index
          %swap3A_237 = tpu.vector_load %arg13[%swap3A_236] {strides = array<i32>} : memref<128xi32, #tpu.memory_space<vmem>>, vector<16xi32>,
          tpu.vector_store %arg13[%swap3A_236], %add3A_9 {strides = array<i32>} : memref<128xi32, #tpu.memory_space<vmem>>, vector<16xi32>,
          %swap3A_238 = arith.constant 16 : index
          %swap3A_239 = tpu.vector_load %arg13[%swap3A_238] {strides = array<i32>} : memref<128xi32, #tpu.memory_space<vmem>>, vector<16xi32>,
          tpu.vector_store %arg13[%swap3A_238], %add3A_9 {strides = array<i32>} : memref<128xi32, #tpu.memory_space<vmem>>, vector<16xi32>,
          %swap3A_240 = arith.constant 32 : index
          %swap3A_241 = tpu.vector_load %arg13[%swap3A_240] {strides = array<i32>} : memref<128xi32, #tpu.memory_space<vmem>>, vector<16xi32>,
          tpu.vector_store %arg13[%swap3A_240], %add3A_9 {strides = array<i32>} : memref<128xi32, #tpu.memory_space<vmem>>, vector<16xi32>,
          %swap3A_242 = arith.constant 48 : index
          %swap3A_243 = tpu.vector_load %arg13[%swap3A_242] {strides = array<i32>} : memref<128xi32, #tpu.memory_space<vmem>>, vector<16xi32>,
          tpu.vector_store %arg13[%swap3A_242], %add3A_9 {strides = array<i32>} : memref<128xi32, #tpu.memory_space<vmem>>, vector<16xi32>,
          %swap3A_244 = arith.constant 64 : index
          %swap3A_245 = tpu.vector_load %arg13[%swap3A_244] {strides = array<i32>} : memref<128xi32, #tpu.memory_space<vmem>>, vector<16xi32>,
          tpu.vector_store %arg13[%swap3A_244], %add3A_9 {strides = array<i32>} : memref<128xi32, #tpu.memory_space<vmem>>, vector<16xi32>,
          %swap3A_246 = arith.constant 80 : index
          %swap3A_247 = tpu.vector_load %arg13[%swap3A_246] {strides = array<i32>} : memref<128xi32, #tpu.memory_space<vmem>>, vector<16xi32>,
          tpu.vector_store %arg13[%swap3A_246], %add3A_9 {strides = array<i32>} : memref<128xi32, #tpu.memory_space<vmem>>, vector<16xi32>,
          %swap3A_248 = arith.constant 96 : index
          %swap3A_249 = tpu.vector_load %arg13[%swap3A_248] {strides = array<i32>} : memref<128xi32, #tpu.memory_space<vmem>>, vector<16xi32>,
          tpu.vector_store %arg13[%swap3A_248], %add3A_9 {strides = array<i32>} : memref<128xi32, #tpu.memory_space<vmem>>, vector<16xi32>,
          %swap3A_250 = arith.constant 112 : index
          %swap3A_251 = tpu.vector_load %arg13[%swap3A_250] {strides = array<i32>} : memref<128xi32, #tpu.memory_space<vmem>>, vector<16xi32>,
          tpu.vector_store %arg13[%swap3A_250], %add3A_9 {strides = array<i32>} : memref<128xi32, #tpu.memory_space<vmem>>, vector<16xi32>,
        } else {
        }
        %ne3A_226 = arith.cmpi ne, %iota3A, %all_reduce_ffs3A : vector<16xi32>
        %and3A_227 = arith.andi %while3A_166, %ne3A_226 : vector<16xi1>
        %add3A_228 = arith.constant 1 : i32
        %add3A_229 = arith.addi %while3A_164, %add3A_228 : i32
        scf.yield %add3A_229, %select_n3A_213, %and3A_227 : i32, vector<16xi32>, vector<16xi1>
      }
      %while3A_161 = arith.constant 1 : i32
      %while3A_162:3 = scf.for %while3A_163 = %while3A_158 to %while3A_154 step %while3A_161 iter_args(%while3A_164 = %while3A_160#0, %while3A_165 = %while3A_160#1, %while3A_166 = %while3A_160#2) -> (i32, vector<16xi32>, vector<16xi1>)  : i32 {
        %all_reduce_ffs3A = tpu.all_reduce %while3A_166 {dim = 0 : i64, kind = #tpu.reduction_kind<find_first_set>} : vector<16xi1> -> vector<16xi32>
        %broadcast_in_dim3A_167 = vector.shape_cast %all_reduce_ffs3A : vector<16xi32> to vector<16x1xi32>
        %gather3A = vector.shape_cast %broadcast_in_dim3A_167 : vector<16x1xi32> to vector<16xi32>
        %gather3A_168 = tpu.dynamic_gather %get3A_149[%gather3A] in [0] : vector<16xi32>, vector<16xi32> -> vector<16xi32>
        %and3A_169 = arith.constant 127 : i32
        %and3A_170 = vector.broadcast %and3A_169 : i32 to vector<16xi32>
        %and3A_171 = arith.andi %gather3A_168, %and3A_170 : vector<16xi32>
        %mul3A_172 = arith.constant 16 : i32
        %mul3A_173 = arith.muli %while3A_144, %mul3A_172 : i32
        %get3A_174 = arith.index_cast %mul3A_173 : i32 to index
        %get3A_175 = tpu.vector_load %arg8[%get3A_174] {strides = array<i32>} : memref<16416xi32, #tpu.memory_space<vmem>>, vector<16xi32>,
        %broadcast_in_dim3A_176 = vector.shape_cast %all_reduce_ffs3A : vector<16xi32> to vector<16x1xi32>
        %gather3A_177 = vector.shape_cast %broadcast_in_dim3A_176 : vector<16x1xi32> to vector<16xi32>
        %gather3A_178 = tpu.dynamic_gather %get3A_175[%gather3A_177] in [0] : vector<16xi32>, vector<16xi32> -> vector<16xi32>
        %and3A_179 = arith.constant 127 : i32
        %and3A_180 = arith.andi %while3A_164, %and3A_179 : i32
        %add3A_181 = arith.constant 0 : i32
        %add3A_182 = vector.broadcast %add3A_181 : i32 to vector<16xi32>
        %add3A_183 = arith.addi %add3A_182, %iota3A : vector<16xi32>
        %gather3A_184 = tpu.vector_load_idx %arg9[%add3A_183, %and3A_171] : memref<64x128xf32, #tpu.memory_space<vmem>>[vector<16xi32>, vector<16xi32>], vector<16xf32>,
        %swap3A_185 = arith.index_cast %and3A_180 : i32 to index
        %swap3A_186 = arith.constant 0 : index
        %swap3A_187 = tpu.vector_load %arg12[%swap3A_185, %swap3A_186] {strides = array<i32>} : memref<128x128xf32, #tpu.memory_space<vmem>>, vector<16xf32>,
        tpu.vector_store %arg12[%swap3A_185, %swap3A_186], %gather3A_184 {strides = array<i32>} : memref<128x128xf32, #tpu.memory_space<vmem>>, vector<16xf32>,
        %add3A_188 = arith.constant 16 : i32
        %add3A_189 = vector.broadcast %add3A_188 : i32 to vector<16xi32>
        %add3A_190 = arith.addi %add3A_189, %iota3A : vector<16xi32>
        %gather3A_191 = tpu.vector_load_idx %arg9[%add3A_190, %and3A_171] : memref<64x128xf32, #tpu.memory_space<vmem>>[vector<16xi32>, vector<16xi32>], vector<16xf32>,
        %swap3A_192 = arith.index_cast %and3A_180 : i32 to index
        %swap3A_193 = arith.constant 16 : index
        %swap3A_194 = tpu.vector_load %arg12[%swap3A_192, %swap3A_193] {strides = array<i32>} : memref<128x128xf32, #tpu.memory_space<vmem>>, vector<16xf32>,
        tpu.vector_store %arg12[%swap3A_192, %swap3A_193], %gather3A_191 {strides = array<i32>} : memref<128x128xf32, #tpu.memory_space<vmem>>, vector<16xf32>,
        %add3A_195 = arith.constant 32 : i32
        %add3A_196 = vector.broadcast %add3A_195 : i32 to vector<16xi32>
        %add3A_197 = arith.addi %add3A_196, %iota3A : vector<16xi32>
        %gather3A_198 = tpu.vector_load_idx %arg9[%add3A_197, %and3A_171] : memref<64x128xf32, #tpu.memory_space<vmem>>[vector<16xi32>, vector<16xi32>], vector<16xf32>,
        %swap3A_199 = arith.index_cast %and3A_180 : i32 to index
        %swap3A_200 = arith.constant 32 : index
        %swap3A_201 = tpu.vector_load %arg12[%swap3A_199, %swap3A_200] {strides = array<i32>} : memref<128x128xf32, #tpu.memory_space<vmem>>, vector<16xf32>,
        tpu.vector_store %arg12[%swap3A_199, %swap3A_200], %gather3A_198 {strides = array<i32>} : memref<128x128xf32, #tpu.memory_space<vmem>>, vector<16xf32>,
        %add3A_202 = arith.constant 48 : i32
        %add3A_203 = vector.broadcast %add3A_202 : i32 to vector<16xi32>
        %add3A_204 = arith.addi %add3A_203, %iota3A : vector<16xi32>
        %gather3A_205 = tpu.vector_load_idx %arg9[%add3A_204, %and3A_171] : memref<64x128xf32, #tpu.memory_space<vmem>>[vector<16xi32>, vector<16xi32>], vector<16xf32>,
        %swap3A_206 = arith.index_cast %and3A_180 : i32 to index
        %swap3A_207 = arith.constant 48 : index
        %swap3A_208 = tpu.vector_load %arg12[%swap3A_206, %swap3A_207] {strides = array<i32>} : memref<128x128xf32, #tpu.memory_space<vmem>>, vector<16xf32>,
        tpu.vector_store %arg12[%swap3A_206, %swap3A_207], %gather3A_205 {strides = array<i32>} : memref<128x128xf32, #tpu.memory_space<vmem>>, vector<16xf32>,
        %and3A_209 = arith.constant 15 : i32
        %and3A_210 = arith.andi %and3A_180, %and3A_209 : i32
        %eq3A_211 = vector.broadcast %and3A_210 : i32 to vector<16xi32>
        %eq3A_212 = arith.cmpi eq, %iota3A, %eq3A_211 : vector<16xi32>
        %select_n3A_213 = arith.select %eq3A_212, %gather3A_178, %while3A_165 : vector<16xi1>, vector<16xi32>
        %and3A_214 = arith.constant 15 : i32
        %and3A_215 = arith.andi %and3A_180, %and3A_214 : i32
        %eq3A_216 = arith.constant 15 : i32
        %eq3A_217 = arith.cmpi eq, %and3A_215, %eq3A_216 : i32
        %convert_element_type3A_218 = arith.extui %eq3A_217 : i1 to i32
        %cond3A_219 = arith.constant 0 : i32
        %cond3A_220 = arith.cmpi ne, %convert_element_type3A_218, %cond3A_219 : i32
        scf.if %cond3A_220 {
          %and3A_230 = arith.constant 112 : i32
          %and3A_231 = arith.andi %and3A_180, %and3A_230 : i32
          %swap3A_232 = arith.index_cast %and3A_231 : i32 to index
          %swap3A_233 = tpu.vector_load %arg13[%swap3A_232] {strides = array<i32>} : memref<128xi32, #tpu.memory_space<vmem>>, vector<16xi32>,
          tpu.vector_store %arg13[%swap3A_232], %select_n3A_213 {strides = array<i32>} : memref<128xi32, #tpu.memory_space<vmem>>, vector<16xi32>,
        } else {
        }
        %eq3A_221 = arith.constant 127 : i32
        %eq3A_222 = arith.cmpi eq, %and3A_180, %eq3A_221 : i32
        %convert_element_type3A_223 = arith.extui %eq3A_222 : i1 to i32
        %cond3A_224 = arith.constant 0 : i32
        %cond3A_225 = arith.cmpi ne, %convert_element_type3A_223, %cond3A_224 : i32
        scf.if %cond3A_225 {
          %dma_start3A_230 = arith.constant 0 : i32
          %dma_start3A_231 = arith.constant 0 : i32
          %dma_start3A_232 = tpu.memref_slice %arg5[%dma_start3A_230, %dma_start3A_231] : memref<16416x128xf32, #tpu.memory_space<hbm>> -> memref<16416x128xf32, #tpu.memory_space<hbm>>
          tpu.enqueue_indirect_dma source(%arg12 : memref<128x128xf32, #tpu.memory_space<vmem>>) target(%dma_start3A_232 : memref<16416x128xf32, #tpu.memory_space<hbm>>) offsets(%arg13 : memref<128xi32, #tpu.memory_space<vmem>>) semaphore(%arg16 : memref<!tpu.dma_semaphore, #tpu.memory_space<semaphore_mem>>)
          %dma_wait3A_233 = arith.constant 0 : i32
          %dma_wait3A_234 = arith.constant 0 : i32
          %dma_wait3A_235 = tpu.memref_slice %arg5[%dma_wait3A_233, %dma_wait3A_234] : memref<16416x128xf32, #tpu.memory_space<hbm>> -> memref<16416x128xf32, #tpu.memory_space<hbm>>
          tpu.wait_indirect_dma semaphore(%arg16 : memref<!tpu.dma_semaphore, #tpu.memory_space<semaphore_mem>>) src(%arg12 : memref<128x128xf32, #tpu.memory_space<vmem>>) dst(%dma_wait3A_235 : memref<16416x128xf32, #tpu.memory_space<hbm>>)
          %swap3A_236 = arith.constant 0 : index
          %swap3A_237 = tpu.vector_load %arg13[%swap3A_236] {strides = array<i32>} : memref<128xi32, #tpu.memory_space<vmem>>, vector<16xi32>,
          tpu.vector_store %arg13[%swap3A_236], %add3A_9 {strides = array<i32>} : memref<128xi32, #tpu.memory_space<vmem>>, vector<16xi32>,
          %swap3A_238 = arith.constant 16 : index
          %swap3A_239 = tpu.vector_load %arg13[%swap3A_238] {strides = array<i32>} : memref<128xi32, #tpu.memory_space<vmem>>, vector<16xi32>,
          tpu.vector_store %arg13[%swap3A_238], %add3A_9 {strides = array<i32>} : memref<128xi32, #tpu.memory_space<vmem>>, vector<16xi32>,
          %swap3A_240 = arith.constant 32 : index
          %swap3A_241 = tpu.vector_load %arg13[%swap3A_240] {strides = array<i32>} : memref<128xi32, #tpu.memory_space<vmem>>, vector<16xi32>,
          tpu.vector_store %arg13[%swap3A_240], %add3A_9 {strides = array<i32>} : memref<128xi32, #tpu.memory_space<vmem>>, vector<16xi32>,
          %swap3A_242 = arith.constant 48 : index
          %swap3A_243 = tpu.vector_load %arg13[%swap3A_242] {strides = array<i32>} : memref<128xi32, #tpu.memory_space<vmem>>, vector<16xi32>,
          tpu.vector_store %arg13[%swap3A_242], %add3A_9 {strides = array<i32>} : memref<128xi32, #tpu.memory_space<vmem>>, vector<16xi32>,
          %swap3A_244 = arith.constant 64 : index
          %swap3A_245 = tpu.vector_load %arg13[%swap3A_244] {strides = array<i32>} : memref<128xi32, #tpu.memory_space<vmem>>, vector<16xi32>,
          tpu.vector_store %arg13[%swap3A_244], %add3A_9 {strides = array<i32>} : memref<128xi32, #tpu.memory_space<vmem>>, vector<16xi32>,
          %swap3A_246 = arith.constant 80 : index
          %swap3A_247 = tpu.vector_load %arg13[%swap3A_246] {strides = array<i32>} : memref<128xi32, #tpu.memory_space<vmem>>, vector<16xi32>,
          tpu.vector_store %arg13[%swap3A_246], %add3A_9 {strides = array<i32>} : memref<128xi32, #tpu.memory_space<vmem>>, vector<16xi32>,
          %swap3A_248 = arith.constant 96 : index
          %swap3A_249 = tpu.vector_load %arg13[%swap3A_248] {strides = array<i32>} : memref<128xi32, #tpu.memory_space<vmem>>, vector<16xi32>,
          tpu.vector_store %arg13[%swap3A_248], %add3A_9 {strides = array<i32>} : memref<128xi32, #tpu.memory_space<vmem>>, vector<16xi32>,
          %swap3A_250 = arith.constant 112 : index
          %swap3A_251 = tpu.vector_load %arg13[%swap3A_250] {strides = array<i32>} : memref<128xi32, #tpu.memory_space<vmem>>, vector<16xi32>,
          tpu.vector_store %arg13[%swap3A_250], %add3A_9 {strides = array<i32>} : memref<128xi32, #tpu.memory_space<vmem>>, vector<16xi32>,
        } else {
        }
        %ne3A_226 = arith.cmpi ne, %iota3A, %all_reduce_ffs3A : vector<16xi32>
        %and3A_227 = arith.andi %while3A_166, %ne3A_226 : vector<16xi1>
        %add3A_228 = arith.constant 1 : i32
        %add3A_229 = arith.addi %while3A_164, %add3A_228 : i32
        scf.yield %add3A_229, %select_n3A_213, %and3A_227 : i32, vector<16xi32>, vector<16xi1>
      }
      scf.yield %while3A_162#0, %while3A_162#1 : i32, vector<16xi32>
    }
    "tpu.region"() ({
      %run_scoped3A = tpu.sem_alloc : memref<!tpu.dma_semaphore, #tpu.memory_space<semaphore_mem>>
      tpu.enqueue_dma source(%arg4 : memref<64x64xf32, #tpu.memory_space<hbm>>) target(%arg11 : memref<64x64xf32, #tpu.memory_space<vmem>>) target_semaphore(%run_scoped3A : memref<!tpu.dma_semaphore, #tpu.memory_space<semaphore_mem>>)
      tpu.wait_dma2 semaphore(%run_scoped3A : memref<!tpu.dma_semaphore, #tpu.memory_space<semaphore_mem>>) src(%arg4 : memref<64x64xf32, #tpu.memory_space<hbm>>) dst(%arg11 : memref<64x64xf32, #tpu.memory_space<vmem>>)
      tpu.yield
    }) : () -> ()
    %broadcast_in_dim3A_123 = arith.constant 0 : i32
    %broadcast_in_dim3A_124 = vector.broadcast %broadcast_in_dim3A_123 : i32 to vector<16xi32>
    %add3A_125 = arith.constant 7812 : i32
    %add3A_126 = vector.broadcast %add3A_125 : i32 to vector<16xi32>
    %add3A_127 = arith.addi %broadcast_in_dim3A_124, %add3A_126 : vector<16xi32>
    %while3A_128 = arith.constant 0 : i32
    %while3A_129 = arith.subi %shift_right_arithmetic3A_37, %while3A_128 : i32
    %while3A_130 = arith.addi %while3A_128, %while3A_129 : i32
    %while3A_131 = arith.constant 1 : i32
    %while3A_132 = arith.divsi %while3A_129, %while3A_131 : i32
    %while3A_133 = arith.muli %while3A_132, %while3A_131 : i32
    %while3A_134 = arith.addi %while3A_128, %while3A_133 : i32
    %while3A_135 = arith.constant 1 : i32
    %while3A_136:2 = scf.for %while3A_144 = %while3A_128 to %while3A_134 step %while3A_135 iter_args(%while3A_145 = %while3A_122#0, %while3A_146 = %while3A_122#1) -> (i32, vector<16xi32>)  : i32 {
      %mul3A_147 = arith.constant 16 : i32
      %mul3A_148 = arith.muli %while3A_144, %mul3A_147 : i32
      %get3A = arith.index_cast %mul3A_148 : i32 to index
      %get3A_149 = tpu.vector_load %arg7[%get3A] {strides = array<i32>} : memref<16416xi32, #tpu.memory_space<vmem>>, vector<16xi32>,
      %shift_right_logical3A = arith.constant 7 : i32
      %shift_right_logical3A_150 = vector.broadcast %shift_right_logical3A : i32 to vector<16xi32>
      %shift_right_logical3A_151 = arith.shrui %get3A_149, %shift_right_logical3A_150 : vector<16xi32>
      %eq3A = arith.cmpi eq, %shift_right_logical3A_151, %add3A_127 : vector<16xi32>
      %all_reduce_population_count3A = tpu.all_reduce %eq3A {dim = 0 : i64, kind = #tpu.reduction_kind<sum>} : vector<16xi1> -> vector<16xi32>
      %slice3A = vector.extract_strided_slice %all_reduce_population_count3A {offsets = [0], sizes = [1], strides = [1]} : vector<16xi32> to vector<1xi32>
      %squeeze3A = vector.extract %slice3A[0] : i32 from vector<1xi32>
      %while3A_152 = arith.constant 0 : i32
      %while3A_153 = arith.subi %squeeze3A, %while3A_152 : i32
      %while3A_154 = arith.addi %while3A_152, %while3A_153 : i32
      %while3A_155 = arith.constant 1 : i32
      %while3A_156 = arith.divsi %while3A_153, %while3A_155 : i32
      %while3A_157 = arith.muli %while3A_156, %while3A_155 : i32
      %while3A_158 = arith.addi %while3A_152, %while3A_157 : i32
      %while3A_159 = arith.constant 1 : i32
      %while3A_160:3 = scf.for %while3A_163 = %while3A_152 to %while3A_158 step %while3A_159 iter_args(%while3A_164 = %while3A_145, %while3A_165 = %while3A_146, %while3A_166 = %eq3A) -> (i32, vector<16xi32>, vector<16xi1>)  : i32 {
        %all_reduce_ffs3A = tpu.all_reduce %while3A_166 {dim = 0 : i64, kind = #tpu.reduction_kind<find_first_set>} : vector<16xi1> -> vector<16xi32>
        %broadcast_in_dim3A_167 = vector.shape_cast %all_reduce_ffs3A : vector<16xi32> to vector<16x1xi32>
        %gather3A = vector.shape_cast %broadcast_in_dim3A_167 : vector<16x1xi32> to vector<16xi32>
        %gather3A_168 = tpu.dynamic_gather %get3A_149[%gather3A] in [0] : vector<16xi32>, vector<16xi32> -> vector<16xi32>
        %and3A_169 = arith.constant 127 : i32
        %and3A_170 = vector.broadcast %and3A_169 : i32 to vector<16xi32>
        %and3A_171 = arith.andi %gather3A_168, %and3A_170 : vector<16xi32>
        %mul3A_172 = arith.constant 16 : i32
        %mul3A_173 = arith.muli %while3A_144, %mul3A_172 : i32
        %get3A_174 = arith.index_cast %mul3A_173 : i32 to index
        %get3A_175 = tpu.vector_load %arg8[%get3A_174] {strides = array<i32>} : memref<16416xi32, #tpu.memory_space<vmem>>, vector<16xi32>,
        %broadcast_in_dim3A_176 = vector.shape_cast %all_reduce_ffs3A : vector<16xi32> to vector<16x1xi32>
        %gather3A_177 = vector.shape_cast %broadcast_in_dim3A_176 : vector<16x1xi32> to vector<16xi32>
        %gather3A_178 = tpu.dynamic_gather %get3A_175[%gather3A_177] in [0] : vector<16xi32>, vector<16xi32> -> vector<16xi32>
        %and3A_179 = arith.constant 127 : i32
        %and3A_180 = arith.andi %while3A_164, %and3A_179 : i32
        %add3A_181 = arith.constant 0 : i32
        %add3A_182 = vector.broadcast %add3A_181 : i32 to vector<16xi32>
        %add3A_183 = arith.addi %add3A_182, %iota3A : vector<16xi32>
        %gather3A_184 = tpu.vector_load_idx %arg11[%add3A_183, %and3A_171] : memref<64x64xf32, #tpu.memory_space<vmem>>[vector<16xi32>, vector<16xi32>], vector<16xf32>,
        %swap3A_185 = arith.index_cast %and3A_180 : i32 to index
        %swap3A_186 = arith.constant 0 : index
        %swap3A_187 = tpu.vector_load %arg12[%swap3A_185, %swap3A_186] {strides = array<i32>} : memref<128x128xf32, #tpu.memory_space<vmem>>, vector<16xf32>,
        tpu.vector_store %arg12[%swap3A_185, %swap3A_186], %gather3A_184 {strides = array<i32>} : memref<128x128xf32, #tpu.memory_space<vmem>>, vector<16xf32>,
        %add3A_188 = arith.constant 16 : i32
        %add3A_189 = vector.broadcast %add3A_188 : i32 to vector<16xi32>
        %add3A_190 = arith.addi %add3A_189, %iota3A : vector<16xi32>
        %gather3A_191 = tpu.vector_load_idx %arg11[%add3A_190, %and3A_171] : memref<64x64xf32, #tpu.memory_space<vmem>>[vector<16xi32>, vector<16xi32>], vector<16xf32>,
        %swap3A_192 = arith.index_cast %and3A_180 : i32 to index
        %swap3A_193 = arith.constant 16 : index
        %swap3A_194 = tpu.vector_load %arg12[%swap3A_192, %swap3A_193] {strides = array<i32>} : memref<128x128xf32, #tpu.memory_space<vmem>>, vector<16xf32>,
        tpu.vector_store %arg12[%swap3A_192, %swap3A_193], %gather3A_191 {strides = array<i32>} : memref<128x128xf32, #tpu.memory_space<vmem>>, vector<16xf32>,
        %add3A_195 = arith.constant 32 : i32
        %add3A_196 = vector.broadcast %add3A_195 : i32 to vector<16xi32>
        %add3A_197 = arith.addi %add3A_196, %iota3A : vector<16xi32>
        %gather3A_198 = tpu.vector_load_idx %arg11[%add3A_197, %and3A_171] : memref<64x64xf32, #tpu.memory_space<vmem>>[vector<16xi32>, vector<16xi32>], vector<16xf32>,
        %swap3A_199 = arith.index_cast %and3A_180 : i32 to index
        %swap3A_200 = arith.constant 32 : index
        %swap3A_201 = tpu.vector_load %arg12[%swap3A_199, %swap3A_200] {strides = array<i32>} : memref<128x128xf32, #tpu.memory_space<vmem>>, vector<16xf32>,
        tpu.vector_store %arg12[%swap3A_199, %swap3A_200], %gather3A_198 {strides = array<i32>} : memref<128x128xf32, #tpu.memory_space<vmem>>, vector<16xf32>,
        %add3A_202 = arith.constant 48 : i32
        %add3A_203 = vector.broadcast %add3A_202 : i32 to vector<16xi32>
        %add3A_204 = arith.addi %add3A_203, %iota3A : vector<16xi32>
        %gather3A_205 = tpu.vector_load_idx %arg11[%add3A_204, %and3A_171] : memref<64x64xf32, #tpu.memory_space<vmem>>[vector<16xi32>, vector<16xi32>], vector<16xf32>,
        %swap3A_206 = arith.index_cast %and3A_180 : i32 to index
        %swap3A_207 = arith.constant 48 : index
        %swap3A_208 = tpu.vector_load %arg12[%swap3A_206, %swap3A_207] {strides = array<i32>} : memref<128x128xf32, #tpu.memory_space<vmem>>, vector<16xf32>,
        tpu.vector_store %arg12[%swap3A_206, %swap3A_207], %gather3A_205 {strides = array<i32>} : memref<128x128xf32, #tpu.memory_space<vmem>>, vector<16xf32>,
        %and3A_209 = arith.constant 15 : i32
        %and3A_210 = arith.andi %and3A_180, %and3A_209 : i32
        %eq3A_211 = vector.broadcast %and3A_210 : i32 to vector<16xi32>
        %eq3A_212 = arith.cmpi eq, %iota3A, %eq3A_211 : vector<16xi32>
        %select_n3A_213 = arith.select %eq3A_212, %gather3A_178, %while3A_165 : vector<16xi1>, vector<16xi32>
        %and3A_214 = arith.constant 15 : i32
        %and3A_215 = arith.andi %and3A_180, %and3A_214 : i32
        %eq3A_216 = arith.constant 15 : i32
        %eq3A_217 = arith.cmpi eq, %and3A_215, %eq3A_216 : i32
        %convert_element_type3A_218 = arith.extui %eq3A_217 : i1 to i32
        %cond3A_219 = arith.constant 0 : i32
        %cond3A_220 = arith.cmpi ne, %convert_element_type3A_218, %cond3A_219 : i32
        scf.if %cond3A_220 {
          %and3A_230 = arith.constant 112 : i32
          %and3A_231 = arith.andi %and3A_180, %and3A_230 : i32
          %swap3A_232 = arith.index_cast %and3A_231 : i32 to index
          %swap3A_233 = tpu.vector_load %arg13[%swap3A_232] {strides = array<i32>} : memref<128xi32, #tpu.memory_space<vmem>>, vector<16xi32>,
          tpu.vector_store %arg13[%swap3A_232], %select_n3A_213 {strides = array<i32>} : memref<128xi32, #tpu.memory_space<vmem>>, vector<16xi32>,
        } else {
        }
        %eq3A_221 = arith.constant 127 : i32
        %eq3A_222 = arith.cmpi eq, %and3A_180, %eq3A_221 : i32
        %convert_element_type3A_223 = arith.extui %eq3A_222 : i1 to i32
        %cond3A_224 = arith.constant 0 : i32
        %cond3A_225 = arith.cmpi ne, %convert_element_type3A_223, %cond3A_224 : i32
        scf.if %cond3A_225 {
          %dma_start3A_230 = arith.constant 0 : i32
          %dma_start3A_231 = arith.constant 0 : i32
          %dma_start3A_232 = tpu.memref_slice %arg5[%dma_start3A_230, %dma_start3A_231] : memref<16416x128xf32, #tpu.memory_space<hbm>> -> memref<16416x128xf32, #tpu.memory_space<hbm>>
          tpu.enqueue_indirect_dma source(%arg12 : memref<128x128xf32, #tpu.memory_space<vmem>>) target(%dma_start3A_232 : memref<16416x128xf32, #tpu.memory_space<hbm>>) offsets(%arg13 : memref<128xi32, #tpu.memory_space<vmem>>) semaphore(%arg16 : memref<!tpu.dma_semaphore, #tpu.memory_space<semaphore_mem>>)
          %dma_wait3A_233 = arith.constant 0 : i32
          %dma_wait3A_234 = arith.constant 0 : i32
          %dma_wait3A_235 = tpu.memref_slice %arg5[%dma_wait3A_233, %dma_wait3A_234] : memref<16416x128xf32, #tpu.memory_space<hbm>> -> memref<16416x128xf32, #tpu.memory_space<hbm>>
          tpu.wait_indirect_dma semaphore(%arg16 : memref<!tpu.dma_semaphore, #tpu.memory_space<semaphore_mem>>) src(%arg12 : memref<128x128xf32, #tpu.memory_space<vmem>>) dst(%dma_wait3A_235 : memref<16416x128xf32, #tpu.memory_space<hbm>>)
          %swap3A_236 = arith.constant 0 : index
          %swap3A_237 = tpu.vector_load %arg13[%swap3A_236] {strides = array<i32>} : memref<128xi32, #tpu.memory_space<vmem>>, vector<16xi32>,
          tpu.vector_store %arg13[%swap3A_236], %add3A_9 {strides = array<i32>} : memref<128xi32, #tpu.memory_space<vmem>>, vector<16xi32>,
          %swap3A_238 = arith.constant 16 : index
          %swap3A_239 = tpu.vector_load %arg13[%swap3A_238] {strides = array<i32>} : memref<128xi32, #tpu.memory_space<vmem>>, vector<16xi32>,
          tpu.vector_store %arg13[%swap3A_238], %add3A_9 {strides = array<i32>} : memref<128xi32, #tpu.memory_space<vmem>>, vector<16xi32>,
          %swap3A_240 = arith.constant 32 : index
          %swap3A_241 = tpu.vector_load %arg13[%swap3A_240] {strides = array<i32>} : memref<128xi32, #tpu.memory_space<vmem>>, vector<16xi32>,
          tpu.vector_store %arg13[%swap3A_240], %add3A_9 {strides = array<i32>} : memref<128xi32, #tpu.memory_space<vmem>>, vector<16xi32>,
          %swap3A_242 = arith.constant 48 : index
          %swap3A_243 = tpu.vector_load %arg13[%swap3A_242] {strides = array<i32>} : memref<128xi32, #tpu.memory_space<vmem>>, vector<16xi32>,
          tpu.vector_store %arg13[%swap3A_242], %add3A_9 {strides = array<i32>} : memref<128xi32, #tpu.memory_space<vmem>>, vector<16xi32>,
          %swap3A_244 = arith.constant 64 : index
          %swap3A_245 = tpu.vector_load %arg13[%swap3A_244] {strides = array<i32>} : memref<128xi32, #tpu.memory_space<vmem>>, vector<16xi32>,
          tpu.vector_store %arg13[%swap3A_244], %add3A_9 {strides = array<i32>} : memref<128xi32, #tpu.memory_space<vmem>>, vector<16xi32>,
          %swap3A_246 = arith.constant 80 : index
          %swap3A_247 = tpu.vector_load %arg13[%swap3A_246] {strides = array<i32>} : memref<128xi32, #tpu.memory_space<vmem>>, vector<16xi32>,
          tpu.vector_store %arg13[%swap3A_246], %add3A_9 {strides = array<i32>} : memref<128xi32, #tpu.memory_space<vmem>>, vector<16xi32>,
          %swap3A_248 = arith.constant 96 : index
          %swap3A_249 = tpu.vector_load %arg13[%swap3A_248] {strides = array<i32>} : memref<128xi32, #tpu.memory_space<vmem>>, vector<16xi32>,
          tpu.vector_store %arg13[%swap3A_248], %add3A_9 {strides = array<i32>} : memref<128xi32, #tpu.memory_space<vmem>>, vector<16xi32>,
          %swap3A_250 = arith.constant 112 : index
          %swap3A_251 = tpu.vector_load %arg13[%swap3A_250] {strides = array<i32>} : memref<128xi32, #tpu.memory_space<vmem>>, vector<16xi32>,
          tpu.vector_store %arg13[%swap3A_250], %add3A_9 {strides = array<i32>} : memref<128xi32, #tpu.memory_space<vmem>>, vector<16xi32>,
        } else {
        }
        %ne3A_226 = arith.cmpi ne, %iota3A, %all_reduce_ffs3A : vector<16xi32>
        %and3A_227 = arith.andi %while3A_166, %ne3A_226 : vector<16xi1>
        %add3A_228 = arith.constant 1 : i32
        %add3A_229 = arith.addi %while3A_164, %add3A_228 : i32
        scf.yield %add3A_229, %select_n3A_213, %and3A_227 : i32, vector<16xi32>, vector<16xi1>
      }
      %while3A_161 = arith.constant 1 : i32
      %while3A_162:3 = scf.for %while3A_163 = %while3A_158 to %while3A_154 step %while3A_161 iter_args(%while3A_164 = %while3A_160#0, %while3A_165 = %while3A_160#1, %while3A_166 = %while3A_160#2) -> (i32, vector<16xi32>, vector<16xi1>)  : i32 {
        %all_reduce_ffs3A = tpu.all_reduce %while3A_166 {dim = 0 : i64, kind = #tpu.reduction_kind<find_first_set>} : vector<16xi1> -> vector<16xi32>
        %broadcast_in_dim3A_167 = vector.shape_cast %all_reduce_ffs3A : vector<16xi32> to vector<16x1xi32>
        %gather3A = vector.shape_cast %broadcast_in_dim3A_167 : vector<16x1xi32> to vector<16xi32>
        %gather3A_168 = tpu.dynamic_gather %get3A_149[%gather3A] in [0] : vector<16xi32>, vector<16xi32> -> vector<16xi32>
        %and3A_169 = arith.constant 127 : i32
        %and3A_170 = vector.broadcast %and3A_169 : i32 to vector<16xi32>
        %and3A_171 = arith.andi %gather3A_168, %and3A_170 : vector<16xi32>
        %mul3A_172 = arith.constant 16 : i32
        %mul3A_173 = arith.muli %while3A_144, %mul3A_172 : i32
        %get3A_174 = arith.index_cast %mul3A_173 : i32 to index
        %get3A_175 = tpu.vector_load %arg8[%get3A_174] {strides = array<i32>} : memref<16416xi32, #tpu.memory_space<vmem>>, vector<16xi32>,
        %broadcast_in_dim3A_176 = vector.shape_cast %all_reduce_ffs3A : vector<16xi32> to vector<16x1xi32>
        %gather3A_177 = vector.shape_cast %broadcast_in_dim3A_176 : vector<16x1xi32> to vector<16xi32>
        %gather3A_178 = tpu.dynamic_gather %get3A_175[%gather3A_177] in [0] : vector<16xi32>, vector<16xi32> -> vector<16xi32>
        %and3A_179 = arith.constant 127 : i32
        %and3A_180 = arith.andi %while3A_164, %and3A_179 : i32
        %add3A_181 = arith.constant 0 : i32
        %add3A_182 = vector.broadcast %add3A_181 : i32 to vector<16xi32>
        %add3A_183 = arith.addi %add3A_182, %iota3A : vector<16xi32>
        %gather3A_184 = tpu.vector_load_idx %arg11[%add3A_183, %and3A_171] : memref<64x64xf32, #tpu.memory_space<vmem>>[vector<16xi32>, vector<16xi32>], vector<16xf32>,
        %swap3A_185 = arith.index_cast %and3A_180 : i32 to index
        %swap3A_186 = arith.constant 0 : index
        %swap3A_187 = tpu.vector_load %arg12[%swap3A_185, %swap3A_186] {strides = array<i32>} : memref<128x128xf32, #tpu.memory_space<vmem>>, vector<16xf32>,
        tpu.vector_store %arg12[%swap3A_185, %swap3A_186], %gather3A_184 {strides = array<i32>} : memref<128x128xf32, #tpu.memory_space<vmem>>, vector<16xf32>,
        %add3A_188 = arith.constant 16 : i32
        %add3A_189 = vector.broadcast %add3A_188 : i32 to vector<16xi32>
        %add3A_190 = arith.addi %add3A_189, %iota3A : vector<16xi32>
        %gather3A_191 = tpu.vector_load_idx %arg11[%add3A_190, %and3A_171] : memref<64x64xf32, #tpu.memory_space<vmem>>[vector<16xi32>, vector<16xi32>], vector<16xf32>,
        %swap3A_192 = arith.index_cast %and3A_180 : i32 to index
        %swap3A_193 = arith.constant 16 : index
        %swap3A_194 = tpu.vector_load %arg12[%swap3A_192, %swap3A_193] {strides = array<i32>} : memref<128x128xf32, #tpu.memory_space<vmem>>, vector<16xf32>,
        tpu.vector_store %arg12[%swap3A_192, %swap3A_193], %gather3A_191 {strides = array<i32>} : memref<128x128xf32, #tpu.memory_space<vmem>>, vector<16xf32>,
        %add3A_195 = arith.constant 32 : i32
        %add3A_196 = vector.broadcast %add3A_195 : i32 to vector<16xi32>
        %add3A_197 = arith.addi %add3A_196, %iota3A : vector<16xi32>
        %gather3A_198 = tpu.vector_load_idx %arg11[%add3A_197, %and3A_171] : memref<64x64xf32, #tpu.memory_space<vmem>>[vector<16xi32>, vector<16xi32>], vector<16xf32>,
        %swap3A_199 = arith.index_cast %and3A_180 : i32 to index
        %swap3A_200 = arith.constant 32 : index
        %swap3A_201 = tpu.vector_load %arg12[%swap3A_199, %swap3A_200] {strides = array<i32>} : memref<128x128xf32, #tpu.memory_space<vmem>>, vector<16xf32>,
        tpu.vector_store %arg12[%swap3A_199, %swap3A_200], %gather3A_198 {strides = array<i32>} : memref<128x128xf32, #tpu.memory_space<vmem>>, vector<16xf32>,
        %add3A_202 = arith.constant 48 : i32
        %add3A_203 = vector.broadcast %add3A_202 : i32 to vector<16xi32>
        %add3A_204 = arith.addi %add3A_203, %iota3A : vector<16xi32>
        %gather3A_205 = tpu.vector_load_idx %arg11[%add3A_204, %and3A_171] : memref<64x64xf32, #tpu.memory_space<vmem>>[vector<16xi32>, vector<16xi32>], vector<16xf32>,
        %swap3A_206 = arith.index_cast %and3A_180 : i32 to index
        %swap3A_207 = arith.constant 48 : index
        %swap3A_208 = tpu.vector_load %arg12[%swap3A_206, %swap3A_207] {strides = array<i32>} : memref<128x128xf32, #tpu.memory_space<vmem>>, vector<16xf32>,
        tpu.vector_store %arg12[%swap3A_206, %swap3A_207], %gather3A_205 {strides = array<i32>} : memref<128x128xf32, #tpu.memory_space<vmem>>, vector<16xf32>,
        %and3A_209 = arith.constant 15 : i32
        %and3A_210 = arith.andi %and3A_180, %and3A_209 : i32
        %eq3A_211 = vector.broadcast %and3A_210 : i32 to vector<16xi32>
        %eq3A_212 = arith.cmpi eq, %iota3A, %eq3A_211 : vector<16xi32>
        %select_n3A_213 = arith.select %eq3A_212, %gather3A_178, %while3A_165 : vector<16xi1>, vector<16xi32>
        %and3A_214 = arith.constant 15 : i32
        %and3A_215 = arith.andi %and3A_180, %and3A_214 : i32
        %eq3A_216 = arith.constant 15 : i32
        %eq3A_217 = arith.cmpi eq, %and3A_215, %eq3A_216 : i32
        %convert_element_type3A_218 = arith.extui %eq3A_217 : i1 to i32
        %cond3A_219 = arith.constant 0 : i32
        %cond3A_220 = arith.cmpi ne, %convert_element_type3A_218, %cond3A_219 : i32
        scf.if %cond3A_220 {
          %and3A_230 = arith.constant 112 : i32
          %and3A_231 = arith.andi %and3A_180, %and3A_230 : i32
          %swap3A_232 = arith.index_cast %and3A_231 : i32 to index
          %swap3A_233 = tpu.vector_load %arg13[%swap3A_232] {strides = array<i32>} : memref<128xi32, #tpu.memory_space<vmem>>, vector<16xi32>,
          tpu.vector_store %arg13[%swap3A_232], %select_n3A_213 {strides = array<i32>} : memref<128xi32, #tpu.memory_space<vmem>>, vector<16xi32>,
        } else {
        }
        %eq3A_221 = arith.constant 127 : i32
        %eq3A_222 = arith.cmpi eq, %and3A_180, %eq3A_221 : i32
        %convert_element_type3A_223 = arith.extui %eq3A_222 : i1 to i32
        %cond3A_224 = arith.constant 0 : i32
        %cond3A_225 = arith.cmpi ne, %convert_element_type3A_223, %cond3A_224 : i32
        scf.if %cond3A_225 {
          %dma_start3A_230 = arith.constant 0 : i32
          %dma_start3A_231 = arith.constant 0 : i32
          %dma_start3A_232 = tpu.memref_slice %arg5[%dma_start3A_230, %dma_start3A_231] : memref<16416x128xf32, #tpu.memory_space<hbm>> -> memref<16416x128xf32, #tpu.memory_space<hbm>>
          tpu.enqueue_indirect_dma source(%arg12 : memref<128x128xf32, #tpu.memory_space<vmem>>) target(%dma_start3A_232 : memref<16416x128xf32, #tpu.memory_space<hbm>>) offsets(%arg13 : memref<128xi32, #tpu.memory_space<vmem>>) semaphore(%arg16 : memref<!tpu.dma_semaphore, #tpu.memory_space<semaphore_mem>>)
          %dma_wait3A_233 = arith.constant 0 : i32
          %dma_wait3A_234 = arith.constant 0 : i32
          %dma_wait3A_235 = tpu.memref_slice %arg5[%dma_wait3A_233, %dma_wait3A_234] : memref<16416x128xf32, #tpu.memory_space<hbm>> -> memref<16416x128xf32, #tpu.memory_space<hbm>>
          tpu.wait_indirect_dma semaphore(%arg16 : memref<!tpu.dma_semaphore, #tpu.memory_space<semaphore_mem>>) src(%arg12 : memref<128x128xf32, #tpu.memory_space<vmem>>) dst(%dma_wait3A_235 : memref<16416x128xf32, #tpu.memory_space<hbm>>)
          %swap3A_236 = arith.constant 0 : index
          %swap3A_237 = tpu.vector_load %arg13[%swap3A_236] {strides = array<i32>} : memref<128xi32, #tpu.memory_space<vmem>>, vector<16xi32>,
          tpu.vector_store %arg13[%swap3A_236], %add3A_9 {strides = array<i32>} : memref<128xi32, #tpu.memory_space<vmem>>, vector<16xi32>,
          %swap3A_238 = arith.constant 16 : index
          %swap3A_239 = tpu.vector_load %arg13[%swap3A_238] {strides = array<i32>} : memref<128xi32, #tpu.memory_space<vmem>>, vector<16xi32>,
          tpu.vector_store %arg13[%swap3A_238], %add3A_9 {strides = array<i32>} : memref<128xi32, #tpu.memory_space<vmem>>, vector<16xi32>,
          %swap3A_240 = arith.constant 32 : index
          %swap3A_241 = tpu.vector_load %arg13[%swap3A_240] {strides = array<i32>} : memref<128xi32, #tpu.memory_space<vmem>>, vector<16xi32>,
          tpu.vector_store %arg13[%swap3A_240], %add3A_9 {strides = array<i32>} : memref<128xi32, #tpu.memory_space<vmem>>, vector<16xi32>,
          %swap3A_242 = arith.constant 48 : index
          %swap3A_243 = tpu.vector_load %arg13[%swap3A_242] {strides = array<i32>} : memref<128xi32, #tpu.memory_space<vmem>>, vector<16xi32>,
          tpu.vector_store %arg13[%swap3A_242], %add3A_9 {strides = array<i32>} : memref<128xi32, #tpu.memory_space<vmem>>, vector<16xi32>,
          %swap3A_244 = arith.constant 64 : index
          %swap3A_245 = tpu.vector_load %arg13[%swap3A_244] {strides = array<i32>} : memref<128xi32, #tpu.memory_space<vmem>>, vector<16xi32>,
          tpu.vector_store %arg13[%swap3A_244], %add3A_9 {strides = array<i32>} : memref<128xi32, #tpu.memory_space<vmem>>, vector<16xi32>,
          %swap3A_246 = arith.constant 80 : index
          %swap3A_247 = tpu.vector_load %arg13[%swap3A_246] {strides = array<i32>} : memref<128xi32, #tpu.memory_space<vmem>>, vector<16xi32>,
          tpu.vector_store %arg13[%swap3A_246], %add3A_9 {strides = array<i32>} : memref<128xi32, #tpu.memory_space<vmem>>, vector<16xi32>,
          %swap3A_248 = arith.constant 96 : index
          %swap3A_249 = tpu.vector_load %arg13[%swap3A_248] {strides = array<i32>} : memref<128xi32, #tpu.memory_space<vmem>>, vector<16xi32>,
          tpu.vector_store %arg13[%swap3A_248], %add3A_9 {strides = array<i32>} : memref<128xi32, #tpu.memory_space<vmem>>, vector<16xi32>,
          %swap3A_250 = arith.constant 112 : index
          %swap3A_251 = tpu.vector_load %arg13[%swap3A_250] {strides = array<i32>} : memref<128xi32, #tpu.memory_space<vmem>>, vector<16xi32>,
          tpu.vector_store %arg13[%swap3A_250], %add3A_9 {strides = array<i32>} : memref<128xi32, #tpu.memory_space<vmem>>, vector<16xi32>,
        } else {
        }
        %ne3A_226 = arith.cmpi ne, %iota3A, %all_reduce_ffs3A : vector<16xi32>
        %and3A_227 = arith.andi %while3A_166, %ne3A_226 : vector<16xi1>
        %add3A_228 = arith.constant 1 : i32
        %add3A_229 = arith.addi %while3A_164, %add3A_228 : i32
        scf.yield %add3A_229, %select_n3A_213, %and3A_227 : i32, vector<16xi32>, vector<16xi1>
      }
      scf.yield %while3A_162#0, %while3A_162#1 : i32, vector<16xi32>
    }
    %while3A_137 = arith.constant 1 : i32
    %while3A_138:2 = scf.for %while3A_144 = %while3A_134 to %while3A_130 step %while3A_137 iter_args(%while3A_145 = %while3A_136#0, %while3A_146 = %while3A_136#1) -> (i32, vector<16xi32>)  : i32 {
      %mul3A_147 = arith.constant 16 : i32
      %mul3A_148 = arith.muli %while3A_144, %mul3A_147 : i32
      %get3A = arith.index_cast %mul3A_148 : i32 to index
      %get3A_149 = tpu.vector_load %arg7[%get3A] {strides = array<i32>} : memref<16416xi32, #tpu.memory_space<vmem>>, vector<16xi32>,
      %shift_right_logical3A = arith.constant 7 : i32
      %shift_right_logical3A_150 = vector.broadcast %shift_right_logical3A : i32 to vector<16xi32>
      %shift_right_logical3A_151 = arith.shrui %get3A_149, %shift_right_logical3A_150 : vector<16xi32>
      %eq3A = arith.cmpi eq, %shift_right_logical3A_151, %add3A_127 : vector<16xi32>
      %all_reduce_population_count3A = tpu.all_reduce %eq3A {dim = 0 : i64, kind = #tpu.reduction_kind<sum>} : vector<16xi1> -> vector<16xi32>
      %slice3A = vector.extract_strided_slice %all_reduce_population_count3A {offsets = [0], sizes = [1], strides = [1]} : vector<16xi32> to vector<1xi32>
      %squeeze3A = vector.extract %slice3A[0] : i32 from vector<1xi32>
      %while3A_152 = arith.constant 0 : i32
      %while3A_153 = arith.subi %squeeze3A, %while3A_152 : i32
      %while3A_154 = arith.addi %while3A_152, %while3A_153 : i32
      %while3A_155 = arith.constant 1 : i32
      %while3A_156 = arith.divsi %while3A_153, %while3A_155 : i32
      %while3A_157 = arith.muli %while3A_156, %while3A_155 : i32
      %while3A_158 = arith.addi %while3A_152, %while3A_157 : i32
      %while3A_159 = arith.constant 1 : i32
      %while3A_160:3 = scf.for %while3A_163 = %while3A_152 to %while3A_158 step %while3A_159 iter_args(%while3A_164 = %while3A_145, %while3A_165 = %while3A_146, %while3A_166 = %eq3A) -> (i32, vector<16xi32>, vector<16xi1>)  : i32 {
        %all_reduce_ffs3A = tpu.all_reduce %while3A_166 {dim = 0 : i64, kind = #tpu.reduction_kind<find_first_set>} : vector<16xi1> -> vector<16xi32>
        %broadcast_in_dim3A_167 = vector.shape_cast %all_reduce_ffs3A : vector<16xi32> to vector<16x1xi32>
        %gather3A = vector.shape_cast %broadcast_in_dim3A_167 : vector<16x1xi32> to vector<16xi32>
        %gather3A_168 = tpu.dynamic_gather %get3A_149[%gather3A] in [0] : vector<16xi32>, vector<16xi32> -> vector<16xi32>
        %and3A_169 = arith.constant 127 : i32
        %and3A_170 = vector.broadcast %and3A_169 : i32 to vector<16xi32>
        %and3A_171 = arith.andi %gather3A_168, %and3A_170 : vector<16xi32>
        %mul3A_172 = arith.constant 16 : i32
        %mul3A_173 = arith.muli %while3A_144, %mul3A_172 : i32
        %get3A_174 = arith.index_cast %mul3A_173 : i32 to index
        %get3A_175 = tpu.vector_load %arg8[%get3A_174] {strides = array<i32>} : memref<16416xi32, #tpu.memory_space<vmem>>, vector<16xi32>,
        %broadcast_in_dim3A_176 = vector.shape_cast %all_reduce_ffs3A : vector<16xi32> to vector<16x1xi32>
        %gather3A_177 = vector.shape_cast %broadcast_in_dim3A_176 : vector<16x1xi32> to vector<16xi32>
        %gather3A_178 = tpu.dynamic_gather %get3A_175[%gather3A_177] in [0] : vector<16xi32>, vector<16xi32> -> vector<16xi32>
        %and3A_179 = arith.constant 127 : i32
        %and3A_180 = arith.andi %while3A_164, %and3A_179 : i32
        %add3A_181 = arith.constant 0 : i32
        %add3A_182 = vector.broadcast %add3A_181 : i32 to vector<16xi32>
        %add3A_183 = arith.addi %add3A_182, %iota3A : vector<16xi32>
        %gather3A_184 = tpu.vector_load_idx %arg11[%add3A_183, %and3A_171] : memref<64x64xf32, #tpu.memory_space<vmem>>[vector<16xi32>, vector<16xi32>], vector<16xf32>,
        %swap3A_185 = arith.index_cast %and3A_180 : i32 to index
        %swap3A_186 = arith.constant 0 : index
        %swap3A_187 = tpu.vector_load %arg12[%swap3A_185, %swap3A_186] {strides = array<i32>} : memref<128x128xf32, #tpu.memory_space<vmem>>, vector<16xf32>,
        tpu.vector_store %arg12[%swap3A_185, %swap3A_186], %gather3A_184 {strides = array<i32>} : memref<128x128xf32, #tpu.memory_space<vmem>>, vector<16xf32>,
        %add3A_188 = arith.constant 16 : i32
        %add3A_189 = vector.broadcast %add3A_188 : i32 to vector<16xi32>
        %add3A_190 = arith.addi %add3A_189, %iota3A : vector<16xi32>
        %gather3A_191 = tpu.vector_load_idx %arg11[%add3A_190, %and3A_171] : memref<64x64xf32, #tpu.memory_space<vmem>>[vector<16xi32>, vector<16xi32>], vector<16xf32>,
        %swap3A_192 = arith.index_cast %and3A_180 : i32 to index
        %swap3A_193 = arith.constant 16 : index
        %swap3A_194 = tpu.vector_load %arg12[%swap3A_192, %swap3A_193] {strides = array<i32>} : memref<128x128xf32, #tpu.memory_space<vmem>>, vector<16xf32>,
        tpu.vector_store %arg12[%swap3A_192, %swap3A_193], %gather3A_191 {strides = array<i32>} : memref<128x128xf32, #tpu.memory_space<vmem>>, vector<16xf32>,
        %add3A_195 = arith.constant 32 : i32
        %add3A_196 = vector.broadcast %add3A_195 : i32 to vector<16xi32>
        %add3A_197 = arith.addi %add3A_196, %iota3A : vector<16xi32>
        %gather3A_198 = tpu.vector_load_idx %arg11[%add3A_197, %and3A_171] : memref<64x64xf32, #tpu.memory_space<vmem>>[vector<16xi32>, vector<16xi32>], vector<16xf32>,
        %swap3A_199 = arith.index_cast %and3A_180 : i32 to index
        %swap3A_200 = arith.constant 32 : index
        %swap3A_201 = tpu.vector_load %arg12[%swap3A_199, %swap3A_200] {strides = array<i32>} : memref<128x128xf32, #tpu.memory_space<vmem>>, vector<16xf32>,
        tpu.vector_store %arg12[%swap3A_199, %swap3A_200], %gather3A_198 {strides = array<i32>} : memref<128x128xf32, #tpu.memory_space<vmem>>, vector<16xf32>,
        %add3A_202 = arith.constant 48 : i32
        %add3A_203 = vector.broadcast %add3A_202 : i32 to vector<16xi32>
        %add3A_204 = arith.addi %add3A_203, %iota3A : vector<16xi32>
        %gather3A_205 = tpu.vector_load_idx %arg11[%add3A_204, %and3A_171] : memref<64x64xf32, #tpu.memory_space<vmem>>[vector<16xi32>, vector<16xi32>], vector<16xf32>,
        %swap3A_206 = arith.index_cast %and3A_180 : i32 to index
        %swap3A_207 = arith.constant 48 : index
        %swap3A_208 = tpu.vector_load %arg12[%swap3A_206, %swap3A_207] {strides = array<i32>} : memref<128x128xf32, #tpu.memory_space<vmem>>, vector<16xf32>,
        tpu.vector_store %arg12[%swap3A_206, %swap3A_207], %gather3A_205 {strides = array<i32>} : memref<128x128xf32, #tpu.memory_space<vmem>>, vector<16xf32>,
        %and3A_209 = arith.constant 15 : i32
        %and3A_210 = arith.andi %and3A_180, %and3A_209 : i32
        %eq3A_211 = vector.broadcast %and3A_210 : i32 to vector<16xi32>
        %eq3A_212 = arith.cmpi eq, %iota3A, %eq3A_211 : vector<16xi32>
        %select_n3A_213 = arith.select %eq3A_212, %gather3A_178, %while3A_165 : vector<16xi1>, vector<16xi32>
        %and3A_214 = arith.constant 15 : i32
        %and3A_215 = arith.andi %and3A_180, %and3A_214 : i32
        %eq3A_216 = arith.constant 15 : i32
        %eq3A_217 = arith.cmpi eq, %and3A_215, %eq3A_216 : i32
        %convert_element_type3A_218 = arith.extui %eq3A_217 : i1 to i32
        %cond3A_219 = arith.constant 0 : i32
        %cond3A_220 = arith.cmpi ne, %convert_element_type3A_218, %cond3A_219 : i32
        scf.if %cond3A_220 {
          %and3A_230 = arith.constant 112 : i32
          %and3A_231 = arith.andi %and3A_180, %and3A_230 : i32
          %swap3A_232 = arith.index_cast %and3A_231 : i32 to index
          %swap3A_233 = tpu.vector_load %arg13[%swap3A_232] {strides = array<i32>} : memref<128xi32, #tpu.memory_space<vmem>>, vector<16xi32>,
          tpu.vector_store %arg13[%swap3A_232], %select_n3A_213 {strides = array<i32>} : memref<128xi32, #tpu.memory_space<vmem>>, vector<16xi32>,
        } else {
        }
        %eq3A_221 = arith.constant 127 : i32
        %eq3A_222 = arith.cmpi eq, %and3A_180, %eq3A_221 : i32
        %convert_element_type3A_223 = arith.extui %eq3A_222 : i1 to i32
        %cond3A_224 = arith.constant 0 : i32
        %cond3A_225 = arith.cmpi ne, %convert_element_type3A_223, %cond3A_224 : i32
        scf.if %cond3A_225 {
          %dma_start3A_230 = arith.constant 0 : i32
          %dma_start3A_231 = arith.constant 0 : i32
          %dma_start3A_232 = tpu.memref_slice %arg5[%dma_start3A_230, %dma_start3A_231] : memref<16416x128xf32, #tpu.memory_space<hbm>> -> memref<16416x128xf32, #tpu.memory_space<hbm>>
          tpu.enqueue_indirect_dma source(%arg12 : memref<128x128xf32, #tpu.memory_space<vmem>>) target(%dma_start3A_232 : memref<16416x128xf32, #tpu.memory_space<hbm>>) offsets(%arg13 : memref<128xi32, #tpu.memory_space<vmem>>) semaphore(%arg16 : memref<!tpu.dma_semaphore, #tpu.memory_space<semaphore_mem>>)
          %dma_wait3A_233 = arith.constant 0 : i32
          %dma_wait3A_234 = arith.constant 0 : i32
          %dma_wait3A_235 = tpu.memref_slice %arg5[%dma_wait3A_233, %dma_wait3A_234] : memref<16416x128xf32, #tpu.memory_space<hbm>> -> memref<16416x128xf32, #tpu.memory_space<hbm>>
          tpu.wait_indirect_dma semaphore(%arg16 : memref<!tpu.dma_semaphore, #tpu.memory_space<semaphore_mem>>) src(%arg12 : memref<128x128xf32, #tpu.memory_space<vmem>>) dst(%dma_wait3A_235 : memref<16416x128xf32, #tpu.memory_space<hbm>>)
          %swap3A_236 = arith.constant 0 : index
          %swap3A_237 = tpu.vector_load %arg13[%swap3A_236] {strides = array<i32>} : memref<128xi32, #tpu.memory_space<vmem>>, vector<16xi32>,
          tpu.vector_store %arg13[%swap3A_236], %add3A_9 {strides = array<i32>} : memref<128xi32, #tpu.memory_space<vmem>>, vector<16xi32>,
          %swap3A_238 = arith.constant 16 : index
          %swap3A_239 = tpu.vector_load %arg13[%swap3A_238] {strides = array<i32>} : memref<128xi32, #tpu.memory_space<vmem>>, vector<16xi32>,
          tpu.vector_store %arg13[%swap3A_238], %add3A_9 {strides = array<i32>} : memref<128xi32, #tpu.memory_space<vmem>>, vector<16xi32>,
          %swap3A_240 = arith.constant 32 : index
          %swap3A_241 = tpu.vector_load %arg13[%swap3A_240] {strides = array<i32>} : memref<128xi32, #tpu.memory_space<vmem>>, vector<16xi32>,
          tpu.vector_store %arg13[%swap3A_240], %add3A_9 {strides = array<i32>} : memref<128xi32, #tpu.memory_space<vmem>>, vector<16xi32>,
          %swap3A_242 = arith.constant 48 : index
          %swap3A_243 = tpu.vector_load %arg13[%swap3A_242] {strides = array<i32>} : memref<128xi32, #tpu.memory_space<vmem>>, vector<16xi32>,
          tpu.vector_store %arg13[%swap3A_242], %add3A_9 {strides = array<i32>} : memref<128xi32, #tpu.memory_space<vmem>>, vector<16xi32>,
          %swap3A_244 = arith.constant 64 : index
          %swap3A_245 = tpu.vector_load %arg13[%swap3A_244] {strides = array<i32>} : memref<128xi32, #tpu.memory_space<vmem>>, vector<16xi32>,
          tpu.vector_store %arg13[%swap3A_244], %add3A_9 {strides = array<i32>} : memref<128xi32, #tpu.memory_space<vmem>>, vector<16xi32>,
          %swap3A_246 = arith.constant 80 : index
          %swap3A_247 = tpu.vector_load %arg13[%swap3A_246] {strides = array<i32>} : memref<128xi32, #tpu.memory_space<vmem>>, vector<16xi32>,
          tpu.vector_store %arg13[%swap3A_246], %add3A_9 {strides = array<i32>} : memref<128xi32, #tpu.memory_space<vmem>>, vector<16xi32>,
          %swap3A_248 = arith.constant 96 : index
          %swap3A_249 = tpu.vector_load %arg13[%swap3A_248] {strides = array<i32>} : memref<128xi32, #tpu.memory_space<vmem>>, vector<16xi32>,
          tpu.vector_store %arg13[%swap3A_248], %add3A_9 {strides = array<i32>} : memref<128xi32, #tpu.memory_space<vmem>>, vector<16xi32>,
          %swap3A_250 = arith.constant 112 : index
          %swap3A_251 = tpu.vector_load %arg13[%swap3A_250] {strides = array<i32>} : memref<128xi32, #tpu.memory_space<vmem>>, vector<16xi32>,
          tpu.vector_store %arg13[%swap3A_250], %add3A_9 {strides = array<i32>} : memref<128xi32, #tpu.memory_space<vmem>>, vector<16xi32>,
        } else {
        }
        %ne3A_226 = arith.cmpi ne, %iota3A, %all_reduce_ffs3A : vector<16xi32>
        %and3A_227 = arith.andi %while3A_166, %ne3A_226 : vector<16xi1>
        %add3A_228 = arith.constant 1 : i32
        %add3A_229 = arith.addi %while3A_164, %add3A_228 : i32
        scf.yield %add3A_229, %select_n3A_213, %and3A_227 : i32, vector<16xi32>, vector<16xi1>
      }
      %while3A_161 = arith.constant 1 : i32
      %while3A_162:3 = scf.for %while3A_163 = %while3A_158 to %while3A_154 step %while3A_161 iter_args(%while3A_164 = %while3A_160#0, %while3A_165 = %while3A_160#1, %while3A_166 = %while3A_160#2) -> (i32, vector<16xi32>, vector<16xi1>)  : i32 {
        %all_reduce_ffs3A = tpu.all_reduce %while3A_166 {dim = 0 : i64, kind = #tpu.reduction_kind<find_first_set>} : vector<16xi1> -> vector<16xi32>
        %broadcast_in_dim3A_167 = vector.shape_cast %all_reduce_ffs3A : vector<16xi32> to vector<16x1xi32>
        %gather3A = vector.shape_cast %broadcast_in_dim3A_167 : vector<16x1xi32> to vector<16xi32>
        %gather3A_168 = tpu.dynamic_gather %get3A_149[%gather3A] in [0] : vector<16xi32>, vector<16xi32> -> vector<16xi32>
        %and3A_169 = arith.constant 127 : i32
        %and3A_170 = vector.broadcast %and3A_169 : i32 to vector<16xi32>
        %and3A_171 = arith.andi %gather3A_168, %and3A_170 : vector<16xi32>
        %mul3A_172 = arith.constant 16 : i32
        %mul3A_173 = arith.muli %while3A_144, %mul3A_172 : i32
        %get3A_174 = arith.index_cast %mul3A_173 : i32 to index
        %get3A_175 = tpu.vector_load %arg8[%get3A_174] {strides = array<i32>} : memref<16416xi32, #tpu.memory_space<vmem>>, vector<16xi32>,
        %broadcast_in_dim3A_176 = vector.shape_cast %all_reduce_ffs3A : vector<16xi32> to vector<16x1xi32>
        %gather3A_177 = vector.shape_cast %broadcast_in_dim3A_176 : vector<16x1xi32> to vector<16xi32>
        %gather3A_178 = tpu.dynamic_gather %get3A_175[%gather3A_177] in [0] : vector<16xi32>, vector<16xi32> -> vector<16xi32>
        %and3A_179 = arith.constant 127 : i32
        %and3A_180 = arith.andi %while3A_164, %and3A_179 : i32
        %add3A_181 = arith.constant 0 : i32
        %add3A_182 = vector.broadcast %add3A_181 : i32 to vector<16xi32>
        %add3A_183 = arith.addi %add3A_182, %iota3A : vector<16xi32>
        %gather3A_184 = tpu.vector_load_idx %arg11[%add3A_183, %and3A_171] : memref<64x64xf32, #tpu.memory_space<vmem>>[vector<16xi32>, vector<16xi32>], vector<16xf32>,
        %swap3A_185 = arith.index_cast %and3A_180 : i32 to index
        %swap3A_186 = arith.constant 0 : index
        %swap3A_187 = tpu.vector_load %arg12[%swap3A_185, %swap3A_186] {strides = array<i32>} : memref<128x128xf32, #tpu.memory_space<vmem>>, vector<16xf32>,
        tpu.vector_store %arg12[%swap3A_185, %swap3A_186], %gather3A_184 {strides = array<i32>} : memref<128x128xf32, #tpu.memory_space<vmem>>, vector<16xf32>,
        %add3A_188 = arith.constant 16 : i32
        %add3A_189 = vector.broadcast %add3A_188 : i32 to vector<16xi32>
        %add3A_190 = arith.addi %add3A_189, %iota3A : vector<16xi32>
        %gather3A_191 = tpu.vector_load_idx %arg11[%add3A_190, %and3A_171] : memref<64x64xf32, #tpu.memory_space<vmem>>[vector<16xi32>, vector<16xi32>], vector<16xf32>,
        %swap3A_192 = arith.index_cast %and3A_180 : i32 to index
        %swap3A_193 = arith.constant 16 : index
        %swap3A_194 = tpu.vector_load %arg12[%swap3A_192, %swap3A_193] {strides = array<i32>} : memref<128x128xf32, #tpu.memory_space<vmem>>, vector<16xf32>,
        tpu.vector_store %arg12[%swap3A_192, %swap3A_193], %gather3A_191 {strides = array<i32>} : memref<128x128xf32, #tpu.memory_space<vmem>>, vector<16xf32>,
        %add3A_195 = arith.constant 32 : i32
        %add3A_196 = vector.broadcast %add3A_195 : i32 to vector<16xi32>
        %add3A_197 = arith.addi %add3A_196, %iota3A : vector<16xi32>
        %gather3A_198 = tpu.vector_load_idx %arg11[%add3A_197, %and3A_171] : memref<64x64xf32, #tpu.memory_space<vmem>>[vector<16xi32>, vector<16xi32>], vector<16xf32>,
        %swap3A_199 = arith.index_cast %and3A_180 : i32 to index
        %swap3A_200 = arith.constant 32 : index
        %swap3A_201 = tpu.vector_load %arg12[%swap3A_199, %swap3A_200] {strides = array<i32>} : memref<128x128xf32, #tpu.memory_space<vmem>>, vector<16xf32>,
        tpu.vector_store %arg12[%swap3A_199, %swap3A_200], %gather3A_198 {strides = array<i32>} : memref<128x128xf32, #tpu.memory_space<vmem>>, vector<16xf32>,
        %add3A_202 = arith.constant 48 : i32
        %add3A_203 = vector.broadcast %add3A_202 : i32 to vector<16xi32>
        %add3A_204 = arith.addi %add3A_203, %iota3A : vector<16xi32>
        %gather3A_205 = tpu.vector_load_idx %arg11[%add3A_204, %and3A_171] : memref<64x64xf32, #tpu.memory_space<vmem>>[vector<16xi32>, vector<16xi32>], vector<16xf32>,
        %swap3A_206 = arith.index_cast %and3A_180 : i32 to index
        %swap3A_207 = arith.constant 48 : index
        %swap3A_208 = tpu.vector_load %arg12[%swap3A_206, %swap3A_207] {strides = array<i32>} : memref<128x128xf32, #tpu.memory_space<vmem>>, vector<16xf32>,
        tpu.vector_store %arg12[%swap3A_206, %swap3A_207], %gather3A_205 {strides = array<i32>} : memref<128x128xf32, #tpu.memory_space<vmem>>, vector<16xf32>,
        %and3A_209 = arith.constant 15 : i32
        %and3A_210 = arith.andi %and3A_180, %and3A_209 : i32
        %eq3A_211 = vector.broadcast %and3A_210 : i32 to vector<16xi32>
        %eq3A_212 = arith.cmpi eq, %iota3A, %eq3A_211 : vector<16xi32>
        %select_n3A_213 = arith.select %eq3A_212, %gather3A_178, %while3A_165 : vector<16xi1>, vector<16xi32>
        %and3A_214 = arith.constant 15 : i32
        %and3A_215 = arith.andi %and3A_180, %and3A_214 : i32
        %eq3A_216 = arith.constant 15 : i32
        %eq3A_217 = arith.cmpi eq, %and3A_215, %eq3A_216 : i32
        %convert_element_type3A_218 = arith.extui %eq3A_217 : i1 to i32
        %cond3A_219 = arith.constant 0 : i32
        %cond3A_220 = arith.cmpi ne, %convert_element_type3A_218, %cond3A_219 : i32
        scf.if %cond3A_220 {
          %and3A_230 = arith.constant 112 : i32
          %and3A_231 = arith.andi %and3A_180, %and3A_230 : i32
          %swap3A_232 = arith.index_cast %and3A_231 : i32 to index
          %swap3A_233 = tpu.vector_load %arg13[%swap3A_232] {strides = array<i32>} : memref<128xi32, #tpu.memory_space<vmem>>, vector<16xi32>,
          tpu.vector_store %arg13[%swap3A_232], %select_n3A_213 {strides = array<i32>} : memref<128xi32, #tpu.memory_space<vmem>>, vector<16xi32>,
        } else {
        }
        %eq3A_221 = arith.constant 127 : i32
        %eq3A_222 = arith.cmpi eq, %and3A_180, %eq3A_221 : i32
        %convert_element_type3A_223 = arith.extui %eq3A_222 : i1 to i32
        %cond3A_224 = arith.constant 0 : i32
        %cond3A_225 = arith.cmpi ne, %convert_element_type3A_223, %cond3A_224 : i32
        scf.if %cond3A_225 {
          %dma_start3A_230 = arith.constant 0 : i32
          %dma_start3A_231 = arith.constant 0 : i32
          %dma_start3A_232 = tpu.memref_slice %arg5[%dma_start3A_230, %dma_start3A_231] : memref<16416x128xf32, #tpu.memory_space<hbm>> -> memref<16416x128xf32, #tpu.memory_space<hbm>>
          tpu.enqueue_indirect_dma source(%arg12 : memref<128x128xf32, #tpu.memory_space<vmem>>) target(%dma_start3A_232 : memref<16416x128xf32, #tpu.memory_space<hbm>>) offsets(%arg13 : memref<128xi32, #tpu.memory_space<vmem>>) semaphore(%arg16 : memref<!tpu.dma_semaphore, #tpu.memory_space<semaphore_mem>>)
          %dma_wait3A_233 = arith.constant 0 : i32
          %dma_wait3A_234 = arith.constant 0 : i32
          %dma_wait3A_235 = tpu.memref_slice %arg5[%dma_wait3A_233, %dma_wait3A_234] : memref<16416x128xf32, #tpu.memory_space<hbm>> -> memref<16416x128xf32, #tpu.memory_space<hbm>>
          tpu.wait_indirect_dma semaphore(%arg16 : memref<!tpu.dma_semaphore, #tpu.memory_space<semaphore_mem>>) src(%arg12 : memref<128x128xf32, #tpu.memory_space<vmem>>) dst(%dma_wait3A_235 : memref<16416x128xf32, #tpu.memory_space<hbm>>)
          %swap3A_236 = arith.constant 0 : index
          %swap3A_237 = tpu.vector_load %arg13[%swap3A_236] {strides = array<i32>} : memref<128xi32, #tpu.memory_space<vmem>>, vector<16xi32>,
          tpu.vector_store %arg13[%swap3A_236], %add3A_9 {strides = array<i32>} : memref<128xi32, #tpu.memory_space<vmem>>, vector<16xi32>,
          %swap3A_238 = arith.constant 16 : index
          %swap3A_239 = tpu.vector_load %arg13[%swap3A_238] {strides = array<i32>} : memref<128xi32, #tpu.memory_space<vmem>>, vector<16xi32>,
          tpu.vector_store %arg13[%swap3A_238], %add3A_9 {strides = array<i32>} : memref<128xi32, #tpu.memory_space<vmem>>, vector<16xi32>,
          %swap3A_240 = arith.constant 32 : index
          %swap3A_241 = tpu.vector_load %arg13[%swap3A_240] {strides = array<i32>} : memref<128xi32, #tpu.memory_space<vmem>>, vector<16xi32>,
          tpu.vector_store %arg13[%swap3A_240], %add3A_9 {strides = array<i32>} : memref<128xi32, #tpu.memory_space<vmem>>, vector<16xi32>,
          %swap3A_242 = arith.constant 48 : index
          %swap3A_243 = tpu.vector_load %arg13[%swap3A_242] {strides = array<i32>} : memref<128xi32, #tpu.memory_space<vmem>>, vector<16xi32>,
          tpu.vector_store %arg13[%swap3A_242], %add3A_9 {strides = array<i32>} : memref<128xi32, #tpu.memory_space<vmem>>, vector<16xi32>,
          %swap3A_244 = arith.constant 64 : index
          %swap3A_245 = tpu.vector_load %arg13[%swap3A_244] {strides = array<i32>} : memref<128xi32, #tpu.memory_space<vmem>>, vector<16xi32>,
          tpu.vector_store %arg13[%swap3A_244], %add3A_9 {strides = array<i32>} : memref<128xi32, #tpu.memory_space<vmem>>, vector<16xi32>,
          %swap3A_246 = arith.constant 80 : index
          %swap3A_247 = tpu.vector_load %arg13[%swap3A_246] {strides = array<i32>} : memref<128xi32, #tpu.memory_space<vmem>>, vector<16xi32>,
          tpu.vector_store %arg13[%swap3A_246], %add3A_9 {strides = array<i32>} : memref<128xi32, #tpu.memory_space<vmem>>, vector<16xi32>,
          %swap3A_248 = arith.constant 96 : index
          %swap3A_249 = tpu.vector_load %arg13[%swap3A_248] {strides = array<i32>} : memref<128xi32, #tpu.memory_space<vmem>>, vector<16xi32>,
          tpu.vector_store %arg13[%swap3A_248], %add3A_9 {strides = array<i32>} : memref<128xi32, #tpu.memory_space<vmem>>, vector<16xi32>,
          %swap3A_250 = arith.constant 112 : index
          %swap3A_251 = tpu.vector_load %arg13[%swap3A_250] {strides = array<i32>} : memref<128xi32, #tpu.memory_space<vmem>>, vector<16xi32>,
          tpu.vector_store %arg13[%swap3A_250], %add3A_9 {strides = array<i32>} : memref<128xi32, #tpu.memory_space<vmem>>, vector<16xi32>,
        } else {
        }
        %ne3A_226 = arith.cmpi ne, %iota3A, %all_reduce_ffs3A : vector<16xi32>
        %and3A_227 = arith.andi %while3A_166, %ne3A_226 : vector<16xi1>
        %add3A_228 = arith.constant 1 : i32
        %add3A_229 = arith.addi %while3A_164, %add3A_228 : i32
        scf.yield %add3A_229, %select_n3A_213, %and3A_227 : i32, vector<16xi32>, vector<16xi1>
      }
      scf.yield %while3A_162#0, %while3A_162#1 : i32, vector<16xi32>
    }
    %and3A_139 = arith.constant 127 : i32
    %and3A_140 = arith.andi %while3A_138#0, %and3A_139 : i32
    %ne3A_141 = arith.constant 0 : i32
    %ne3A_142 = arith.cmpi ne, %and3A_140, %ne3A_141 : i32
    %convert_element_type3A = arith.extui %ne3A_142 : i1 to i32
    %cond3A = arith.constant 0 : i32
    %cond3A_143 = arith.cmpi ne, %convert_element_type3A, %cond3A : i32
    scf.if %cond3A_143 {
      %and3A_144 = arith.constant 15 : i32
      %and3A_145 = arith.andi %while3A_138#0, %and3A_144 : i32
      %lt3A = vector.broadcast %and3A_145 : i32 to vector<16xi32>
      %lt3A_146 = arith.cmpi slt, %iota3A, %lt3A : vector<16xi32>
      %select_n3A_147 = arith.select %lt3A_146, %while3A_138#1, %add3A_9 : vector<16xi1>, vector<16xi32>
      %and3A_148 = arith.constant 112 : i32
      %and3A_149 = arith.andi %while3A_138#0, %and3A_148 : i32
      %swap3A_150 = arith.index_cast %and3A_149 : i32 to index
      %swap3A_151 = tpu.vector_load %arg13[%swap3A_150] {strides = array<i32>} : memref<128xi32, #tpu.memory_space<vmem>>, vector<16xi32>,
      tpu.vector_store %arg13[%swap3A_150], %select_n3A_147 {strides = array<i32>} : memref<128xi32, #tpu.memory_space<vmem>>, vector<16xi32>,
      %dma_start3A_152 = arith.constant 0 : i32
      %dma_start3A_153 = arith.constant 0 : i32
      %dma_start3A_154 = tpu.memref_slice %arg5[%dma_start3A_152, %dma_start3A_153] : memref<16416x128xf32, #tpu.memory_space<hbm>> -> memref<16416x128xf32, #tpu.memory_space<hbm>>
      tpu.enqueue_indirect_dma source(%arg12 : memref<128x128xf32, #tpu.memory_space<vmem>>) target(%dma_start3A_154 : memref<16416x128xf32, #tpu.memory_space<hbm>>) offsets(%arg13 : memref<128xi32, #tpu.memory_space<vmem>>) semaphore(%arg16 : memref<!tpu.dma_semaphore, #tpu.memory_space<semaphore_mem>>)
      %dma_wait3A_155 = arith.constant 0 : i32
      %dma_wait3A_156 = arith.constant 0 : i32
      %dma_wait3A_157 = tpu.memref_slice %arg5[%dma_wait3A_155, %dma_wait3A_156] : memref<16416x128xf32, #tpu.memory_space<hbm>> -> memref<16416x128xf32, #tpu.memory_space<hbm>>
      tpu.wait_indirect_dma semaphore(%arg16 : memref<!tpu.dma_semaphore, #tpu.memory_space<semaphore_mem>>) src(%arg12 : memref<128x128xf32, #tpu.memory_space<vmem>>) dst(%dma_wait3A_157 : memref<16416x128xf32, #tpu.memory_space<hbm>>)
    } else {
    }
    return
  }
}

#map = affine_map<(d0, d1) -> (0, 0)>
module attributes {stable_mosaic.version = 14 : i64} {
  func.func @_sel_body(%arg0: i32, %arg1: i32, %arg2: memref<16384x128xf32, #tpu.memory_space<hbm>>, %arg3: memref<16x16384xi32, #tpu.memory_space<hbm>>, %arg4: memref<16x16384xf32, #tpu.memory_space<hbm>>, %arg5: memref<512x128xf32, #tpu.memory_space<vmem>>, %arg6: memref<16x512xi32, #tpu.memory_space<vmem>>, %arg7: memref<16x512xf32, #tpu.memory_space<vmem>>) attributes {dimension_semantics = [#tpu.dimension_semantics<core_parallel>, #tpu.dimension_semantics<subcore_parallel>], iteration_bounds = array<i64: 2, 16>, scalar_prefetch = 0 : i64, scratch_operands = 3 : i64, tpu.core_type = #tpu.core_type<sc_vector_subcore>, window_params = [{transform_indices = #map}, {transform_indices = #map}, {transform_indices = #map}]} {
    %mul3A = arith.constant 2 : i32
    %mul3A_0 = arith.muli %arg1, %mul3A : i32
    %add3A = arith.addi %mul3A_0, %arg0 : i32
    %mul3A_1 = arith.constant 512 : i32
    %mul3A_2 = arith.muli %add3A, %mul3A_1 : i32
    %iota3A = tpu.iota {dimensions = array<i32: 0>} : vector<16xi32>
    "tpu.region"() ({
      %run_scoped3A = tpu.sem_alloc : memref<!tpu.dma_semaphore, #tpu.memory_space<semaphore_mem>>
      %dma_start3A = arith.constant 0 : i32
      %dma_start3A_8 = tpu.memref_slice %arg2[%mul3A_2, %dma_start3A] : memref<16384x128xf32, #tpu.memory_space<hbm>> -> memref<512x128xf32, #tpu.memory_space<hbm>>
      %dma_start3A_9 = arith.constant 0 : i32
      %dma_start3A_10 = tpu.memref_slice %arg2[%mul3A_2, %dma_start3A_9] : memref<16384x128xf32, #tpu.memory_space<hbm>> -> memref<512x128xf32, #tpu.memory_space<hbm>>
      tpu.enqueue_dma source(%dma_start3A_10 : memref<512x128xf32, #tpu.memory_space<hbm>>) target(%arg5 : memref<512x128xf32, #tpu.memory_space<vmem>>) target_semaphore(%run_scoped3A : memref<!tpu.dma_semaphore, #tpu.memory_space<semaphore_mem>>)
      %dma_wait3A = arith.constant 0 : i32
      %dma_wait3A_11 = tpu.memref_slice %arg2[%mul3A_2, %dma_wait3A] : memref<16384x128xf32, #tpu.memory_space<hbm>> -> memref<512x128xf32, #tpu.memory_space<hbm>>
      %dma_wait3A_12 = arith.constant 0 : i32
      %dma_wait3A_13 = tpu.memref_slice %arg2[%mul3A_2, %dma_wait3A_12] : memref<16384x128xf32, #tpu.memory_space<hbm>> -> memref<512x128xf32, #tpu.memory_space<hbm>>
      tpu.wait_dma2 semaphore(%run_scoped3A : memref<!tpu.dma_semaphore, #tpu.memory_space<semaphore_mem>>) src(%dma_wait3A_13 : memref<512x128xf32, #tpu.memory_space<hbm>>) dst(%arg5 : memref<512x128xf32, #tpu.memory_space<vmem>>)
      tpu.yield
    }) : () -> ()
    "tpu.region"() ({
      %run_scoped3A = tpu.sem_alloc : memref<!tpu.dma_semaphore, #tpu.memory_space<semaphore_mem>>
      %dma_start3A = arith.constant 0 : i32
      %dma_start3A_8 = tpu.memref_slice %arg3[%dma_start3A, %mul3A_2] : memref<16x16384xi32, #tpu.memory_space<hbm>> -> memref<16x512xi32, #tpu.memory_space<hbm>>
      %dma_start3A_9 = arith.constant 0 : i32
      %dma_start3A_10 = tpu.memref_slice %arg3[%dma_start3A_9, %mul3A_2] : memref<16x16384xi32, #tpu.memory_space<hbm>> -> memref<16x512xi32, #tpu.memory_space<hbm>>
      tpu.enqueue_dma source(%dma_start3A_10 : memref<16x512xi32, #tpu.memory_space<hbm>>) target(%arg6 : memref<16x512xi32, #tpu.memory_space<vmem>>) target_semaphore(%run_scoped3A : memref<!tpu.dma_semaphore, #tpu.memory_space<semaphore_mem>>)
      %dma_wait3A = arith.constant 0 : i32
      %dma_wait3A_11 = tpu.memref_slice %arg3[%dma_wait3A, %mul3A_2] : memref<16x16384xi32, #tpu.memory_space<hbm>> -> memref<16x512xi32, #tpu.memory_space<hbm>>
      %dma_wait3A_12 = arith.constant 0 : i32
      %dma_wait3A_13 = tpu.memref_slice %arg3[%dma_wait3A_12, %mul3A_2] : memref<16x16384xi32, #tpu.memory_space<hbm>> -> memref<16x512xi32, #tpu.memory_space<hbm>>
      tpu.wait_dma2 semaphore(%run_scoped3A : memref<!tpu.dma_semaphore, #tpu.memory_space<semaphore_mem>>) src(%dma_wait3A_13 : memref<16x512xi32, #tpu.memory_space<hbm>>) dst(%arg6 : memref<16x512xi32, #tpu.memory_space<vmem>>)
      tpu.yield
    }) : () -> ()
    %scan3A = arith.constant 0 : i32
    %scan3A_3 = arith.constant 0 : i32
    %scan3A_4 = arith.constant 32 : i32
    %scan3A_5 = arith.addi %scan3A_3, %scan3A_4 : i32
    %scan3A_6 = arith.constant 1 : i32
    scf.for %scan3A_8 = %scan3A_3 to %scan3A_5 step %scan3A_6  : i32 {
      %mul3A_9 = arith.constant 16 : i32
      %mul3A_10 = arith.muli %scan3A_8, %mul3A_9 : i32
      %add3A_11 = vector.broadcast %mul3A_10 : i32 to vector<16xi32>
      %add3A_12 = arith.addi %add3A_11, %iota3A : vector<16xi32>
      %get3A = arith.constant 0 : i32
      %get3A_13 = arith.index_cast %get3A : i32 to index
      %get3A_14 = arith.index_cast %mul3A_10 : i32 to index
      %get3A_15 = tpu.vector_load %arg6[%get3A_13, %get3A_14] {strides = array<i32>} : memref<16x512xi32, #tpu.memory_space<vmem>>, vector<16xi32>,
      %gather3A = tpu.vector_load_idx %arg5[%add3A_12, %get3A_15] : memref<512x128xf32, #tpu.memory_space<vmem>>[vector<16xi32>, vector<16xi32>], vector<16xf32>,
      %swap3A = arith.constant 0 : i32
      %swap3A_16 = arith.index_cast %swap3A : i32 to index
      %swap3A_17 = arith.index_cast %mul3A_10 : i32 to index
      %swap3A_18 = tpu.vector_load %arg7[%swap3A_16, %swap3A_17] {strides = array<i32>} : memref<16x512xf32, #tpu.memory_space<vmem>>, vector<16xf32>,
      tpu.vector_store %arg7[%swap3A_16, %swap3A_17], %gather3A {strides = array<i32>} : memref<16x512xf32, #tpu.memory_space<vmem>>, vector<16xf32>,
      %get3A_19 = arith.constant 1 : i32
      %get3A_20 = arith.index_cast %get3A_19 : i32 to index
      %get3A_21 = arith.index_cast %mul3A_10 : i32 to index
      %get3A_22 = tpu.vector_load %arg6[%get3A_20, %get3A_21] {strides = array<i32>} : memref<16x512xi32, #tpu.memory_space<vmem>>, vector<16xi32>,
      %gather3A_23 = tpu.vector_load_idx %arg5[%add3A_12, %get3A_22] : memref<512x128xf32, #tpu.memory_space<vmem>>[vector<16xi32>, vector<16xi32>], vector<16xf32>,
      %swap3A_24 = arith.constant 1 : i32
      %swap3A_25 = arith.index_cast %swap3A_24 : i32 to index
      %swap3A_26 = arith.index_cast %mul3A_10 : i32 to index
      %swap3A_27 = tpu.vector_load %arg7[%swap3A_25, %swap3A_26] {strides = array<i32>} : memref<16x512xf32, #tpu.memory_space<vmem>>, vector<16xf32>,
      tpu.vector_store %arg7[%swap3A_25, %swap3A_26], %gather3A_23 {strides = array<i32>} : memref<16x512xf32, #tpu.memory_space<vmem>>, vector<16xf32>,
      %get3A_28 = arith.constant 2 : i32
      %get3A_29 = arith.index_cast %get3A_28 : i32 to index
      %get3A_30 = arith.index_cast %mul3A_10 : i32 to index
      %get3A_31 = tpu.vector_load %arg6[%get3A_29, %get3A_30] {strides = array<i32>} : memref<16x512xi32, #tpu.memory_space<vmem>>, vector<16xi32>,
      %gather3A_32 = tpu.vector_load_idx %arg5[%add3A_12, %get3A_31] : memref<512x128xf32, #tpu.memory_space<vmem>>[vector<16xi32>, vector<16xi32>], vector<16xf32>,
      %swap3A_33 = arith.constant 2 : i32
      %swap3A_34 = arith.index_cast %swap3A_33 : i32 to index
      %swap3A_35 = arith.index_cast %mul3A_10 : i32 to index
      %swap3A_36 = tpu.vector_load %arg7[%swap3A_34, %swap3A_35] {strides = array<i32>} : memref<16x512xf32, #tpu.memory_space<vmem>>, vector<16xf32>,
      tpu.vector_store %arg7[%swap3A_34, %swap3A_35], %gather3A_32 {strides = array<i32>} : memref<16x512xf32, #tpu.memory_space<vmem>>, vector<16xf32>,
      %get3A_37 = arith.constant 3 : i32
      %get3A_38 = arith.index_cast %get3A_37 : i32 to index
      %get3A_39 = arith.index_cast %mul3A_10 : i32 to index
      %get3A_40 = tpu.vector_load %arg6[%get3A_38, %get3A_39] {strides = array<i32>} : memref<16x512xi32, #tpu.memory_space<vmem>>, vector<16xi32>,
      %gather3A_41 = tpu.vector_load_idx %arg5[%add3A_12, %get3A_40] : memref<512x128xf32, #tpu.memory_space<vmem>>[vector<16xi32>, vector<16xi32>], vector<16xf32>,
      %swap3A_42 = arith.constant 3 : i32
      %swap3A_43 = arith.index_cast %swap3A_42 : i32 to index
      %swap3A_44 = arith.index_cast %mul3A_10 : i32 to index
      %swap3A_45 = tpu.vector_load %arg7[%swap3A_43, %swap3A_44] {strides = array<i32>} : memref<16x512xf32, #tpu.memory_space<vmem>>, vector<16xf32>,
      tpu.vector_store %arg7[%swap3A_43, %swap3A_44], %gather3A_41 {strides = array<i32>} : memref<16x512xf32, #tpu.memory_space<vmem>>, vector<16xf32>,
      %get3A_46 = arith.constant 4 : i32
      %get3A_47 = arith.index_cast %get3A_46 : i32 to index
      %get3A_48 = arith.index_cast %mul3A_10 : i32 to index
      %get3A_49 = tpu.vector_load %arg6[%get3A_47, %get3A_48] {strides = array<i32>} : memref<16x512xi32, #tpu.memory_space<vmem>>, vector<16xi32>,
      %gather3A_50 = tpu.vector_load_idx %arg5[%add3A_12, %get3A_49] : memref<512x128xf32, #tpu.memory_space<vmem>>[vector<16xi32>, vector<16xi32>], vector<16xf32>,
      %swap3A_51 = arith.constant 4 : i32
      %swap3A_52 = arith.index_cast %swap3A_51 : i32 to index
      %swap3A_53 = arith.index_cast %mul3A_10 : i32 to index
      %swap3A_54 = tpu.vector_load %arg7[%swap3A_52, %swap3A_53] {strides = array<i32>} : memref<16x512xf32, #tpu.memory_space<vmem>>, vector<16xf32>,
      tpu.vector_store %arg7[%swap3A_52, %swap3A_53], %gather3A_50 {strides = array<i32>} : memref<16x512xf32, #tpu.memory_space<vmem>>, vector<16xf32>,
      %get3A_55 = arith.constant 5 : i32
      %get3A_56 = arith.index_cast %get3A_55 : i32 to index
      %get3A_57 = arith.index_cast %mul3A_10 : i32 to index
      %get3A_58 = tpu.vector_load %arg6[%get3A_56, %get3A_57] {strides = array<i32>} : memref<16x512xi32, #tpu.memory_space<vmem>>, vector<16xi32>,
      %gather3A_59 = tpu.vector_load_idx %arg5[%add3A_12, %get3A_58] : memref<512x128xf32, #tpu.memory_space<vmem>>[vector<16xi32>, vector<16xi32>], vector<16xf32>,
      %swap3A_60 = arith.constant 5 : i32
      %swap3A_61 = arith.index_cast %swap3A_60 : i32 to index
      %swap3A_62 = arith.index_cast %mul3A_10 : i32 to index
      %swap3A_63 = tpu.vector_load %arg7[%swap3A_61, %swap3A_62] {strides = array<i32>} : memref<16x512xf32, #tpu.memory_space<vmem>>, vector<16xf32>,
      tpu.vector_store %arg7[%swap3A_61, %swap3A_62], %gather3A_59 {strides = array<i32>} : memref<16x512xf32, #tpu.memory_space<vmem>>, vector<16xf32>,
      %get3A_64 = arith.constant 6 : i32
      %get3A_65 = arith.index_cast %get3A_64 : i32 to index
      %get3A_66 = arith.index_cast %mul3A_10 : i32 to index
      %get3A_67 = tpu.vector_load %arg6[%get3A_65, %get3A_66] {strides = array<i32>} : memref<16x512xi32, #tpu.memory_space<vmem>>, vector<16xi32>,
      %gather3A_68 = tpu.vector_load_idx %arg5[%add3A_12, %get3A_67] : memref<512x128xf32, #tpu.memory_space<vmem>>[vector<16xi32>, vector<16xi32>], vector<16xf32>,
      %swap3A_69 = arith.constant 6 : i32
      %swap3A_70 = arith.index_cast %swap3A_69 : i32 to index
      %swap3A_71 = arith.index_cast %mul3A_10 : i32 to index
      %swap3A_72 = tpu.vector_load %arg7[%swap3A_70, %swap3A_71] {strides = array<i32>} : memref<16x512xf32, #tpu.memory_space<vmem>>, vector<16xf32>,
      tpu.vector_store %arg7[%swap3A_70, %swap3A_71], %gather3A_68 {strides = array<i32>} : memref<16x512xf32, #tpu.memory_space<vmem>>, vector<16xf32>,
      %get3A_73 = arith.constant 7 : i32
      %get3A_74 = arith.index_cast %get3A_73 : i32 to index
      %get3A_75 = arith.index_cast %mul3A_10 : i32 to index
      %get3A_76 = tpu.vector_load %arg6[%get3A_74, %get3A_75] {strides = array<i32>} : memref<16x512xi32, #tpu.memory_space<vmem>>, vector<16xi32>,
      %gather3A_77 = tpu.vector_load_idx %arg5[%add3A_12, %get3A_76] : memref<512x128xf32, #tpu.memory_space<vmem>>[vector<16xi32>, vector<16xi32>], vector<16xf32>,
      %swap3A_78 = arith.constant 7 : i32
      %swap3A_79 = arith.index_cast %swap3A_78 : i32 to index
      %swap3A_80 = arith.index_cast %mul3A_10 : i32 to index
      %swap3A_81 = tpu.vector_load %arg7[%swap3A_79, %swap3A_80] {strides = array<i32>} : memref<16x512xf32, #tpu.memory_space<vmem>>, vector<16xf32>,
      tpu.vector_store %arg7[%swap3A_79, %swap3A_80], %gather3A_77 {strides = array<i32>} : memref<16x512xf32, #tpu.memory_space<vmem>>, vector<16xf32>,
      %get3A_82 = arith.constant 8 : i32
      %get3A_83 = arith.index_cast %get3A_82 : i32 to index
      %get3A_84 = arith.index_cast %mul3A_10 : i32 to index
      %get3A_85 = tpu.vector_load %arg6[%get3A_83, %get3A_84] {strides = array<i32>} : memref<16x512xi32, #tpu.memory_space<vmem>>, vector<16xi32>,
      %gather3A_86 = tpu.vector_load_idx %arg5[%add3A_12, %get3A_85] : memref<512x128xf32, #tpu.memory_space<vmem>>[vector<16xi32>, vector<16xi32>], vector<16xf32>,
      %swap3A_87 = arith.constant 8 : i32
      %swap3A_88 = arith.index_cast %swap3A_87 : i32 to index
      %swap3A_89 = arith.index_cast %mul3A_10 : i32 to index
      %swap3A_90 = tpu.vector_load %arg7[%swap3A_88, %swap3A_89] {strides = array<i32>} : memref<16x512xf32, #tpu.memory_space<vmem>>, vector<16xf32>,
      tpu.vector_store %arg7[%swap3A_88, %swap3A_89], %gather3A_86 {strides = array<i32>} : memref<16x512xf32, #tpu.memory_space<vmem>>, vector<16xf32>,
      %get3A_91 = arith.constant 9 : i32
      %get3A_92 = arith.index_cast %get3A_91 : i32 to index
      %get3A_93 = arith.index_cast %mul3A_10 : i32 to index
      %get3A_94 = tpu.vector_load %arg6[%get3A_92, %get3A_93] {strides = array<i32>} : memref<16x512xi32, #tpu.memory_space<vmem>>, vector<16xi32>,
      %gather3A_95 = tpu.vector_load_idx %arg5[%add3A_12, %get3A_94] : memref<512x128xf32, #tpu.memory_space<vmem>>[vector<16xi32>, vector<16xi32>], vector<16xf32>,
      %swap3A_96 = arith.constant 9 : i32
      %swap3A_97 = arith.index_cast %swap3A_96 : i32 to index
      %swap3A_98 = arith.index_cast %mul3A_10 : i32 to index
      %swap3A_99 = tpu.vector_load %arg7[%swap3A_97, %swap3A_98] {strides = array<i32>} : memref<16x512xf32, #tpu.memory_space<vmem>>, vector<16xf32>,
      tpu.vector_store %arg7[%swap3A_97, %swap3A_98], %gather3A_95 {strides = array<i32>} : memref<16x512xf32, #tpu.memory_space<vmem>>, vector<16xf32>,
      %get3A_100 = arith.constant 10 : i32
      %get3A_101 = arith.index_cast %get3A_100 : i32 to index
      %get3A_102 = arith.index_cast %mul3A_10 : i32 to index
      %get3A_103 = tpu.vector_load %arg6[%get3A_101, %get3A_102] {strides = array<i32>} : memref<16x512xi32, #tpu.memory_space<vmem>>, vector<16xi32>,
      %gather3A_104 = tpu.vector_load_idx %arg5[%add3A_12, %get3A_103] : memref<512x128xf32, #tpu.memory_space<vmem>>[vector<16xi32>, vector<16xi32>], vector<16xf32>,
      %swap3A_105 = arith.constant 10 : i32
      %swap3A_106 = arith.index_cast %swap3A_105 : i32 to index
      %swap3A_107 = arith.index_cast %mul3A_10 : i32 to index
      %swap3A_108 = tpu.vector_load %arg7[%swap3A_106, %swap3A_107] {strides = array<i32>} : memref<16x512xf32, #tpu.memory_space<vmem>>, vector<16xf32>,
      tpu.vector_store %arg7[%swap3A_106, %swap3A_107], %gather3A_104 {strides = array<i32>} : memref<16x512xf32, #tpu.memory_space<vmem>>, vector<16xf32>,
      %get3A_109 = arith.constant 11 : i32
      %get3A_110 = arith.index_cast %get3A_109 : i32 to index
      %get3A_111 = arith.index_cast %mul3A_10 : i32 to index
      %get3A_112 = tpu.vector_load %arg6[%get3A_110, %get3A_111] {strides = array<i32>} : memref<16x512xi32, #tpu.memory_space<vmem>>, vector<16xi32>,
      %gather3A_113 = tpu.vector_load_idx %arg5[%add3A_12, %get3A_112] : memref<512x128xf32, #tpu.memory_space<vmem>>[vector<16xi32>, vector<16xi32>], vector<16xf32>,
      %swap3A_114 = arith.constant 11 : i32
      %swap3A_115 = arith.index_cast %swap3A_114 : i32 to index
      %swap3A_116 = arith.index_cast %mul3A_10 : i32 to index
      %swap3A_117 = tpu.vector_load %arg7[%swap3A_115, %swap3A_116] {strides = array<i32>} : memref<16x512xf32, #tpu.memory_space<vmem>>, vector<16xf32>,
      tpu.vector_store %arg7[%swap3A_115, %swap3A_116], %gather3A_113 {strides = array<i32>} : memref<16x512xf32, #tpu.memory_space<vmem>>, vector<16xf32>,
      %get3A_118 = arith.constant 12 : i32
      %get3A_119 = arith.index_cast %get3A_118 : i32 to index
      %get3A_120 = arith.index_cast %mul3A_10 : i32 to index
      %get3A_121 = tpu.vector_load %arg6[%get3A_119, %get3A_120] {strides = array<i32>} : memref<16x512xi32, #tpu.memory_space<vmem>>, vector<16xi32>,
      %gather3A_122 = tpu.vector_load_idx %arg5[%add3A_12, %get3A_121] : memref<512x128xf32, #tpu.memory_space<vmem>>[vector<16xi32>, vector<16xi32>], vector<16xf32>,
      %swap3A_123 = arith.constant 12 : i32
      %swap3A_124 = arith.index_cast %swap3A_123 : i32 to index
      %swap3A_125 = arith.index_cast %mul3A_10 : i32 to index
      %swap3A_126 = tpu.vector_load %arg7[%swap3A_124, %swap3A_125] {strides = array<i32>} : memref<16x512xf32, #tpu.memory_space<vmem>>, vector<16xf32>,
      tpu.vector_store %arg7[%swap3A_124, %swap3A_125], %gather3A_122 {strides = array<i32>} : memref<16x512xf32, #tpu.memory_space<vmem>>, vector<16xf32>,
      %get3A_127 = arith.constant 13 : i32
      %get3A_128 = arith.index_cast %get3A_127 : i32 to index
      %get3A_129 = arith.index_cast %mul3A_10 : i32 to index
      %get3A_130 = tpu.vector_load %arg6[%get3A_128, %get3A_129] {strides = array<i32>} : memref<16x512xi32, #tpu.memory_space<vmem>>, vector<16xi32>,
      %gather3A_131 = tpu.vector_load_idx %arg5[%add3A_12, %get3A_130] : memref<512x128xf32, #tpu.memory_space<vmem>>[vector<16xi32>, vector<16xi32>], vector<16xf32>,
      %swap3A_132 = arith.constant 13 : i32
      %swap3A_133 = arith.index_cast %swap3A_132 : i32 to index
      %swap3A_134 = arith.index_cast %mul3A_10 : i32 to index
      %swap3A_135 = tpu.vector_load %arg7[%swap3A_133, %swap3A_134] {strides = array<i32>} : memref<16x512xf32, #tpu.memory_space<vmem>>, vector<16xf32>,
      tpu.vector_store %arg7[%swap3A_133, %swap3A_134], %gather3A_131 {strides = array<i32>} : memref<16x512xf32, #tpu.memory_space<vmem>>, vector<16xf32>,
      %get3A_136 = arith.constant 14 : i32
      %get3A_137 = arith.index_cast %get3A_136 : i32 to index
      %get3A_138 = arith.index_cast %mul3A_10 : i32 to index
      %get3A_139 = tpu.vector_load %arg6[%get3A_137, %get3A_138] {strides = array<i32>} : memref<16x512xi32, #tpu.memory_space<vmem>>, vector<16xi32>,
      %gather3A_140 = tpu.vector_load_idx %arg5[%add3A_12, %get3A_139] : memref<512x128xf32, #tpu.memory_space<vmem>>[vector<16xi32>, vector<16xi32>], vector<16xf32>,
      %swap3A_141 = arith.constant 14 : i32
      %swap3A_142 = arith.index_cast %swap3A_141 : i32 to index
      %swap3A_143 = arith.index_cast %mul3A_10 : i32 to index
      %swap3A_144 = tpu.vector_load %arg7[%swap3A_142, %swap3A_143] {strides = array<i32>} : memref<16x512xf32, #tpu.memory_space<vmem>>, vector<16xf32>,
      tpu.vector_store %arg7[%swap3A_142, %swap3A_143], %gather3A_140 {strides = array<i32>} : memref<16x512xf32, #tpu.memory_space<vmem>>, vector<16xf32>,
      %get3A_145 = arith.constant 15 : i32
      %get3A_146 = arith.index_cast %get3A_145 : i32 to index
      %get3A_147 = arith.index_cast %mul3A_10 : i32 to index
      %get3A_148 = tpu.vector_load %arg6[%get3A_146, %get3A_147] {strides = array<i32>} : memref<16x512xi32, #tpu.memory_space<vmem>>, vector<16xi32>,
      %gather3A_149 = tpu.vector_load_idx %arg5[%add3A_12, %get3A_148] : memref<512x128xf32, #tpu.memory_space<vmem>>[vector<16xi32>, vector<16xi32>], vector<16xf32>,
      %swap3A_150 = arith.constant 15 : i32
      %swap3A_151 = arith.index_cast %swap3A_150 : i32 to index
      %swap3A_152 = arith.index_cast %mul3A_10 : i32 to index
      %swap3A_153 = tpu.vector_load %arg7[%swap3A_151, %swap3A_152] {strides = array<i32>} : memref<16x512xf32, #tpu.memory_space<vmem>>, vector<16xf32>,
      tpu.vector_store %arg7[%swap3A_151, %swap3A_152], %gather3A_149 {strides = array<i32>} : memref<16x512xf32, #tpu.memory_space<vmem>>, vector<16xf32>,
    }
    %scan3A_7 = arith.constant 32 : i32
    "tpu.region"() ({
      %run_scoped3A = tpu.sem_alloc : memref<!tpu.dma_semaphore, #tpu.memory_space<semaphore_mem>>
      %dma_start3A = arith.constant 0 : i32
      %dma_start3A_8 = tpu.memref_slice %arg4[%dma_start3A, %mul3A_2] : memref<16x16384xf32, #tpu.memory_space<hbm>> -> memref<16x512xf32, #tpu.memory_space<hbm>>
      %dma_start3A_9 = arith.constant 0 : i32
      %dma_start3A_10 = tpu.memref_slice %arg4[%dma_start3A_9, %mul3A_2] : memref<16x16384xf32, #tpu.memory_space<hbm>> -> memref<16x512xf32, #tpu.memory_space<hbm>>
      tpu.enqueue_dma source(%arg7 : memref<16x512xf32, #tpu.memory_space<vmem>>) target(%dma_start3A_10 : memref<16x512xf32, #tpu.memory_space<hbm>>) target_semaphore(%run_scoped3A : memref<!tpu.dma_semaphore, #tpu.memory_space<semaphore_mem>>)
      %dma_wait3A = arith.constant 0 : i32
      %dma_wait3A_11 = tpu.memref_slice %arg4[%dma_wait3A, %mul3A_2] : memref<16x16384xf32, #tpu.memory_space<hbm>> -> memref<16x512xf32, #tpu.memory_space<hbm>>
      %dma_wait3A_12 = arith.constant 0 : i32
      %dma_wait3A_13 = tpu.memref_slice %arg4[%dma_wait3A_12, %mul3A_2] : memref<16x16384xf32, #tpu.memory_space<hbm>> -> memref<16x512xf32, #tpu.memory_space<hbm>>
      tpu.wait_dma2 semaphore(%run_scoped3A : memref<!tpu.dma_semaphore, #tpu.memory_space<semaphore_mem>>) src(%arg7 : memref<16x512xf32, #tpu.memory_space<vmem>>) dst(%dma_wait3A_13 : memref<16x512xf32, #tpu.memory_space<hbm>>)
      tpu.yield
    }) : () -> ()
    return
  }
}

module attributes {stable_mosaic.version = 14 : i64} {
  func.func @_all_dots_body(%arg0: i32, %arg1: memref<2048x64xf32, #tpu.memory_space<vmem>>, %arg2: memref<128x64xf32, #tpu.memory_space<vmem>>, %arg3: memref<2048x128xf32, #tpu.memory_space<vmem>>) attributes {dimension_semantics = [#tpu.dimension_semantics<arbitrary>], iteration_bounds = array<i64: 8>, scalar_prefetch = 0 : i64, scratch_operands = 0 : i64, tpu.core_type = #tpu.core_type<tc>, window_params = [{transform_indices = @transform_0, window_bounds = array<i64: 2048, 64>}, {pipeline_mode = #tpu.pipeline_mode<synchronous>, transform_indices = @transform_1, window_bounds = array<i64: 128, 64>}, {transform_indices = @transform_2, window_bounds = array<i64: 2048, 128>}]} {
    %get3A = arith.constant 0 : index
    %get3A_0 = arith.constant 0 : index
    %get3A_1 = vector.load %arg1[%get3A, %get3A_0] : memref<2048x64xf32, #tpu.memory_space<vmem>>, vector<2048x64xf32>
    %get3A_2 = arith.constant 0 : index
    %get3A_3 = arith.constant 0 : index
    %get3A_4 = vector.load %arg2[%get3A_2, %get3A_3] : memref<128x64xf32, #tpu.memory_space<vmem>>, vector<128x64xf32>
    %dot_general3A = arith.constant dense<0.000000e+00> : vector<2048x128xf32>
    %dot_general3A_5 = tpu.matmul %get3A_1, %get3A_4, %dot_general3A {dimension_numbers = #tpu.dot_dimension_numbers<[1], [1], [0], [0], [0, 0, 1, 0], [], []>, transpose_lhs_hint = false} : vector<2048x64xf32>, vector<128x64xf32>, vector<2048x128xf32> -> vector<2048x128xf32>
    %neg3A = arith.constant 0.000000e+00 : f32
    %neg3A_6 = vector.broadcast %neg3A : f32 to vector<2048x128xf32>
    %neg3A_7 = arith.subf %neg3A_6, %dot_general3A_5 : vector<2048x128xf32>
    %exp3A = math.exp %neg3A_7 : vector<2048x128xf32>
    %add3A = arith.constant 1.000000e+00 : f32
    %add3A_8 = vector.broadcast %add3A : f32 to vector<2048x128xf32>
    %add3A_9 = arith.addf %add3A_8, %exp3A : vector<2048x128xf32>
    %div3A = arith.constant 1.000000e+00 : f32
    %div3A_10 = vector.broadcast %div3A : f32 to vector<2048x128xf32>
    %div3A_11 = arith.divf %div3A_10, %add3A_9 : vector<2048x128xf32>
    %swap3A = arith.constant 0 : index
    %swap3A_12 = arith.constant 0 : index
    %swap3A_13 = vector.load %arg3[%swap3A, %swap3A_12] : memref<2048x128xf32, #tpu.memory_space<vmem>>, vector<2048x128xf32>
    tpu.vector_store %arg3[%swap3A, %swap3A_12], %div3A_11 {strides = array<i32>} : memref<2048x128xf32, #tpu.memory_space<vmem>>, vector<2048x128xf32>,
    return
  }
  func.func @transform_0(%arg0: i32) -> (i32, i32) {
    %c0_i32 = arith.constant 0 : i32
    %c0_i32_0 = arith.constant 0 : i32
    return %arg0, %c0_i32 : i32, i32
  }
  func.func @transform_1(%arg0: i32) -> (i32, i32) {
    %c0_i32 = arith.constant 0 : i32
    %c0_i32_0 = arith.constant 0 : i32
    %c0_i32_1 = arith.constant 0 : i32
    return %c0_i32, %c0_i32_0 : i32, i32
  }
  func.func @transform_2(%arg0: i32) -> (i32, i32) {
    %c0_i32 = arith.constant 0 : i32
    %c0_i32_0 = arith.constant 0 : i32
    return %arg0, %c0_i32 : i32, i32
  }
}

module attributes {stable_mosaic.version = 14 : i64} {
  func.func @_pos_body(%arg0: i32, %arg1: memref<2048x64xf32, #tpu.memory_space<vmem>>, %arg2: memref<2048x64xf32, #tpu.memory_space<vmem>>, %arg3: memref<2048xf32, #tpu.memory_space<vmem>>) attributes {dimension_semantics = [#tpu.dimension_semantics<arbitrary>], iteration_bounds = array<i64: 8>, scalar_prefetch = 0 : i64, scratch_operands = 0 : i64, tpu.core_type = #tpu.core_type<tc>, window_params = [{transform_indices = @transform_0, window_bounds = array<i64: 2048, 64>}, {transform_indices = @transform_1, window_bounds = array<i64: 2048, 64>}, {transform_indices = @transform_2, window_bounds = array<i64: 2048>}]} {
    %get3A = arith.constant 0 : index
    %get3A_0 = arith.constant 0 : index
    %get3A_1 = vector.load %arg1[%get3A, %get3A_0] : memref<2048x64xf32, #tpu.memory_space<vmem>>, vector<2048x64xf32>
    %get3A_2 = arith.constant 0 : index
    %get3A_3 = arith.constant 0 : index
    %get3A_4 = vector.load %arg2[%get3A_2, %get3A_3] : memref<2048x64xf32, #tpu.memory_space<vmem>>, vector<2048x64xf32>
    %mul3A = arith.mulf %get3A_1, %get3A_4 : vector<2048x64xf32>
    %reduce_sum3A = arith.constant dense<0.000000e+00> : vector<2048xf32>
    %reduce_sum3A_5 = vector.multi_reduction <add>, %mul3A, %reduce_sum3A [1] : vector<2048x64xf32> to vector<2048xf32>
    %neg3A = arith.constant 0.000000e+00 : f32
    %neg3A_6 = vector.broadcast %neg3A : f32 to vector<2048xf32>
    %neg3A_7 = arith.subf %neg3A_6, %reduce_sum3A_5 : vector<2048xf32>
    %exp3A = math.exp %neg3A_7 : vector<2048xf32>
    %add3A = arith.constant 1.000000e+00 : f32
    %add3A_8 = vector.broadcast %add3A : f32 to vector<2048xf32>
    %add3A_9 = arith.addf %add3A_8, %exp3A : vector<2048xf32>
    %div3A = arith.constant 1.000000e+00 : f32
    %div3A_10 = vector.broadcast %div3A : f32 to vector<2048xf32>
    %div3A_11 = arith.divf %div3A_10, %add3A_9 : vector<2048xf32>
    %swap3A = arith.constant 0 : index
    %swap3A_12 = vector.load %arg3[%swap3A] : memref<2048xf32, #tpu.memory_space<vmem>>, vector<2048xf32>
    tpu.vector_store %arg3[%swap3A], %div3A_11 {strides = array<i32>} : memref<2048xf32, #tpu.memory_space<vmem>>, vector<2048xf32>,
    return
  }
  func.func @transform_0(%arg0: i32) -> (i32, i32) {
    %c0_i32 = arith.constant 0 : i32
    %c0_i32_0 = arith.constant 0 : i32
    return %arg0, %c0_i32 : i32, i32
  }
  func.func @transform_1(%arg0: i32) -> (i32, i32) {
    %c0_i32 = arith.constant 0 : i32
    %c0_i32_0 = arith.constant 0 : i32
    return %arg0, %c0_i32 : i32, i32
  }
  func.func @transform_2(%arg0: i32) -> i32 {
    %c0_i32 = arith.constant 0 : i32
    return %arg0 : i32
  }
}

</mosaic_0001>

<sc_bundles>
// kernel: kernel.6.cloned.1.call-start
scs
__scs_entry_jumppad:
0x0: {  	(pc) =	sbr.rel $0x88, $3  }
0x1: {  	(tag) =	ssettag $0x0;
	lr =	simm.s32 $0x1  }
0x2: {  	[smem:$0x3F9D] =	sst lr;
	_ =	strace $0xD0000000  }
0x3: {  	_ = 	snop  }
0x4: {  	_ = 	snop  }
0x5: {  	_ = 	snop  }
0x6: {  	_ = 	snop  }
0x7: {  	_ = 	snop  }
__scs_overlays_trampoline_lowered:
0x8: {  	[smem:$0x3FAC] =	sst s0  }
0x9: {  	[smem:$0x3FAD] =	sst s1  }
0xa: {  	[smem:$0x3FAE] =	sst s2  }
0xb: {  	[smem:$0x3FAF] =	sst s3  }
0xc: {  	[smem:$0x3FB0] =	sst s4  }
0xd: {  	[smem:$0x3FB1] =	sst s5  }
0xe: {  	[smem:$0x3FB2] =	sst s6  }
0xf: {  	[smem:$0x3FB3] =	sst s7  }
0x10: {  	[smem:$0x3FB4] =	sst s8  }
0x11: {  	[smem:$0x3FB5] =	sst s9;
	s0 =	simm.s32 @!p0 $0x0  }
0x12: {  	s1 =	sld [smem:$0x3F9B];
	s0 =	simm.s32 @p0 $0x1  }
0x13: {  	[smem:$0x3FB6] =	sst s0;
	s0 =	simm.s32 @!p1 $0x0  }
0x14: {  	s2 =	sld [smem:$0x3F9A];
	s0 =	simm.s32 @p1 $0x1  }
0x15: {  	[smem:$0x3FB7] =	sst s0;
	s0 =	simm.s32 @!p2 $0x0  }
0x16: {  	s3 =	sld [smem:$0x3FDB];
	s0 =	simm.s32 @p2 $0x1  }
0x17: {  	s4 =	simm.s32 $0x1BF5;
	[smem:$0x3FB9] =	sst s0  }
0x18: {  	s0 =	sld [smem:$0x3F9C];
	_ =	swait.ge [sflag:s4], $0x0  }
0x19: {  	s7 =	sld [smem:$0x3F9D]  }
0x1a: {  	s8 =	sadd.s32 $0xFFFFE003, lr  }
0x1b: {  	s9 =	sadd.s32 $0xFFFFFEF7, lr;
	s5 =	simm.s32 $0xFFFFFFFF;
	p2 =	slt.u32 s8, $0xFFFFF086  }
0x1c: {  	p1 =	slt.u32 s9, $0xF7A;
	s5 =	simm.s32 @!p2 $0x0  }
0x1d: {  	s5 =	simm.s32 @p1 $0x1;
	p0 =	seq.s32 s7, s2  }
0x1e: {  	s7 =	smul.u32 @!p0 $0xF7A, s2;
	p2 =	seq.s32 @!p0 s5, $0x0  }
0x1f: {  	s9 =	smul.u32 $0xF7A, s1;
	s8 =	simm.s32 @!p0 $0x1BF5;
	p2 =	por !p2, p0  }
0x20: {  	[sflag:s8] =	ssyncset.s32 @!p0 $0xFFFFF086;
	s6 =	sadd.s32 @!p0 s3, s7;
	s7 =	simm.s32 @!p0 $0x108  }
0x21: {  	s3 =	sadd.s32 s3, s9;
	s6 =	sadd.s32 @!p0 $0x88, s6;
	s7 =	simm.s32 @p2 $0x1082  }
0x22: {  	[simem:s7], [sflag:s8] =	dma.local @!p0 [hbm:s6], $0xF7A  }
0x23: {  	s9 =	sor.u32 $0xD0000000, s2;
	s6 =	simm.s32 $0x108;
	_ =	swait.ge @!p0 [sflag:s8], $0x0  }
0x24: {  	s3 =	sadd.s32 $0x88, s3;
	s6 =	simm.s32 @!p1 $0x1082;
	[sflag:s4] =	ssyncset.s32 $0xFFFFF086  }
0x25: {  	[simem:s6], [sflag:s4] =	dma.local [hbm:s3], $0xF7A  }
0x26: {  	[smem:$0x3F9D] =	sst s1;
	(tag) =	ssettag s2;
	_ =	strace s9  }
0x27: {  	s1 =	sld [smem:$0x3FAD]  }
0x28: {  	s2 =	sld [smem:$0x3FAE]  }
0x29: {  	s4 =	sld [smem:$0x3FB0]  }
0x2a: {  	p0 =	seq.s32 s5, $0x0;
	s5 =	sld [smem:$0x3FB1]  }
0x2b: {  	s6 =	sld [smem:$0x3FB2]  }
0x2c: {  	s7 =	sld [smem:$0x3FB3]  }
0x2d: {  	s3 =	simm.s32 $0x108;
	s8 =	sld [smem:$0x3FB4]  }
0x2e: {  	s3 =	simm.s32 @!p0 $0x1082;
	s9 =	sld [smem:$0x3FB5]  }
0x2f: {  	lr =	sadd.s32 s0, s3;
	s0 =	sld [smem:$0x3FAC]  }
0x30: {  	s3 =	sld [smem:$0x3FAF]  }
0x31: {  	[smem:$0x3FB8] =	sst s10  }
0x32: {  	s10 =	sld [smem:$0x3FB6];
	_ =	sdelay $0x3  }
0x33: {  	p0 =	seq.s32 s10, $0x1;
	s10 =	sld [smem:$0x3FB8];
	_ =	sdelay $0x3  }
0x34: {  	[smem:$0x3FB8] =	sst s10  }
0x35: {  	s10 =	sld [smem:$0x3FB7];
	_ =	sdelay $0x3  }
0x36: {  	p1 =	seq.s32 s10, $0x1;
	s10 =	sld [smem:$0x3FB8];
	_ =	sdelay $0x3  }
0x37: {  	[smem:$0x3FB8] =	sst s10  }
0x38: {  	s10 =	sld [smem:$0x3FB9]  }
0x39: {  	_ = 	snop;
	(pc) =	sbr.ind lr, $3  }
0x3a: {  	_ = 	snop  }
0x3b: {  	_ = 	snop  }
0x3c: {  	p2 =	seq.s32 s10, $0x1;
	s10 =	sld [smem:$0x3FB8]  }
0x3d: {  	_ =	shalt  }
0x3e: {  	_ =	shalt  }
0x3f: {  	_ =	shalt  }
0x40: {  	_ =	shalt  }
0x41: {  	_ =	shalt  }
0x42: {  	_ =	shalt  }
0x43: {  	_ =	shalt  }
0x44: {  	_ =	shalt  }
0x45: {  	_ =	shalt  }
0x46: {  	_ =	shalt  }
0x47: {  	_ =	shalt  }
0x48: {  	_ =	shalt  }
0x49: {  	_ =	shalt  }
0x4a: {  	_ =	shalt  }
0x4b: {  	_ =	shalt  }
0x4c: {  	_ =	shalt  }
0x4d: {  	_ =	shalt  }
0x4e: {  	_ =	shalt  }
0x4f: {  	_ =	shalt  }
0x50: {  	_ =	shalt  }
0x51: {  	_ =	shalt  }
0x52: {  	_ =	shalt  }
0x53: {  	_ =	shalt  }
0x54: {  	_ =	shalt  }
0x55: {  	_ =	shalt  }
0x56: {  	_ =	shalt  }
0x57: {  	_ =	shalt  }
0x58: {  	_ =	shalt  }
0x59: {  	_ =	shalt  }
0x5a: {  	_ =	shalt  }
0x5b: {  	_ =	shalt  }
0x5c: {  	_ =	shalt  }
0x5d: {  	_ =	shalt  }
0x5e: {  	_ =	shalt  }
0x5f: {  	_ =	shalt  }
0x60: {  	_ =	shalt  }
0x61: {  	_ =	shalt  }
0x62: {  	_ =	shalt  }
0x63: {  	_ =	shalt  }
0x64: {  	_ =	shalt  }
0x65: {  	_ =	shalt  }
0x66: {  	_ =	shalt  }
0x67: {  	_ =	shalt  }
0x68: {  	_ =	shalt  }
0x69: {  	_ =	shalt  }
0x6a: {  	_ =	shalt  }
0x6b: {  	_ =	shalt  }
0x6c: {  	_ =	shalt  }
0x6d: {  	_ =	shalt  }
0x6e: {  	_ =	shalt  }
0x6f: {  	_ =	shalt  }
0x70: {  	_ =	shalt  }
0x71: {  	_ =	shalt  }
0x72: {  	_ =	shalt  }
0x73: {  	_ =	shalt  }
0x74: {  	_ =	shalt  }
0x75: {  	_ =	shalt  }
0x76: {  	_ =	shalt  }
0x77: {  	_ =	shalt  }
0x78: {  	_ =	shalt  }
0x79: {  	_ =	shalt  }
0x7a: {  	_ =	shalt  }
0x7b: {  	_ =	shalt  }
0x7c: {  	_ =	shalt  }
0x7d: {  	_ =	shalt  }
0x7e: {  	_ =	shalt  }
0x7f: {  	_ =	shalt  }
0x80: {  	_ =	shalt  }
0x81: {  	_ =	shalt  }
0x82: {  	_ =	shalt  }
0x83: {  	_ =	shalt  }
0x84: {  	_ =	shalt  }
0x85: {  	_ =	shalt  }
0x86: {  	_ =	shalt  }
0x87: {  	_ =	shalt  }
.Lfunc_end0:
.L_simem_size_0:
called_computation_lowered:
.L_overlay_start_0:
0x88: {  	s2 =	sld [smem:$0x3FD9]  }
0x89: {  	s3 =	sld [smem:$0x3FFE];
	_ =	sdelay $0x1  }
0x8a: {  	s1 =	srdreg.scid  }
0x8b: {  	s0 =	sand.u32 $0x1, s1  }
0x8c: {  	s14 =	sshll.u32 s0, $0xA;
	s2 =	sadd.s32 s3, s2  }
0x8d: {  	s2 =	sadd.s32 s2, s14  }
0x8e: {  	[smem:$0x3FC4] =	sst s2  }
0x8f: {  	_ = 	snop  }
0x90: {  	s2 =	sld [smem:$0x3FD0];
	_ =	sdelay $0x1  }
0x91: {  	s15 =	sld [smem:$0x3FC8]  }
0x92: {  	s5 =	simm.s32 $0xB;
	s6 =	simm.s32 $0x10;
	s4 =	sld [smem:$0x3FC7]  }
0x93: {  	[smem:s6], [sflag:s5] =	dma.local [hbm:s2], $0x1  }
0x94: {  	_ =	swait.eq [sflag:s5], $0x1  }
0x95: {  	[sflag:s5] =	ssyncset.done $0x0  }
0x96: {  	[sflag:s5] =	ssyncadd.s32 $0xFFFFFFFF  }
0x97: {  	s16 =	sld [smem:$0x11];
	(tm) =	ssettm $0x1  }
0x98: {  	s17 =	sld [smem:$0x3FFB];
	_ =	sdelay $0x3  }
0x99: {  	_ =	strace s17  }
0x9a: {  	s5 =	sld [smem:$0x3FFC];
	_ =	sdelay $0x3  }
0x9b: {  	_ =	strace s5  }
0x9c: {  	s5 =	sld [smem:$0x3FFD];
	_ =	sdelay $0x3  }
0x9d: {  	_ =	strace s5  }
0x9e: {  	_ =	strace $0x8FFFFFFF  }
0x9f: {  	s18 =	sld [smem:$0x3FDB];
	_ =	sdelay $0x1  }
0xa0: {  	s19 =	simm.s32 $_scs_section_size  }
0xa1: {  	s7 =	simm.s32 $_size__tile_overlayer_lowered;
	s8 =	simm.s32 $_tile_overlayer_lowered  }
0xa2: {  	s22 =	simm.s32 $0x1BFF;
	s21 =	sshll.u32 s8, $0x1;
	s5 =	sadd.s32 s19, s18  }
0xa3: {  	s9 =	simm.s32 $0x0;
	s20 =	sshll.u32 s7, $0x1;
	s7 =	sadd.s32 s21, s5  }
0xa4: {  	[timem:s9], [sflag:s22] =	dma.local [hbm:s7], s20  }
0xa5: {  	_ =	swait.ge [sflag:s22], s20  }
0xa6: {  	s6 =	ssub.s32 $0x0, s20;
	[sflag:s22] =	ssyncset.done $0x0  }
0xa7: {  	[sflag:s22] =	ssyncadd.s32 s6;
	_ =	sdelay $0x1  }
0xa8: {  	s23 =	simm.s32 $0x1B8B  }
0xa9: {  	_ =	swait.ge [sflag:s23], $0x1  }
0xaa: {  	[sflag:s23] =	ssyncset.done $0x0  }
0xab: {  	s25 =	simm.s32 $0x1B8E;
	s24 =	sld [smem:$0x3FFE];
	[sflag:s23] =	ssyncadd.s32 $0xFFFFFFFF  }
0xac: {  	s26 =	simm.s32 $execute0_lowered;
	[smem:$0x3FD2] =	sst s25  }
0xad: {  	s7 =	sshll.u32 s26, $0x1;
	_ =	strace $0x80000046;
	[dreg:$0x1] =	wrdreg $0xFFFFFFFF  }
0xae: {  	s28 =	simm.s32 $_size_execute0_lowered;
	s5 =	sadd.s32 s5, s7;
	[dreg:$0x0] =	wrdreg $0x0  }
0xaf: {  	s7 =	sshll.u32 s28, $0x1;
	[dreg:$0x2] =	wrdreg s5  }
0xb0: {  	[dreg:$0x3] =	wrdreg s7  }
0xb1: {  	[dreg:$0x4] =	wrdreg $0xC0  }
0xb2: {  	_ =	task [dreg:s9], $0x5FFFF  }
0xb3: {  	[dreg:$0x1] =	wrdreg $0xFFFFFFFF  }
0xb4: {  	[dreg:$0x0] =	wrdreg $0x60  }
0xb5: {  	[dreg:$0x2] =	wrdreg s15  }
0xb6: {  	[dreg:$0x3] =	wrdreg s4  }
0xb7: {  	[dreg:$0x4] =	wrdreg s16  }
0xb8: {  	[dreg:$0x5] =	wrdreg s24  }
0xb9: {  	[dreg:$0x6] =	wrdreg $0x9  }
0xba: {  	_ =	task.clear_ibuf [dreg:s9], $0x7FFFF;
	_ =	strace $0x90000046  }
0xbb: {  	s29 =	simm.s32 $0x9;
	_ =	strace $0x80000048  }
0xbc: {  	_ =	swait.ge [sflag:s29], $0x1  }
0xbd: {  	[sflag:s29] =	ssyncadd.s32 $0xFFFFFFFF  }
0xbe: {  	_ =	strace $0x90000048  }
0xbf: {  	_ =	sfence  }
0xc0: {  	s30 =	sld [smem:$0x0];
	_ =	sdelay $0x2  }
0xc1: {  	s31 =	sshll.u32 s1, $0xD;
	s1 =	sshrl.u32 s1, $0x2  }
0xc2: {  	s3 =	sand.u32 $0x4000, s31;
	s1 =	sadd.s32 s1, s30  }
0xc3: {  	s0 =	sor.u32 s3, s0;
	s1 =	sshll.u32 s1, $0x11  }
0xc4: {  	s0 =	sor.u32 s1, s0  }
0xc5: {  	s0 =	sadd.s32 $0x8F2B, s0  }
0xc6: {  	[sflag:s0] =	ssyncadd.remote.s32 $0x1  }
0xc7: {  	_ =	sfence.sel $0xFFFF  }
0xc8: {  	[dreg:$0x0] =	wrdreg $0xFFFFFFFF;
	(pc) =	sbr.abs _section_cstart, $3  }
0xc9: {  	[dreg:$0x1] =	wrdreg $0xFFFFFFFF  }
0xca: {  	_ =	task.clear_ibuf [dreg:s9], $0x2FFFF;
	_ =	strace $0x9FFFFFFF  }
0xcb: {  	(tm) =	ssettm $0x7FFFFFFF  }
tec
execute0_lowered:
.L_overlay_start_1:
0x0: {  	(tag) =	ssettag $0x1  }
0x1: {  	s2 =	rddreg [dreg:$0x1]  }
0x2: {  	s0 =	rddreg [dreg:$0x3]  }
0x3: {  	s1 =	srdreg.scid;
	s8 =	stileid.u32;
	s5 =	simm.s32 $0x0  }
0x4: {  	s14 =	simm.s32 $0x400;
	s15 =	simm.s32 $0x7A1400;
	s16 =	simm.s32 $0xC100  }
0x5: {  	s17 =	simm.s32 $0xE100;
	s18 =	simm.s32 $0x1;
	s19 =	simm.s32 $0x2  }
0x6: {  	s20 =	simm.s32 $0x10100;
	s21 =	simm.s32 $0x0;
	s1 =	sand.u32 $0x1, s1  }
0x7: {  	s3 =	sshll.u32 s8, $0x1;
	[smem:$0x7FF] =	sst s5;
	s8 =	smul.u32 $0xFFFFFE16, s8  }
0x8: {  	s3 =	sor.u32 s1, s3;
	s4 =	ssub.s32 $0x2, s1;
	s1 =	smul.u32 $0xFFFFFF0B, s1  }
0x9: {  	s7 =	sadd.s32 $0xE00, s0;
	_ =	strace $0x80000047;
	s6 =	smul.u32 $0xF5, s3  }
0xa: {  	s28 =	sshrl.u32 s4, $0x1;
	s13 =	sor.u32 $0x4000, s3;
	s3 =	smul.u32 $0x7A80, s3  }
0xb: {  	s0 =	ssub.s32 s4, s28;
	s1 =	sadd.s32 s8, s1;
	v1 =	vmov s13;
	s13 =	simm.s32 $0x4  }
0xc: {  	s29 =	ssub.s32 $0x1E85, s6;
	s9 =	ssub.s32 $0x1E84, s6;
	s1 =	sadd.s32 $0x1E84, s1  }
.Ltmp0:
0xd: {  	v0 =	vlaneseq.u32;
	s31 =	sadd.s32 s2, s3;
	s10 =	sadd.s32 $0x2, s6;
	(pc) =	sbr.rel .LBB2_1-.Ltmp0, $4  }
0xe: {  	v3 =	vmul.u32 $0x80, v0;
	s12 =	smax.u32 s0, $0x1;
	s4 =	smin.u32 s29, $0xF5;
	s30 =	smin.u32 s9, $0xF5  }
0xf: {  	v6 =	vimm.s32 $0xFFFFFFFF;
	s1 =	smin.u32 s1, $0xF5;
	s4 =	sadd.s32 s6, s4;
	s8 =	sadd.s32 s30, s6  }
0x10: {  	v7 =	vor.u32 $0x800, v3;
	v8 =	vor.u32 $0x1000, v3;
	v9 =	vor.u32 $0x1800, v3;
	s1 =	sadd.s32 $0xFFFFFFFF, s1;
	s4 =	sshll.u32 s4, $0x7;
	s8 =	sadd.s32 $0xFFFFFFFF, s8  }
0x11: {  	v2 =	vmov s3;
	[dreg:$0x5] =	wrdreg s31;
	s9 =	sadd.s32 $0x1, s6;
	s11 =	sshrl.u32 s1, $0x1;
	v4 =	vmov s4;
	v5 =	vmov s8  }
.LBB2_43:
0x12: {  	s0 =	sand.u32 $0x7F, s22  }
0x13: {  	p0 =	seq.s32 s0, $0x0  }
0x14: {  	s0 =	sand.u32 @!p0 $0xF, s22  }
0x15: {  	v12 =	vlaneseq.u32 @!p0;
	v11 =	vmov @!p0 s0  }
0x16: {  	s21 =	sadd.s32 $0x1, s21;
	vm0 =	vgt.u32 @!p0 v11, v12  }
0x17: {  	p1 =	sne.s32 s21, s12;
	s0 =	sand.u32 @!p0 $0x70, s22;
	v10 =	vsel @!p0 vm0, v10, v1  }
0x18: {  	s1 =	simm.s32 @!p0 $0x16100;
	s3 =	simm.s32 @!p0 $0x12100;
	[tilespmem:s0+$0x16100] =	vst @!p0 v10;
	s0 =	simm.s32 @!p0 $0x80  }
0x19: {  	[hbm4b:s7+s0] =	stream.indirect.scatter @!p0 [tilespmem:s3], [sflag:$0x3], $0x80, s1, s0, $0xb8;
	[tilespmem:$0x16180] =	vst v63  }
.Ltmp1:
0x1a: {  	_ = 	snop;
	(pc) =	sbr.rel @!p1 .LBB2_44-.Ltmp1, $4  }
0x1b: {  	s0 =	simm.s32 @!p0 $0x3  }
0x1c: {  	_ =	swait.ge @!p0 [sflag:s0], $0x4000  }
0x1d: {  	[sflag:s0] =	ssyncset.done @!p0 $0x0  }
0x1e: {  	[sflag:s0] =	ssyncadd.s32 @!p0 $0xFFFFC000  }
.LBB2_1:
0x1f: {  	s0 =	rddreg [dreg:$0x0]  }
0x20: {  	[tilespmem:s5], [sflag:$0x4] =	stream.linear.gather [hbm4b:s0+s5], $0x4000, $0x38;
	[tilespmem:$0x16180] =	vst v63  }
0x21: {  	s30 =	sand.u32 $0xFE00, s5;
	_ =	swait.ge [sflag:s13], $0x4000  }
0x22: {  	s1 =	sand.u32 $0x70, s5;
	s0 =	sshrl.u32 s30, $0x2;
	[sflag:s13] =	ssyncset.done $0x0  }
0x23: {  	s0 =	sor.u32 s1, s0;
	[sflag:s13] =	ssyncadd.s32 $0xFFFFC000  }
0x24: {  	v10 =	vld [tilespmem:s0+$0x0];
	_ =	sdelay $0x4  }
0x25: {  	vm0 =	vge.s32 v10, v2;
	vm1 =	vlt.s32 v10, v4  }
0x26: {  	vm0 =	vmand vm0, vm1  }
0x27: {  	v11 =	vmpcnt.ones.xlane vm0;
	_ =	sdelay $0x1  }
0x28: {  	(v2sf) =	vpush v11, $0x0;
	_ =	sdelay $0x2  }
0x29: {  	s31 =	simm.s32 $0x40;
	s22 =	simm.s32 $0x0;
	[tilespmem:s5+$0x4000] =	vst.msk vm0, v10;
	v10 =	vor.u32 s5, v0  }
0x2a: {  	s3 =	sand.u32 $0xFE00, s31;
	s1 =	simm.s32 $0x80;
	s0 =	simm.s32 $0x10;
	[tilespmem:s5+$0x8080] =	vst.msk vm0, v10  }
.LBB2_2:
0x2b: {  	p0 =	sne.s32 s1, $0xFFC0;
	s4 =	sand.u32 $0x70, s0;
	s3 =	sshrl.u32 s3, $0x2  }
0x2c: {  	s3 =	sor.u32 s4, s3  }
0x2d: {  	v10 =	vld [tilespmem:s3+$0x0];
	_ =	sdelay $0x4  }
0x2e: {  	vm0 =	vge.s32 v10, v2;
	vm1 =	vlt.s32 v10, v4  }
0x2f: {  	vm0 =	vmand vm0, vm1  }
0x30: {  	v11 =	vmpcnt.ones.xlane vm0  }
0x31: {  	s3 =	spop (v2sf)  }
.Ltmp2:
0x32: {  	(v2sf) =	vpush v11, $0x0;
	s22 =	sadd.s32 s22, s3;
	(pc) =	sbr.rel @p0 .LBB2_2-.Ltmp2, $3  }
0x33: {  	[tilespmem:s22+$0x4000] =	vst.msk vm0, v10;
	v10 =	vor.u32 s0, v0  }
0x34: {  	[tilespmem:s22+$0x8080] =	vst.msk vm0, v10;
	_ =	sdelay $0x1  }
0x35: {  	s3 =	sand.u32 $0xFE00, s1;
	s1 =	sadd.s32 $0x40, s1;
	s0 =	sadd.s32 $0x10, s0  }
0x36: {  	s1 =	sand.u32 $0x70, s0;
	s3 =	sshrl.u32 s3, $0x2  }
0x37: {  	s1 =	sor.u32 s1, s3  }
0x38: {  	v10 =	vld [tilespmem:s1+$0x0];
	_ =	sdelay $0x4  }
0x39: {  	vm0 =	vge.s32 v10, v2;
	vm1 =	vlt.s32 v10, v4  }
0x3a: {  	vm0 =	vmand vm0, vm1  }
0x3b: {  	v11 =	vmpcnt.ones.xlane vm0;
	_ =	sdelay $0x1  }
0x3c: {  	(v2sf) =	vpush v11, $0x0;
	_ =	sdelay $0xc  }
0x3d: {  	s29 =	spop (v2sf)  }
0x3e: {  	s1 =	sadd.s32 s22, s29  }
0x3f: {  	[tilespmem:s1+$0x4000] =	vst.msk vm0, v10;
	v10 =	vor.u32 s0, v0;
	s30 =	spop (v2sf)  }
0x40: {  	[tilespmem:s1+$0x8080] =	vst.msk vm0, v10;
	s0 =	sadd.s32 s1, s30  }
0x41: {  	[tilespmem:s0+$0x4000] =	vst v6  }
0x42: {  	[tilespmem:$0x16100] =	vst v1  }
0x43: {  	[tilespmem:$0x16110] =	vst v1  }
0x44: {  	[tilespmem:$0x16120] =	vst v1  }
0x45: {  	[tilespmem:$0x16130] =	vst v1  }
0x46: {  	[tilespmem:$0x16140] =	vst v1  }
.Ltmp3:
0x47: {  	[tilespmem:$0x16150] =	vst v1;
	(pc) =	sbr.rel .LBB2_4-.Ltmp3, $4  }
0x48: {  	s0 =	sadd.s32 $0xF, s0;
	[tilespmem:$0x16160] =	vst v1  }
0x49: {  	s31 =	rddreg [dreg:$0x5];
	[tilespmem:$0x16170] =	vst v1;
	s23 =	sshra.s32 s0, $0x4  }
0x4a: {  	[tilespmem:s16], [sflag:$0x1] =	stream.strided.gather [hbm4b:s31+s14], $0x2000, s15, s14, $0x38;
	[tilespmem:$0x16180] =	vst v63  }
0x4b: {  	s24 =	simm.s32 $0x0;
	s22 =	simm.s32 $0x0;
	v10 =	vmov v1;
	p0 =	slt.s32 s23, $0x1  }
.LBB2_24:
0x4c: {  	s24 =	sadd.s32 $0x1, s24  }
0x4d: {  	p1 =	sne.s32 s24, s11  }
.Ltmp4:
0x4e: {  	_ = 	snop;
	(pc) =	sbr.rel @!p1 .LBB2_25-.Ltmp4, $1  }
0x4f: {  	_ =	sdelay $0x3  }
.LBB2_4:
0x50: {  	s26 =	sshll.u32 s24, $0x1  }
0x51: {  	s0 =	sadd.s32 s26, s9  }
0x52: {  	s0 =	sshll.u32 s0, $0x7  }
0x53: {  	s0 =	sand.u32 $0x1FFFFF80, s0  }
.Ltmp5:
0x54: {  	s0 =	sadd.s32 s2, s0;
	(pc) =	sbr.rel @p0 .LBB2_14-.Ltmp5, $4  }
0x55: {  	[tilespmem:s17], [sflag:$0x2] =	stream.strided.gather [hbm4b:s0+s14], $0x2000, s15, s14, $0x38;
	[tilespmem:$0x16180] =	vst v63  }
0x56: {  	_ =	swait.ge [sflag:s18], $0x2000  }
0x57: {  	[sflag:s18] =	ssyncset.done $0x0  }
0x58: {  	s25 =	sadd.s32 s6, s26;
	[sflag:s18] =	ssyncadd.s32 $0xFFFFE000  }
.Ltmp6:
0x59: {  	(pc) =	sbr.rel .LBB2_6-.Ltmp6, $2  }
0x5a: {  	_ =	sdelay $0x2  }
0x5b: {  	v11 =	vmov s25;
	s28 =	simm.s32 $0x0  }
.LBB2_8:
0x5c: {  	s30 =	smov.u32 s22  }
.LBB2_12:
0x5d: {  	[tilespmem:s0+$0x12130] =	vst @p1 v14;
	p4 =	por p4, !p1;
	p2 =	por p3, !p1  }
0x5e: {  	[tilespmem:s3+$0x16100] =	vst @!p4 v10;
	s0 =	simm.s32 @!p2 $0x3  }
0x5f: {  	[hbm4b:s7+s1] =	stream.indirect.scatter @!p2 [tilespmem:s8], [sflag:$0x3], $0x80, s4, s1, $0xb8;
	[tilespmem:$0x16180] =	vst v63  }
0x60: {  	_ =	swait.ge @!p2 [sflag:s0], $0x4000  }
0x61: {  	[sflag:s0] =	ssyncset.done @!p2 $0x0  }
0x62: {  	[sflag:s0] =	ssyncadd.s32 @!p2 $0xFFFFC000  }
0x63: {  	v13 =	vperm.xlane v13, v12;
	[tilespmem:$0x16100] =	vst @!p2 v1  }
0x64: {  	[tilespmem:$0x16170] =	vst @!p2 v1  }
0x65: {  	v13 =	vand.u32 $0x7F, v13;
	[tilespmem:$0x16160] =	vst @!p2 v1  }
0x66: {  	v60 =	vor.u32 v3, v13;
	[tilespmem:$0x16150] =	vst @!p2 v1  }
0x67: {  	[tilespmem:$0x16140] =	vst @!p2 v1  }
0x68: {  	[tilespmem:$0x16130] =	vst @!p2 v1  }
0x69: {  	[tilespmem:$0x16120] =	vst @!p2 v1  }
0x6a: {  	[tilespmem:$0x16110] =	vst @!p2 v1  }
0x6b: {  	v14 =	vld.idx.msk [tilespmem:v60+s16+$0x0], $0xffff  }
0x6c: {  	v15 =	vor.u32 v7, v13;
	s0 =	sadd.s32 @p1 $0x1, s30  }
0x6d: {  	s22 =	smov.u32 @p1 s0  }
0x6e: {  	s0 =	sand.u32 $0x7F, s22  }
0x6f: {  	s30 =	sshll.u32 s0, $0x7  }
0x70: {  	v16 =	vld [tilespmem:s29+$0x8080];
	[tilespmem:s30+$0x12100] =	vst v14  }
0x71: {  	v14 =	vld.idx.msk [tilespmem:v15+s16+$0x0], $0xffff  }
0x72: {  	v61 =	vor.u32 v8, v13;
	_ =	sdelay $0x3  }
0x73: {  	[tilespmem:s30+$0x12110] =	vst v14  }
0x74: {  	v14 =	vld.idx.msk [tilespmem:v61+s16+$0x0], $0xffff  }
0x75: {  	v13 =	vor.u32 v9, v13;
	_ =	sdelay $0x3  }
0x76: {  	[tilespmem:s30+$0x12120] =	vst v14  }
0x77: {  	v13 =	vld.idx.msk [tilespmem:v13+s16+$0x0], $0xffff;
	_ =	sdelay $0x1  }
0x78: {  	s31 =	sand.u32 $0xF, s22  }
0x79: {  	v63 =	vmov s31;
	v62 =	vperm.xlane v16, v12  }
0x7a: {  	p2 =	sne.s32 s31, $0xF;
	p1 =	sne.s32 s0, $0x7F;
	vm0 =	veq.s32 v63, v0  }
0x7b: {  	s0 =	sand.u32 @!p2 $0x70, s22;
	s3 =	simm.s32 @!p1 $0x80;
	v10 =	vsel vm0, v62, v10;
	[tilespmem:s30+$0x12130] =	vst v13  }
0x7c: {  	s1 =	simm.s32 @!p1 $0x16100;
	s4 =	simm.s32 @!p1 $0x12100;
	[tilespmem:s0+$0x16100] =	vst @!p2 v10;
	s0 =	simm.s32 @!p1 $0x3  }
0x7d: {  	[hbm4b:s7+s3] =	stream.indirect.scatter @!p1 [tilespmem:s4], [sflag:$0x3], $0x80, s1, s3, $0xb8;
	[tilespmem:$0x16180] =	vst v63  }
0x7e: {  	_ =	swait.ge @!p1 [sflag:s0], $0x4000  }
0x7f: {  	[sflag:s0] =	ssyncset.done @!p1 $0x0  }
0x80: {  	[sflag:s0] =	ssyncadd.s32 @!p1 $0xFFFFC000  }
0x81: {  	[tilespmem:$0x16100] =	vst @!p1 v1  }
0x82: {  	[tilespmem:$0x16170] =	vst @!p1 v1  }
0x83: {  	[tilespmem:$0x16160] =	vst @!p1 v1  }
0x84: {  	[tilespmem:$0x16150] =	vst @!p1 v1  }
0x85: {  	[tilespmem:$0x16140] =	vst @!p1 v1  }
0x86: {  	[tilespmem:$0x16130] =	vst @!p1 v1  }
0x87: {  	[tilespmem:$0x16120] =	vst @!p1 v1  }
0x88: {  	s22 =	sadd.s32 $0x1, s22;
	[tilespmem:$0x16110] =	vst @!p1 v1  }
.LBB2_13:
0x89: {  	s28 =	sadd.s32 $0x1, s28  }
0x8a: {  	p1 =	sne.s32 s28, s23  }
.Ltmp7:
0x8b: {  	_ = 	snop;
	(pc) =	sbr.rel @!p1 .LBB2_14-.Ltmp7, $1  }
0x8c: {  	_ =	sdelay $0x3  }
.LBB2_6:
0x8d: {  	s29 =	sshll.u32 s28, $0x4  }
0x8e: {  	v13 =	vld [tilespmem:s29+$0x4000];
	_ =	sdelay $0x4  }
0x8f: {  	v12 =	vshrl.u32 v13, $0x7  }
0x90: {  	vm0 =	veq.s32 v12, v11  }
0x91: {  	v12 =	vmpcnt.ones.xlane vm0;
	_ =	sdelay $0x1  }
0x92: {  	(v2sf) =	vpush v12, $0x0;
	_ =	sdelay $0xe  }
0x93: {  	s0 =	spop (v2sf)  }
0x94: {  	p1 =	slt.s32 s0, $0x1  }
.Ltmp8:
0x95: {  	_ = 	snop;
	(pc) =	sbr.rel @p1 .LBB2_13-.Ltmp8, $1  }
0x96: {  	_ =	sdelay $0x3  }
0x97: {  	s1 =	sadd.s32 $0xFFFFFFFF, s0  }
0x98: {  	p2 =	sne.s32 s1, $0x0  }
.Ltmp9:
0x99: {  	_ = 	snop;
	(pc) =	sbr.rel @!p2 .LBB2_8-.Ltmp9, $2  }
0x9a: {  	_ =	sdelay $0x2  }
0x9b: {  	v12 =	vmctz.xlane vm0;
	p1 =	por $0x0, $0x0  }
0x9c: {  	_ = 	snop  }
0x9d: {  	v14 =	vperm.xlane v13, v12;
	_ =	sdelay $0x1  }
0x9e: {  	v14 =	vand.u32 $0x7F, v14  }
0x9f: {  	v15 =	vor.u32 v3, v14;
	_ =	sdelay $0x4  }
0xa0: {  	v15 =	vld.idx.msk [tilespmem:v15+s16+$0x0], $0xffff  }
0xa1: {  	v16 =	vor.u32 v7, v14;
	_ =	sdelay $0x1  }
0xa2: {  	s3 =	sand.u32 $0x7F, s22  }
0xa3: {  	s0 =	sshll.u32 s3, $0x7  }
0xa4: {  	v17 =	vld [tilespmem:s29+$0x8080];
	[tilespmem:s0+$0x12100] =	vst v15  }
0xa5: {  	v15 =	vld.idx.msk [tilespmem:v16+s16+$0x0], $0xffff  }
0xa6: {  	v61 =	vor.u32 v8, v14;
	_ =	sdelay $0x3  }
0xa7: {  	[tilespmem:s0+$0x12110] =	vst v15  }
0xa8: {  	v15 =	vld.idx.msk [tilespmem:v61+s16+$0x0], $0xffff  }
0xa9: {  	v14 =	vor.u32 v9, v14;
	_ =	sdelay $0x2  }
0xaa: {  	s31 =	sadd.s32 $0xFFFFFFFF, s1  }
0xab: {  	p2 =	sne.s32 s31, $0x0;
	[tilespmem:s0+$0x12120] =	vst v15  }
.Ltmp10:
0xac: {  	v14 =	vld.idx.msk [tilespmem:v14+s16+$0x0], $0xffff;
	(pc) =	sbr.rel @!p2 .LBB2_10-.Ltmp10, $4  }
0xad: {  	s4 =	sand.u32 $0xF, s22;
	vm1 =	vne.s32 v12, v0  }
0xae: {  	p1 =	por $0x1, $0x1;
	v63 =	vmov s4;
	p4 =	sne.s32 s4, $0xF;
	vm0 =	vmand vm0, vm1;
	v62 =	vperm.xlane v17, v12  }
0xaf: {  	s30 =	smov.u32 s22;
	p3 =	sne.s32 s3, $0x7F;
	vm1 =	veq.s32 v63, v0;
	s3 =	sand.u32 @!p4 $0x70, s22;
	v12 =	vmctz.xlane vm0  }
0xb0: {  	s1 =	simm.s32 @!p3 $0x80;
	s4 =	simm.s32 @!p3 $0x16100;
	s8 =	simm.s32 @!p3 $0x12100;
	v10 =	vsel vm1, v62, v10  }
.LBB2_11:
0xb1: {  	s31 =	sadd.s32 $0xFFFFFFFF, s31;
	v15 =	vperm.xlane v13, v12;
	s30 =	sadd.s32 $0x1, s30  }
0xb2: {  	p2 =	sne.s32 s31, $0x0;
	[tilespmem:s0+$0x12130] =	vst v14  }
0xb3: {  	s0 =	simm.s32 @!p3 $0x3;
	v14 =	vand.u32 $0x7F, v15;
	[tilespmem:s3+$0x16100] =	vst @!p4 v10  }
0xb4: {  	v15 =	vor.u32 v3, v14;
	[hbm4b:s7+s1] =	stream.indirect.scatter @!p3 [tilespmem:s8], [sflag:$0x3], $0x80, s4, s1, $0xb8;
	[tilespmem:$0x16180] =	vst v63  }
0xb5: {  	_ =	swait.ge @!p3 [sflag:s0], $0x4000  }
0xb6: {  	[sflag:s0] =	ssyncset.done @!p3 $0x0  }
0xb7: {  	[sflag:s0] =	ssyncadd.s32 @!p3 $0xFFFFC000  }
0xb8: {  	[tilespmem:$0x16100] =	vst @!p3 v1  }
0xb9: {  	[tilespmem:$0x16170] =	vst @!p3 v1  }
0xba: {  	[tilespmem:$0x16160] =	vst @!p3 v1  }
0xbb: {  	v16 =	vor.u32 v7, v14;
	[tilespmem:$0x16150] =	vst @!p3 v1  }
0xbc: {  	[tilespmem:$0x16140] =	vst @!p3 v1  }
0xbd: {  	s1 =	sand.u32 $0x7F, s30;
	[tilespmem:$0x16130] =	vst @!p3 v1  }
0xbe: {  	s0 =	sshll.u32 s1, $0x7;
	[tilespmem:$0x16120] =	vst @!p3 v1  }
0xbf: {  	[tilespmem:$0x16110] =	vst @!p3 v1  }
0xc0: {  	v15 =	vld.idx.msk [tilespmem:v15+s16+$0x0], $0xffff;
	_ =	sdelay $0x1  }
0xc1: {  	v17 =	vor.u32 v8, v14;
	_ =	sdelay $0x2  }
0xc2: {  	v18 =	vld [tilespmem:s29+$0x8080]  }
0xc3: {  	[tilespmem:s0+$0x12100] =	vst v15  }
0xc4: {  	v15 =	vld.idx.msk [tilespmem:v16+s16+$0x0], $0xffff;
	_ =	sdelay $0x1  }
0xc5: {  	v14 =	vor.u32 v9, v14  }
0xc6: {  	v16 =	vperm.xlane v18, v12;
	_ =	sdelay $0x2  }
0xc7: {  	[tilespmem:s0+$0x12110] =	vst v15  }
0xc8: {  	v15 =	vld.idx.msk [tilespmem:v17+s16+$0x0], $0xffff;
	_ =	sdelay $0x2  }
0xc9: {  	s3 =	sand.u32 $0xF, s30  }
0xca: {  	v17 =	vmov s3  }
0xcb: {  	p4 =	sne.s32 s3, $0xF;
	vm1 =	veq.s32 v17, v0  }
.Ltmp11:
0xcc: {  	p3 =	sne.s32 s1, $0x7F;
	s3 =	sand.u32 @!p4 $0x70, s30;
	v10 =	vsel vm1, v16, v10;
	[tilespmem:s0+$0x12120] =	vst v15;
	(pc) =	sbr.rel @p2 .LBB2_11-.Ltmp11, $4  }
0xcd: {  	s1 =	simm.s32 @!p3 $0x80;
	s4 =	simm.s32 @!p3 $0x16100;
	s8 =	simm.s32 @!p3 $0x12100;
	v14 =	vld.idx.msk [tilespmem:v14+s16+$0x0], $0xffff  }
0xce: {  	vm1 =	vne.s32 v12, v0  }
0xcf: {  	vm0 =	vmand vm0, vm1  }
0xd0: {  	v12 =	vmctz.xlane vm0  }
.Ltmp12:
0xd1: {  	_ = 	snop;
	(pc) =	sbr.rel .LBB2_12-.Ltmp12, $1  }
0xd2: {  	_ =	sdelay $0x3  }
.LBB2_10:
.Ltmp13:
0xd3: {  	(pc) =	sbr.rel .LBB2_12-.Ltmp13, $2  }
0xd4: {  	_ =	sdelay $0x2  }
0xd5: {  	s30 =	smov.u32 s22  }
.LBB2_14:
0xd6: {  	s0 =	sadd.s32 s26, s10  }
0xd7: {  	s0 =	sshll.u32 s0, $0x7  }
0xd8: {  	s0 =	sand.u32 $0x1FFFFF80, s0  }
.Ltmp14:
0xd9: {  	s0 =	sadd.s32 s2, s0;
	(pc) =	sbr.rel @p0 .LBB2_24-.Ltmp14, $4  }
0xda: {  	[tilespmem:s16], [sflag:$0x1] =	stream.strided.gather [hbm4b:s0+s14], $0x2000, s15, s14, $0x38;
	[tilespmem:$0x16180] =	vst v63  }
0xdb: {  	_ =	swait.ge [sflag:s19], $0x2000  }
0xdc: {  	[sflag:s19] =	ssyncset.done $0x0  }
0xdd: {  	[sflag:s19] =	ssyncadd.s32 $0xFFFFE000  }
.Ltmp15:
0xde: {  	(pc) =	sbr.rel .LBB2_16-.Ltmp15, $3  }
0xdf: {  	_ =	sdelay $0x1  }
0xe0: {  	s0 =	sadd.s32 $0x1, s25  }
0xe1: {  	s25 =	simm.s32 $0x0;
	v11 =	vmov s0  }
.LBB2_18:
0xe2: {  	s28 =	smov.u32 s22  }
.LBB2_22:
0xe3: {  	[tilespmem:s0+$0x12130] =	vst @p1 v14;
	p4 =	por p4, !p1;
	p2 =	por p3, !p1  }
0xe4: {  	[tilespmem:s3+$0x16100] =	vst @!p4 v10;
	s0 =	simm.s32 @!p2 $0x3  }
0xe5: {  	[hbm4b:s7+s1] =	stream.indirect.scatter @!p2 [tilespmem:s8], [sflag:$0x3], $0x80, s4, s1, $0xb8;
	[tilespmem:$0x16180] =	vst v63  }
0xe6: {  	_ =	swait.ge @!p2 [sflag:s0], $0x4000  }
0xe7: {  	[sflag:s0] =	ssyncset.done @!p2 $0x0  }
0xe8: {  	[sflag:s0] =	ssyncadd.s32 @!p2 $0xFFFFC000  }
0xe9: {  	v13 =	vperm.xlane v13, v12;
	[tilespmem:$0x16100] =	vst @!p2 v1  }
0xea: {  	[tilespmem:$0x16170] =	vst @!p2 v1  }
0xeb: {  	v13 =	vand.u32 $0x7F, v13;
	[tilespmem:$0x16160] =	vst @!p2 v1  }
0xec: {  	v60 =	vor.u32 v3, v13;
	[tilespmem:$0x16150] =	vst @!p2 v1  }
0xed: {  	[tilespmem:$0x16140] =	vst @!p2 v1  }
0xee: {  	[tilespmem:$0x16130] =	vst @!p2 v1  }
0xef: {  	[tilespmem:$0x16120] =	vst @!p2 v1  }
0xf0: {  	[tilespmem:$0x16110] =	vst @!p2 v1  }
0xf1: {  	v14 =	vld.idx.msk [tilespmem:v60+s17+$0x0], $0xffff  }
0xf2: {  	v15 =	vor.u32 v7, v13;
	s0 =	sadd.s32 @p1 $0x1, s28  }
0xf3: {  	s22 =	smov.u32 @p1 s0  }
0xf4: {  	s0 =	sand.u32 $0x7F, s22  }
0xf5: {  	s30 =	sshll.u32 s0, $0x7  }
0xf6: {  	v16 =	vld [tilespmem:s26+$0x8080];
	[tilespmem:s30+$0x12100] =	vst v14  }
0xf7: {  	v14 =	vld.idx.msk [tilespmem:v15+s17+$0x0], $0xffff  }
0xf8: {  	v61 =	vor.u32 v8, v13;
	_ =	sdelay $0x3  }
0xf9: {  	[tilespmem:s30+$0x12110] =	vst v14  }
0xfa: {  	v14 =	vld.idx.msk [tilespmem:v61+s17+$0x0], $0xffff  }
0xfb: {  	v13 =	vor.u32 v9, v13;
	_ =	sdelay $0x3  }
0xfc: {  	[tilespmem:s30+$0x12120] =	vst v14  }
0xfd: {  	v13 =	vld.idx.msk [tilespmem:v13+s17+$0x0], $0xffff;
	_ =	sdelay $0x1  }
0xfe: {  	s31 =	sand.u32 $0xF, s22  }
0xff: {  	v63 =	vmov s31;
	v62 =	vperm.xlane v16, v12  }
0x100: {  	p2 =	sne.s32 s31, $0xF;
	p1 =	sne.s32 s0, $0x7F;
	vm0 =	veq.s32 v63, v0  }
0x101: {  	s0 =	sand.u32 @!p2 $0x70, s22;
	s3 =	simm.s32 @!p1 $0x80;
	v10 =	vsel vm0, v62, v10;
	[tilespmem:s30+$0x12130] =	vst v13  }
0x102: {  	s1 =	simm.s32 @!p1 $0x16100;
	s4 =	simm.s32 @!p1 $0x12100;
	[tilespmem:s0+$0x16100] =	vst @!p2 v10;
	s0 =	simm.s32 @!p1 $0x3  }
0x103: {  	[hbm4b:s7+s3] =	stream.indirect.scatter @!p1 [tilespmem:s4], [sflag:$0x3], $0x80, s1, s3, $0xb8;
	[tilespmem:$0x16180] =	vst v63  }
0x104: {  	_ =	swait.ge @!p1 [sflag:s0], $0x4000  }
0x105: {  	[sflag:s0] =	ssyncset.done @!p1 $0x0  }
0x106: {  	[sflag:s0] =	ssyncadd.s32 @!p1 $0xFFFFC000  }
0x107: {  	[tilespmem:$0x16100] =	vst @!p1 v1  }
0x108: {  	[tilespmem:$0x16170] =	vst @!p1 v1  }
0x109: {  	[tilespmem:$0x16160] =	vst @!p1 v1  }
0x10a: {  	[tilespmem:$0x16150] =	vst @!p1 v1  }
0x10b: {  	[tilespmem:$0x16140] =	vst @!p1 v1  }
0x10c: {  	[tilespmem:$0x16130] =	vst @!p1 v1  }
0x10d: {  	[tilespmem:$0x16120] =	vst @!p1 v1  }
0x10e: {  	s22 =	sadd.s32 $0x1, s22;
	[tilespmem:$0x16110] =	vst @!p1 v1  }
.LBB2_23:
0x10f: {  	s25 =	sadd.s32 $0x1, s25  }
0x110: {  	p1 =	sne.s32 s25, s23  }
.Ltmp16:
0x111: {  	_ = 	snop;
	(pc) =	sbr.rel @!p1 .LBB2_24-.Ltmp16, $1  }
0x112: {  	_ =	sdelay $0x3  }
.LBB2_16:
0x113: {  	s26 =	sshll.u32 s25, $0x4  }
0x114: {  	v13 =	vld [tilespmem:s26+$0x4000];
	_ =	sdelay $0x4  }
0x115: {  	v12 =	vshrl.u32 v13, $0x7  }
0x116: {  	vm0 =	veq.s32 v12, v11  }
0x117: {  	v12 =	vmpcnt.ones.xlane vm0;
	_ =	sdelay $0x1  }
0x118: {  	(v2sf) =	vpush v12, $0x0;
	_ =	sdelay $0xe  }
0x119: {  	s0 =	spop (v2sf)  }
0x11a: {  	p1 =	slt.s32 s0, $0x1  }
.Ltmp17:
0x11b: {  	_ = 	snop;
	(pc) =	sbr.rel @p1 .LBB2_23-.Ltmp17, $1  }
0x11c: {  	_ =	sdelay $0x3  }
0x11d: {  	s1 =	sadd.s32 $0xFFFFFFFF, s0  }
0x11e: {  	p2 =	sne.s32 s1, $0x0  }
.Ltmp18:
0x11f: {  	_ = 	snop;
	(pc) =	sbr.rel @!p2 .LBB2_18-.Ltmp18, $2  }
0x120: {  	_ =	sdelay $0x2  }
0x121: {  	v12 =	vmctz.xlane vm0;
	p1 =	por $0x0, $0x0  }
0x122: {  	_ = 	snop  }
0x123: {  	v14 =	vperm.xlane v13, v12;
	_ =	sdelay $0x1  }
0x124: {  	v14 =	vand.u32 $0x7F, v14  }
0x125: {  	v15 =	vor.u32 v3, v14;
	_ =	sdelay $0x4  }
0x126: {  	v15 =	vld.idx.msk [tilespmem:v15+s17+$0x0], $0xffff  }
0x127: {  	v16 =	vor.u32 v7, v14;
	_ =	sdelay $0x1  }
0x128: {  	s3 =	sand.u32 $0x7F, s22  }
0x129: {  	s0 =	sshll.u32 s3, $0x7  }
0x12a: {  	v17 =	vld [tilespmem:s26+$0x8080];
	[tilespmem:s0+$0x12100] =	vst v15  }
0x12b: {  	v15 =	vld.idx.msk [tilespmem:v16+s17+$0x0], $0xffff  }
0x12c: {  	v61 =	vor.u32 v8, v14;
	_ =	sdelay $0x3  }
0x12d: {  	[tilespmem:s0+$0x12110] =	vst v15  }
0x12e: {  	v15 =	vld.idx.msk [tilespmem:v61+s17+$0x0], $0xffff  }
0x12f: {  	v14 =	vor.u32 v9, v14;
	_ =	sdelay $0x2  }
0x130: {  	s29 =	sadd.s32 $0xFFFFFFFF, s1  }
0x131: {  	p2 =	sne.s32 s29, $0x0;
	[tilespmem:s0+$0x12120] =	vst v15  }
.Ltmp19:
0x132: {  	v14 =	vld.idx.msk [tilespmem:v14+s17+$0x0], $0xffff;
	(pc) =	sbr.rel @!p2 .LBB2_20-.Ltmp19, $4  }
0x133: {  	s4 =	sand.u32 $0xF, s22;
	vm1 =	vne.s32 v12, v0  }
0x134: {  	p1 =	por $0x1, $0x1;
	v63 =	vmov s4;
	p4 =	sne.s32 s4, $0xF;
	vm0 =	vmand vm0, vm1;
	v62 =	vperm.xlane v17, v12  }
0x135: {  	s28 =	smov.u32 s22;
	p3 =	sne.s32 s3, $0x7F;
	vm1 =	veq.s32 v63, v0;
	s3 =	sand.u32 @!p4 $0x70, s22;
	v12 =	vmctz.xlane vm0  }
0x136: {  	s1 =	simm.s32 @!p3 $0x80;
	s4 =	simm.s32 @!p3 $0x16100;
	s8 =	simm.s32 @!p3 $0x12100;
	v10 =	vsel vm1, v62, v10  }
.LBB2_21:
0x137: {  	s29 =	sadd.s32 $0xFFFFFFFF, s29;
	v15 =	vperm.xlane v13, v12;
	s28 =	sadd.s32 $0x1, s28  }
0x138: {  	p2 =	sne.s32 s29, $0x0;
	[tilespmem:s0+$0x12130] =	vst v14  }
0x139: {  	s0 =	simm.s32 @!p3 $0x3;
	v14 =	vand.u32 $0x7F, v15;
	[tilespmem:s3+$0x16100] =	vst @!p4 v10  }
0x13a: {  	v15 =	vor.u32 v3, v14;
	[hbm4b:s7+s1] =	stream.indirect.scatter @!p3 [tilespmem:s8], [sflag:$0x3], $0x80, s4, s1, $0xb8;
	[tilespmem:$0x16180] =	vst v63  }
0x13b: {  	_ =	swait.ge @!p3 [sflag:s0], $0x4000  }
0x13c: {  	[sflag:s0] =	ssyncset.done @!p3 $0x0  }
0x13d: {  	[sflag:s0] =	ssyncadd.s32 @!p3 $0xFFFFC000  }
0x13e: {  	[tilespmem:$0x16100] =	vst @!p3 v1  }
0x13f: {  	[tilespmem:$0x16170] =	vst @!p3 v1  }
0x140: {  	[tilespmem:$0x16160] =	vst @!p3 v1  }
0x141: {  	v16 =	vor.u32 v7, v14;
	[tilespmem:$0x16150] =	vst @!p3 v1  }
0x142: {  	[tilespmem:$0x16140] =	vst @!p3 v1  }
0x143: {  	s1 =	sand.u32 $0x7F, s28;
	[tilespmem:$0x16130] =	vst @!p3 v1  }
0x144: {  	s0 =	sshll.u32 s1, $0x7;
	[tilespmem:$0x16120] =	vst @!p3 v1  }
0x145: {  	[tilespmem:$0x16110] =	vst @!p3 v1  }
0x146: {  	v15 =	vld.idx.msk [tilespmem:v15+s17+$0x0], $0xffff;
	_ =	sdelay $0x1  }
0x147: {  	v17 =	vor.u32 v8, v14;
	_ =	sdelay $0x2  }
0x148: {  	v18 =	vld [tilespmem:s26+$0x8080]  }
0x149: {  	[tilespmem:s0+$0x12100] =	vst v15  }
0x14a: {  	v15 =	vld.idx.msk [tilespmem:v16+s17+$0x0], $0xffff;
	_ =	sdelay $0x1  }
0x14b: {  	v14 =	vor.u32 v9, v14  }
0x14c: {  	v16 =	vperm.xlane v18, v12;
	_ =	sdelay $0x2  }
0x14d: {  	[tilespmem:s0+$0x12110] =	vst v15  }
0x14e: {  	v15 =	vld.idx.msk [tilespmem:v17+s17+$0x0], $0xffff;
	_ =	sdelay $0x2  }
0x14f: {  	s3 =	sand.u32 $0xF, s28  }
0x150: {  	v17 =	vmov s3  }
0x151: {  	p4 =	sne.s32 s3, $0xF;
	vm1 =	veq.s32 v17, v0  }
.Ltmp20:
0x152: {  	p3 =	sne.s32 s1, $0x7F;
	s3 =	sand.u32 @!p4 $0x70, s28;
	v10 =	vsel vm1, v16, v10;
	[tilespmem:s0+$0x12120] =	vst v15;
	(pc) =	sbr.rel @p2 .LBB2_21-.Ltmp20, $4  }
0x153: {  	s1 =	simm.s32 @!p3 $0x80;
	s4 =	simm.s32 @!p3 $0x16100;
	s8 =	simm.s32 @!p3 $0x12100;
	v14 =	vld.idx.msk [tilespmem:v14+s17+$0x0], $0xffff  }
0x154: {  	vm1 =	vne.s32 v12, v0  }
0x155: {  	vm0 =	vmand vm0, vm1  }
0x156: {  	v12 =	vmctz.xlane vm0  }
.Ltmp21:
0x157: {  	_ = 	snop;
	(pc) =	sbr.rel .LBB2_22-.Ltmp21, $1  }
0x158: {  	_ =	sdelay $0x3  }
.LBB2_20:
.Ltmp22:
0x159: {  	(pc) =	sbr.rel .LBB2_22-.Ltmp22, $2  }
0x15a: {  	_ =	sdelay $0x2  }
0x15b: {  	s28 =	smov.u32 s22  }
.LBB2_25:
.Ltmp23:
0x15c: {  	(pc) =	sbr.rel @!p0 .LBB2_26-.Ltmp23, $4  }
0x15d: {  	_ = 	snop  }
0x15e: {  	_ =	swait.ge [sflag:s18], $0x2000  }
0x15f: {  	[sflag:s18] =	ssyncset.done $0x0  }
0x160: {  	s24 =	simm.s32 $0x0;
	[sflag:s18] =	ssyncadd.s32 $0xFFFFE000  }
.LBB2_34:
0x161: {  	s24 =	simm.s32 $0x0;
	s0 =	rddreg [dreg:$0x2]  }
0x162: {  	[tilespmem:s20], [sflag:$0x4] =	stream.linear.gather [hbm4b:s0+s24], $0x2000, $0x38;
	[tilespmem:$0x16180] =	vst v63  }
.Ltmp24:
0x163: {  	_ = 	snop;
	(pc) =	sbr.rel @!p0 .LBB2_35-.Ltmp24, $4  }
.Ltmp25:
0x164: {  	_ = 	snop;
	(pc) =	sbr.rel @p0 .LBB2_43-.Ltmp25, $4  }
0x165: {  	_ =	swait.ge [sflag:s13], $0x2000  }
0x166: {  	[sflag:s13] =	ssyncset.done $0x0  }
0x167: {  	[sflag:s13] =	ssyncadd.s32 $0xFFFFE000  }
0x168: {  	_ = 	snop  }
.LBB2_28:
0x169: {  	s26 =	smov.u32 s22  }
.LBB2_32:
0x16a: {  	[tilespmem:s0+$0x12130] =	vst @p1 v13;
	p4 =	por p4, !p1;
	p2 =	por p3, !p1  }
0x16b: {  	[tilespmem:s3+$0x16100] =	vst @!p4 v10;
	s0 =	simm.s32 @!p2 $0x3  }
0x16c: {  	[hbm4b:s7+s1] =	stream.indirect.scatter @!p2 [tilespmem:s8], [sflag:$0x3], $0x80, s4, s1, $0xb8;
	[tilespmem:$0x16180] =	vst v63  }
0x16d: {  	_ =	swait.ge @!p2 [sflag:s0], $0x4000  }
0x16e: {  	[sflag:s0] =	ssyncset.done @!p2 $0x0  }
0x16f: {  	[sflag:s0] =	ssyncadd.s32 @!p2 $0xFFFFC000  }
0x170: {  	v12 =	vperm.xlane v12, v11;
	[tilespmem:$0x16100] =	vst @!p2 v1  }
0x171: {  	[tilespmem:$0x16170] =	vst @!p2 v1  }
0x172: {  	v12 =	vand.u32 $0x7F, v12;
	[tilespmem:$0x16160] =	vst @!p2 v1  }
0x173: {  	v61 =	vor.u32 v3, v12;
	[tilespmem:$0x16150] =	vst @!p2 v1  }
0x174: {  	[tilespmem:$0x16140] =	vst @!p2 v1  }
0x175: {  	[tilespmem:$0x16130] =	vst @!p2 v1  }
0x176: {  	[tilespmem:$0x16120] =	vst @!p2 v1  }
0x177: {  	[tilespmem:$0x16110] =	vst @!p2 v1  }
0x178: {  	v13 =	vld.idx.msk [tilespmem:v61+s16+$0x0], $0xffff  }
0x179: {  	v14 =	vor.u32 v7, v12;
	s0 =	sadd.s32 @p1 $0x1, s26  }
0x17a: {  	s22 =	smov.u32 @p1 s0  }
0x17b: {  	s0 =	sand.u32 $0x7F, s22  }
0x17c: {  	s30 =	sshll.u32 s0, $0x7  }
0x17d: {  	v15 =	vld [tilespmem:s25+$0x8080];
	[tilespmem:s30+$0x12100] =	vst v13  }
0x17e: {  	v13 =	vld.idx.msk [tilespmem:v14+s16+$0x0], $0xffff  }
0x17f: {  	v62 =	vor.u32 v8, v12;
	_ =	sdelay $0x3  }
0x180: {  	[tilespmem:s30+$0x12110] =	vst v13  }
0x181: {  	v13 =	vld.idx.msk [tilespmem:v62+s16+$0x0], $0xffff  }
0x182: {  	v12 =	vor.u32 v9, v12;
	_ =	sdelay $0x3  }
0x183: {  	[tilespmem:s30+$0x12120] =	vst v13  }
0x184: {  	v12 =	vld.idx.msk [tilespmem:v12+s16+$0x0], $0xffff;
	_ =	sdelay $0x1  }
0x185: {  	s31 =	sand.u32 $0xF, s22  }
0x186: {  	v63 =	vmov s31;
	v11 =	vperm.xlane v15, v11  }
0x187: {  	p2 =	sne.s32 s31, $0xF;
	p1 =	sne.s32 s0, $0x7F;
	vm0 =	veq.s32 v63, v0  }
0x188: {  	s0 =	sand.u32 @!p2 $0x70, s22;
	s3 =	simm.s32 @!p1 $0x80;
	v10 =	vsel vm0, v11, v10;
	[tilespmem:s30+$0x12130] =	vst v12  }
0x189: {  	s1 =	simm.s32 @!p1 $0x16100;
	s4 =	simm.s32 @!p1 $0x12100;
	[tilespmem:s0+$0x16100] =	vst @!p2 v10;
	s0 =	simm.s32 @!p1 $0x3  }
0x18a: {  	[hbm4b:s7+s3] =	stream.indirect.scatter @!p1 [tilespmem:s4], [sflag:$0x3], $0x80, s1, s3, $0xb8;
	[tilespmem:$0x16180] =	vst v63  }
0x18b: {  	_ =	swait.ge @!p1 [sflag:s0], $0x4000  }
0x18c: {  	[sflag:s0] =	ssyncset.done @!p1 $0x0  }
0x18d: {  	[sflag:s0] =	ssyncadd.s32 @!p1 $0xFFFFC000  }
0x18e: {  	[tilespmem:$0x16100] =	vst @!p1 v1  }
0x18f: {  	[tilespmem:$0x16170] =	vst @!p1 v1  }
0x190: {  	[tilespmem:$0x16160] =	vst @!p1 v1  }
0x191: {  	[tilespmem:$0x16150] =	vst @!p1 v1  }
0x192: {  	[tilespmem:$0x16140] =	vst @!p1 v1  }
0x193: {  	[tilespmem:$0x16130] =	vst @!p1 v1  }
0x194: {  	[tilespmem:$0x16120] =	vst @!p1 v1  }
0x195: {  	s22 =	sadd.s32 $0x1, s22;
	[tilespmem:$0x16110] =	vst @!p1 v1  }
.LBB2_33:
0x196: {  	s24 =	sadd.s32 $0x1, s24  }
0x197: {  	p1 =	sne.s32 s24, s23  }
.Ltmp26:
0x198: {  	_ = 	snop;
	(pc) =	sbr.rel @!p1 .LBB2_34-.Ltmp26, $1  }
0x199: {  	_ =	sdelay $0x3  }
.LBB2_26:
0x19a: {  	s25 =	sshll.u32 s24, $0x4  }
0x19b: {  	v12 =	vld [tilespmem:s25+$0x4000];
	_ =	sdelay $0x4  }
0x19c: {  	v11 =	vshrl.u32 v12, $0x7  }
0x19d: {  	vm0 =	veq.s32 v11, v5  }
0x19e: {  	v11 =	vmpcnt.ones.xlane vm0;
	_ =	sdelay $0x1  }
0x19f: {  	(v2sf) =	vpush v11, $0x0;
	_ =	sdelay $0xe  }
0x1a0: {  	s0 =	spop (v2sf)  }
0x1a1: {  	p1 =	slt.s32 s0, $0x1  }
.Ltmp27:
0x1a2: {  	_ = 	snop;
	(pc) =	sbr.rel @p1 .LBB2_33-.Ltmp27, $1  }
0x1a3: {  	_ =	sdelay $0x3  }
0x1a4: {  	s1 =	sadd.s32 $0xFFFFFFFF, s0  }
0x1a5: {  	p2 =	sne.s32 s1, $0x0  }
.Ltmp28:
0x1a6: {  	_ = 	snop;
	(pc) =	sbr.rel @!p2 .LBB2_28-.Ltmp28, $2  }
0x1a7: {  	_ =	sdelay $0x2  }
0x1a8: {  	v11 =	vmctz.xlane vm0;
	p1 =	por $0x0, $0x0  }
0x1a9: {  	_ = 	snop  }
0x1aa: {  	v13 =	vperm.xlane v12, v11;
	_ =	sdelay $0x1  }
0x1ab: {  	v13 =	vand.u32 $0x7F, v13  }
0x1ac: {  	v14 =	vor.u32 v3, v13;
	_ =	sdelay $0x4  }
0x1ad: {  	v14 =	vld.idx.msk [tilespmem:v14+s16+$0x0], $0xffff  }
0x1ae: {  	v15 =	vor.u32 v7, v13;
	_ =	sdelay $0x1  }
0x1af: {  	s3 =	sand.u32 $0x7F, s22  }
0x1b0: {  	s0 =	sshll.u32 s3, $0x7  }
0x1b1: {  	v16 =	vld [tilespmem:s25+$0x8080];
	[tilespmem:s0+$0x12100] =	vst v14  }
0x1b2: {  	v14 =	vld.idx.msk [tilespmem:v15+s16+$0x0], $0xffff  }
0x1b3: {  	v15 =	vor.u32 v8, v13;
	_ =	sdelay $0x3  }
0x1b4: {  	[tilespmem:s0+$0x12110] =	vst v14  }
0x1b5: {  	v14 =	vld.idx.msk [tilespmem:v15+s16+$0x0], $0xffff  }
0x1b6: {  	v13 =	vor.u32 v9, v13;
	_ =	sdelay $0x2  }
0x1b7: {  	s28 =	sadd.s32 $0xFFFFFFFF, s1  }
0x1b8: {  	p2 =	sne.s32 s28, $0x0;
	[tilespmem:s0+$0x12120] =	vst v14  }
.Ltmp29:
0x1b9: {  	v13 =	vld.idx.msk [tilespmem:v13+s16+$0x0], $0xffff;
	(pc) =	sbr.rel @!p2 .LBB2_30-.Ltmp29, $4  }
0x1ba: {  	s4 =	sand.u32 $0xF, s22;
	vm1 =	vne.s32 v11, v0  }
0x1bb: {  	p1 =	por $0x1, $0x1;
	v63 =	vmov s4;
	p4 =	sne.s32 s4, $0xF;
	vm0 =	vmand vm0, vm1;
	v15 =	vperm.xlane v16, v11  }
0x1bc: {  	s26 =	smov.u32 s22;
	p3 =	sne.s32 s3, $0x7F;
	vm1 =	veq.s32 v63, v0;
	s3 =	sand.u32 @!p4 $0x70, s22;
	v11 =	vmctz.xlane vm0  }
0x1bd: {  	s1 =	simm.s32 @!p3 $0x80;
	s4 =	simm.s32 @!p3 $0x16100;
	s8 =	simm.s32 @!p3 $0x12100;
	v10 =	vsel vm1, v15, v10  }
.LBB2_31:
0x1be: {  	s28 =	sadd.s32 $0xFFFFFFFF, s28;
	v14 =	vperm.xlane v12, v11;
	s26 =	sadd.s32 $0x1, s26  }
0x1bf: {  	p2 =	sne.s32 s28, $0x0;
	[tilespmem:s0+$0x12130] =	vst v13  }
0x1c0: {  	s0 =	simm.s32 @!p3 $0x3;
	v13 =	vand.u32 $0x7F, v14;
	[tilespmem:s3+$0x16100] =	vst @!p4 v10  }
0x1c1: {  	v14 =	vor.u32 v3, v13;
	[hbm4b:s7+s1] =	stream.indirect.scatter @!p3 [tilespmem:s8], [sflag:$0x3], $0x80, s4, s1, $0xb8;
	[tilespmem:$0x16180] =	vst v63  }
0x1c2: {  	_ =	swait.ge @!p3 [sflag:s0], $0x4000  }
0x1c3: {  	[sflag:s0] =	ssyncset.done @!p3 $0x0  }
0x1c4: {  	[sflag:s0] =	ssyncadd.s32 @!p3 $0xFFFFC000  }
0x1c5: {  	[tilespmem:$0x16100] =	vst @!p3 v1  }
0x1c6: {  	[tilespmem:$0x16170] =	vst @!p3 v1  }
0x1c7: {  	[tilespmem:$0x16160] =	vst @!p3 v1  }
0x1c8: {  	v15 =	vor.u32 v7, v13;
	[tilespmem:$0x16150] =	vst @!p3 v1  }
0x1c9: {  	[tilespmem:$0x16140] =	vst @!p3 v1  }
0x1ca: {  	s1 =	sand.u32 $0x7F, s26;
	[tilespmem:$0x16130] =	vst @!p3 v1  }
0x1cb: {  	s0 =	sshll.u32 s1, $0x7;
	[tilespmem:$0x16120] =	vst @!p3 v1  }
0x1cc: {  	[tilespmem:$0x16110] =	vst @!p3 v1  }
0x1cd: {  	v14 =	vld.idx.msk [tilespmem:v14+s16+$0x0], $0xffff;
	_ =	sdelay $0x1  }
0x1ce: {  	v16 =	vor.u32 v8, v13;
	_ =	sdelay $0x2  }
0x1cf: {  	v17 =	vld [tilespmem:s25+$0x8080]  }
0x1d0: {  	[tilespmem:s0+$0x12100] =	vst v14  }
0x1d1: {  	v14 =	vld.idx.msk [tilespmem:v15+s16+$0x0], $0xffff;
	_ =	sdelay $0x1  }
0x1d2: {  	v13 =	vor.u32 v9, v13  }
0x1d3: {  	v15 =	vperm.xlane v17, v11;
	_ =	sdelay $0x2  }
0x1d4: {  	[tilespmem:s0+$0x12110] =	vst v14  }
0x1d5: {  	v14 =	vld.idx.msk [tilespmem:v16+s16+$0x0], $0xffff;
	_ =	sdelay $0x2  }
0x1d6: {  	s3 =	sand.u32 $0xF, s26  }
0x1d7: {  	v16 =	vmov s3  }
0x1d8: {  	p4 =	sne.s32 s3, $0xF;
	vm1 =	veq.s32 v16, v0  }
.Ltmp30:
0x1d9: {  	p3 =	sne.s32 s1, $0x7F;
	s3 =	sand.u32 @!p4 $0x70, s26;
	v10 =	vsel vm1, v15, v10;
	[tilespmem:s0+$0x12120] =	vst v14;
	(pc) =	sbr.rel @p2 .LBB2_31-.Ltmp30, $4  }
0x1da: {  	s1 =	simm.s32 @!p3 $0x80;
	s4 =	simm.s32 @!p3 $0x16100;
	s8 =	simm.s32 @!p3 $0x12100;
	v13 =	vld.idx.msk [tilespmem:v13+s16+$0x0], $0xffff  }
0x1db: {  	vm1 =	vne.s32 v11, v0  }
0x1dc: {  	vm0 =	vmand vm0, vm1  }
0x1dd: {  	v11 =	vmctz.xlane vm0  }
.Ltmp31:
0x1de: {  	_ = 	snop;
	(pc) =	sbr.rel .LBB2_32-.Ltmp31, $1  }
0x1df: {  	_ =	sdelay $0x3  }
.LBB2_30:
.Ltmp32:
0x1e0: {  	(pc) =	sbr.rel .LBB2_32-.Ltmp32, $2  }
0x1e1: {  	_ =	sdelay $0x2  }
0x1e2: {  	s26 =	smov.u32 s22  }
.LBB2_37:
0x1e3: {  	s26 =	smov.u32 s22  }
.LBB2_41:
0x1e4: {  	[tilespmem:s0+$0x12130] =	vst @p0 v13;
	p3 =	por p3, !p0;
	p1 =	por p2, !p0  }
0x1e5: {  	[tilespmem:s3+$0x16100] =	vst @!p3 v10;
	s0 =	simm.s32 @!p1 $0x3  }
0x1e6: {  	[hbm4b:s7+s1] =	stream.indirect.scatter @!p1 [tilespmem:s8], [sflag:$0x3], $0x80, s4, s1, $0xb8;
	[tilespmem:$0x16180] =	vst v63  }
0x1e7: {  	_ =	swait.ge @!p1 [sflag:s0], $0x4000  }
0x1e8: {  	[sflag:s0] =	ssyncset.done @!p1 $0x0  }
0x1e9: {  	[sflag:s0] =	ssyncadd.s32 @!p1 $0xFFFFC000  }
0x1ea: {  	v12 =	vperm.xlane v12, v11;
	[tilespmem:$0x16100] =	vst @!p1 v1  }
0x1eb: {  	[tilespmem:$0x16170] =	vst @!p1 v1  }
0x1ec: {  	v12 =	vand.u32 $0x7F, v12;
	[tilespmem:$0x16160] =	vst @!p1 v1  }
0x1ed: {  	v61 =	vor.u32 v3, v12;
	[tilespmem:$0x16150] =	vst @!p1 v1  }
0x1ee: {  	[tilespmem:$0x16140] =	vst @!p1 v1  }
0x1ef: {  	[tilespmem:$0x16130] =	vst @!p1 v1  }
0x1f0: {  	[tilespmem:$0x16120] =	vst @!p1 v1  }
0x1f1: {  	[tilespmem:$0x16110] =	vst @!p1 v1  }
0x1f2: {  	v13 =	vld.idx.msk [tilespmem:v61+s20+$0x0], $0xffff  }
0x1f3: {  	v14 =	vor.u32 v7, v12;
	s0 =	sadd.s32 @p0 $0x1, s26  }
0x1f4: {  	s22 =	smov.u32 @p0 s0  }
0x1f5: {  	s0 =	sand.u32 $0x7F, s22  }
0x1f6: {  	s30 =	sshll.u32 s0, $0x7  }
0x1f7: {  	v15 =	vld [tilespmem:s25+$0x8080];
	[tilespmem:s30+$0x12100] =	vst v13  }
0x1f8: {  	v13 =	vld.idx.msk [tilespmem:v14+s20+$0x0], $0xffff  }
0x1f9: {  	v62 =	vor.u32 v8, v12;
	_ =	sdelay $0x3  }
0x1fa: {  	[tilespmem:s30+$0x12110] =	vst v13  }
0x1fb: {  	v13 =	vld.idx.msk [tilespmem:v62+s20+$0x0], $0xffff  }
0x1fc: {  	v12 =	vor.u32 v9, v12;
	_ =	sdelay $0x3  }
0x1fd: {  	[tilespmem:s30+$0x12120] =	vst v13  }
0x1fe: {  	v12 =	vld.idx.msk [tilespmem:v12+s20+$0x0], $0xffff;
	_ =	sdelay $0x1  }
0x1ff: {  	s31 =	sand.u32 $0xF, s22  }
0x200: {  	v63 =	vmov s31;
	v11 =	vperm.xlane v15, v11  }
0x201: {  	p1 =	sne.s32 s31, $0xF;
	p0 =	sne.s32 s0, $0x7F;
	vm0 =	veq.s32 v63, v0  }
0x202: {  	s0 =	sand.u32 @!p1 $0x70, s22;
	s3 =	simm.s32 @!p0 $0x80;
	v10 =	vsel vm0, v11, v10;
	[tilespmem:s30+$0x12130] =	vst v12  }
0x203: {  	s1 =	simm.s32 @!p0 $0x16100;
	s4 =	simm.s32 @!p0 $0x12100;
	[tilespmem:s0+$0x16100] =	vst @!p1 v10;
	s0 =	simm.s32 @!p0 $0x3  }
0x204: {  	[hbm4b:s7+s3] =	stream.indirect.scatter @!p0 [tilespmem:s4], [sflag:$0x3], $0x80, s1, s3, $0xb8;
	[tilespmem:$0x16180] =	vst v63  }
0x205: {  	_ =	swait.ge @!p0 [sflag:s0], $0x4000  }
0x206: {  	[sflag:s0] =	ssyncset.done @!p0 $0x0  }
0x207: {  	[sflag:s0] =	ssyncadd.s32 @!p0 $0xFFFFC000  }
0x208: {  	[tilespmem:$0x16100] =	vst @!p0 v1  }
0x209: {  	[tilespmem:$0x16170] =	vst @!p0 v1  }
0x20a: {  	[tilespmem:$0x16160] =	vst @!p0 v1  }
0x20b: {  	[tilespmem:$0x16150] =	vst @!p0 v1  }
0x20c: {  	[tilespmem:$0x16140] =	vst @!p0 v1  }
0x20d: {  	[tilespmem:$0x16130] =	vst @!p0 v1  }
0x20e: {  	[tilespmem:$0x16120] =	vst @!p0 v1  }
0x20f: {  	s22 =	sadd.s32 $0x1, s22;
	[tilespmem:$0x16110] =	vst @!p0 v1  }
.LBB2_42:
0x210: {  	s24 =	sadd.s32 $0x1, s24  }
0x211: {  	p0 =	sne.s32 s24, s23  }
.Ltmp33:
0x212: {  	_ = 	snop;
	(pc) =	sbr.rel @!p0 .LBB2_43-.Ltmp33, $1  }
0x213: {  	_ =	sdelay $0x3  }
.LBB2_35:
0x214: {  	s25 =	sshll.u32 s24, $0x4  }
0x215: {  	v12 =	vld [tilespmem:s25+$0x4000];
	_ =	sdelay $0x4  }
0x216: {  	v11 =	vand.u32 $0xFFFFFF80, v12  }
0x217: {  	vm0 =	veq.s32 v11, $0xF4200  }
0x218: {  	v11 =	vmpcnt.ones.xlane vm0;
	_ =	sdelay $0x1  }
0x219: {  	(v2sf) =	vpush v11, $0x0;
	_ =	sdelay $0xe  }
0x21a: {  	s0 =	spop (v2sf)  }
0x21b: {  	p0 =	slt.s32 s0, $0x1  }
.Ltmp34:
0x21c: {  	_ = 	snop;
	(pc) =	sbr.rel @p0 .LBB2_42-.Ltmp34, $1  }
0x21d: {  	_ =	sdelay $0x3  }
0x21e: {  	s1 =	sadd.s32 $0xFFFFFFFF, s0  }
0x21f: {  	p1 =	sne.s32 s1, $0x0  }
.Ltmp35:
0x220: {  	_ = 	snop;
	(pc) =	sbr.rel @!p1 .LBB2_37-.Ltmp35, $2  }
0x221: {  	_ =	sdelay $0x2  }
0x222: {  	v11 =	vmctz.xlane vm0;
	p0 =	por $0x0, $0x0  }
0x223: {  	_ = 	snop  }
0x224: {  	v13 =	vperm.xlane v12, v11;
	_ =	sdelay $0x1  }
0x225: {  	v13 =	vand.u32 $0x7F, v13  }
0x226: {  	v14 =	vor.u32 v3, v13;
	_ =	sdelay $0x4  }
0x227: {  	v14 =	vld.idx.msk [tilespmem:v14+s20+$0x0], $0xffff  }
0x228: {  	v15 =	vor.u32 v7, v13;
	_ =	sdelay $0x1  }
0x229: {  	s3 =	sand.u32 $0x7F, s22  }
0x22a: {  	s0 =	sshll.u32 s3, $0x7  }
0x22b: {  	v16 =	vld [tilespmem:s25+$0x8080];
	[tilespmem:s0+$0x12100] =	vst v14  }
0x22c: {  	v14 =	vld.idx.msk [tilespmem:v15+s20+$0x0], $0xffff  }
0x22d: {  	v15 =	vor.u32 v8, v13;
	_ =	sdelay $0x3  }
0x22e: {  	[tilespmem:s0+$0x12110] =	vst v14  }
0x22f: {  	v14 =	vld.idx.msk [tilespmem:v15+s20+$0x0], $0xffff  }
0x230: {  	v13 =	vor.u32 v9, v13;
	_ =	sdelay $0x2  }
0x231: {  	s28 =	sadd.s32 $0xFFFFFFFF, s1  }
0x232: {  	p1 =	sne.s32 s28, $0x0;
	[tilespmem:s0+$0x12120] =	vst v14  }
.Ltmp36:
0x233: {  	v13 =	vld.idx.msk [tilespmem:v13+s20+$0x0], $0xffff;
	(pc) =	sbr.rel @!p1 .LBB2_39-.Ltmp36, $4  }
0x234: {  	s4 =	sand.u32 $0xF, s22;
	vm1 =	vne.s32 v11, v0  }
0x235: {  	p0 =	por $0x1, $0x1;
	v63 =	vmov s4;
	p3 =	sne.s32 s4, $0xF;
	vm0 =	vmand vm0, vm1;
	v15 =	vperm.xlane v16, v11  }
0x236: {  	s26 =	smov.u32 s22;
	p2 =	sne.s32 s3, $0x7F;
	vm1 =	veq.s32 v63, v0;
	s3 =	sand.u32 @!p3 $0x70, s22;
	v11 =	vmctz.xlane vm0  }
0x237: {  	s1 =	simm.s32 @!p2 $0x80;
	s4 =	simm.s32 @!p2 $0x16100;
	s8 =	simm.s32 @!p2 $0x12100;
	v10 =	vsel vm1, v15, v10  }
.LBB2_40:
0x238: {  	s28 =	sadd.s32 $0xFFFFFFFF, s28;
	v14 =	vperm.xlane v12, v11;
	s26 =	sadd.s32 $0x1, s26  }
0x239: {  	p1 =	sne.s32 s28, $0x0;
	[tilespmem:s0+$0x12130] =	vst v13  }
0x23a: {  	s0 =	simm.s32 @!p2 $0x3;
	v13 =	vand.u32 $0x7F, v14;
	[tilespmem:s3+$0x16100] =	vst @!p3 v10  }
0x23b: {  	v14 =	vor.u32 v3, v13;
	[hbm4b:s7+s1] =	stream.indirect.scatter @!p2 [tilespmem:s8], [sflag:$0x3], $0x80, s4, s1, $0xb8;
	[tilespmem:$0x16180] =	vst v63  }
0x23c: {  	_ =	swait.ge @!p2 [sflag:s0], $0x4000  }
0x23d: {  	[sflag:s0] =	ssyncset.done @!p2 $0x0  }
0x23e: {  	[sflag:s0] =	ssyncadd.s32 @!p2 $0xFFFFC000  }
0x23f: {  	[tilespmem:$0x16100] =	vst @!p2 v1  }
0x240: {  	[tilespmem:$0x16170] =	vst @!p2 v1  }
0x241: {  	[tilespmem:$0x16160] =	vst @!p2 v1  }
0x242: {  	v15 =	vor.u32 v7, v13;
	[tilespmem:$0x16150] =	vst @!p2 v1  }
0x243: {  	[tilespmem:$0x16140] =	vst @!p2 v1  }
0x244: {  	s1 =	sand.u32 $0x7F, s26;
	[tilespmem:$0x16130] =	vst @!p2 v1  }
0x245: {  	s0 =	sshll.u32 s1, $0x7;
	[tilespmem:$0x16120] =	vst @!p2 v1  }
0x246: {  	[tilespmem:$0x16110] =	vst @!p2 v1  }
0x247: {  	v14 =	vld.idx.msk [tilespmem:v14+s20+$0x0], $0xffff;
	_ =	sdelay $0x1  }
0x248: {  	v16 =	vor.u32 v8, v13;
	_ =	sdelay $0x2  }
0x249: {  	v17 =	vld [tilespmem:s25+$0x8080]  }
0x24a: {  	[tilespmem:s0+$0x12100] =	vst v14  }
0x24b: {  	v14 =	vld.idx.msk [tilespmem:v15+s20+$0x0], $0xffff;
	_ =	sdelay $0x1  }
0x24c: {  	v13 =	vor.u32 v9, v13  }
0x24d: {  	v15 =	vperm.xlane v17, v11;
	_ =	sdelay $0x2  }
0x24e: {  	[tilespmem:s0+$0x12110] =	vst v14  }
0x24f: {  	v14 =	vld.idx.msk [tilespmem:v16+s20+$0x0], $0xffff;
	_ =	sdelay $0x2  }
0x250: {  	s3 =	sand.u32 $0xF, s26  }
0x251: {  	v16 =	vmov s3  }
0x252: {  	p3 =	sne.s32 s3, $0xF;
	vm1 =	veq.s32 v16, v0  }
.Ltmp37:
0x253: {  	p2 =	sne.s32 s1, $0x7F;
	s3 =	sand.u32 @!p3 $0x70, s26;
	v10 =	vsel vm1, v15, v10;
	[tilespmem:s0+$0x12120] =	vst v14;
	(pc) =	sbr.rel @p1 .LBB2_40-.Ltmp37, $4  }
0x254: {  	s1 =	simm.s32 @!p2 $0x80;
	s4 =	simm.s32 @!p2 $0x16100;
	s8 =	simm.s32 @!p2 $0x12100;
	v13 =	vld.idx.msk [tilespmem:v13+s20+$0x0], $0xffff  }
0x255: {  	vm1 =	vne.s32 v11, v0  }
0x256: {  	vm0 =	vmand vm0, vm1  }
0x257: {  	v11 =	vmctz.xlane vm0  }
.Ltmp38:
0x258: {  	_ = 	snop;
	(pc) =	sbr.rel .LBB2_41-.Ltmp38, $1  }
0x259: {  	_ =	sdelay $0x3  }
.LBB2_39:
.Ltmp39:
0x25a: {  	(pc) =	sbr.rel .LBB2_41-.Ltmp39, $2  }
0x25b: {  	_ =	sdelay $0x2  }
0x25c: {  	s26 =	smov.u32 s22  }
.LBB2_44:
0x25d: {  	_ =	sfence.sel $0x180000  }
0x25e: {  	[bflag:$0x0] =	sbarrier.arrive $0xFFFF  }
0x25f: {  	_ =	strace $0x90000047  }
0x260: {  	s0 =	stileid.u32;
	[bflag:$0x2] =	sbarrier.arrive $0xFFFF  }
0x261: {  	p0 =	sne.s32 s0, $0x0;
	s0 =	rddreg [dreg:$0x4]  }
0x262: {  	s0 =	sadd.s32 @!p0 $0x100000, s0  }
0x263: {  	[sflag:s0] =	ssyncadd.tile.s32 @!p0 $0x1;
	_ =	shalt  }
.Lfunc_end2:
_tile_overlayer_lowered:
.L_overlay_start_2:
0x264: {  	(tag) =	ssettag $0x2  }
0x265: {  	s0 =	rddreg [dreg:$0x0];
	s2 =	stileid.u32  }
0x266: {  	s1 =	rddreg [dreg:$0x1];
	p0 =	sne.s32 s2, $0x0  }
0x267: {  	s3 =	rddreg [dreg:$0x2];
	[bflag:$0x3] =	sbarrier.arrive $0xFFFF;
	s2 =	simm.s32 @!p0 $0x1C04  }
0x268: {  	[timem:s3], [sflag:s2] =	dma.local @!p0 [hbm:s0], s1  }
0x269: {  	s0 =	simm.s32 @!p0 $0x4  }
0x26a: {  	_ =	swait.ge @!p0 [sflag:s0], s1  }
0x26b: {  	s1 =	ssub.s32 @!p0 $0x0, s1;
	[sflag:s0] =	ssyncset.done @!p0 $0x0  }
0x26c: {  	[sflag:s0] =	ssyncadd.s32 @!p0 s1  }
0x26d: {  	[bflag:$0x3] =	sbarrier.arrive $0xFFFF  }
0x26e: {  	_ =	shalt  }

// kernel: kernel.9.cloned.1.call-start
scs
__scs_entry_jumppad:
0x0: {  	(pc) =	sbr.rel $0x88, $3  }
0x1: {  	(tag) =	ssettag $0x0;
	lr =	simm.s32 $0x1  }
0x2: {  	[smem:$0x3F9D] =	sst lr;
	_ =	strace $0xD0000000  }
0x3: {  	_ = 	snop  }
0x4: {  	_ = 	snop  }
0x5: {  	_ = 	snop  }
0x6: {  	_ = 	snop  }
0x7: {  	_ = 	snop  }
__scs_overlays_trampoline_lowered:
0x8: {  	[smem:$0x3FAC] =	sst s0  }
0x9: {  	[smem:$0x3FAD] =	sst s1  }
0xa: {  	[smem:$0x3FAE] =	sst s2  }
0xb: {  	[smem:$0x3FAF] =	sst s3  }
0xc: {  	[smem:$0x3FB0] =	sst s4  }
0xd: {  	[smem:$0x3FB1] =	sst s5  }
0xe: {  	[smem:$0x3FB2] =	sst s6  }
0xf: {  	[smem:$0x3FB3] =	sst s7  }
0x10: {  	[smem:$0x3FB4] =	sst s8  }
0x11: {  	[smem:$0x3FB5] =	sst s9;
	s0 =	simm.s32 @!p0 $0x0  }
0x12: {  	s1 =	sld [smem:$0x3F9B];
	s0 =	simm.s32 @p0 $0x1  }
0x13: {  	[smem:$0x3FB6] =	sst s0;
	s0 =	simm.s32 @!p1 $0x0  }
0x14: {  	s2 =	sld [smem:$0x3F9A];
	s0 =	simm.s32 @p1 $0x1  }
0x15: {  	[smem:$0x3FB7] =	sst s0;
	s0 =	simm.s32 @!p2 $0x0  }
0x16: {  	s3 =	sld [smem:$0x3FDB];
	s0 =	simm.s32 @p2 $0x1  }
0x17: {  	s4 =	simm.s32 $0x1BF5;
	[smem:$0x3FB9] =	sst s0  }
0x18: {  	s0 =	sld [smem:$0x3F9C];
	_ =	swait.ge [sflag:s4], $0x0  }
0x19: {  	s7 =	sld [smem:$0x3F9D]  }
0x1a: {  	s8 =	sadd.s32 $0xFFFFE003, lr  }
0x1b: {  	s9 =	sadd.s32 $0xFFFFFEF7, lr;
	s5 =	simm.s32 $0xFFFFFFFF;
	p2 =	slt.u32 s8, $0xFFFFF086  }
0x1c: {  	p1 =	slt.u32 s9, $0xF7A;
	s5 =	simm.s32 @!p2 $0x0  }
0x1d: {  	s5 =	simm.s32 @p1 $0x1;
	p0 =	seq.s32 s7, s2  }
0x1e: {  	s7 =	smul.u32 @!p0 $0xF7A, s2;
	p2 =	seq.s32 @!p0 s5, $0x0  }
0x1f: {  	s9 =	smul.u32 $0xF7A, s1;
	s8 =	simm.s32 @!p0 $0x1BF5;
	p2 =	por !p2, p0  }
0x20: {  	[sflag:s8] =	ssyncset.s32 @!p0 $0xFFFFF086;
	s6 =	sadd.s32 @!p0 s3, s7;
	s7 =	simm.s32 @!p0 $0x108  }
0x21: {  	s3 =	sadd.s32 s3, s9;
	s6 =	sadd.s32 @!p0 $0x88, s6;
	s7 =	simm.s32 @p2 $0x1082  }
0x22: {  	[simem:s7], [sflag:s8] =	dma.local @!p0 [hbm:s6], $0xF7A  }
0x23: {  	s9 =	sor.u32 $0xD0000000, s2;
	s6 =	simm.s32 $0x108;
	_ =	swait.ge @!p0 [sflag:s8], $0x0  }
0x24: {  	s3 =	sadd.s32 $0x88, s3;
	s6 =	simm.s32 @!p1 $0x1082;
	[sflag:s4] =	ssyncset.s32 $0xFFFFF086  }
0x25: {  	[simem:s6], [sflag:s4] =	dma.local [hbm:s3], $0xF7A  }
0x26: {  	[smem:$0x3F9D] =	sst s1;
	(tag) =	ssettag s2;
	_ =	strace s9  }
0x27: {  	s1 =	sld [smem:$0x3FAD]  }
0x28: {  	s2 =	sld [smem:$0x3FAE]  }
0x29: {  	s4 =	sld [smem:$0x3FB0]  }
0x2a: {  	p0 =	seq.s32 s5, $0x0;
	s5 =	sld [smem:$0x3FB1]  }
0x2b: {  	s6 =	sld [smem:$0x3FB2]  }
0x2c: {  	s7 =	sld [smem:$0x3FB3]  }
0x2d: {  	s3 =	simm.s32 $0x108;
	s8 =	sld [smem:$0x3FB4]  }
0x2e: {  	s3 =	simm.s32 @!p0 $0x1082;
	s9 =	sld [smem:$0x3FB5]  }
0x2f: {  	lr =	sadd.s32 s0, s3;
	s0 =	sld [smem:$0x3FAC]  }
0x30: {  	s3 =	sld [smem:$0x3FAF]  }
0x31: {  	[smem:$0x3FB8] =	sst s10  }
0x32: {  	s10 =	sld [smem:$0x3FB6];
	_ =	sdelay $0x3  }
0x33: {  	p0 =	seq.s32 s10, $0x1;
	s10 =	sld [smem:$0x3FB8];
	_ =	sdelay $0x3  }
0x34: {  	[smem:$0x3FB8] =	sst s10  }
0x35: {  	s10 =	sld [smem:$0x3FB7];
	_ =	sdelay $0x3  }
0x36: {  	p1 =	seq.s32 s10, $0x1;
	s10 =	sld [smem:$0x3FB8];
	_ =	sdelay $0x3  }
0x37: {  	[smem:$0x3FB8] =	sst s10  }
0x38: {  	s10 =	sld [smem:$0x3FB9]  }
0x39: {  	_ = 	snop;
	(pc) =	sbr.ind lr, $3  }
0x3a: {  	_ = 	snop  }
0x3b: {  	_ = 	snop  }
0x3c: {  	p2 =	seq.s32 s10, $0x1;
	s10 =	sld [smem:$0x3FB8]  }
0x3d: {  	_ =	shalt  }
0x3e: {  	_ =	shalt  }
0x3f: {  	_ =	shalt  }
0x40: {  	_ =	shalt  }
0x41: {  	_ =	shalt  }
0x42: {  	_ =	shalt  }
0x43: {  	_ =	shalt  }
0x44: {  	_ =	shalt  }
0x45: {  	_ =	shalt  }
0x46: {  	_ =	shalt  }
0x47: {  	_ =	shalt  }
0x48: {  	_ =	shalt  }
0x49: {  	_ =	shalt  }
0x4a: {  	_ =	shalt  }
0x4b: {  	_ =	shalt  }
0x4c: {  	_ =	shalt  }
0x4d: {  	_ =	shalt  }
0x4e: {  	_ =	shalt  }
0x4f: {  	_ =	shalt  }
0x50: {  	_ =	shalt  }
0x51: {  	_ =	shalt  }
0x52: {  	_ =	shalt  }
0x53: {  	_ =	shalt  }
0x54: {  	_ =	shalt  }
0x55: {  	_ =	shalt  }
0x56: {  	_ =	shalt  }
0x57: {  	_ =	shalt  }
0x58: {  	_ =	shalt  }
0x59: {  	_ =	shalt  }
0x5a: {  	_ =	shalt  }
0x5b: {  	_ =	shalt  }
0x5c: {  	_ =	shalt  }
0x5d: {  	_ =	shalt  }
0x5e: {  	_ =	shalt  }
0x5f: {  	_ =	shalt  }
0x60: {  	_ =	shalt  }
0x61: {  	_ =	shalt  }
0x62: {  	_ =	shalt  }
0x63: {  	_ =	shalt  }
0x64: {  	_ =	shalt  }
0x65: {  	_ =	shalt  }
0x66: {  	_ =	shalt  }
0x67: {  	_ =	shalt  }
0x68: {  	_ =	shalt  }
0x69: {  	_ =	shalt  }
0x6a: {  	_ =	shalt  }
0x6b: {  	_ =	shalt  }
0x6c: {  	_ =	shalt  }
0x6d: {  	_ =	shalt  }
0x6e: {  	_ =	shalt  }
0x6f: {  	_ =	shalt  }
0x70: {  	_ =	shalt  }
0x71: {  	_ =	shalt  }
0x72: {  	_ =	shalt  }
0x73: {  	_ =	shalt  }
0x74: {  	_ =	shalt  }
0x75: {  	_ =	shalt  }
0x76: {  	_ =	shalt  }
0x77: {  	_ =	shalt  }
0x78: {  	_ =	shalt  }
0x79: {  	_ =	shalt  }
0x7a: {  	_ =	shalt  }
0x7b: {  	_ =	shalt  }
0x7c: {  	_ =	shalt  }
0x7d: {  	_ =	shalt  }
0x7e: {  	_ =	shalt  }
0x7f: {  	_ =	shalt  }
0x80: {  	_ =	shalt  }
0x81: {  	_ =	shalt  }
0x82: {  	_ =	shalt  }
0x83: {  	_ =	shalt  }
0x84: {  	_ =	shalt  }
0x85: {  	_ =	shalt  }
0x86: {  	_ =	shalt  }
0x87: {  	_ =	shalt  }
.Lfunc_end0:
.L_simem_size_0:
called_computation.1_lowered:
.L_overlay_start_0:
0x88: {  	s2 =	sld [smem:$0x3FD9]  }
0x89: {  	s3 =	sld [smem:$0x3FFE];
	_ =	sdelay $0x1  }
0x8a: {  	s1 =	srdreg.scid  }
0x8b: {  	s0 =	sand.u32 $0x1, s1  }
0x8c: {  	s15 =	sshll.u32 s0, $0xA;
	s2 =	sadd.s32 s3, s2  }
0x8d: {  	s2 =	sadd.s32 s2, s15  }
0x8e: {  	[smem:$0x3FC4] =	sst s2  }
0x8f: {  	_ = 	snop  }
0x90: {  	s16 =	sld [smem:$0x3FD0];
	_ =	sdelay $0x2  }
0x91: {  	s4 =	simm.s32 $0xB;
	s5 =	simm.s32 $0x10;
	s2 =	sld [smem:$0x3FC6]  }
0x92: {  	[smem:s5], [sflag:s4] =	dma.local [hbm:s16], $0x1  }
0x93: {  	_ =	swait.eq [sflag:s4], $0x1  }
0x94: {  	[sflag:s4] =	ssyncset.done $0x0  }
0x95: {  	[sflag:s4] =	ssyncadd.s32 $0xFFFFFFFF  }
0x96: {  	s17 =	sld [smem:$0x12];
	(tm) =	ssettm $0x1  }
0x97: {  	s18 =	sld [smem:$0x3FFB];
	_ =	sdelay $0x3  }
0x98: {  	_ =	strace s18  }
0x99: {  	s3 =	sld [smem:$0x3FFC];
	_ =	sdelay $0x3  }
0x9a: {  	_ =	strace s3  }
0x9b: {  	s3 =	sld [smem:$0x3FFD];
	_ =	sdelay $0x3  }
0x9c: {  	_ =	strace s3  }
0x9d: {  	_ =	strace $0x8FFFFFFF  }
0x9e: {  	s19 =	sld [smem:$0x3FDB];
	_ =	sdelay $0x1  }
0x9f: {  	s20 =	simm.s32 $_scs_section_size  }
0xa0: {  	s6 =	simm.s32 $_size__tile_overlayer_lowered;
	s7 =	simm.s32 $_tile_overlayer_lowered  }
0xa1: {  	s8 =	simm.s32 $0x1BFF;
	s21 =	sshll.u32 s7, $0x1;
	s5 =	sadd.s32 s20, s19  }
0xa2: {  	s22 =	simm.s32 $0x0;
	s6 =	sshll.u32 s6, $0x1;
	s7 =	sadd.s32 s21, s5  }
0xa3: {  	[timem:s22], [sflag:s8] =	dma.local [hbm:s7], s6  }
0xa4: {  	_ =	swait.ge [sflag:s8], s6  }
0xa5: {  	s6 =	ssub.s32 $0x0, s6;
	[sflag:s8] =	ssyncset.done $0x0  }
0xa6: {  	[sflag:s8] =	ssyncadd.s32 s6;
	_ =	sdelay $0x1  }
0xa7: {  	s23 =	simm.s32 $0x1B8B  }
0xa8: {  	_ =	swait.ge [sflag:s23], $0x1  }
0xa9: {  	[sflag:s23] =	ssyncset.done $0x0  }
0xaa: {  	[sflag:s23] =	ssyncadd.s32 $0xFFFFFFFF  }
0xab: {  	s6 =	sld [smem:$0x0]  }
0xac: {  	s7 =	sand.u32 $0xFFFFFFFE, s1  }
0xad: {  	p0 =	sne.s32 s1, s7  }
0xae: {  	s7 =	sshll.u32 @p0 s7, $0xE  }
0xaf: {  	s7 =	sadd.s32 @p0 $0x11B8D, s7;
	s8 =	sshll.u32 @p0 s6, $0x11  }
0xb0: {  	s7 =	sor.u32 @p0 s8, s7  }
0xb1: {  	[sflag:s7] =	ssyncadd.remote.s32 @p0 $0x1;
	_ =	sdelay $0x1  }
0xb2: {  	s7 =	simm.s32 @p0 $0x1B8D  }
0xb3: {  	_ =	swait.eq @p0 [sflag:s7], $0x1  }
0xb4: {  	[sflag:s7] =	ssyncadd.s32 @p0 $0xFFFFFFFF  }
0xb5: {  	s8 =	sshll.u32 @!p0 s1, $0xE  }
0xb6: {  	s8 =	sor.u32 @!p0 $0x4000, s8;
	s7 =	simm.s32 @!p0 $0x1B8D  }
0xb7: {  	s6 =	sshll.u32 @!p0 s6, $0x11;
	s8 =	sadd.s32 @!p0 $0x11B8D, s8;
	_ =	swait.eq @!p0 [sflag:s7], $0x1  }
0xb8: {  	s6 =	sor.u32 @!p0 s6, s8;
	[sflag:s7] =	ssyncadd.s32 @!p0 $0xFFFFFFFF  }
0xb9: {  	s25 =	simm.s32 $0x1B8E;
	s24 =	sld [smem:$0x3FFE];
	[sflag:s6] =	ssyncadd.remote.s32 @!p0 $0x1  }
0xba: {  	s26 =	simm.s32 $execute0_lowered;
	[smem:$0x3FD2] =	sst s25  }
0xbb: {  	s7 =	sshll.u32 s26, $0x1;
	_ =	strace $0x80000049;
	[dreg:$0x1] =	wrdreg $0xFFFFFFFF  }
0xbc: {  	s28 =	simm.s32 $_size_execute0_lowered;
	s5 =	sadd.s32 s5, s7;
	[dreg:$0x0] =	wrdreg $0x0  }
0xbd: {  	s7 =	sshll.u32 s28, $0x1;
	[dreg:$0x2] =	wrdreg s5  }
0xbe: {  	[dreg:$0x3] =	wrdreg s7  }
0xbf: {  	[dreg:$0x4] =	wrdreg $0xC0  }
0xc0: {  	_ =	task [dreg:s22], $0x5FFFF  }
0xc1: {  	[dreg:$0x1] =	wrdreg $0xFFFFFFFF  }
0xc2: {  	[dreg:$0x0] =	wrdreg $0x60  }
0xc3: {  	[dreg:$0x2] =	wrdreg s24  }
0xc4: {  	[dreg:$0x3] =	wrdreg s2  }
0xc5: {  	[dreg:$0x4] =	wrdreg s17  }
0xc6: {  	[dreg:$0x5] =	wrdreg $0xA  }
0xc7: {  	_ =	task.clear_ibuf [dreg:s22], $0x6FFFF;
	_ =	strace $0x90000049  }
0xc8: {  	s29 =	simm.s32 $0xA;
	_ =	strace $0x8000004B  }
0xc9: {  	_ =	swait.ge [sflag:s29], $0x1  }
0xca: {  	[sflag:s29] =	ssyncadd.s32 $0xFFFFFFFF  }
0xcb: {  	_ =	strace $0x9000004B  }
0xcc: {  	_ =	sfence  }
0xcd: {  	s30 =	sld [smem:$0x0];
	_ =	sdelay $0x2  }
0xce: {  	s31 =	sshll.u32 s1, $0xD;
	s1 =	sshrl.u32 s1, $0x2  }
0xcf: {  	s4 =	sand.u32 $0x4000, s31;
	s1 =	sadd.s32 s1, s30  }
0xd0: {  	s0 =	sor.u32 s4, s0;
	s1 =	sshll.u32 s1, $0x11  }
0xd1: {  	s0 =	sor.u32 s1, s0  }
0xd2: {  	s0 =	sadd.s32 $0x8F2B, s0  }
0xd3: {  	[sflag:s0] =	ssyncadd.remote.s32 $0x1  }
0xd4: {  	_ =	sfence.sel $0xFFFF  }
0xd5: {  	[dreg:$0x0] =	wrdreg $0xFFFFFFFF;
	(pc) =	sbr.abs _section_cstart, $3  }
0xd6: {  	[dreg:$0x1] =	wrdreg $0xFFFFFFFF  }
0xd7: {  	_ =	task.clear_ibuf [dreg:s22], $0x2FFFF;
	_ =	strace $0x9FFFFFFF  }
0xd8: {  	(tm) =	ssettm $0x7FFFFFFF  }
0xd9: {  	_ =	shalt  }
tec
execute0_lowered:
.L_overlay_start_1:
0x0: {  	(tag) =	ssettag $0x1  }
0x1: {  	s3 =	rddreg [dreg:$0x0];
	s1 =	srdreg.scid  }
0x2: {  	s4 =	rddreg [dreg:$0x1];
	s0 =	stileid.u32  }
0x3: {  	s6 =	rddreg [dreg:$0x2];
	s9 =	simm.s32 $0x20000;
	s10 =	simm.s32 $0x10000  }
0x4: {  	s11 =	simm.s32 $0x12000;
	s12 =	simm.s32 $0x0;
	s5 =	sand.u32 $0x1, s1  }
0x5: {  	s2 =	sshll.u32 s0, $0xA;
	s1 =	rddreg [dreg:$0x3];
	s7 =	sshll.u32 s5, $0x9  }
0x6: {  	s5 =	ssub.s32 $0x2, s5;
	s7 =	sor.u32 s7, s2;
	s2 =	simm.s32 $0x0  }
0x7: {  	s31 =	sshrl.u32 s5, $0x1;
	s8 =	sshll.u32 s7, $0x4;
	[smem:$0x7FF] =	sst s2  }
0x8: {  	s4 =	sadd.s32 s4, s7;
	s3 =	sadd.s32 s8, s3;
	_ =	strace $0x8000004A  }
0x9: {  	v0 =	vlaneseq.u32;
	s8 =	ssub.s32 s5, s31;
	s5 =	sadd.s32 s6, s7;
	s7 =	simm.s32 $0x1  }
0xa: {  	v0 =	vmul.u32 $0x80, v0;
	s3 =	sadd.s32 $0x41000, s3;
	s6 =	smax.u32 s8, $0x1;
	s8 =	simm.s32 $0x1000  }
.LBB2_1:
0xb: {  	[tilespmem:s2], [sflag:$0x1] =	stream.linear.gather [hbm4b:s3+s2], $0x10000, $0x38;
	[tilespmem:$0x14000] =	vst v63  }
0xc: {  	_ =	swait.ge [sflag:s7], $0x10000  }
0xd: {  	[sflag:s7] =	ssyncset.done $0x0  }
0xe: {  	[sflag:s7] =	ssyncadd.s32 $0xFFFF0000  }
0xf: {  	[tilespmem:s10], [sflag:$0x1] =	stream.strided.gather [hbm4b:s4+s8], $0x2000, s9, s8, $0x38;
	[tilespmem:$0x14000] =	vst v63  }
0x10: {  	_ =	swait.ge [sflag:s7], $0x2000  }
0x11: {  	[sflag:s7] =	ssyncset.done $0x0  }
0x12: {  	s13 =	simm.s32 $0x0;
	s14 =	simm.s32 $0x0;
	[sflag:s7] =	ssyncadd.s32 $0xFFFFE000  }
.LBB2_2:
0x13: {  	s15 =	sand.u32 $0x70, s14;
	s16 =	sand.u32 $0xC00, s13  }
0x14: {  	s15 =	sor.u32 s15, s16  }
0x15: {  	v1 =	vld [tilespmem:s15+$0x10000];
	_ =	sdelay $0x2  }
0x16: {  	v2 =	vmov s14  }
0x17: {  	v2 =	vshll.u32 v2, $0x7  }
0x18: {  	v2 =	vor.u32 v0, v2;
	v3 =	vand.u32 $0xFFFFFF80, v1  }
0x19: {  	v1 =	vand.u32 $0x7F, v1;
	v3 =	vadd.s32 v2, v3  }
0x1a: {  	v1 =	vor.u32 v1, v3;
	v3 =	vld [tilespmem:s15+$0x10080];
	_ =	sdelay $0x4  }
0x1b: {  	v5 =	vld [tilespmem:s15+$0x10100];
	v4 =	vand.u32 $0xFFFFFF80, v3  }
0x1c: {  	v1 =	vld.idx.msk [tilespmem:v1+s2+$0x0], $0xffff;
	v3 =	vand.u32 $0x7F, v3;
	v4 =	vadd.s32 v2, v4  }
0x1d: {  	v3 =	vor.u32 v3, v4;
	_ =	sdelay $0x3  }
0x1e: {  	[tilespmem:s15+$0x12000] =	vst v1;
	v1 =	vand.u32 $0xFFFFFF80, v5  }
0x1f: {  	v54 =	vand.u32 $0x7F, v5;
	v1 =	vadd.s32 v2, v1;
	v3 =	vld.idx.msk [tilespmem:v3+s2+$0x0], $0xffff  }
0x20: {  	v1 =	vor.u32 v54, v1;
	_ =	sdelay $0x3  }
0x21: {  	[tilespmem:s15+$0x12080] =	vst v3  }
0x22: {  	v1 =	vld.idx.msk [tilespmem:v1+s2+$0x0], $0xffff;
	_ =	sdelay $0x2  }
0x23: {  	s29 =	sand.u32 $0xFFFFFC00, s13  }
0x24: {  	s16 =	sadd.s32 s29, s14  }
0x25: {  	s17 =	sor.u32 $0x180, s16;
	[tilespmem:s15+$0x12100] =	vst v1  }
0x26: {  	v1 =	vld [tilespmem:s17+$0x10000];
	_ =	sdelay $0x4  }
0x27: {  	v3 =	vand.u32 $0xFFFFFF80, v1  }
0x28: {  	v1 =	vand.u32 $0x7F, v1;
	v3 =	vadd.s32 v2, v3  }
0x29: {  	v1 =	vor.u32 v1, v3;
	_ =	sdelay $0x4  }
0x2a: {  	v1 =	vld.idx.msk [tilespmem:v1+s2+$0x0], $0xffff;
	_ =	sdelay $0x4  }
0x2b: {  	[tilespmem:s17+$0x12000] =	vst v1  }
0x2c: {  	v1 =	vld [tilespmem:s15+$0x10200];
	_ =	sdelay $0x4  }
0x2d: {  	v3 =	vand.u32 $0xFFFFFF80, v1  }
0x2e: {  	v1 =	vand.u32 $0x7F, v1;
	v3 =	vadd.s32 v2, v3  }
0x2f: {  	v1 =	vor.u32 v1, v3;
	v3 =	vld [tilespmem:s15+$0x10280];
	_ =	sdelay $0x4  }
0x30: {  	v56 =	vld [tilespmem:s15+$0x10300];
	v55 =	vand.u32 $0xFFFFFF80, v3  }
0x31: {  	v1 =	vld.idx.msk [tilespmem:v1+s2+$0x0], $0xffff;
	v3 =	vand.u32 $0x7F, v3;
	v4 =	vadd.s32 v2, v55  }
0x32: {  	v3 =	vor.u32 v3, v4;
	_ =	sdelay $0x3  }
0x33: {  	[tilespmem:s15+$0x12200] =	vst v1;
	v1 =	vand.u32 $0xFFFFFF80, v56  }
0x34: {  	v57 =	vand.u32 $0x7F, v56;
	v1 =	vadd.s32 v2, v1;
	v3 =	vld.idx.msk [tilespmem:v3+s2+$0x0], $0xffff  }
0x35: {  	v1 =	vor.u32 v57, v1;
	_ =	sdelay $0x3  }
0x36: {  	[tilespmem:s15+$0x12280] =	vst v3  }
0x37: {  	v1 =	vld.idx.msk [tilespmem:v1+s2+$0x0], $0xffff;
	_ =	sdelay $0x3  }
0x38: {  	s30 =	sor.u32 s14, s13  }
0x39: {  	s18 =	sor.u32 $0x380, s30;
	[tilespmem:s15+$0x12300] =	vst v1  }
0x3a: {  	v1 =	vld [tilespmem:s18+$0x10000];
	_ =	sdelay $0x4  }
0x3b: {  	v3 =	vand.u32 $0xFFFFFF80, v1  }
0x3c: {  	v1 =	vand.u32 $0x7F, v1;
	v3 =	vadd.s32 v2, v3  }
0x3d: {  	v1 =	vor.u32 v1, v3;
	_ =	sdelay $0x4  }
0x3e: {  	v1 =	vld.idx.msk [tilespmem:v1+s2+$0x0], $0xffff;
	_ =	sdelay $0x4  }
0x3f: {  	[tilespmem:s18+$0x12000] =	vst v1  }
0x40: {  	v1 =	vld [tilespmem:s15+$0x11000];
	_ =	sdelay $0x4  }
0x41: {  	v3 =	vand.u32 $0xFFFFFF80, v1  }
0x42: {  	v1 =	vand.u32 $0x7F, v1;
	v3 =	vadd.s32 v2, v3  }
0x43: {  	v1 =	vor.u32 v1, v3;
	v3 =	vld [tilespmem:s15+$0x11080];
	_ =	sdelay $0x4  }
0x44: {  	v59 =	vld [tilespmem:s15+$0x11100];
	v58 =	vand.u32 $0xFFFFFF80, v3  }
0x45: {  	v1 =	vld.idx.msk [tilespmem:v1+s2+$0x0], $0xffff;
	v3 =	vand.u32 $0x7F, v3;
	v4 =	vadd.s32 v2, v58  }
0x46: {  	v3 =	vor.u32 v3, v4;
	_ =	sdelay $0x3  }
0x47: {  	[tilespmem:s15+$0x13000] =	vst v1;
	v1 =	vand.u32 $0xFFFFFF80, v59  }
0x48: {  	v60 =	vand.u32 $0x7F, v59;
	v1 =	vadd.s32 v2, v1;
	v3 =	vld.idx.msk [tilespmem:v3+s2+$0x0], $0xffff  }
0x49: {  	v1 =	vor.u32 v60, v1;
	_ =	sdelay $0x3  }
0x4a: {  	[tilespmem:s15+$0x13080] =	vst v3  }
0x4b: {  	v1 =	vld.idx.msk [tilespmem:v1+s2+$0x0], $0xffff;
	_ =	sdelay $0x4  }
0x4c: {  	s16 =	sor.u32 $0x1180, s16;
	[tilespmem:s15+$0x13100] =	vst v1  }
0x4d: {  	v1 =	vld [tilespmem:s16+$0x10000];
	_ =	sdelay $0x4  }
0x4e: {  	v3 =	vand.u32 $0xFFFFFF80, v1  }
0x4f: {  	v1 =	vand.u32 $0x7F, v1;
	v3 =	vadd.s32 v2, v3  }
0x50: {  	v1 =	vor.u32 v1, v3;
	_ =	sdelay $0x4  }
0x51: {  	v1 =	vld.idx.msk [tilespmem:v1+s2+$0x0], $0xffff;
	_ =	sdelay $0x4  }
0x52: {  	[tilespmem:s16+$0x12000] =	vst v1  }
0x53: {  	v1 =	vld [tilespmem:s15+$0x11200];
	_ =	sdelay $0x4  }
0x54: {  	v3 =	vand.u32 $0xFFFFFF80, v1  }
0x55: {  	v1 =	vand.u32 $0x7F, v1;
	v3 =	vadd.s32 v2, v3  }
0x56: {  	v1 =	vor.u32 v1, v3;
	v3 =	vld [tilespmem:s15+$0x11280];
	_ =	sdelay $0x4  }
0x57: {  	v62 =	vld [tilespmem:s15+$0x11300];
	v61 =	vand.u32 $0xFFFFFF80, v3  }
0x58: {  	v1 =	vld.idx.msk [tilespmem:v1+s2+$0x0], $0xffff;
	v3 =	vand.u32 $0x7F, v3;
	v4 =	vadd.s32 v2, v61  }
0x59: {  	v3 =	vor.u32 v3, v4;
	_ =	sdelay $0x3  }
0x5a: {  	[tilespmem:s15+$0x13200] =	vst v1;
	v1 =	vand.u32 $0xFFFFFF80, v62  }
0x5b: {  	v63 =	vand.u32 $0x7F, v62;
	v1 =	vadd.s32 v2, v1;
	v3 =	vld.idx.msk [tilespmem:v3+s2+$0x0], $0xffff  }
0x5c: {  	v1 =	vor.u32 v63, v1;
	_ =	sdelay $0x3  }
0x5d: {  	[tilespmem:s15+$0x13280] =	vst v3  }
0x5e: {  	v1 =	vld.idx.msk [tilespmem:v1+s2+$0x0], $0xffff;
	_ =	sdelay $0x4  }
0x5f: {  	s31 =	sor.u32 $0x1380, s30;
	[tilespmem:s15+$0x13300] =	vst v1  }
0x60: {  	v1 =	vld [tilespmem:s31+$0x10000];
	_ =	sdelay $0x4  }
0x61: {  	v3 =	vand.u32 $0xFFFFFF80, v1  }
0x62: {  	v1 =	vand.u32 $0x7F, v1;
	v2 =	vadd.s32 v2, v3  }
0x63: {  	v1 =	vor.u32 v1, v2;
	_ =	sdelay $0x4  }
0x64: {  	p0 =	sne.s32 s14, $0x1F0;
	v1 =	vld.idx.msk [tilespmem:v1+s2+$0x0], $0xffff  }
.Ltmp0:
0x65: {  	_ = 	snop;
	(pc) =	sbr.rel @p0 .LBB2_2-.Ltmp0, $2  }
0x66: {  	_ =	sdelay $0x2  }
0x67: {  	s13 =	sadd.s32 $0x80, s13;
	s14 =	sadd.s32 $0x10, s14;
	[tilespmem:s31+$0x12000] =	vst v1  }
0x68: {  	s12 =	sadd.s32 $0x1, s12  }
0x69: {  	p0 =	sne.s32 s12, s6  }
.Ltmp1:
0x6a: {  	_ = 	snop;
	(pc) =	sbr.rel @p0 .LBB2_1-.Ltmp1, $4  }
0x6b: {  	[hbm4b:s5+s8] =	stream.strided.scatter [tilespmem:s11], [sflag:$0x1], $0x2000, s9, s8, $0x38;
	[tilespmem:$0x14000] =	vst v63  }
0x6c: {  	_ =	swait.ge [sflag:s7], $0x2000  }
0x6d: {  	[sflag:s7] =	ssyncset.done $0x0  }
0x6e: {  	[sflag:s7] =	ssyncadd.s32 $0xFFFFE000  }
0x6f: {  	_ =	sfence.sel $0x180000  }
0x70: {  	[bflag:$0x0] =	sbarrier.arrive $0xFFFF  }
0x71: {  	p0 =	sne.s32 s0, $0x0;
	_ =	strace $0x9000004A  }
0x72: {  	s0 =	sadd.s32 @!p0 $0x100000, s1;
	[bflag:$0x2] =	sbarrier.arrive $0xFFFF  }
0x73: {  	[sflag:s0] =	ssyncadd.tile.s32 @!p0 $0x1;
	_ =	shalt  }
.Lfunc_end2:
_tile_overlayer_lowered:
.L_overlay_start_2:
0x74: {  	(tag) =	ssettag $0x2  }
0x75: {  	s0 =	rddreg [dreg:$0x0];
	s2 =	stileid.u32  }
0x76: {  	s1 =	rddreg [dreg:$0x1];
	p0 =	sne.s32 s2, $0x0  }
0x77: {  	s3 =	rddreg [dreg:$0x2];
	[bflag:$0x3] =	sbarrier.arrive $0xFFFF;
	s2 =	simm.s32 @!p0 $0x1C01  }
0x78: {  	[timem:s3], [sflag:s2] =	dma.local @!p0 [hbm:s0], s1  }
0x79: {  	s0 =	simm.s32 @!p0 $0x1  }
0x7a: {  	_ =	swait.ge @!p0 [sflag:s0], s1  }
0x7b: {  	s1 =	ssub.s32 @!p0 $0x0, s1;
	[sflag:s0] =	ssyncset.done @!p0 $0x0  }
0x7c: {  	[sflag:s0] =	ssyncadd.s32 @!p0 s1  }
0x7d: {  	[bflag:$0x3] =	sbarrier.arrive $0xFFFF  }
0x7e: {  	_ =	shalt  }

</sc_bundles>
